<compile_context>
chip_gen: v7x
topology: tpu7x:2x2x1
jax: 0.10.2.dev20260603
libtpu: 0.0.44.dev20260713+nightly
codegen_flags: <defaults>
</compile_context>

<pallas_src>
import functools

import jax
import jax.numpy as jnp
import numpy as np
from jax import lax
from jax.experimental import pallas as pl
from jax.experimental.pallas import tpu as pltpu
from jax.experimental.pallas import tpu_sc as plsc

NUM_BINS = 512
NUM_TILINGS = 8
P_BINS = int(NUM_BINS ** (2 / 3))
BATCH = 16384
LANES = 16

LO0 = np.float32(-1.2)
R0 = np.float32(np.float32(0.6) - LO0)
LO1 = np.float32(-0.07)
HI1 = np.float32(0.07)
R1 = np.float32(HI1 - LO1)
U_HI = np.float32(1.0 - 1e-6)
TABLE = NUM_BINS * NUM_BINS
TABLE_P = P_BINS ** 3

SUB = 8192
NS_T = 16

ROT_T = 4
REG1_WV7 = 0
REG2 = TABLE
SPM_WORDS = REG2 + ROT_T * TABLE

V_ROUNDS = [(0, 4), (4, 3)]
P_ROUNDS = [(0, 4), (4, 4)]

P_SEGS = []
for _s0, _cnt in P_ROUNDS:
    _start = _s0 * TABLE_P // 8 * 8
    _shift = _s0 * TABLE_P - _start
    _chunk = (-(-(_cnt * TABLE_P + _shift) // NS_T) + 7) // 8 * 8
    assert _start + NS_T * _chunk <= NUM_TILINGS * TABLE_P + 63
    P_SEGS.append((_start, _shift, _chunk))


@functools.cache
def _build_sc_kernel():
    info = plsc.get_sparse_core_info()
    nc, ns = info.num_cores, info.num_subcores
    nw = nc * ns
    assert ns == NS_T
    ch = BATCH // nw
    nv = ch // LANES
    g = NUM_TILINGS * ch

    mesh = plsc.VectorSubcoreMesh(
        core_axis_name="c", subcore_axis_name="s",
        num_cores=nc, num_subcores=ns)

    f32 = jnp.float32
    out_struct = jax.ShapeDtypeStruct((3 * BATCH,), f32)

    @functools.partial(
        pl.kernel,
        out_type=out_struct,
        mesh=mesh,
        scratch_types=[
            pltpu.VMEM_SHARED((SPM_WORDS,), f32),
            pltpu.VMEM((ch,), f32),
            pltpu.VMEM((ch,), f32),
            pltpu.VMEM((ch,), f32),
            pltpu.VMEM((ch,), f32),
            pltpu.VMEM((ch,), f32),
            pltpu.VMEM((ch,), f32),
            pltpu.VMEM((ch,), f32),
            pltpu.VMEM((ch,), f32),
            pltpu.VMEM((g,), jnp.int32),
            pltpu.VMEM((ch,), jnp.int32),
            pltpu.VMEM((g,), jnp.int32),
            pltpu.VMEM((g,), f32),
            pltpu.VMEM((g,), f32),
            pltpu.VMEM((g,), f32),
            pltpu.VMEM((SUB,), f32),
            pltpu.VMEM((SUB,), f32),
            pltpu.SemaphoreType.DMA,
            pltpu.SemaphoreType.DMA,
            pltpu.SemaphoreType.DMA,
            pltpu.SemaphoreType.DMA,
            pltpu.SemaphoreType.DMA,
            pltpu.SemaphoreType.DMA,
            pltpu.SemaphoreType.DMA,
        ],
    )
    def sc_fn(pv_hbm, wv_hbm, wr_hbm, wp_hbm,
              out_hbm,
              spm, p_v, v_v, s0_v, s1_v, sp2_v, vp_v, pp_v, rr_v,
              idx_a, idx_rt, idx_b, vals_v, vals_r, vals_p, bnc0, bnc1,
              sem_si, sem_so, sem_v, sem_r, sem_p, sem_vt, sem_rt):
        sid = lax.axis_index("s")
        wid = sid * nc + lax.axis_index("c")
        base = wid * ch
        bounce = (bnc0, bnc1)

        def stage(src_hbm, src_off, dst_off, n_words):
            pieces = []
            off = 0
            while off < n_words:
                pieces.append((off, min(SUB, n_words - off)))
                off += pieces[-1][1]
            outs = []
            for k, (off, sz) in enumerate(pieces):
                b = bounce[k % 2]
                if k >= 2:
                    outs[k - 2].wait()
                ci = pltpu.make_async_copy(
                    src_hbm.at[pl.ds(src_off + sid * n_words + off, sz)],
                    b.at[pl.ds(0, sz)], sem_si)
                ci.start()
                ci.wait()
                co = pltpu.make_async_copy(
                    b.at[pl.ds(0, sz)],
                    spm.at[pl.ds(dst_off + sid * n_words + off, sz)], sem_so)
                co.start()
                outs.append(co)
            for co in outs[-2:]:
                co.wait()

        def gather(idx_ref, lo, n, vals_ref, sem):
            sl = pl.ds(lo, n)
            cp = pltpu.make_async_copy(
                spm.at[idx_ref.at[sl]], vals_ref.at[sl], sem)
            cp.start()
            return cp

        with jax.named_scope("ph_in"):
            pltpu.sync_copy(pv_hbm.at[pl.ds(base, ch)], p_v)
            pltpu.sync_copy(pv_hbm.at[pl.ds(BATCH + base, ch)], v_v)

        def scale_body(i, carry):
            off = i * LANES
            p16 = p_v[pl.ds(off, LANES)]
            v16 = v_v[pl.ds(off, LANES)]
            u0 = jnp.clip((p16 - LO0) / R0, 0.0, U_HI)
            u1 = jnp.clip((v16 - LO1) / R1, 0.0, U_HI)
            s0_v[pl.ds(off, LANES)] = u0 * np.float32(NUM_BINS)
            s1_v[pl.ds(off, LANES)] = u1 * np.float32(NUM_BINS)
            return carry

        lax.fori_loop(0, nv, scale_body, 0)

        def vr_rel(t):
            if t == NUM_TILINGS - 1:
                return REG1_WV7
            for s0r, cnt in V_ROUNDS:
                if s0r <= t < s0r + cnt:
                    return REG2 + (t - s0r) * TABLE

        def make_idx_a_body(t):
            rel = vr_rel(t)

            def idx_a_body(i, carry):
                off = i * LANES
                o = np.float32(t / NUM_TILINGS)
                s0 = s0_v[pl.ds(off, LANES)]
                s1 = s1_v[pl.ds(off, LANES)]
                i0 = jnp.minimum((s0 + o).astype(jnp.int32), NUM_BINS - 1)
                i1 = jnp.minimum((s1 + o).astype(jnp.int32), NUM_BINS - 1)
                flat = i0 + i1 * NUM_BINS
                idx_a[pl.ds(t * ch + off, LANES)] = flat + rel
                if t == NUM_TILINGS - 1:
                    idx_rt[pl.ds(off, LANES)] = (
                        flat + REG2 + (ROT_T - 1) * TABLE)
                return carry
            return idx_a_body

        for t in range(NUM_TILINGS):
            lax.fori_loop(0, nv, make_idx_a_body(t), 0)

        with jax.named_scope("ph_stage_tails"):
            stage(wv_hbm, (NUM_TILINGS - 1) * TABLE, REG1_WV7, TABLE // ns)
        plsc.subcore_barrier()
        cp_vt = gather(idx_a, (NUM_TILINGS - 1) * ch, ch, vals_v, sem_vt)

        for s0r, cnt in V_ROUNDS:
            with jax.named_scope("ph_stage_wv"):
                stage(wv_hbm, s0r * TABLE, REG2, cnt * TABLE // ns)
            plsc.subcore_barrier()
            cp = gather(idx_a, s0r * ch, cnt * ch, vals_v, sem_v)
            with jax.named_scope("ph_wait_v"):
                cp.wait()
            plsc.subcore_barrier()
        with jax.named_scope("ph_wait_vt"):
            cp_vt.wait()

        def vprime_body(i, carry):
            off = i * LANES
            acc = vals_v[pl.ds(off, LANES)]
            for t in range(1, NUM_TILINGS):
                acc = acc + vals_v[pl.ds(t * ch + off, LANES)]
            vp = jnp.clip(v_v[pl.ds(off, LANES)] + acc, LO1, HI1)
            vp_v[pl.ds(off, LANES)] = vp
            s0_v[pl.ds(off, LANES)] = (
                s0_v[pl.ds(off, LANES)] * np.float32(P_BINS / NUM_BINS))
            s1_v[pl.ds(off, LANES)] = (
                s1_v[pl.ds(off, LANES)] * np.float32(P_BINS / NUM_BINS))
            u2 = jnp.clip((vp - LO1) / R1, 0.0, U_HI)
            sp2_v[pl.ds(off, LANES)] = u2 * np.float32(P_BINS)
            return carry

        lax.fori_loop(0, nv, vprime_body, 0)

        def p_rel(t):
            for (s0r, cnt), (_, shift, _c) in zip(P_ROUNDS, P_SEGS):
                if s0r <= t < s0r + cnt:
                    return REG2 + shift + (t - s0r) * TABLE_P

        def make_idx_b_body(t):
            rel = p_rel(t)

            def idx_b_body(i, carry):
                off = i * LANES
                o = np.float32(t / NUM_TILINGS)
                i0 = jnp.minimum((s0_v[pl.ds(off, LANES)] + o).astype(jnp.int32), P_BINS - 1)
                i1 = jnp.minimum((s1_v[pl.ds(off, LANES)] + o).astype(jnp.int32), P_BINS - 1)
                i2 = jnp.minimum((sp2_v[pl.ds(off, LANES)] + o).astype(jnp.int32), P_BINS - 1)
                idx_b[pl.ds(t * ch + off, LANES)] = (
                    i0 + i1 * P_BINS + i2 * (P_BINS * P_BINS) + rel)
                return carry
            return idx_b_body

        for t in range(NUM_TILINGS):
            lax.fori_loop(0, nv, make_idx_b_body(t), 0)

        plsc.subcore_barrier()
        for (s0r, cnt), (seg_start, _, seg_chunk) in zip(P_ROUNDS, P_SEGS):
            with jax.named_scope("ph_stage_wp"):
                stage(wp_hbm, seg_start, REG2, seg_chunk)
            plsc.subcore_barrier()
            cp = gather(idx_b, s0r * ch, cnt * ch, vals_p, sem_p)
            with jax.named_scope("ph_wait_p"):
                cp.wait()
            plsc.subcore_barrier()

        def p_body(i, carry):
            off = i * LANES
            acc = vals_p[pl.ds(off, LANES)]
            for t in range(1, NUM_TILINGS):
                acc = acc + vals_p[pl.ds(t * ch + off, LANES)]
            pp_v[pl.ds(off, LANES)] = jnp.clip(
                p_v[pl.ds(off, LANES)] + acc, LO0, np.float32(0.6))
            return carry

        lax.fori_loop(0, nv, p_body, 0)

        with jax.named_scope("ph_stage_wr"):
            stage(wr_hbm, 0, REG2, ROT_T * TABLE // ns)
        plsc.subcore_barrier()
        cp = gather(idx_a, 0, ROT_T * ch, vals_r, sem_r)
        with jax.named_scope("ph_wait_r"):
            cp.wait()
        plsc.subcore_barrier()
        with jax.named_scope("ph_stage_wr"):
            stage(wr_hbm, ROT_T * TABLE, REG2, ROT_T * TABLE // ns)
        plsc.subcore_barrier()
        cp = gather(idx_a, ROT_T * ch, (NUM_TILINGS - 1 - ROT_T) * ch,
                    vals_r, sem_r)
        cp_rt = gather(
            idx_rt, 0, ch,
            vals_r.at[pl.ds((NUM_TILINGS - 1) * ch, ch)], sem_rt)
        with jax.named_scope("ph_wait_r"):
            cp.wait()
            cp_rt.wait()

        def r_body(i, carry):
            off = i * LANES
            acc = vals_r[pl.ds(off, LANES)]
            for t in range(1, NUM_TILINGS):
                acc = acc + vals_r[pl.ds(t * ch + off, LANES)]
            rr_v[pl.ds(off, LANES)] = acc
            return carry

        lax.fori_loop(0, nv, r_body, 0)

        pltpu.sync_copy(pp_v, out_hbm.at[pl.ds(base, ch)])
        pltpu.sync_copy(vp_v, out_hbm.at[pl.ds(BATCH + base, ch)])
        pltpu.sync_copy(rr_v, out_hbm.at[pl.ds(2 * BATCH + base, ch)])

    return sc_fn


def kernel(state, action, Wp, Wv, Wr):
    del action
    sc_fn = _build_sc_kernel()
    pv = state.T.reshape(-1)
    out = sc_fn(pv, Wv.reshape(-1), Wr.reshape(-1), Wp.reshape(-1))
    return out.reshape(3, BATCH).T

# --- scband reference (transcript-rebuilt; emitter-appended) ---
"""Pipeline reference for scband-fast-tile-coding-causal-46402826666081 (READ-ONLY COPY).

The authoritative reference and input builder live on the scoring server;
editing this copy changes nothing except your own understanding.
"""

import jax, jax.numpy as jnp
import numpy as np

NUM_BINS = 512
NUM_TILINGS = 8
P_BINS = int(NUM_BINS ** (2 / 3))
LIMITS = np.array([[-1.2, 0.6], [-0.07, 0.07]], dtype=np.float32)
LIMITS_P = np.concatenate([LIMITS, LIMITS[1:]], 0)
BATCH = 16384


def tile_code(x, weights, num_bins, limits):
    # x: [N, d], weights: [T, num_bins**d], limits: [d, 2]
    lo = jnp.asarray(limits[:, 0])
    hi = jnp.asarray(limits[:, 1])
    u = jnp.clip((x - lo) / (hi - lo), 0.0, 1.0 - 1e-6)
    d = x.shape[1]
    offsets = jnp.arange(NUM_TILINGS, dtype=jnp.float32) / NUM_TILINGS  # [T]
    scaled = u * num_bins  # [N, d]
    idx = jnp.floor(scaled[None, :, :] + offsets[:, None, None]).astype(jnp.int32)
    idx = jnp.clip(idx, 0, num_bins - 1)  # [T, N, d]
    strides = jnp.asarray([num_bins ** i for i in range(d)], dtype=jnp.int32)
    flat = jnp.sum(idx * strides[None, None, :], axis=-1)  # [T, N]
    vals = jnp.take_along_axis(weights, flat, axis=1)  # [T, N] gather (embedding lookup)
    return jnp.sum(vals, axis=0)[:, None]  # [N, 1]


def setup_inputs(seed: int = 0) -> dict:
    key = jax.random.key(seed)
    ks = jax.random.split(key, 4)
    state = jax.random.normal(ks[0], (BATCH, 2), dtype=jnp.float32)
    Wp = jax.random.normal(ks[1], (NUM_TILINGS, P_BINS ** 3), dtype=jnp.float32) * 0.01
    Wv = jax.random.normal(ks[2], (NUM_TILINGS, NUM_BINS ** 2), dtype=jnp.float32) * 0.01
    Wr = jax.random.normal(ks[3], (NUM_TILINGS, NUM_BINS ** 2), dtype=jnp.float32) * 0.01
    return {"state": state, "action": 0, "Wp": Wp, "Wv": Wv, "Wr": Wr}


def reference(state, action, Wp, Wv, Wr):
    # Faithful translation of FastTileCoding_Causal.forward with action given (int path).
    # Wp/Wv/Wr are the tile-coding weight tables of tile_codings_p/v/r[action].
    p_min, p_max = float(LIMITS_P[0, 0]), float(LIMITS_P[0, 1])
    v_min, v_max = float(LIMITS_P[1, 0]), float(LIMITS_P[1, 1])
    p_v = state[:, :2]
    v = state[:, 1:2]
    v_delta = tile_code(p_v, Wv, NUM_BINS, LIMITS)
    v_prime = jnp.clip(v + v_delta, v_min, v_max)
    p = state[:, :1]
    p_v_v_prime = jnp.concatenate([p_v, v_prime], axis=1)
    p_delta = tile_code(p_v_v_prime, Wp, P_BINS, LIMITS_P)
    p_prime = jnp.clip(p + p_delta, p_min, p_max)
    r_prime = tile_code(p_v, Wr, NUM_BINS, LIMITS)
    return jnp.concatenate([p_prime, v_prime, r_prime], axis=1)

if __name__ == "__main__":
    import jax
    _d = setup_inputs()
    print(jax.jit(kernel)(*tuple(_d.values())))

</pallas_src>

<mosaic_0001>
#map = affine_map<(d0, d1) -> (0)>
module attributes {stable_mosaic.version = 14 : i64} {
  func.func @sc_fn(%arg0: i32, %arg1: i32, %arg2: memref<32768xf32, #tpu.memory_space<hbm>>, %arg3: memref<2097152xf32, #tpu.memory_space<hbm>>, %arg4: memref<2097152xf32, #tpu.memory_space<hbm>>, %arg5: memref<2000376xf32, #tpu.memory_space<hbm>>, %arg6: memref<49152xf32, #tpu.memory_space<hbm>>, %arg7: memref<1310720xf32, #tpu.memory_space<vmem_shared>>, %arg8: memref<512xf32, #tpu.memory_space<vmem>>, %arg9: memref<512xf32, #tpu.memory_space<vmem>>, %arg10: memref<512xf32, #tpu.memory_space<vmem>>, %arg11: memref<512xf32, #tpu.memory_space<vmem>>, %arg12: memref<512xf32, #tpu.memory_space<vmem>>, %arg13: memref<512xf32, #tpu.memory_space<vmem>>, %arg14: memref<512xf32, #tpu.memory_space<vmem>>, %arg15: memref<512xf32, #tpu.memory_space<vmem>>, %arg16: memref<4096xi32, #tpu.memory_space<vmem>>, %arg17: memref<512xi32, #tpu.memory_space<vmem>>, %arg18: memref<4096xi32, #tpu.memory_space<vmem>>, %arg19: memref<4096xf32, #tpu.memory_space<vmem>>, %arg20: memref<4096xf32, #tpu.memory_space<vmem>>, %arg21: memref<4096xf32, #tpu.memory_space<vmem>>, %arg22: memref<8192xf32, #tpu.memory_space<vmem>>, %arg23: memref<8192xf32, #tpu.memory_space<vmem>>, %arg24: memref<!tpu.dma_semaphore, #tpu.memory_space<semaphore_mem>>, %arg25: memref<!tpu.dma_semaphore, #tpu.memory_space<semaphore_mem>>, %arg26: memref<!tpu.dma_semaphore, #tpu.memory_space<semaphore_mem>>, %arg27: memref<!tpu.dma_semaphore, #tpu.memory_space<semaphore_mem>>, %arg28: memref<!tpu.dma_semaphore, #tpu.memory_space<semaphore_mem>>, %arg29: memref<!tpu.dma_semaphore, #tpu.memory_space<semaphore_mem>>, %arg30: memref<!tpu.dma_semaphore, #tpu.memory_space<semaphore_mem>>) attributes {dimension_semantics = [#tpu.dimension_semantics<core_parallel>, #tpu.dimension_semantics<subcore_parallel>], iteration_bounds = array<i64: 2, 16>, scalar_prefetch = 0 : i64, scratch_operands = 24 : i64, tpu.core_type = #tpu.core_type<sc_vector_subcore>, window_params = [{transform_indices = #map}, {transform_indices = #map}, {transform_indices = #map}, {transform_indices = #map}, {transform_indices = #map}]} {
    %mul3A = arith.constant 2 : i32
    %mul3A_0 = arith.muli %arg1, %mul3A : i32
    %add3A = arith.addi %mul3A_0, %arg0 : i32
    %mul3A_1 = arith.constant 512 : i32
    %mul3A_2 = arith.muli %add3A, %mul3A_1 : i32
    "tpu.trace_start"() <{level = 10 : i32, message = "ph_in"}> : () -> ()
    "tpu.region"() ({
      %run_scoped3A = tpu.sem_alloc : memref<!tpu.dma_semaphore, #tpu.memory_space<semaphore_mem>>
      %dma_start3A_1966 = tpu.memref_slice %arg2[%mul3A_2] : memref<32768xf32, #tpu.memory_space<hbm>> -> memref<512xf32, #tpu.memory_space<hbm>>
      %dma_start3A_1967 = tpu.memref_slice %arg2[%mul3A_2] : memref<32768xf32, #tpu.memory_space<hbm>> -> memref<512xf32, #tpu.memory_space<hbm>>
      tpu.enqueue_dma source(%dma_start3A_1967 : memref<512xf32, #tpu.memory_space<hbm>>) target(%arg8 : memref<512xf32, #tpu.memory_space<vmem>>) target_semaphore(%run_scoped3A : memref<!tpu.dma_semaphore, #tpu.memory_space<semaphore_mem>>)
      %dma_wait3A_1968 = tpu.memref_slice %arg2[%mul3A_2] : memref<32768xf32, #tpu.memory_space<hbm>> -> memref<512xf32, #tpu.memory_space<hbm>>
      %dma_wait3A_1969 = tpu.memref_slice %arg2[%mul3A_2] : memref<32768xf32, #tpu.memory_space<hbm>> -> memref<512xf32, #tpu.memory_space<hbm>>
      tpu.wait_dma2 semaphore(%run_scoped3A : memref<!tpu.dma_semaphore, #tpu.memory_space<semaphore_mem>>) src(%dma_wait3A_1969 : memref<512xf32, #tpu.memory_space<hbm>>) dst(%arg8 : memref<512xf32, #tpu.memory_space<vmem>>)
      tpu.yield
    }) : () -> ()
    %add3A_3 = arith.constant 16384 : i32
    %add3A_4 = arith.addi %add3A_3, %mul3A_2 : i32
    "tpu.region"() ({
      %run_scoped3A = tpu.sem_alloc : memref<!tpu.dma_semaphore, #tpu.memory_space<semaphore_mem>>
      %dma_start3A_1966 = tpu.memref_slice %arg2[%add3A_4] : memref<32768xf32, #tpu.memory_space<hbm>> -> memref<512xf32, #tpu.memory_space<hbm>>
      %dma_start3A_1967 = tpu.memref_slice %arg2[%add3A_4] : memref<32768xf32, #tpu.memory_space<hbm>> -> memref<512xf32, #tpu.memory_space<hbm>>
      tpu.enqueue_dma source(%dma_start3A_1967 : memref<512xf32, #tpu.memory_space<hbm>>) target(%arg9 : memref<512xf32, #tpu.memory_space<vmem>>) target_semaphore(%run_scoped3A : memref<!tpu.dma_semaphore, #tpu.memory_space<semaphore_mem>>)
      %dma_wait3A_1968 = tpu.memref_slice %arg2[%add3A_4] : memref<32768xf32, #tpu.memory_space<hbm>> -> memref<512xf32, #tpu.memory_space<hbm>>
      %dma_wait3A_1969 = tpu.memref_slice %arg2[%add3A_4] : memref<32768xf32, #tpu.memory_space<hbm>> -> memref<512xf32, #tpu.memory_space<hbm>>
      tpu.wait_dma2 semaphore(%run_scoped3A : memref<!tpu.dma_semaphore, #tpu.memory_space<semaphore_mem>>) src(%dma_wait3A_1969 : memref<512xf32, #tpu.memory_space<hbm>>) dst(%arg9 : memref<512xf32, #tpu.memory_space<vmem>>)
      tpu.yield
    }) : () -> ()
    "tpu.trace_stop"() : () -> ()
    %scan3A = arith.constant 0 : i32
    %scan3A_5 = arith.constant 0 : i32
    %scan3A_6 = arith.constant 32 : i32
    %scan3A_7 = arith.addi %scan3A_5, %scan3A_6 : i32
    %scan3A_8 = arith.constant 1 : i32
    scf.for %scan3A_1966 = %scan3A_5 to %scan3A_7 step %scan3A_8  : i32 {
      %mul3A_1967 = arith.constant 16 : i32
      %mul3A_1968 = arith.muli %scan3A_1966, %mul3A_1967 : i32
      %get3A = arith.index_cast %mul3A_1968 : i32 to index
      %get3A_1969 = tpu.vector_load %arg8[%get3A] {strides = array<i32>} : memref<512xf32, #tpu.memory_space<vmem>>, vector<16xf32>,
      %get3A_1970 = vector.shape_cast %get3A_1969 : vector<16xf32> to vector<16xf32>
      %get3A_1971 = arith.index_cast %mul3A_1968 : i32 to index
      %get3A_1972 = tpu.vector_load %arg9[%get3A_1971] {strides = array<i32>} : memref<512xf32, #tpu.memory_space<vmem>>, vector<16xf32>,
      %get3A_1973 = vector.shape_cast %get3A_1972 : vector<16xf32> to vector<16xf32>
      %sub3A = arith.constant -1.200000e+00 : f32
      %sub3A_1974 = vector.broadcast %sub3A : f32 to vector<16xf32>
      %sub3A_1975 = arith.subf %get3A_1970, %sub3A_1974 : vector<16xf32>
      %div3A = arith.constant 1.80000007 : f32
      %div3A_1976 = vector.broadcast %div3A : f32 to vector<16xf32>
      %div3A_1977 = arith.divf %sub3A_1975, %div3A_1976 : vector<16xf32>
      %jit3A = arith.constant 0.000000e+00 : f32
      %jit3A_1978 = arith.constant 0.999998986 : f32
      %max3A = vector.broadcast %jit3A : f32 to vector<16xf32>
      %max3A_1979 = arith.maximumf %max3A, %div3A_1977 : vector<16xf32>
      %min3A = vector.broadcast %jit3A_1978 : f32 to vector<16xf32>
      %min3A_1980 = arith.minimumf %min3A, %max3A_1979 : vector<16xf32>
      %sub3A_1981 = arith.constant -7.000000e-02 : f32
      %sub3A_1982 = vector.broadcast %sub3A_1981 : f32 to vector<16xf32>
      %sub3A_1983 = arith.subf %get3A_1973, %sub3A_1982 : vector<16xf32>
      %div3A_1984 = arith.constant 1.400000e-01 : f32
      %div3A_1985 = vector.broadcast %div3A_1984 : f32 to vector<16xf32>
      %div3A_1986 = arith.divf %sub3A_1983, %div3A_1985 : vector<16xf32>
      %jit3A_1987 = arith.constant 0.000000e+00 : f32
      %jit3A_1988 = arith.constant 0.999998986 : f32
      %max3A_1989 = vector.broadcast %jit3A_1987 : f32 to vector<16xf32>
      %max3A_1990 = arith.maximumf %max3A_1989, %div3A_1986 : vector<16xf32>
      %min3A_1991 = vector.broadcast %jit3A_1988 : f32 to vector<16xf32>
      %min3A_1992 = arith.minimumf %min3A_1991, %max3A_1990 : vector<16xf32>
      %mul3A_1993 = arith.constant 5.120000e+02 : f32
      %mul3A_1994 = vector.broadcast %mul3A_1993 : f32 to vector<16xf32>
      %mul3A_1995 = arith.mulf %min3A_1980, %mul3A_1994 : vector<16xf32>
      %swap3A = arith.index_cast %mul3A_1968 : i32 to index
      %swap3A_1996 = tpu.vector_load %arg10[%swap3A] {strides = array<i32>} : memref<512xf32, #tpu.memory_space<vmem>>, vector<16xf32>,
      %swap3A_1997 = vector.shape_cast %swap3A_1996 : vector<16xf32> to vector<16xf32>
      %swap3A_1998 = vector.shape_cast %mul3A_1995 : vector<16xf32> to vector<16xf32>
      tpu.vector_store %arg10[%swap3A], %swap3A_1998 {strides = array<i32>} : memref<512xf32, #tpu.memory_space<vmem>>, vector<16xf32>,
      %mul3A_1999 = arith.constant 5.120000e+02 : f32
      %mul3A_2000 = vector.broadcast %mul3A_1999 : f32 to vector<16xf32>
      %mul3A_2001 = arith.mulf %min3A_1992, %mul3A_2000 : vector<16xf32>
      %swap3A_2002 = arith.index_cast %mul3A_1968 : i32 to index
      %swap3A_2003 = tpu.vector_load %arg11[%swap3A_2002] {strides = array<i32>} : memref<512xf32, #tpu.memory_space<vmem>>, vector<16xf32>,
      %swap3A_2004 = vector.shape_cast %swap3A_2003 : vector<16xf32> to vector<16xf32>
      %swap3A_2005 = vector.shape_cast %mul3A_2001 : vector<16xf32> to vector<16xf32>
      tpu.vector_store %arg11[%swap3A_2002], %swap3A_2005 {strides = array<i32>} : memref<512xf32, #tpu.memory_space<vmem>>, vector<16xf32>,
    }
    %scan3A_9 = arith.constant 32 : i32
    %scan3A_10 = arith.constant 0 : i32
    %scan3A_11 = arith.constant 0 : i32
    %scan3A_12 = arith.constant 32 : i32
    %scan3A_13 = arith.addi %scan3A_11, %scan3A_12 : i32
    %scan3A_14 = arith.constant 1 : i32
    scf.for %scan3A_1966 = %scan3A_11 to %scan3A_13 step %scan3A_14  : i32 {
      %mul3A_1967 = arith.constant 16 : i32
      %mul3A_1968 = arith.muli %scan3A_1966, %mul3A_1967 : i32
      %get3A = arith.index_cast %mul3A_1968 : i32 to index
      %get3A_1969 = tpu.vector_load %arg10[%get3A] {strides = array<i32>} : memref<512xf32, #tpu.memory_space<vmem>>, vector<16xf32>,
      %get3A_1970 = vector.shape_cast %get3A_1969 : vector<16xf32> to vector<16xf32>
      %get3A_1971 = arith.index_cast %mul3A_1968 : i32 to index
      %get3A_1972 = tpu.vector_load %arg11[%get3A_1971] {strides = array<i32>} : memref<512xf32, #tpu.memory_space<vmem>>, vector<16xf32>,
      %get3A_1973 = vector.shape_cast %get3A_1972 : vector<16xf32> to vector<16xf32>
      %add3A_1974 = arith.constant 0.000000e+00 : f32
      %add3A_1975 = vector.broadcast %add3A_1974 : f32 to vector<16xf32>
      %add3A_1976 = arith.addf %get3A_1970, %add3A_1975 : vector<16xf32>
      %convert_element_type3A = arith.fptosi %add3A_1976 : vector<16xf32> to vector<16xi32>
      %min3A = arith.constant 511 : i32
      %min3A_1977 = vector.broadcast %min3A : i32 to vector<16xi32>
      %min3A_1978 = arith.minsi %convert_element_type3A, %min3A_1977 : vector<16xi32>
      %add3A_1979 = arith.constant 0.000000e+00 : f32
      %add3A_1980 = vector.broadcast %add3A_1979 : f32 to vector<16xf32>
      %add3A_1981 = arith.addf %get3A_1973, %add3A_1980 : vector<16xf32>
      %convert_element_type3A_1982 = arith.fptosi %add3A_1981 : vector<16xf32> to vector<16xi32>
      %min3A_1983 = arith.constant 511 : i32
      %min3A_1984 = vector.broadcast %min3A_1983 : i32 to vector<16xi32>
      %min3A_1985 = arith.minsi %convert_element_type3A_1982, %min3A_1984 : vector<16xi32>
      %mul3A_1986 = arith.constant 512 : i32
      %mul3A_1987 = vector.broadcast %mul3A_1986 : i32 to vector<16xi32>
      %mul3A_1988 = arith.muli %min3A_1985, %mul3A_1987 : vector<16xi32>
      %add3A_1989 = arith.addi %min3A_1978, %mul3A_1988 : vector<16xi32>
      %add3A_1990 = arith.constant 262144 : i32
      %add3A_1991 = vector.broadcast %add3A_1990 : i32 to vector<16xi32>
      %add3A_1992 = arith.addi %add3A_1989, %add3A_1991 : vector<16xi32>
      %add3A_1993 = arith.constant 0 : i32
      %add3A_1994 = arith.addi %add3A_1993, %mul3A_1968 : i32
      %swap3A = arith.index_cast %add3A_1994 : i32 to index
      %swap3A_1995 = tpu.vector_load %arg16[%swap3A] {strides = array<i32>} : memref<4096xi32, #tpu.memory_space<vmem>>, vector<16xi32>,
      %swap3A_1996 = vector.shape_cast %swap3A_1995 : vector<16xi32> to vector<16xi32>
      %swap3A_1997 = vector.shape_cast %add3A_1992 : vector<16xi32> to vector<16xi32>
      tpu.vector_store %arg16[%swap3A], %swap3A_1997 {strides = array<i32>} : memref<4096xi32, #tpu.memory_space<vmem>>, vector<16xi32>,
    }
    %scan3A_15 = arith.constant 32 : i32
    %scan3A_16 = arith.constant 0 : i32
    %scan3A_17 = arith.constant 0 : i32
    %scan3A_18 = arith.constant 32 : i32
    %scan3A_19 = arith.addi %scan3A_17, %scan3A_18 : i32
    %scan3A_20 = arith.constant 1 : i32
    scf.for %scan3A_1966 = %scan3A_17 to %scan3A_19 step %scan3A_20  : i32 {
      %mul3A_1967 = arith.constant 16 : i32
      %mul3A_1968 = arith.muli %scan3A_1966, %mul3A_1967 : i32
      %get3A = arith.index_cast %mul3A_1968 : i32 to index
      %get3A_1969 = tpu.vector_load %arg10[%get3A] {strides = array<i32>} : memref<512xf32, #tpu.memory_space<vmem>>, vector<16xf32>,
      %get3A_1970 = vector.shape_cast %get3A_1969 : vector<16xf32> to vector<16xf32>
      %get3A_1971 = arith.index_cast %mul3A_1968 : i32 to index
      %get3A_1972 = tpu.vector_load %arg11[%get3A_1971] {strides = array<i32>} : memref<512xf32, #tpu.memory_space<vmem>>, vector<16xf32>,
      %get3A_1973 = vector.shape_cast %get3A_1972 : vector<16xf32> to vector<16xf32>
      %add3A_1974 = arith.constant 1.250000e-01 : f32
      %add3A_1975 = vector.broadcast %add3A_1974 : f32 to vector<16xf32>
      %add3A_1976 = arith.addf %get3A_1970, %add3A_1975 : vector<16xf32>
      %convert_element_type3A = arith.fptosi %add3A_1976 : vector<16xf32> to vector<16xi32>
      %min3A = arith.constant 511 : i32
      %min3A_1977 = vector.broadcast %min3A : i32 to vector<16xi32>
      %min3A_1978 = arith.minsi %convert_element_type3A, %min3A_1977 : vector<16xi32>
      %add3A_1979 = arith.constant 1.250000e-01 : f32
      %add3A_1980 = vector.broadcast %add3A_1979 : f32 to vector<16xf32>
      %add3A_1981 = arith.addf %get3A_1973, %add3A_1980 : vector<16xf32>
      %convert_element_type3A_1982 = arith.fptosi %add3A_1981 : vector<16xf32> to vector<16xi32>
      %min3A_1983 = arith.constant 511 : i32
      %min3A_1984 = vector.broadcast %min3A_1983 : i32 to vector<16xi32>
      %min3A_1985 = arith.minsi %convert_element_type3A_1982, %min3A_1984 : vector<16xi32>
      %mul3A_1986 = arith.constant 512 : i32
      %mul3A_1987 = vector.broadcast %mul3A_1986 : i32 to vector<16xi32>
      %mul3A_1988 = arith.muli %min3A_1985, %mul3A_1987 : vector<16xi32>
      %add3A_1989 = arith.addi %min3A_1978, %mul3A_1988 : vector<16xi32>
      %add3A_1990 = arith.constant 524288 : i32
      %add3A_1991 = vector.broadcast %add3A_1990 : i32 to vector<16xi32>
      %add3A_1992 = arith.addi %add3A_1989, %add3A_1991 : vector<16xi32>
      %add3A_1993 = arith.constant 512 : i32
      %add3A_1994 = arith.addi %add3A_1993, %mul3A_1968 : i32
      %swap3A = arith.index_cast %add3A_1994 : i32 to index
      %swap3A_1995 = tpu.vector_load %arg16[%swap3A] {strides = array<i32>} : memref<4096xi32, #tpu.memory_space<vmem>>, vector<16xi32>,
      %swap3A_1996 = vector.shape_cast %swap3A_1995 : vector<16xi32> to vector<16xi32>
      %swap3A_1997 = vector.shape_cast %add3A_1992 : vector<16xi32> to vector<16xi32>
      tpu.vector_store %arg16[%swap3A], %swap3A_1997 {strides = array<i32>} : memref<4096xi32, #tpu.memory_space<vmem>>, vector<16xi32>,
    }
    %scan3A_21 = arith.constant 32 : i32
    %scan3A_22 = arith.constant 0 : i32
    %scan3A_23 = arith.constant 0 : i32
    %scan3A_24 = arith.constant 32 : i32
    %scan3A_25 = arith.addi %scan3A_23, %scan3A_24 : i32
    %scan3A_26 = arith.constant 1 : i32
    scf.for %scan3A_1966 = %scan3A_23 to %scan3A_25 step %scan3A_26  : i32 {
      %mul3A_1967 = arith.constant 16 : i32
      %mul3A_1968 = arith.muli %scan3A_1966, %mul3A_1967 : i32
      %get3A = arith.index_cast %mul3A_1968 : i32 to index
      %get3A_1969 = tpu.vector_load %arg10[%get3A] {strides = array<i32>} : memref<512xf32, #tpu.memory_space<vmem>>, vector<16xf32>,
      %get3A_1970 = vector.shape_cast %get3A_1969 : vector<16xf32> to vector<16xf32>
      %get3A_1971 = arith.index_cast %mul3A_1968 : i32 to index
      %get3A_1972 = tpu.vector_load %arg11[%get3A_1971] {strides = array<i32>} : memref<512xf32, #tpu.memory_space<vmem>>, vector<16xf32>,
      %get3A_1973 = vector.shape_cast %get3A_1972 : vector<16xf32> to vector<16xf32>
      %add3A_1974 = arith.constant 2.500000e-01 : f32
      %add3A_1975 = vector.broadcast %add3A_1974 : f32 to vector<16xf32>
      %add3A_1976 = arith.addf %get3A_1970, %add3A_1975 : vector<16xf32>
      %convert_element_type3A = arith.fptosi %add3A_1976 : vector<16xf32> to vector<16xi32>
      %min3A = arith.constant 511 : i32
      %min3A_1977 = vector.broadcast %min3A : i32 to vector<16xi32>
      %min3A_1978 = arith.minsi %convert_element_type3A, %min3A_1977 : vector<16xi32>
      %add3A_1979 = arith.constant 2.500000e-01 : f32
      %add3A_1980 = vector.broadcast %add3A_1979 : f32 to vector<16xf32>
      %add3A_1981 = arith.addf %get3A_1973, %add3A_1980 : vector<16xf32>
      %convert_element_type3A_1982 = arith.fptosi %add3A_1981 : vector<16xf32> to vector<16xi32>
      %min3A_1983 = arith.constant 511 : i32
      %min3A_1984 = vector.broadcast %min3A_1983 : i32 to vector<16xi32>
      %min3A_1985 = arith.minsi %convert_element_type3A_1982, %min3A_1984 : vector<16xi32>
      %mul3A_1986 = arith.constant 512 : i32
      %mul3A_1987 = vector.broadcast %mul3A_1986 : i32 to vector<16xi32>
      %mul3A_1988 = arith.muli %min3A_1985, %mul3A_1987 : vector<16xi32>
      %add3A_1989 = arith.addi %min3A_1978, %mul3A_1988 : vector<16xi32>
      %add3A_1990 = arith.constant 786432 : i32
      %add3A_1991 = vector.broadcast %add3A_1990 : i32 to vector<16xi32>
      %add3A_1992 = arith.addi %add3A_1989, %add3A_1991 : vector<16xi32>
      %add3A_1993 = arith.constant 1024 : i32
      %add3A_1994 = arith.addi %add3A_1993, %mul3A_1968 : i32
      %swap3A = arith.index_cast %add3A_1994 : i32 to index
      %swap3A_1995 = tpu.vector_load %arg16[%swap3A] {strides = array<i32>} : memref<4096xi32, #tpu.memory_space<vmem>>, vector<16xi32>,
      %swap3A_1996 = vector.shape_cast %swap3A_1995 : vector<16xi32> to vector<16xi32>
      %swap3A_1997 = vector.shape_cast %add3A_1992 : vector<16xi32> to vector<16xi32>
      tpu.vector_store %arg16[%swap3A], %swap3A_1997 {strides = array<i32>} : memref<4096xi32, #tpu.memory_space<vmem>>, vector<16xi32>,
    }
    %scan3A_27 = arith.constant 32 : i32
    %scan3A_28 = arith.constant 0 : i32
    %scan3A_29 = arith.constant 0 : i32
    %scan3A_30 = arith.constant 32 : i32
    %scan3A_31 = arith.addi %scan3A_29, %scan3A_30 : i32
    %scan3A_32 = arith.constant 1 : i32
    scf.for %scan3A_1966 = %scan3A_29 to %scan3A_31 step %scan3A_32  : i32 {
      %mul3A_1967 = arith.constant 16 : i32
      %mul3A_1968 = arith.muli %scan3A_1966, %mul3A_1967 : i32
      %get3A = arith.index_cast %mul3A_1968 : i32 to index
      %get3A_1969 = tpu.vector_load %arg10[%get3A] {strides = array<i32>} : memref<512xf32, #tpu.memory_space<vmem>>, vector<16xf32>,
      %get3A_1970 = vector.shape_cast %get3A_1969 : vector<16xf32> to vector<16xf32>
      %get3A_1971 = arith.index_cast %mul3A_1968 : i32 to index
      %get3A_1972 = tpu.vector_load %arg11[%get3A_1971] {strides = array<i32>} : memref<512xf32, #tpu.memory_space<vmem>>, vector<16xf32>,
      %get3A_1973 = vector.shape_cast %get3A_1972 : vector<16xf32> to vector<16xf32>
      %add3A_1974 = arith.constant 3.750000e-01 : f32
      %add3A_1975 = vector.broadcast %add3A_1974 : f32 to vector<16xf32>
      %add3A_1976 = arith.addf %get3A_1970, %add3A_1975 : vector<16xf32>
      %convert_element_type3A = arith.fptosi %add3A_1976 : vector<16xf32> to vector<16xi32>
      %min3A = arith.constant 511 : i32
      %min3A_1977 = vector.broadcast %min3A : i32 to vector<16xi32>
      %min3A_1978 = arith.minsi %convert_element_type3A, %min3A_1977 : vector<16xi32>
      %add3A_1979 = arith.constant 3.750000e-01 : f32
      %add3A_1980 = vector.broadcast %add3A_1979 : f32 to vector<16xf32>
      %add3A_1981 = arith.addf %get3A_1973, %add3A_1980 : vector<16xf32>
      %convert_element_type3A_1982 = arith.fptosi %add3A_1981 : vector<16xf32> to vector<16xi32>
      %min3A_1983 = arith.constant 511 : i32
      %min3A_1984 = vector.broadcast %min3A_1983 : i32 to vector<16xi32>
      %min3A_1985 = arith.minsi %convert_element_type3A_1982, %min3A_1984 : vector<16xi32>
      %mul3A_1986 = arith.constant 512 : i32
      %mul3A_1987 = vector.broadcast %mul3A_1986 : i32 to vector<16xi32>
      %mul3A_1988 = arith.muli %min3A_1985, %mul3A_1987 : vector<16xi32>
      %add3A_1989 = arith.addi %min3A_1978, %mul3A_1988 : vector<16xi32>
      %add3A_1990 = arith.constant 1048576 : i32
      %add3A_1991 = vector.broadcast %add3A_1990 : i32 to vector<16xi32>
      %add3A_1992 = arith.addi %add3A_1989, %add3A_1991 : vector<16xi32>
      %add3A_1993 = arith.constant 1536 : i32
      %add3A_1994 = arith.addi %add3A_1993, %mul3A_1968 : i32
      %swap3A = arith.index_cast %add3A_1994 : i32 to index
      %swap3A_1995 = tpu.vector_load %arg16[%swap3A] {strides = array<i32>} : memref<4096xi32, #tpu.memory_space<vmem>>, vector<16xi32>,
      %swap3A_1996 = vector.shape_cast %swap3A_1995 : vector<16xi32> to vector<16xi32>
      %swap3A_1997 = vector.shape_cast %add3A_1992 : vector<16xi32> to vector<16xi32>
      tpu.vector_store %arg16[%swap3A], %swap3A_1997 {strides = array<i32>} : memref<4096xi32, #tpu.memory_space<vmem>>, vector<16xi32>,
    }
    %scan3A_33 = arith.constant 32 : i32
    %scan3A_34 = arith.constant 0 : i32
    %scan3A_35 = arith.constant 0 : i32
    %scan3A_36 = arith.constant 32 : i32
    %scan3A_37 = arith.addi %scan3A_35, %scan3A_36 : i32
    %scan3A_38 = arith.constant 1 : i32
    scf.for %scan3A_1966 = %scan3A_35 to %scan3A_37 step %scan3A_38  : i32 {
      %mul3A_1967 = arith.constant 16 : i32
      %mul3A_1968 = arith.muli %scan3A_1966, %mul3A_1967 : i32
      %get3A = arith.index_cast %mul3A_1968 : i32 to index
      %get3A_1969 = tpu.vector_load %arg10[%get3A] {strides = array<i32>} : memref<512xf32, #tpu.memory_space<vmem>>, vector<16xf32>,
      %get3A_1970 = vector.shape_cast %get3A_1969 : vector<16xf32> to vector<16xf32>
      %get3A_1971 = arith.index_cast %mul3A_1968 : i32 to index
      %get3A_1972 = tpu.vector_load %arg11[%get3A_1971] {strides = array<i32>} : memref<512xf32, #tpu.memory_space<vmem>>, vector<16xf32>,
      %get3A_1973 = vector.shape_cast %get3A_1972 : vector<16xf32> to vector<16xf32>
      %add3A_1974 = arith.constant 5.000000e-01 : f32
      %add3A_1975 = vector.broadcast %add3A_1974 : f32 to vector<16xf32>
      %add3A_1976 = arith.addf %get3A_1970, %add3A_1975 : vector<16xf32>
      %convert_element_type3A = arith.fptosi %add3A_1976 : vector<16xf32> to vector<16xi32>
      %min3A = arith.constant 511 : i32
      %min3A_1977 = vector.broadcast %min3A : i32 to vector<16xi32>
      %min3A_1978 = arith.minsi %convert_element_type3A, %min3A_1977 : vector<16xi32>
      %add3A_1979 = arith.constant 5.000000e-01 : f32
      %add3A_1980 = vector.broadcast %add3A_1979 : f32 to vector<16xf32>
      %add3A_1981 = arith.addf %get3A_1973, %add3A_1980 : vector<16xf32>
      %convert_element_type3A_1982 = arith.fptosi %add3A_1981 : vector<16xf32> to vector<16xi32>
      %min3A_1983 = arith.constant 511 : i32
      %min3A_1984 = vector.broadcast %min3A_1983 : i32 to vector<16xi32>
      %min3A_1985 = arith.minsi %convert_element_type3A_1982, %min3A_1984 : vector<16xi32>
      %mul3A_1986 = arith.constant 512 : i32
      %mul3A_1987 = vector.broadcast %mul3A_1986 : i32 to vector<16xi32>
      %mul3A_1988 = arith.muli %min3A_1985, %mul3A_1987 : vector<16xi32>
      %add3A_1989 = arith.addi %min3A_1978, %mul3A_1988 : vector<16xi32>
      %add3A_1990 = arith.constant 262144 : i32
      %add3A_1991 = vector.broadcast %add3A_1990 : i32 to vector<16xi32>
      %add3A_1992 = arith.addi %add3A_1989, %add3A_1991 : vector<16xi32>
      %add3A_1993 = arith.constant 2048 : i32
      %add3A_1994 = arith.addi %add3A_1993, %mul3A_1968 : i32
      %swap3A = arith.index_cast %add3A_1994 : i32 to index
      %swap3A_1995 = tpu.vector_load %arg16[%swap3A] {strides = array<i32>} : memref<4096xi32, #tpu.memory_space<vmem>>, vector<16xi32>,
      %swap3A_1996 = vector.shape_cast %swap3A_1995 : vector<16xi32> to vector<16xi32>
      %swap3A_1997 = vector.shape_cast %add3A_1992 : vector<16xi32> to vector<16xi32>
      tpu.vector_store %arg16[%swap3A], %swap3A_1997 {strides = array<i32>} : memref<4096xi32, #tpu.memory_space<vmem>>, vector<16xi32>,
    }
    %scan3A_39 = arith.constant 32 : i32
    %scan3A_40 = arith.constant 0 : i32
    %scan3A_41 = arith.constant 0 : i32
    %scan3A_42 = arith.constant 32 : i32
    %scan3A_43 = arith.addi %scan3A_41, %scan3A_42 : i32
    %scan3A_44 = arith.constant 1 : i32
    scf.for %scan3A_1966 = %scan3A_41 to %scan3A_43 step %scan3A_44  : i32 {
      %mul3A_1967 = arith.constant 16 : i32
      %mul3A_1968 = arith.muli %scan3A_1966, %mul3A_1967 : i32
      %get3A = arith.index_cast %mul3A_1968 : i32 to index
      %get3A_1969 = tpu.vector_load %arg10[%get3A] {strides = array<i32>} : memref<512xf32, #tpu.memory_space<vmem>>, vector<16xf32>,
      %get3A_1970 = vector.shape_cast %get3A_1969 : vector<16xf32> to vector<16xf32>
      %get3A_1971 = arith.index_cast %mul3A_1968 : i32 to index
      %get3A_1972 = tpu.vector_load %arg11[%get3A_1971] {strides = array<i32>} : memref<512xf32, #tpu.memory_space<vmem>>, vector<16xf32>,
      %get3A_1973 = vector.shape_cast %get3A_1972 : vector<16xf32> to vector<16xf32>
      %add3A_1974 = arith.constant 6.250000e-01 : f32
      %add3A_1975 = vector.broadcast %add3A_1974 : f32 to vector<16xf32>
      %add3A_1976 = arith.addf %get3A_1970, %add3A_1975 : vector<16xf32>
      %convert_element_type3A = arith.fptosi %add3A_1976 : vector<16xf32> to vector<16xi32>
      %min3A = arith.constant 511 : i32
      %min3A_1977 = vector.broadcast %min3A : i32 to vector<16xi32>
      %min3A_1978 = arith.minsi %convert_element_type3A, %min3A_1977 : vector<16xi32>
      %add3A_1979 = arith.constant 6.250000e-01 : f32
      %add3A_1980 = vector.broadcast %add3A_1979 : f32 to vector<16xf32>
      %add3A_1981 = arith.addf %get3A_1973, %add3A_1980 : vector<16xf32>
      %convert_element_type3A_1982 = arith.fptosi %add3A_1981 : vector<16xf32> to vector<16xi32>
      %min3A_1983 = arith.constant 511 : i32
      %min3A_1984 = vector.broadcast %min3A_1983 : i32 to vector<16xi32>
      %min3A_1985 = arith.minsi %convert_element_type3A_1982, %min3A_1984 : vector<16xi32>
      %mul3A_1986 = arith.constant 512 : i32
      %mul3A_1987 = vector.broadcast %mul3A_1986 : i32 to vector<16xi32>
      %mul3A_1988 = arith.muli %min3A_1985, %mul3A_1987 : vector<16xi32>
      %add3A_1989 = arith.addi %min3A_1978, %mul3A_1988 : vector<16xi32>
      %add3A_1990 = arith.constant 524288 : i32
      %add3A_1991 = vector.broadcast %add3A_1990 : i32 to vector<16xi32>
      %add3A_1992 = arith.addi %add3A_1989, %add3A_1991 : vector<16xi32>
      %add3A_1993 = arith.constant 2560 : i32
      %add3A_1994 = arith.addi %add3A_1993, %mul3A_1968 : i32
      %swap3A = arith.index_cast %add3A_1994 : i32 to index
      %swap3A_1995 = tpu.vector_load %arg16[%swap3A] {strides = array<i32>} : memref<4096xi32, #tpu.memory_space<vmem>>, vector<16xi32>,
      %swap3A_1996 = vector.shape_cast %swap3A_1995 : vector<16xi32> to vector<16xi32>
      %swap3A_1997 = vector.shape_cast %add3A_1992 : vector<16xi32> to vector<16xi32>
      tpu.vector_store %arg16[%swap3A], %swap3A_1997 {strides = array<i32>} : memref<4096xi32, #tpu.memory_space<vmem>>, vector<16xi32>,
    }
    %scan3A_45 = arith.constant 32 : i32
    %scan3A_46 = arith.constant 0 : i32
    %scan3A_47 = arith.constant 0 : i32
    %scan3A_48 = arith.constant 32 : i32
    %scan3A_49 = arith.addi %scan3A_47, %scan3A_48 : i32
    %scan3A_50 = arith.constant 1 : i32
    scf.for %scan3A_1966 = %scan3A_47 to %scan3A_49 step %scan3A_50  : i32 {
      %mul3A_1967 = arith.constant 16 : i32
      %mul3A_1968 = arith.muli %scan3A_1966, %mul3A_1967 : i32
      %get3A = arith.index_cast %mul3A_1968 : i32 to index
      %get3A_1969 = tpu.vector_load %arg10[%get3A] {strides = array<i32>} : memref<512xf32, #tpu.memory_space<vmem>>, vector<16xf32>,
      %get3A_1970 = vector.shape_cast %get3A_1969 : vector<16xf32> to vector<16xf32>
      %get3A_1971 = arith.index_cast %mul3A_1968 : i32 to index
      %get3A_1972 = tpu.vector_load %arg11[%get3A_1971] {strides = array<i32>} : memref<512xf32, #tpu.memory_space<vmem>>, vector<16xf32>,
      %get3A_1973 = vector.shape_cast %get3A_1972 : vector<16xf32> to vector<16xf32>
      %add3A_1974 = arith.constant 7.500000e-01 : f32
      %add3A_1975 = vector.broadcast %add3A_1974 : f32 to vector<16xf32>
      %add3A_1976 = arith.addf %get3A_1970, %add3A_1975 : vector<16xf32>
      %convert_element_type3A = arith.fptosi %add3A_1976 : vector<16xf32> to vector<16xi32>
      %min3A = arith.constant 511 : i32
      %min3A_1977 = vector.broadcast %min3A : i32 to vector<16xi32>
      %min3A_1978 = arith.minsi %convert_element_type3A, %min3A_1977 : vector<16xi32>
      %add3A_1979 = arith.constant 7.500000e-01 : f32
      %add3A_1980 = vector.broadcast %add3A_1979 : f32 to vector<16xf32>
      %add3A_1981 = arith.addf %get3A_1973, %add3A_1980 : vector<16xf32>
      %convert_element_type3A_1982 = arith.fptosi %add3A_1981 : vector<16xf32> to vector<16xi32>
      %min3A_1983 = arith.constant 511 : i32
      %min3A_1984 = vector.broadcast %min3A_1983 : i32 to vector<16xi32>
      %min3A_1985 = arith.minsi %convert_element_type3A_1982, %min3A_1984 : vector<16xi32>
      %mul3A_1986 = arith.constant 512 : i32
      %mul3A_1987 = vector.broadcast %mul3A_1986 : i32 to vector<16xi32>
      %mul3A_1988 = arith.muli %min3A_1985, %mul3A_1987 : vector<16xi32>
      %add3A_1989 = arith.addi %min3A_1978, %mul3A_1988 : vector<16xi32>
      %add3A_1990 = arith.constant 786432 : i32
      %add3A_1991 = vector.broadcast %add3A_1990 : i32 to vector<16xi32>
      %add3A_1992 = arith.addi %add3A_1989, %add3A_1991 : vector<16xi32>
      %add3A_1993 = arith.constant 3072 : i32
      %add3A_1994 = arith.addi %add3A_1993, %mul3A_1968 : i32
      %swap3A = arith.index_cast %add3A_1994 : i32 to index
      %swap3A_1995 = tpu.vector_load %arg16[%swap3A] {strides = array<i32>} : memref<4096xi32, #tpu.memory_space<vmem>>, vector<16xi32>,
      %swap3A_1996 = vector.shape_cast %swap3A_1995 : vector<16xi32> to vector<16xi32>
      %swap3A_1997 = vector.shape_cast %add3A_1992 : vector<16xi32> to vector<16xi32>
      tpu.vector_store %arg16[%swap3A], %swap3A_1997 {strides = array<i32>} : memref<4096xi32, #tpu.memory_space<vmem>>, vector<16xi32>,
    }
    %scan3A_51 = arith.constant 32 : i32
    %scan3A_52 = arith.constant 0 : i32
    %scan3A_53 = arith.constant 0 : i32
    %scan3A_54 = arith.constant 32 : i32
    %scan3A_55 = arith.addi %scan3A_53, %scan3A_54 : i32
    %scan3A_56 = arith.constant 1 : i32
    scf.for %scan3A_1966 = %scan3A_53 to %scan3A_55 step %scan3A_56  : i32 {
      %mul3A_1967 = arith.constant 16 : i32
      %mul3A_1968 = arith.muli %scan3A_1966, %mul3A_1967 : i32
      %get3A = arith.index_cast %mul3A_1968 : i32 to index
      %get3A_1969 = tpu.vector_load %arg10[%get3A] {strides = array<i32>} : memref<512xf32, #tpu.memory_space<vmem>>, vector<16xf32>,
      %get3A_1970 = vector.shape_cast %get3A_1969 : vector<16xf32> to vector<16xf32>
      %get3A_1971 = arith.index_cast %mul3A_1968 : i32 to index
      %get3A_1972 = tpu.vector_load %arg11[%get3A_1971] {strides = array<i32>} : memref<512xf32, #tpu.memory_space<vmem>>, vector<16xf32>,
      %get3A_1973 = vector.shape_cast %get3A_1972 : vector<16xf32> to vector<16xf32>
      %add3A_1974 = arith.constant 8.750000e-01 : f32
      %add3A_1975 = vector.broadcast %add3A_1974 : f32 to vector<16xf32>
      %add3A_1976 = arith.addf %get3A_1970, %add3A_1975 : vector<16xf32>
      %convert_element_type3A = arith.fptosi %add3A_1976 : vector<16xf32> to vector<16xi32>
      %min3A = arith.constant 511 : i32
      %min3A_1977 = vector.broadcast %min3A : i32 to vector<16xi32>
      %min3A_1978 = arith.minsi %convert_element_type3A, %min3A_1977 : vector<16xi32>
      %add3A_1979 = arith.constant 8.750000e-01 : f32
      %add3A_1980 = vector.broadcast %add3A_1979 : f32 to vector<16xf32>
      %add3A_1981 = arith.addf %get3A_1973, %add3A_1980 : vector<16xf32>
      %convert_element_type3A_1982 = arith.fptosi %add3A_1981 : vector<16xf32> to vector<16xi32>
      %min3A_1983 = arith.constant 511 : i32
      %min3A_1984 = vector.broadcast %min3A_1983 : i32 to vector<16xi32>
      %min3A_1985 = arith.minsi %convert_element_type3A_1982, %min3A_1984 : vector<16xi32>
      %mul3A_1986 = arith.constant 512 : i32
      %mul3A_1987 = vector.broadcast %mul3A_1986 : i32 to vector<16xi32>
      %mul3A_1988 = arith.muli %min3A_1985, %mul3A_1987 : vector<16xi32>
      %add3A_1989 = arith.addi %min3A_1978, %mul3A_1988 : vector<16xi32>
      %add3A_1990 = arith.constant 0 : i32
      %add3A_1991 = vector.broadcast %add3A_1990 : i32 to vector<16xi32>
      %add3A_1992 = arith.addi %add3A_1989, %add3A_1991 : vector<16xi32>
      %add3A_1993 = arith.constant 3584 : i32
      %add3A_1994 = arith.addi %add3A_1993, %mul3A_1968 : i32
      %swap3A = arith.index_cast %add3A_1994 : i32 to index
      %swap3A_1995 = tpu.vector_load %arg16[%swap3A] {strides = array<i32>} : memref<4096xi32, #tpu.memory_space<vmem>>, vector<16xi32>,
      %swap3A_1996 = vector.shape_cast %swap3A_1995 : vector<16xi32> to vector<16xi32>
      %swap3A_1997 = vector.shape_cast %add3A_1992 : vector<16xi32> to vector<16xi32>
      tpu.vector_store %arg16[%swap3A], %swap3A_1997 {strides = array<i32>} : memref<4096xi32, #tpu.memory_space<vmem>>, vector<16xi32>,
      %add3A_1998 = arith.constant 262144 : i32
      %add3A_1999 = vector.broadcast %add3A_1998 : i32 to vector<16xi32>
      %add3A_2000 = arith.addi %add3A_1989, %add3A_1999 : vector<16xi32>
      %add3A_2001 = arith.constant 786432 : i32
      %add3A_2002 = vector.broadcast %add3A_2001 : i32 to vector<16xi32>
      %add3A_2003 = arith.addi %add3A_2000, %add3A_2002 : vector<16xi32>
      %swap3A_2004 = arith.index_cast %mul3A_1968 : i32 to index
      %swap3A_2005 = tpu.vector_load %arg17[%swap3A_2004] {strides = array<i32>} : memref<512xi32, #tpu.memory_space<vmem>>, vector<16xi32>,
      %swap3A_2006 = vector.shape_cast %swap3A_2005 : vector<16xi32> to vector<16xi32>
      %swap3A_2007 = vector.shape_cast %add3A_2003 : vector<16xi32> to vector<16xi32>
      tpu.vector_store %arg17[%swap3A_2004], %swap3A_2007 {strides = array<i32>} : memref<512xi32, #tpu.memory_space<vmem>>, vector<16xi32>,
    }
    %scan3A_57 = arith.constant 32 : i32
    "tpu.trace_start"() <{level = 10 : i32, message = "ph_stage_tails"}> : () -> ()
    %mul3A_58 = arith.constant 16384 : i32
    %mul3A_59 = arith.muli %arg1, %mul3A_58 : i32
    %add3A_60 = arith.constant 1835008 : i32
    %add3A_61 = arith.addi %add3A_60, %mul3A_59 : i32
    %add3A_62 = arith.constant 0 : i32
    %add3A_63 = arith.addi %add3A_61, %add3A_62 : i32
    %dma_start3A = arith.constant 0 : i32
    %dma_start3A_64 = tpu.memref_slice %arg22[%dma_start3A] : memref<8192xf32, #tpu.memory_space<vmem>> -> memref<8192xf32, #tpu.memory_space<vmem>>
    %dma_start3A_65 = tpu.memref_slice %arg3[%add3A_63] : memref<2097152xf32, #tpu.memory_space<hbm>> -> memref<8192xf32, #tpu.memory_space<hbm>>
    %dma_start3A_66 = arith.constant 0 : i32
    %dma_start3A_67 = tpu.memref_slice %arg22[%dma_start3A_66] : memref<8192xf32, #tpu.memory_space<vmem>> -> memref<8192xf32, #tpu.memory_space<vmem>>
    %dma_start3A_68 = tpu.memref_slice %arg3[%add3A_63] : memref<2097152xf32, #tpu.memory_space<hbm>> -> memref<8192xf32, #tpu.memory_space<hbm>>
    tpu.enqueue_dma source(%dma_start3A_68 : memref<8192xf32, #tpu.memory_space<hbm>>) target(%dma_start3A_67 : memref<8192xf32, #tpu.memory_space<vmem>>) target_semaphore(%arg24 : memref<!tpu.dma_semaphore, #tpu.memory_space<semaphore_mem>>)
    %dma_wait3A = arith.constant 0 : i32
    %dma_wait3A_69 = tpu.memref_slice %arg22[%dma_wait3A] : memref<8192xf32, #tpu.memory_space<vmem>> -> memref<8192xf32, #tpu.memory_space<vmem>>
    %dma_wait3A_70 = tpu.memref_slice %arg3[%add3A_63] : memref<2097152xf32, #tpu.memory_space<hbm>> -> memref<8192xf32, #tpu.memory_space<hbm>>
    %dma_wait3A_71 = arith.constant 0 : i32
    %dma_wait3A_72 = tpu.memref_slice %arg22[%dma_wait3A_71] : memref<8192xf32, #tpu.memory_space<vmem>> -> memref<8192xf32, #tpu.memory_space<vmem>>
    %dma_wait3A_73 = tpu.memref_slice %arg3[%add3A_63] : memref<2097152xf32, #tpu.memory_space<hbm>> -> memref<8192xf32, #tpu.memory_space<hbm>>
    tpu.wait_dma2 semaphore(%arg24 : memref<!tpu.dma_semaphore, #tpu.memory_space<semaphore_mem>>) src(%dma_wait3A_73 : memref<8192xf32, #tpu.memory_space<hbm>>) dst(%dma_wait3A_72 : memref<8192xf32, #tpu.memory_space<vmem>>)
    %mul3A_74 = arith.constant 16384 : i32
    %mul3A_75 = arith.muli %arg1, %mul3A_74 : i32
    %add3A_76 = arith.constant 0 : i32
    %add3A_77 = arith.addi %add3A_76, %mul3A_75 : i32
    %add3A_78 = arith.constant 0 : i32
    %add3A_79 = arith.addi %add3A_77, %add3A_78 : i32
    %dma_start3A_80 = arith.constant 0 : i32
    %dma_start3A_81 = tpu.memref_slice %arg22[%dma_start3A_80] : memref<8192xf32, #tpu.memory_space<vmem>> -> memref<8192xf32, #tpu.memory_space<vmem>>
    %dma_start3A_82 = tpu.memref_slice %arg7[%add3A_79] : memref<1310720xf32, #tpu.memory_space<vmem_shared>> -> memref<8192xf32, #tpu.memory_space<vmem_shared>>
    %dma_start3A_83 = tpu.memref_slice %arg7[%add3A_79] : memref<1310720xf32, #tpu.memory_space<vmem_shared>> -> memref<8192xf32, #tpu.memory_space<vmem_shared>>
    %dma_start3A_84 = arith.constant 0 : i32
    %dma_start3A_85 = tpu.memref_slice %arg22[%dma_start3A_84] : memref<8192xf32, #tpu.memory_space<vmem>> -> memref<8192xf32, #tpu.memory_space<vmem>>
    tpu.enqueue_dma source(%dma_start3A_85 : memref<8192xf32, #tpu.memory_space<vmem>>) target(%dma_start3A_83 : memref<8192xf32, #tpu.memory_space<vmem_shared>>) target_semaphore(%arg25 : memref<!tpu.dma_semaphore, #tpu.memory_space<semaphore_mem>>)
    %mul3A_86 = arith.constant 16384 : i32
    %mul3A_87 = arith.muli %arg1, %mul3A_86 : i32
    %add3A_88 = arith.constant 1835008 : i32
    %add3A_89 = arith.addi %add3A_88, %mul3A_87 : i32
    %add3A_90 = arith.constant 8192 : i32
    %add3A_91 = arith.addi %add3A_89, %add3A_90 : i32
    %dma_start3A_92 = arith.constant 0 : i32
    %dma_start3A_93 = tpu.memref_slice %arg23[%dma_start3A_92] : memref<8192xf32, #tpu.memory_space<vmem>> -> memref<8192xf32, #tpu.memory_space<vmem>>
    %dma_start3A_94 = tpu.memref_slice %arg3[%add3A_91] : memref<2097152xf32, #tpu.memory_space<hbm>> -> memref<8192xf32, #tpu.memory_space<hbm>>
    %dma_start3A_95 = arith.constant 0 : i32
    %dma_start3A_96 = tpu.memref_slice %arg23[%dma_start3A_95] : memref<8192xf32, #tpu.memory_space<vmem>> -> memref<8192xf32, #tpu.memory_space<vmem>>
    %dma_start3A_97 = tpu.memref_slice %arg3[%add3A_91] : memref<2097152xf32, #tpu.memory_space<hbm>> -> memref<8192xf32, #tpu.memory_space<hbm>>
    tpu.enqueue_dma source(%dma_start3A_97 : memref<8192xf32, #tpu.memory_space<hbm>>) target(%dma_start3A_96 : memref<8192xf32, #tpu.memory_space<vmem>>) target_semaphore(%arg24 : memref<!tpu.dma_semaphore, #tpu.memory_space<semaphore_mem>>)
    %dma_wait3A_98 = arith.constant 0 : i32
    %dma_wait3A_99 = tpu.memref_slice %arg23[%dma_wait3A_98] : memref<8192xf32, #tpu.memory_space<vmem>> -> memref<8192xf32, #tpu.memory_space<vmem>>
    %dma_wait3A_100 = tpu.memref_slice %arg3[%add3A_91] : memref<2097152xf32, #tpu.memory_space<hbm>> -> memref<8192xf32, #tpu.memory_space<hbm>>
    %dma_wait3A_101 = arith.constant 0 : i32
    %dma_wait3A_102 = tpu.memref_slice %arg23[%dma_wait3A_101] : memref<8192xf32, #tpu.memory_space<vmem>> -> memref<8192xf32, #tpu.memory_space<vmem>>
    %dma_wait3A_103 = tpu.memref_slice %arg3[%add3A_91] : memref<2097152xf32, #tpu.memory_space<hbm>> -> memref<8192xf32, #tpu.memory_space<hbm>>
    tpu.wait_dma2 semaphore(%arg24 : memref<!tpu.dma_semaphore, #tpu.memory_space<semaphore_mem>>) src(%dma_wait3A_103 : memref<8192xf32, #tpu.memory_space<hbm>>) dst(%dma_wait3A_102 : memref<8192xf32, #tpu.memory_space<vmem>>)
    %mul3A_104 = arith.constant 16384 : i32
    %mul3A_105 = arith.muli %arg1, %mul3A_104 : i32
    %add3A_106 = arith.constant 0 : i32
    %add3A_107 = arith.addi %add3A_106, %mul3A_105 : i32
    %add3A_108 = arith.constant 8192 : i32
    %add3A_109 = arith.addi %add3A_107, %add3A_108 : i32
    %dma_start3A_110 = arith.constant 0 : i32
    %dma_start3A_111 = tpu.memref_slice %arg23[%dma_start3A_110] : memref<8192xf32, #tpu.memory_space<vmem>> -> memref<8192xf32, #tpu.memory_space<vmem>>
    %dma_start3A_112 = tpu.memref_slice %arg7[%add3A_109] : memref<1310720xf32, #tpu.memory_space<vmem_shared>> -> memref<8192xf32, #tpu.memory_space<vmem_shared>>
    %dma_start3A_113 = tpu.memref_slice %arg7[%add3A_109] : memref<1310720xf32, #tpu.memory_space<vmem_shared>> -> memref<8192xf32, #tpu.memory_space<vmem_shared>>
    %dma_start3A_114 = arith.constant 0 : i32
    %dma_start3A_115 = tpu.memref_slice %arg23[%dma_start3A_114] : memref<8192xf32, #tpu.memory_space<vmem>> -> memref<8192xf32, #tpu.memory_space<vmem>>
    tpu.enqueue_dma source(%dma_start3A_115 : memref<8192xf32, #tpu.memory_space<vmem>>) target(%dma_start3A_113 : memref<8192xf32, #tpu.memory_space<vmem_shared>>) target_semaphore(%arg25 : memref<!tpu.dma_semaphore, #tpu.memory_space<semaphore_mem>>)
    %dma_wait3A_116 = arith.constant 0 : i32
    %dma_wait3A_117 = tpu.memref_slice %arg22[%dma_wait3A_116] : memref<8192xf32, #tpu.memory_space<vmem>> -> memref<8192xf32, #tpu.memory_space<vmem>>
    %dma_wait3A_118 = tpu.memref_slice %arg7[%add3A_79] : memref<1310720xf32, #tpu.memory_space<vmem_shared>> -> memref<8192xf32, #tpu.memory_space<vmem_shared>>
    %dma_wait3A_119 = tpu.memref_slice %arg7[%add3A_79] : memref<1310720xf32, #tpu.memory_space<vmem_shared>> -> memref<8192xf32, #tpu.memory_space<vmem_shared>>
    %dma_wait3A_120 = arith.constant 0 : i32
    %dma_wait3A_121 = tpu.memref_slice %arg22[%dma_wait3A_120] : memref<8192xf32, #tpu.memory_space<vmem>> -> memref<8192xf32, #tpu.memory_space<vmem>>
    tpu.wait_dma2 semaphore(%arg25 : memref<!tpu.dma_semaphore, #tpu.memory_space<semaphore_mem>>) src(%dma_wait3A_121 : memref<8192xf32, #tpu.memory_space<vmem>>) dst(%dma_wait3A_119 : memref<8192xf32, #tpu.memory_space<vmem_shared>>)
    %dma_wait3A_122 = arith.constant 0 : i32
    %dma_wait3A_123 = tpu.memref_slice %arg23[%dma_wait3A_122] : memref<8192xf32, #tpu.memory_space<vmem>> -> memref<8192xf32, #tpu.memory_space<vmem>>
    %dma_wait3A_124 = tpu.memref_slice %arg7[%add3A_109] : memref<1310720xf32, #tpu.memory_space<vmem_shared>> -> memref<8192xf32, #tpu.memory_space<vmem_shared>>
    %dma_wait3A_125 = tpu.memref_slice %arg7[%add3A_109] : memref<1310720xf32, #tpu.memory_space<vmem_shared>> -> memref<8192xf32, #tpu.memory_space<vmem_shared>>
    %dma_wait3A_126 = arith.constant 0 : i32
    %dma_wait3A_127 = tpu.memref_slice %arg23[%dma_wait3A_126] : memref<8192xf32, #tpu.memory_space<vmem>> -> memref<8192xf32, #tpu.memory_space<vmem>>
    tpu.wait_dma2 semaphore(%arg25 : memref<!tpu.dma_semaphore, #tpu.memory_space<semaphore_mem>>) src(%dma_wait3A_127 : memref<8192xf32, #tpu.memory_space<vmem>>) dst(%dma_wait3A_125 : memref<8192xf32, #tpu.memory_space<vmem_shared>>)
    "tpu.trace_stop"() : () -> ()
    %barrier3A = arith.constant 0 : index
    tpu.barrier barrier_id(%barrier3A)
    %dma_start3A_128 = arith.constant 3584 : i32
    %dma_start3A_129 = tpu.memref_slice %arg19[%dma_start3A_128] : memref<4096xf32, #tpu.memory_space<vmem>> -> memref<512xf32, #tpu.memory_space<vmem>>
    %dma_start3A_130 = arith.constant 3584 : i32
    %dma_start3A_131 = tpu.memref_slice %arg16[%dma_start3A_130] : memref<4096xi32, #tpu.memory_space<vmem>> -> memref<512xi32, #tpu.memory_space<vmem>>
    %dma_start3A_132 = arith.constant 0 : i32
    %dma_start3A_133 = tpu.memref_slice %arg7[%dma_start3A_132] : memref<1310720xf32, #tpu.memory_space<vmem_shared>> -> memref<1310720xf32, #tpu.memory_space<vmem_shared>>
    tpu.enqueue_indirect_dma source(%dma_start3A_133 : memref<1310720xf32, #tpu.memory_space<vmem_shared>>) target(%dma_start3A_129 : memref<512xf32, #tpu.memory_space<vmem>>) offsets(%dma_start3A_131 : memref<512xi32, #tpu.memory_space<vmem>>) semaphore(%arg29 : memref<!tpu.dma_semaphore, #tpu.memory_space<semaphore_mem>>)
    "tpu.trace_start"() <{level = 10 : i32, message = "ph_stage_wv"}> : () -> ()
    %mul3A_134 = arith.constant 65536 : i32
    %mul3A_135 = arith.muli %arg1, %mul3A_134 : i32
    %add3A_136 = arith.constant 0 : i32
    %add3A_137 = arith.addi %add3A_136, %mul3A_135 : i32
    %add3A_138 = arith.constant 0 : i32
    %add3A_139 = arith.addi %add3A_137, %add3A_138 : i32
    %dma_start3A_140 = arith.constant 0 : i32
    %dma_start3A_141 = tpu.memref_slice %arg22[%dma_start3A_140] : memref<8192xf32, #tpu.memory_space<vmem>> -> memref<8192xf32, #tpu.memory_space<vmem>>
    %dma_start3A_142 = tpu.memref_slice %arg3[%add3A_139] : memref<2097152xf32, #tpu.memory_space<hbm>> -> memref<8192xf32, #tpu.memory_space<hbm>>
    %dma_start3A_143 = arith.constant 0 : i32
    %dma_start3A_144 = tpu.memref_slice %arg22[%dma_start3A_143] : memref<8192xf32, #tpu.memory_space<vmem>> -> memref<8192xf32, #tpu.memory_space<vmem>>
    %dma_start3A_145 = tpu.memref_slice %arg3[%add3A_139] : memref<2097152xf32, #tpu.memory_space<hbm>> -> memref<8192xf32, #tpu.memory_space<hbm>>
    tpu.enqueue_dma source(%dma_start3A_145 : memref<8192xf32, #tpu.memory_space<hbm>>) target(%dma_start3A_144 : memref<8192xf32, #tpu.memory_space<vmem>>) target_semaphore(%arg24 : memref<!tpu.dma_semaphore, #tpu.memory_space<semaphore_mem>>)
    %dma_wait3A_146 = arith.constant 0 : i32
    %dma_wait3A_147 = tpu.memref_slice %arg22[%dma_wait3A_146] : memref<8192xf32, #tpu.memory_space<vmem>> -> memref<8192xf32, #tpu.memory_space<vmem>>
    %dma_wait3A_148 = tpu.memref_slice %arg3[%add3A_139] : memref<2097152xf32, #tpu.memory_space<hbm>> -> memref<8192xf32, #tpu.memory_space<hbm>>
    %dma_wait3A_149 = arith.constant 0 : i32
    %dma_wait3A_150 = tpu.memref_slice %arg22[%dma_wait3A_149] : memref<8192xf32, #tpu.memory_space<vmem>> -> memref<8192xf32, #tpu.memory_space<vmem>>
    %dma_wait3A_151 = tpu.memref_slice %arg3[%add3A_139] : memref<2097152xf32, #tpu.memory_space<hbm>> -> memref<8192xf32, #tpu.memory_space<hbm>>
    tpu.wait_dma2 semaphore(%arg24 : memref<!tpu.dma_semaphore, #tpu.memory_space<semaphore_mem>>) src(%dma_wait3A_151 : memref<8192xf32, #tpu.memory_space<hbm>>) dst(%dma_wait3A_150 : memref<8192xf32, #tpu.memory_space<vmem>>)
    %mul3A_152 = arith.constant 65536 : i32
    %mul3A_153 = arith.muli %arg1, %mul3A_152 : i32
    %add3A_154 = arith.constant 262144 : i32
    %add3A_155 = arith.addi %add3A_154, %mul3A_153 : i32
    %add3A_156 = arith.constant 0 : i32
    %add3A_157 = arith.addi %add3A_155, %add3A_156 : i32
    %dma_start3A_158 = arith.constant 0 : i32
    %dma_start3A_159 = tpu.memref_slice %arg22[%dma_start3A_158] : memref<8192xf32, #tpu.memory_space<vmem>> -> memref<8192xf32, #tpu.memory_space<vmem>>
    %dma_start3A_160 = tpu.memref_slice %arg7[%add3A_157] : memref<1310720xf32, #tpu.memory_space<vmem_shared>> -> memref<8192xf32, #tpu.memory_space<vmem_shared>>
    %dma_start3A_161 = tpu.memref_slice %arg7[%add3A_157] : memref<1310720xf32, #tpu.memory_space<vmem_shared>> -> memref<8192xf32, #tpu.memory_space<vmem_shared>>
    %dma_start3A_162 = arith.constant 0 : i32
    %dma_start3A_163 = tpu.memref_slice %arg22[%dma_start3A_162] : memref<8192xf32, #tpu.memory_space<vmem>> -> memref<8192xf32, #tpu.memory_space<vmem>>
    tpu.enqueue_dma source(%dma_start3A_163 : memref<8192xf32, #tpu.memory_space<vmem>>) target(%dma_start3A_161 : memref<8192xf32, #tpu.memory_space<vmem_shared>>) target_semaphore(%arg25 : memref<!tpu.dma_semaphore, #tpu.memory_space<semaphore_mem>>)
    %mul3A_164 = arith.constant 65536 : i32
    %mul3A_165 = arith.muli %arg1, %mul3A_164 : i32
    %add3A_166 = arith.constant 0 : i32
    %add3A_167 = arith.addi %add3A_166, %mul3A_165 : i32
    %add3A_168 = arith.constant 8192 : i32
    %add3A_169 = arith.addi %add3A_167, %add3A_168 : i32
    %dma_start3A_170 = arith.constant 0 : i32
    %dma_start3A_171 = tpu.memref_slice %arg23[%dma_start3A_170] : memref<8192xf32, #tpu.memory_space<vmem>> -> memref<8192xf32, #tpu.memory_space<vmem>>
    %dma_start3A_172 = tpu.memref_slice %arg3[%add3A_169] : memref<2097152xf32, #tpu.memory_space<hbm>> -> memref<8192xf32, #tpu.memory_space<hbm>>
    %dma_start3A_173 = arith.constant 0 : i32
    %dma_start3A_174 = tpu.memref_slice %arg23[%dma_start3A_173] : memref<8192xf32, #tpu.memory_space<vmem>> -> memref<8192xf32, #tpu.memory_space<vmem>>
    %dma_start3A_175 = tpu.memref_slice %arg3[%add3A_169] : memref<2097152xf32, #tpu.memory_space<hbm>> -> memref<8192xf32, #tpu.memory_space<hbm>>
    tpu.enqueue_dma source(%dma_start3A_175 : memref<8192xf32, #tpu.memory_space<hbm>>) target(%dma_start3A_174 : memref<8192xf32, #tpu.memory_space<vmem>>) target_semaphore(%arg24 : memref<!tpu.dma_semaphore, #tpu.memory_space<semaphore_mem>>)
    %dma_wait3A_176 = arith.constant 0 : i32
    %dma_wait3A_177 = tpu.memref_slice %arg23[%dma_wait3A_176] : memref<8192xf32, #tpu.memory_space<vmem>> -> memref<8192xf32, #tpu.memory_space<vmem>>
    %dma_wait3A_178 = tpu.memref_slice %arg3[%add3A_169] : memref<2097152xf32, #tpu.memory_space<hbm>> -> memref<8192xf32, #tpu.memory_space<hbm>>
    %dma_wait3A_179 = arith.constant 0 : i32
    %dma_wait3A_180 = tpu.memref_slice %arg23[%dma_wait3A_179] : memref<8192xf32, #tpu.memory_space<vmem>> -> memref<8192xf32, #tpu.memory_space<vmem>>
    %dma_wait3A_181 = tpu.memref_slice %arg3[%add3A_169] : memref<2097152xf32, #tpu.memory_space<hbm>> -> memref<8192xf32, #tpu.memory_space<hbm>>
    tpu.wait_dma2 semaphore(%arg24 : memref<!tpu.dma_semaphore, #tpu.memory_space<semaphore_mem>>) src(%dma_wait3A_181 : memref<8192xf32, #tpu.memory_space<hbm>>) dst(%dma_wait3A_180 : memref<8192xf32, #tpu.memory_space<vmem>>)
    %mul3A_182 = arith.constant 65536 : i32
    %mul3A_183 = arith.muli %arg1, %mul3A_182 : i32
    %add3A_184 = arith.constant 262144 : i32
    %add3A_185 = arith.addi %add3A_184, %mul3A_183 : i32
    %add3A_186 = arith.constant 8192 : i32
    %add3A_187 = arith.addi %add3A_185, %add3A_186 : i32
    %dma_start3A_188 = arith.constant 0 : i32
    %dma_start3A_189 = tpu.memref_slice %arg23[%dma_start3A_188] : memref<8192xf32, #tpu.memory_space<vmem>> -> memref<8192xf32, #tpu.memory_space<vmem>>
    %dma_start3A_190 = tpu.memref_slice %arg7[%add3A_187] : memref<1310720xf32, #tpu.memory_space<vmem_shared>> -> memref<8192xf32, #tpu.memory_space<vmem_shared>>
    %dma_start3A_191 = tpu.memref_slice %arg7[%add3A_187] : memref<1310720xf32, #tpu.memory_space<vmem_shared>> -> memref<8192xf32, #tpu.memory_space<vmem_shared>>
    %dma_start3A_192 = arith.constant 0 : i32
    %dma_start3A_193 = tpu.memref_slice %arg23[%dma_start3A_192] : memref<8192xf32, #tpu.memory_space<vmem>> -> memref<8192xf32, #tpu.memory_space<vmem>>
    tpu.enqueue_dma source(%dma_start3A_193 : memref<8192xf32, #tpu.memory_space<vmem>>) target(%dma_start3A_191 : memref<8192xf32, #tpu.memory_space<vmem_shared>>) target_semaphore(%arg25 : memref<!tpu.dma_semaphore, #tpu.memory_space<semaphore_mem>>)
    %dma_wait3A_194 = arith.constant 0 : i32
    %dma_wait3A_195 = tpu.memref_slice %arg22[%dma_wait3A_194] : memref<8192xf32, #tpu.memory_space<vmem>> -> memref<8192xf32, #tpu.memory_space<vmem>>
    %dma_wait3A_196 = tpu.memref_slice %arg7[%add3A_157] : memref<1310720xf32, #tpu.memory_space<vmem_shared>> -> memref<8192xf32, #tpu.memory_space<vmem_shared>>
    %dma_wait3A_197 = tpu.memref_slice %arg7[%add3A_157] : memref<1310720xf32, #tpu.memory_space<vmem_shared>> -> memref<8192xf32, #tpu.memory_space<vmem_shared>>
    %dma_wait3A_198 = arith.constant 0 : i32
    %dma_wait3A_199 = tpu.memref_slice %arg22[%dma_wait3A_198] : memref<8192xf32, #tpu.memory_space<vmem>> -> memref<8192xf32, #tpu.memory_space<vmem>>
    tpu.wait_dma2 semaphore(%arg25 : memref<!tpu.dma_semaphore, #tpu.memory_space<semaphore_mem>>) src(%dma_wait3A_199 : memref<8192xf32, #tpu.memory_space<vmem>>) dst(%dma_wait3A_197 : memref<8192xf32, #tpu.memory_space<vmem_shared>>)
    %mul3A_200 = arith.constant 65536 : i32
    %mul3A_201 = arith.muli %arg1, %mul3A_200 : i32
    %add3A_202 = arith.constant 0 : i32
    %add3A_203 = arith.addi %add3A_202, %mul3A_201 : i32
    %add3A_204 = arith.constant 16384 : i32
    %add3A_205 = arith.addi %add3A_203, %add3A_204 : i32
    %dma_start3A_206 = arith.constant 0 : i32
    %dma_start3A_207 = tpu.memref_slice %arg22[%dma_start3A_206] : memref<8192xf32, #tpu.memory_space<vmem>> -> memref<8192xf32, #tpu.memory_space<vmem>>
    %dma_start3A_208 = tpu.memref_slice %arg3[%add3A_205] : memref<2097152xf32, #tpu.memory_space<hbm>> -> memref<8192xf32, #tpu.memory_space<hbm>>
    %dma_start3A_209 = arith.constant 0 : i32
    %dma_start3A_210 = tpu.memref_slice %arg22[%dma_start3A_209] : memref<8192xf32, #tpu.memory_space<vmem>> -> memref<8192xf32, #tpu.memory_space<vmem>>
    %dma_start3A_211 = tpu.memref_slice %arg3[%add3A_205] : memref<2097152xf32, #tpu.memory_space<hbm>> -> memref<8192xf32, #tpu.memory_space<hbm>>
    tpu.enqueue_dma source(%dma_start3A_211 : memref<8192xf32, #tpu.memory_space<hbm>>) target(%dma_start3A_210 : memref<8192xf32, #tpu.memory_space<vmem>>) target_semaphore(%arg24 : memref<!tpu.dma_semaphore, #tpu.memory_space<semaphore_mem>>)
    %dma_wait3A_212 = arith.constant 0 : i32
    %dma_wait3A_213 = tpu.memref_slice %arg22[%dma_wait3A_212] : memref<8192xf32, #tpu.memory_space<vmem>> -> memref<8192xf32, #tpu.memory_space<vmem>>
    %dma_wait3A_214 = tpu.memref_slice %arg3[%add3A_205] : memref<2097152xf32, #tpu.memory_space<hbm>> -> memref<8192xf32, #tpu.memory_space<hbm>>
    %dma_wait3A_215 = arith.constant 0 : i32
    %dma_wait3A_216 = tpu.memref_slice %arg22[%dma_wait3A_215] : memref<8192xf32, #tpu.memory_space<vmem>> -> memref<8192xf32, #tpu.memory_space<vmem>>
    %dma_wait3A_217 = tpu.memref_slice %arg3[%add3A_205] : memref<2097152xf32, #tpu.memory_space<hbm>> -> memref<8192xf32, #tpu.memory_space<hbm>>
    tpu.wait_dma2 semaphore(%arg24 : memref<!tpu.dma_semaphore, #tpu.memory_space<semaphore_mem>>) src(%dma_wait3A_217 : memref<8192xf32, #tpu.memory_space<hbm>>) dst(%dma_wait3A_216 : memref<8192xf32, #tpu.memory_space<vmem>>)
    %mul3A_218 = arith.constant 65536 : i32
    %mul3A_219 = arith.muli %arg1, %mul3A_218 : i32
    %add3A_220 = arith.constant 262144 : i32
    %add3A_221 = arith.addi %add3A_220, %mul3A_219 : i32
    %add3A_222 = arith.constant 16384 : i32
    %add3A_223 = arith.addi %add3A_221, %add3A_222 : i32
    %dma_start3A_224 = arith.constant 0 : i32
    %dma_start3A_225 = tpu.memref_slice %arg22[%dma_start3A_224] : memref<8192xf32, #tpu.memory_space<vmem>> -> memref<8192xf32, #tpu.memory_space<vmem>>
    %dma_start3A_226 = tpu.memref_slice %arg7[%add3A_223] : memref<1310720xf32, #tpu.memory_space<vmem_shared>> -> memref<8192xf32, #tpu.memory_space<vmem_shared>>
    %dma_start3A_227 = tpu.memref_slice %arg7[%add3A_223] : memref<1310720xf32, #tpu.memory_space<vmem_shared>> -> memref<8192xf32, #tpu.memory_space<vmem_shared>>
    %dma_start3A_228 = arith.constant 0 : i32
    %dma_start3A_229 = tpu.memref_slice %arg22[%dma_start3A_228] : memref<8192xf32, #tpu.memory_space<vmem>> -> memref<8192xf32, #tpu.memory_space<vmem>>
    tpu.enqueue_dma source(%dma_start3A_229 : memref<8192xf32, #tpu.memory_space<vmem>>) target(%dma_start3A_227 : memref<8192xf32, #tpu.memory_space<vmem_shared>>) target_semaphore(%arg25 : memref<!tpu.dma_semaphore, #tpu.memory_space<semaphore_mem>>)
    %dma_wait3A_230 = arith.constant 0 : i32
    %dma_wait3A_231 = tpu.memref_slice %arg23[%dma_wait3A_230] : memref<8192xf32, #tpu.memory_space<vmem>> -> memref<8192xf32, #tpu.memory_space<vmem>>
    %dma_wait3A_232 = tpu.memref_slice %arg7[%add3A_187] : memref<1310720xf32, #tpu.memory_space<vmem_shared>> -> memref<8192xf32, #tpu.memory_space<vmem_shared>>
    %dma_wait3A_233 = tpu.memref_slice %arg7[%add3A_187] : memref<1310720xf32, #tpu.memory_space<vmem_shared>> -> memref<8192xf32, #tpu.memory_space<vmem_shared>>
    %dma_wait3A_234 = arith.constant 0 : i32
    %dma_wait3A_235 = tpu.memref_slice %arg23[%dma_wait3A_234] : memref<8192xf32, #tpu.memory_space<vmem>> -> memref<8192xf32, #tpu.memory_space<vmem>>
    tpu.wait_dma2 semaphore(%arg25 : memref<!tpu.dma_semaphore, #tpu.memory_space<semaphore_mem>>) src(%dma_wait3A_235 : memref<8192xf32, #tpu.memory_space<vmem>>) dst(%dma_wait3A_233 : memref<8192xf32, #tpu.memory_space<vmem_shared>>)
    %mul3A_236 = arith.constant 65536 : i32
    %mul3A_237 = arith.muli %arg1, %mul3A_236 : i32
    %add3A_238 = arith.constant 0 : i32
    %add3A_239 = arith.addi %add3A_238, %mul3A_237 : i32
    %add3A_240 = arith.constant 24576 : i32
    %add3A_241 = arith.addi %add3A_239, %add3A_240 : i32
    %dma_start3A_242 = arith.constant 0 : i32
    %dma_start3A_243 = tpu.memref_slice %arg23[%dma_start3A_242] : memref<8192xf32, #tpu.memory_space<vmem>> -> memref<8192xf32, #tpu.memory_space<vmem>>
    %dma_start3A_244 = tpu.memref_slice %arg3[%add3A_241] : memref<2097152xf32, #tpu.memory_space<hbm>> -> memref<8192xf32, #tpu.memory_space<hbm>>
    %dma_start3A_245 = arith.constant 0 : i32
    %dma_start3A_246 = tpu.memref_slice %arg23[%dma_start3A_245] : memref<8192xf32, #tpu.memory_space<vmem>> -> memref<8192xf32, #tpu.memory_space<vmem>>
    %dma_start3A_247 = tpu.memref_slice %arg3[%add3A_241] : memref<2097152xf32, #tpu.memory_space<hbm>> -> memref<8192xf32, #tpu.memory_space<hbm>>
    tpu.enqueue_dma source(%dma_start3A_247 : memref<8192xf32, #tpu.memory_space<hbm>>) target(%dma_start3A_246 : memref<8192xf32, #tpu.memory_space<vmem>>) target_semaphore(%arg24 : memref<!tpu.dma_semaphore, #tpu.memory_space<semaphore_mem>>)
    %dma_wait3A_248 = arith.constant 0 : i32
    %dma_wait3A_249 = tpu.memref_slice %arg23[%dma_wait3A_248] : memref<8192xf32, #tpu.memory_space<vmem>> -> memref<8192xf32, #tpu.memory_space<vmem>>
    %dma_wait3A_250 = tpu.memref_slice %arg3[%add3A_241] : memref<2097152xf32, #tpu.memory_space<hbm>> -> memref<8192xf32, #tpu.memory_space<hbm>>
    %dma_wait3A_251 = arith.constant 0 : i32
    %dma_wait3A_252 = tpu.memref_slice %arg23[%dma_wait3A_251] : memref<8192xf32, #tpu.memory_space<vmem>> -> memref<8192xf32, #tpu.memory_space<vmem>>
    %dma_wait3A_253 = tpu.memref_slice %arg3[%add3A_241] : memref<2097152xf32, #tpu.memory_space<hbm>> -> memref<8192xf32, #tpu.memory_space<hbm>>
    tpu.wait_dma2 semaphore(%arg24 : memref<!tpu.dma_semaphore, #tpu.memory_space<semaphore_mem>>) src(%dma_wait3A_253 : memref<8192xf32, #tpu.memory_space<hbm>>) dst(%dma_wait3A_252 : memref<8192xf32, #tpu.memory_space<vmem>>)
    %mul3A_254 = arith.constant 65536 : i32
    %mul3A_255 = arith.muli %arg1, %mul3A_254 : i32
    %add3A_256 = arith.constant 262144 : i32
    %add3A_257 = arith.addi %add3A_256, %mul3A_255 : i32
    %add3A_258 = arith.constant 24576 : i32
    %add3A_259 = arith.addi %add3A_257, %add3A_258 : i32
    %dma_start3A_260 = arith.constant 0 : i32
    %dma_start3A_261 = tpu.memref_slice %arg23[%dma_start3A_260] : memref<8192xf32, #tpu.memory_space<vmem>> -> memref<8192xf32, #tpu.memory_space<vmem>>
    %dma_start3A_262 = tpu.memref_slice %arg7[%add3A_259] : memref<1310720xf32, #tpu.memory_space<vmem_shared>> -> memref<8192xf32, #tpu.memory_space<vmem_shared>>
    %dma_start3A_263 = tpu.memref_slice %arg7[%add3A_259] : memref<1310720xf32, #tpu.memory_space<vmem_shared>> -> memref<8192xf32, #tpu.memory_space<vmem_shared>>
    %dma_start3A_264 = arith.constant 0 : i32
    %dma_start3A_265 = tpu.memref_slice %arg23[%dma_start3A_264] : memref<8192xf32, #tpu.memory_space<vmem>> -> memref<8192xf32, #tpu.memory_space<vmem>>
    tpu.enqueue_dma source(%dma_start3A_265 : memref<8192xf32, #tpu.memory_space<vmem>>) target(%dma_start3A_263 : memref<8192xf32, #tpu.memory_space<vmem_shared>>) target_semaphore(%arg25 : memref<!tpu.dma_semaphore, #tpu.memory_space<semaphore_mem>>)
    %dma_wait3A_266 = arith.constant 0 : i32
    %dma_wait3A_267 = tpu.memref_slice %arg22[%dma_wait3A_266] : memref<8192xf32, #tpu.memory_space<vmem>> -> memref<8192xf32, #tpu.memory_space<vmem>>
    %dma_wait3A_268 = tpu.memref_slice %arg7[%add3A_223] : memref<1310720xf32, #tpu.memory_space<vmem_shared>> -> memref<8192xf32, #tpu.memory_space<vmem_shared>>
    %dma_wait3A_269 = tpu.memref_slice %arg7[%add3A_223] : memref<1310720xf32, #tpu.memory_space<vmem_shared>> -> memref<8192xf32, #tpu.memory_space<vmem_shared>>
    %dma_wait3A_270 = arith.constant 0 : i32
    %dma_wait3A_271 = tpu.memref_slice %arg22[%dma_wait3A_270] : memref<8192xf32, #tpu.memory_space<vmem>> -> memref<8192xf32, #tpu.memory_space<vmem>>
    tpu.wait_dma2 semaphore(%arg25 : memref<!tpu.dma_semaphore, #tpu.memory_space<semaphore_mem>>) src(%dma_wait3A_271 : memref<8192xf32, #tpu.memory_space<vmem>>) dst(%dma_wait3A_269 : memref<8192xf32, #tpu.memory_space<vmem_shared>>)
    %mul3A_272 = arith.constant 65536 : i32
    %mul3A_273 = arith.muli %arg1, %mul3A_272 : i32
    %add3A_274 = arith.constant 0 : i32
    %add3A_275 = arith.addi %add3A_274, %mul3A_273 : i32
    %add3A_276 = arith.constant 32768 : i32
    %add3A_277 = arith.addi %add3A_275, %add3A_276 : i32
    %dma_start3A_278 = arith.constant 0 : i32
    %dma_start3A_279 = tpu.memref_slice %arg22[%dma_start3A_278] : memref<8192xf32, #tpu.memory_space<vmem>> -> memref<8192xf32, #tpu.memory_space<vmem>>
    %dma_start3A_280 = tpu.memref_slice %arg3[%add3A_277] : memref<2097152xf32, #tpu.memory_space<hbm>> -> memref<8192xf32, #tpu.memory_space<hbm>>
    %dma_start3A_281 = arith.constant 0 : i32
    %dma_start3A_282 = tpu.memref_slice %arg22[%dma_start3A_281] : memref<8192xf32, #tpu.memory_space<vmem>> -> memref<8192xf32, #tpu.memory_space<vmem>>
    %dma_start3A_283 = tpu.memref_slice %arg3[%add3A_277] : memref<2097152xf32, #tpu.memory_space<hbm>> -> memref<8192xf32, #tpu.memory_space<hbm>>
    tpu.enqueue_dma source(%dma_start3A_283 : memref<8192xf32, #tpu.memory_space<hbm>>) target(%dma_start3A_282 : memref<8192xf32, #tpu.memory_space<vmem>>) target_semaphore(%arg24 : memref<!tpu.dma_semaphore, #tpu.memory_space<semaphore_mem>>)
    %dma_wait3A_284 = arith.constant 0 : i32
    %dma_wait3A_285 = tpu.memref_slice %arg22[%dma_wait3A_284] : memref<8192xf32, #tpu.memory_space<vmem>> -> memref<8192xf32, #tpu.memory_space<vmem>>
    %dma_wait3A_286 = tpu.memref_slice %arg3[%add3A_277] : memref<2097152xf32, #tpu.memory_space<hbm>> -> memref<8192xf32, #tpu.memory_space<hbm>>
    %dma_wait3A_287 = arith.constant 0 : i32
    %dma_wait3A_288 = tpu.memref_slice %arg22[%dma_wait3A_287] : memref<8192xf32, #tpu.memory_space<vmem>> -> memref<8192xf32, #tpu.memory_space<vmem>>
    %dma_wait3A_289 = tpu.memref_slice %arg3[%add3A_277] : memref<2097152xf32, #tpu.memory_space<hbm>> -> memref<8192xf32, #tpu.memory_space<hbm>>
    tpu.wait_dma2 semaphore(%arg24 : memref<!tpu.dma_semaphore, #tpu.memory_space<semaphore_mem>>) src(%dma_wait3A_289 : memref<8192xf32, #tpu.memory_space<hbm>>) dst(%dma_wait3A_288 : memref<8192xf32, #tpu.memory_space<vmem>>)
    %mul3A_290 = arith.constant 65536 : i32
    %mul3A_291 = arith.muli %arg1, %mul3A_290 : i32
    %add3A_292 = arith.constant 262144 : i32
    %add3A_293 = arith.addi %add3A_292, %mul3A_291 : i32
    %add3A_294 = arith.constant 32768 : i32
    %add3A_295 = arith.addi %add3A_293, %add3A_294 : i32
    %dma_start3A_296 = arith.constant 0 : i32
    %dma_start3A_297 = tpu.memref_slice %arg22[%dma_start3A_296] : memref<8192xf32, #tpu.memory_space<vmem>> -> memref<8192xf32, #tpu.memory_space<vmem>>
    %dma_start3A_298 = tpu.memref_slice %arg7[%add3A_295] : memref<1310720xf32, #tpu.memory_space<vmem_shared>> -> memref<8192xf32, #tpu.memory_space<vmem_shared>>
    %dma_start3A_299 = tpu.memref_slice %arg7[%add3A_295] : memref<1310720xf32, #tpu.memory_space<vmem_shared>> -> memref<8192xf32, #tpu.memory_space<vmem_shared>>
    %dma_start3A_300 = arith.constant 0 : i32
    %dma_start3A_301 = tpu.memref_slice %arg22[%dma_start3A_300] : memref<8192xf32, #tpu.memory_space<vmem>> -> memref<8192xf32, #tpu.memory_space<vmem>>
    tpu.enqueue_dma source(%dma_start3A_301 : memref<8192xf32, #tpu.memory_space<vmem>>) target(%dma_start3A_299 : memref<8192xf32, #tpu.memory_space<vmem_shared>>) target_semaphore(%arg25 : memref<!tpu.dma_semaphore, #tpu.memory_space<semaphore_mem>>)
    %dma_wait3A_302 = arith.constant 0 : i32
    %dma_wait3A_303 = tpu.memref_slice %arg23[%dma_wait3A_302] : memref<8192xf32, #tpu.memory_space<vmem>> -> memref<8192xf32, #tpu.memory_space<vmem>>
    %dma_wait3A_304 = tpu.memref_slice %arg7[%add3A_259] : memref<1310720xf32, #tpu.memory_space<vmem_shared>> -> memref<8192xf32, #tpu.memory_space<vmem_shared>>
    %dma_wait3A_305 = tpu.memref_slice %arg7[%add3A_259] : memref<1310720xf32, #tpu.memory_space<vmem_shared>> -> memref<8192xf32, #tpu.memory_space<vmem_shared>>
    %dma_wait3A_306 = arith.constant 0 : i32
    %dma_wait3A_307 = tpu.memref_slice %arg23[%dma_wait3A_306] : memref<8192xf32, #tpu.memory_space<vmem>> -> memref<8192xf32, #tpu.memory_space<vmem>>
    tpu.wait_dma2 semaphore(%arg25 : memref<!tpu.dma_semaphore, #tpu.memory_space<semaphore_mem>>) src(%dma_wait3A_307 : memref<8192xf32, #tpu.memory_space<vmem>>) dst(%dma_wait3A_305 : memref<8192xf32, #tpu.memory_space<vmem_shared>>)
    %mul3A_308 = arith.constant 65536 : i32
    %mul3A_309 = arith.muli %arg1, %mul3A_308 : i32
    %add3A_310 = arith.constant 0 : i32
    %add3A_311 = arith.addi %add3A_310, %mul3A_309 : i32
    %add3A_312 = arith.constant 40960 : i32
    %add3A_313 = arith.addi %add3A_311, %add3A_312 : i32
    %dma_start3A_314 = arith.constant 0 : i32
    %dma_start3A_315 = tpu.memref_slice %arg23[%dma_start3A_314] : memref<8192xf32, #tpu.memory_space<vmem>> -> memref<8192xf32, #tpu.memory_space<vmem>>
    %dma_start3A_316 = tpu.memref_slice %arg3[%add3A_313] : memref<2097152xf32, #tpu.memory_space<hbm>> -> memref<8192xf32, #tpu.memory_space<hbm>>
    %dma_start3A_317 = arith.constant 0 : i32
    %dma_start3A_318 = tpu.memref_slice %arg23[%dma_start3A_317] : memref<8192xf32, #tpu.memory_space<vmem>> -> memref<8192xf32, #tpu.memory_space<vmem>>
    %dma_start3A_319 = tpu.memref_slice %arg3[%add3A_313] : memref<2097152xf32, #tpu.memory_space<hbm>> -> memref<8192xf32, #tpu.memory_space<hbm>>
    tpu.enqueue_dma source(%dma_start3A_319 : memref<8192xf32, #tpu.memory_space<hbm>>) target(%dma_start3A_318 : memref<8192xf32, #tpu.memory_space<vmem>>) target_semaphore(%arg24 : memref<!tpu.dma_semaphore, #tpu.memory_space<semaphore_mem>>)
    %dma_wait3A_320 = arith.constant 0 : i32
    %dma_wait3A_321 = tpu.memref_slice %arg23[%dma_wait3A_320] : memref<8192xf32, #tpu.memory_space<vmem>> -> memref<8192xf32, #tpu.memory_space<vmem>>
    %dma_wait3A_322 = tpu.memref_slice %arg3[%add3A_313] : memref<2097152xf32, #tpu.memory_space<hbm>> -> memref<8192xf32, #tpu.memory_space<hbm>>
    %dma_wait3A_323 = arith.constant 0 : i32
    %dma_wait3A_324 = tpu.memref_slice %arg23[%dma_wait3A_323] : memref<8192xf32, #tpu.memory_space<vmem>> -> memref<8192xf32, #tpu.memory_space<vmem>>
    %dma_wait3A_325 = tpu.memref_slice %arg3[%add3A_313] : memref<2097152xf32, #tpu.memory_space<hbm>> -> memref<8192xf32, #tpu.memory_space<hbm>>
    tpu.wait_dma2 semaphore(%arg24 : memref<!tpu.dma_semaphore, #tpu.memory_space<semaphore_mem>>) src(%dma_wait3A_325 : memref<8192xf32, #tpu.memory_space<hbm>>) dst(%dma_wait3A_324 : memref<8192xf32, #tpu.memory_space<vmem>>)
    %mul3A_326 = arith.constant 65536 : i32
    %mul3A_327 = arith.muli %arg1, %mul3A_326 : i32
    %add3A_328 = arith.constant 262144 : i32
    %add3A_329 = arith.addi %add3A_328, %mul3A_327 : i32
    %add3A_330 = arith.constant 40960 : i32
    %add3A_331 = arith.addi %add3A_329, %add3A_330 : i32
    %dma_start3A_332 = arith.constant 0 : i32
    %dma_start3A_333 = tpu.memref_slice %arg23[%dma_start3A_332] : memref<8192xf32, #tpu.memory_space<vmem>> -> memref<8192xf32, #tpu.memory_space<vmem>>
    %dma_start3A_334 = tpu.memref_slice %arg7[%add3A_331] : memref<1310720xf32, #tpu.memory_space<vmem_shared>> -> memref<8192xf32, #tpu.memory_space<vmem_shared>>
    %dma_start3A_335 = tpu.memref_slice %arg7[%add3A_331] : memref<1310720xf32, #tpu.memory_space<vmem_shared>> -> memref<8192xf32, #tpu.memory_space<vmem_shared>>
    %dma_start3A_336 = arith.constant 0 : i32
    %dma_start3A_337 = tpu.memref_slice %arg23[%dma_start3A_336] : memref<8192xf32, #tpu.memory_space<vmem>> -> memref<8192xf32, #tpu.memory_space<vmem>>
    tpu.enqueue_dma source(%dma_start3A_337 : memref<8192xf32, #tpu.memory_space<vmem>>) target(%dma_start3A_335 : memref<8192xf32, #tpu.memory_space<vmem_shared>>) target_semaphore(%arg25 : memref<!tpu.dma_semaphore, #tpu.memory_space<semaphore_mem>>)
    %dma_wait3A_338 = arith.constant 0 : i32
    %dma_wait3A_339 = tpu.memref_slice %arg22[%dma_wait3A_338] : memref<8192xf32, #tpu.memory_space<vmem>> -> memref<8192xf32, #tpu.memory_space<vmem>>
    %dma_wait3A_340 = tpu.memref_slice %arg7[%add3A_295] : memref<1310720xf32, #tpu.memory_space<vmem_shared>> -> memref<8192xf32, #tpu.memory_space<vmem_shared>>
    %dma_wait3A_341 = tpu.memref_slice %arg7[%add3A_295] : memref<1310720xf32, #tpu.memory_space<vmem_shared>> -> memref<8192xf32, #tpu.memory_space<vmem_shared>>
    %dma_wait3A_342 = arith.constant 0 : i32
    %dma_wait3A_343 = tpu.memref_slice %arg22[%dma_wait3A_342] : memref<8192xf32, #tpu.memory_space<vmem>> -> memref<8192xf32, #tpu.memory_space<vmem>>
    tpu.wait_dma2 semaphore(%arg25 : memref<!tpu.dma_semaphore, #tpu.memory_space<semaphore_mem>>) src(%dma_wait3A_343 : memref<8192xf32, #tpu.memory_space<vmem>>) dst(%dma_wait3A_341 : memref<8192xf32, #tpu.memory_space<vmem_shared>>)
    %mul3A_344 = arith.constant 65536 : i32
    %mul3A_345 = arith.muli %arg1, %mul3A_344 : i32
    %add3A_346 = arith.constant 0 : i32
    %add3A_347 = arith.addi %add3A_346, %mul3A_345 : i32
    %add3A_348 = arith.constant 49152 : i32
    %add3A_349 = arith.addi %add3A_347, %add3A_348 : i32
    %dma_start3A_350 = arith.constant 0 : i32
    %dma_start3A_351 = tpu.memref_slice %arg22[%dma_start3A_350] : memref<8192xf32, #tpu.memory_space<vmem>> -> memref<8192xf32, #tpu.memory_space<vmem>>
    %dma_start3A_352 = tpu.memref_slice %arg3[%add3A_349] : memref<2097152xf32, #tpu.memory_space<hbm>> -> memref<8192xf32, #tpu.memory_space<hbm>>
    %dma_start3A_353 = arith.constant 0 : i32
    %dma_start3A_354 = tpu.memref_slice %arg22[%dma_start3A_353] : memref<8192xf32, #tpu.memory_space<vmem>> -> memref<8192xf32, #tpu.memory_space<vmem>>
    %dma_start3A_355 = tpu.memref_slice %arg3[%add3A_349] : memref<2097152xf32, #tpu.memory_space<hbm>> -> memref<8192xf32, #tpu.memory_space<hbm>>
    tpu.enqueue_dma source(%dma_start3A_355 : memref<8192xf32, #tpu.memory_space<hbm>>) target(%dma_start3A_354 : memref<8192xf32, #tpu.memory_space<vmem>>) target_semaphore(%arg24 : memref<!tpu.dma_semaphore, #tpu.memory_space<semaphore_mem>>)
    %dma_wait3A_356 = arith.constant 0 : i32
    %dma_wait3A_357 = tpu.memref_slice %arg22[%dma_wait3A_356] : memref<8192xf32, #tpu.memory_space<vmem>> -> memref<8192xf32, #tpu.memory_space<vmem>>
    %dma_wait3A_358 = tpu.memref_slice %arg3[%add3A_349] : memref<2097152xf32, #tpu.memory_space<hbm>> -> memref<8192xf32, #tpu.memory_space<hbm>>
    %dma_wait3A_359 = arith.constant 0 : i32
    %dma_wait3A_360 = tpu.memref_slice %arg22[%dma_wait3A_359] : memref<8192xf32, #tpu.memory_space<vmem>> -> memref<8192xf32, #tpu.memory_space<vmem>>
    %dma_wait3A_361 = tpu.memref_slice %arg3[%add3A_349] : memref<2097152xf32, #tpu.memory_space<hbm>> -> memref<8192xf32, #tpu.memory_space<hbm>>
    tpu.wait_dma2 semaphore(%arg24 : memref<!tpu.dma_semaphore, #tpu.memory_space<semaphore_mem>>) src(%dma_wait3A_361 : memref<8192xf32, #tpu.memory_space<hbm>>) dst(%dma_wait3A_360 : memref<8192xf32, #tpu.memory_space<vmem>>)
    %mul3A_362 = arith.constant 65536 : i32
    %mul3A_363 = arith.muli %arg1, %mul3A_362 : i32
    %add3A_364 = arith.constant 262144 : i32
    %add3A_365 = arith.addi %add3A_364, %mul3A_363 : i32
    %add3A_366 = arith.constant 49152 : i32
    %add3A_367 = arith.addi %add3A_365, %add3A_366 : i32
    %dma_start3A_368 = arith.constant 0 : i32
    %dma_start3A_369 = tpu.memref_slice %arg22[%dma_start3A_368] : memref<8192xf32, #tpu.memory_space<vmem>> -> memref<8192xf32, #tpu.memory_space<vmem>>
    %dma_start3A_370 = tpu.memref_slice %arg7[%add3A_367] : memref<1310720xf32, #tpu.memory_space<vmem_shared>> -> memref<8192xf32, #tpu.memory_space<vmem_shared>>
    %dma_start3A_371 = tpu.memref_slice %arg7[%add3A_367] : memref<1310720xf32, #tpu.memory_space<vmem_shared>> -> memref<8192xf32, #tpu.memory_space<vmem_shared>>
    %dma_start3A_372 = arith.constant 0 : i32
    %dma_start3A_373 = tpu.memref_slice %arg22[%dma_start3A_372] : memref<8192xf32, #tpu.memory_space<vmem>> -> memref<8192xf32, #tpu.memory_space<vmem>>
    tpu.enqueue_dma source(%dma_start3A_373 : memref<8192xf32, #tpu.memory_space<vmem>>) target(%dma_start3A_371 : memref<8192xf32, #tpu.memory_space<vmem_shared>>) target_semaphore(%arg25 : memref<!tpu.dma_semaphore, #tpu.memory_space<semaphore_mem>>)
    %dma_wait3A_374 = arith.constant 0 : i32
    %dma_wait3A_375 = tpu.memref_slice %arg23[%dma_wait3A_374] : memref<8192xf32, #tpu.memory_space<vmem>> -> memref<8192xf32, #tpu.memory_space<vmem>>
    %dma_wait3A_376 = tpu.memref_slice %arg7[%add3A_331] : memref<1310720xf32, #tpu.memory_space<vmem_shared>> -> memref<8192xf32, #tpu.memory_space<vmem_shared>>
    %dma_wait3A_377 = tpu.memref_slice %arg7[%add3A_331] : memref<1310720xf32, #tpu.memory_space<vmem_shared>> -> memref<8192xf32, #tpu.memory_space<vmem_shared>>
    %dma_wait3A_378 = arith.constant 0 : i32
    %dma_wait3A_379 = tpu.memref_slice %arg23[%dma_wait3A_378] : memref<8192xf32, #tpu.memory_space<vmem>> -> memref<8192xf32, #tpu.memory_space<vmem>>
    tpu.wait_dma2 semaphore(%arg25 : memref<!tpu.dma_semaphore, #tpu.memory_space<semaphore_mem>>) src(%dma_wait3A_379 : memref<8192xf32, #tpu.memory_space<vmem>>) dst(%dma_wait3A_377 : memref<8192xf32, #tpu.memory_space<vmem_shared>>)
    %mul3A_380 = arith.constant 65536 : i32
    %mul3A_381 = arith.muli %arg1, %mul3A_380 : i32
    %add3A_382 = arith.constant 0 : i32
    %add3A_383 = arith.addi %add3A_382, %mul3A_381 : i32
    %add3A_384 = arith.constant 57344 : i32
    %add3A_385 = arith.addi %add3A_383, %add3A_384 : i32
    %dma_start3A_386 = arith.constant 0 : i32
    %dma_start3A_387 = tpu.memref_slice %arg23[%dma_start3A_386] : memref<8192xf32, #tpu.memory_space<vmem>> -> memref<8192xf32, #tpu.memory_space<vmem>>
    %dma_start3A_388 = tpu.memref_slice %arg3[%add3A_385] : memref<2097152xf32, #tpu.memory_space<hbm>> -> memref<8192xf32, #tpu.memory_space<hbm>>
    %dma_start3A_389 = arith.constant 0 : i32
    %dma_start3A_390 = tpu.memref_slice %arg23[%dma_start3A_389] : memref<8192xf32, #tpu.memory_space<vmem>> -> memref<8192xf32, #tpu.memory_space<vmem>>
    %dma_start3A_391 = tpu.memref_slice %arg3[%add3A_385] : memref<2097152xf32, #tpu.memory_space<hbm>> -> memref<8192xf32, #tpu.memory_space<hbm>>
    tpu.enqueue_dma source(%dma_start3A_391 : memref<8192xf32, #tpu.memory_space<hbm>>) target(%dma_start3A_390 : memref<8192xf32, #tpu.memory_space<vmem>>) target_semaphore(%arg24 : memref<!tpu.dma_semaphore, #tpu.memory_space<semaphore_mem>>)
    %dma_wait3A_392 = arith.constant 0 : i32
    %dma_wait3A_393 = tpu.memref_slice %arg23[%dma_wait3A_392] : memref<8192xf32, #tpu.memory_space<vmem>> -> memref<8192xf32, #tpu.memory_space<vmem>>
    %dma_wait3A_394 = tpu.memref_slice %arg3[%add3A_385] : memref<2097152xf32, #tpu.memory_space<hbm>> -> memref<8192xf32, #tpu.memory_space<hbm>>
    %dma_wait3A_395 = arith.constant 0 : i32
    %dma_wait3A_396 = tpu.memref_slice %arg23[%dma_wait3A_395] : memref<8192xf32, #tpu.memory_space<vmem>> -> memref<8192xf32, #tpu.memory_space<vmem>>
    %dma_wait3A_397 = tpu.memref_slice %arg3[%add3A_385] : memref<2097152xf32, #tpu.memory_space<hbm>> -> memref<8192xf32, #tpu.memory_space<hbm>>
    tpu.wait_dma2 semaphore(%arg24 : memref<!tpu.dma_semaphore, #tpu.memory_space<semaphore_mem>>) src(%dma_wait3A_397 : memref<8192xf32, #tpu.memory_space<hbm>>) dst(%dma_wait3A_396 : memref<8192xf32, #tpu.memory_space<vmem>>)
    %mul3A_398 = arith.constant 65536 : i32
    %mul3A_399 = arith.muli %arg1, %mul3A_398 : i32
    %add3A_400 = arith.constant 262144 : i32
    %add3A_401 = arith.addi %add3A_400, %mul3A_399 : i32
    %add3A_402 = arith.constant 57344 : i32
    %add3A_403 = arith.addi %add3A_401, %add3A_402 : i32
    %dma_start3A_404 = arith.constant 0 : i32
    %dma_start3A_405 = tpu.memref_slice %arg23[%dma_start3A_404] : memref<8192xf32, #tpu.memory_space<vmem>> -> memref<8192xf32, #tpu.memory_space<vmem>>
    %dma_start3A_406 = tpu.memref_slice %arg7[%add3A_403] : memref<1310720xf32, #tpu.memory_space<vmem_shared>> -> memref<8192xf32, #tpu.memory_space<vmem_shared>>
    %dma_start3A_407 = tpu.memref_slice %arg7[%add3A_403] : memref<1310720xf32, #tpu.memory_space<vmem_shared>> -> memref<8192xf32, #tpu.memory_space<vmem_shared>>
    %dma_start3A_408 = arith.constant 0 : i32
    %dma_start3A_409 = tpu.memref_slice %arg23[%dma_start3A_408] : memref<8192xf32, #tpu.memory_space<vmem>> -> memref<8192xf32, #tpu.memory_space<vmem>>
    tpu.enqueue_dma source(%dma_start3A_409 : memref<8192xf32, #tpu.memory_space<vmem>>) target(%dma_start3A_407 : memref<8192xf32, #tpu.memory_space<vmem_shared>>) target_semaphore(%arg25 : memref<!tpu.dma_semaphore, #tpu.memory_space<semaphore_mem>>)
    %dma_wait3A_410 = arith.constant 0 : i32
    %dma_wait3A_411 = tpu.memref_slice %arg22[%dma_wait3A_410] : memref<8192xf32, #tpu.memory_space<vmem>> -> memref<8192xf32, #tpu.memory_space<vmem>>
    %dma_wait3A_412 = tpu.memref_slice %arg7[%add3A_367] : memref<1310720xf32, #tpu.memory_space<vmem_shared>> -> memref<8192xf32, #tpu.memory_space<vmem_shared>>
    %dma_wait3A_413 = tpu.memref_slice %arg7[%add3A_367] : memref<1310720xf32, #tpu.memory_space<vmem_shared>> -> memref<8192xf32, #tpu.memory_space<vmem_shared>>
    %dma_wait3A_414 = arith.constant 0 : i32
    %dma_wait3A_415 = tpu.memref_slice %arg22[%dma_wait3A_414] : memref<8192xf32, #tpu.memory_space<vmem>> -> memref<8192xf32, #tpu.memory_space<vmem>>
    tpu.wait_dma2 semaphore(%arg25 : memref<!tpu.dma_semaphore, #tpu.memory_space<semaphore_mem>>) src(%dma_wait3A_415 : memref<8192xf32, #tpu.memory_space<vmem>>) dst(%dma_wait3A_413 : memref<8192xf32, #tpu.memory_space<vmem_shared>>)
    %dma_wait3A_416 = arith.constant 0 : i32
    %dma_wait3A_417 = tpu.memref_slice %arg23[%dma_wait3A_416] : memref<8192xf32, #tpu.memory_space<vmem>> -> memref<8192xf32, #tpu.memory_space<vmem>>
    %dma_wait3A_418 = tpu.memref_slice %arg7[%add3A_403] : memref<1310720xf32, #tpu.memory_space<vmem_shared>> -> memref<8192xf32, #tpu.memory_space<vmem_shared>>
    %dma_wait3A_419 = tpu.memref_slice %arg7[%add3A_403] : memref<1310720xf32, #tpu.memory_space<vmem_shared>> -> memref<8192xf32, #tpu.memory_space<vmem_shared>>
    %dma_wait3A_420 = arith.constant 0 : i32
    %dma_wait3A_421 = tpu.memref_slice %arg23[%dma_wait3A_420] : memref<8192xf32, #tpu.memory_space<vmem>> -> memref<8192xf32, #tpu.memory_space<vmem>>
    tpu.wait_dma2 semaphore(%arg25 : memref<!tpu.dma_semaphore, #tpu.memory_space<semaphore_mem>>) src(%dma_wait3A_421 : memref<8192xf32, #tpu.memory_space<vmem>>) dst(%dma_wait3A_419 : memref<8192xf32, #tpu.memory_space<vmem_shared>>)
    "tpu.trace_stop"() : () -> ()
    %barrier3A_422 = arith.constant 0 : index
    tpu.barrier barrier_id(%barrier3A_422)
    %dma_start3A_423 = arith.constant 0 : i32
    %dma_start3A_424 = tpu.memref_slice %arg19[%dma_start3A_423] : memref<4096xf32, #tpu.memory_space<vmem>> -> memref<2048xf32, #tpu.memory_space<vmem>>
    %dma_start3A_425 = arith.constant 0 : i32
    %dma_start3A_426 = tpu.memref_slice %arg16[%dma_start3A_425] : memref<4096xi32, #tpu.memory_space<vmem>> -> memref<2048xi32, #tpu.memory_space<vmem>>
    %dma_start3A_427 = arith.constant 0 : i32
    %dma_start3A_428 = tpu.memref_slice %arg7[%dma_start3A_427] : memref<1310720xf32, #tpu.memory_space<vmem_shared>> -> memref<1310720xf32, #tpu.memory_space<vmem_shared>>
    tpu.enqueue_indirect_dma source(%dma_start3A_428 : memref<1310720xf32, #tpu.memory_space<vmem_shared>>) target(%dma_start3A_424 : memref<2048xf32, #tpu.memory_space<vmem>>) offsets(%dma_start3A_426 : memref<2048xi32, #tpu.memory_space<vmem>>) semaphore(%arg26 : memref<!tpu.dma_semaphore, #tpu.memory_space<semaphore_mem>>)
    "tpu.trace_start"() <{level = 10 : i32, message = "ph_wait_v"}> : () -> ()
    %dma_wait3A_429 = arith.constant 0 : i32
    %dma_wait3A_430 = tpu.memref_slice %arg19[%dma_wait3A_429] : memref<4096xf32, #tpu.memory_space<vmem>> -> memref<2048xf32, #tpu.memory_space<vmem>>
    %dma_wait3A_431 = arith.constant 0 : i32
    %dma_wait3A_432 = tpu.memref_slice %arg16[%dma_wait3A_431] : memref<4096xi32, #tpu.memory_space<vmem>> -> memref<2048xi32, #tpu.memory_space<vmem>>
    %dma_wait3A_433 = arith.constant 0 : i32
    %dma_wait3A_434 = tpu.memref_slice %arg7[%dma_wait3A_433] : memref<1310720xf32, #tpu.memory_space<vmem_shared>> -> memref<1310720xf32, #tpu.memory_space<vmem_shared>>
    tpu.wait_indirect_dma semaphore(%arg26 : memref<!tpu.dma_semaphore, #tpu.memory_space<semaphore_mem>>) src(%dma_wait3A_434 : memref<1310720xf32, #tpu.memory_space<vmem_shared>>) dst(%dma_wait3A_430 : memref<2048xf32, #tpu.memory_space<vmem>>)
    "tpu.trace_stop"() : () -> ()
    %barrier3A_435 = arith.constant 0 : index
    tpu.barrier barrier_id(%barrier3A_435)
    "tpu.trace_start"() <{level = 10 : i32, message = "ph_stage_wv"}> : () -> ()
    %mul3A_436 = arith.constant 49152 : i32
    %mul3A_437 = arith.muli %arg1, %mul3A_436 : i32
    %add3A_438 = arith.constant 1048576 : i32
    %add3A_439 = arith.addi %add3A_438, %mul3A_437 : i32
    %add3A_440 = arith.constant 0 : i32
    %add3A_441 = arith.addi %add3A_439, %add3A_440 : i32
    %dma_start3A_442 = arith.constant 0 : i32
    %dma_start3A_443 = tpu.memref_slice %arg22[%dma_start3A_442] : memref<8192xf32, #tpu.memory_space<vmem>> -> memref<8192xf32, #tpu.memory_space<vmem>>
    %dma_start3A_444 = tpu.memref_slice %arg3[%add3A_441] : memref<2097152xf32, #tpu.memory_space<hbm>> -> memref<8192xf32, #tpu.memory_space<hbm>>
    %dma_start3A_445 = arith.constant 0 : i32
    %dma_start3A_446 = tpu.memref_slice %arg22[%dma_start3A_445] : memref<8192xf32, #tpu.memory_space<vmem>> -> memref<8192xf32, #tpu.memory_space<vmem>>
    %dma_start3A_447 = tpu.memref_slice %arg3[%add3A_441] : memref<2097152xf32, #tpu.memory_space<hbm>> -> memref<8192xf32, #tpu.memory_space<hbm>>
    tpu.enqueue_dma source(%dma_start3A_447 : memref<8192xf32, #tpu.memory_space<hbm>>) target(%dma_start3A_446 : memref<8192xf32, #tpu.memory_space<vmem>>) target_semaphore(%arg24 : memref<!tpu.dma_semaphore, #tpu.memory_space<semaphore_mem>>)
    %dma_wait3A_448 = arith.constant 0 : i32
    %dma_wait3A_449 = tpu.memref_slice %arg22[%dma_wait3A_448] : memref<8192xf32, #tpu.memory_space<vmem>> -> memref<8192xf32, #tpu.memory_space<vmem>>
    %dma_wait3A_450 = tpu.memref_slice %arg3[%add3A_441] : memref<2097152xf32, #tpu.memory_space<hbm>> -> memref<8192xf32, #tpu.memory_space<hbm>>
    %dma_wait3A_451 = arith.constant 0 : i32
    %dma_wait3A_452 = tpu.memref_slice %arg22[%dma_wait3A_451] : memref<8192xf32, #tpu.memory_space<vmem>> -> memref<8192xf32, #tpu.memory_space<vmem>>
    %dma_wait3A_453 = tpu.memref_slice %arg3[%add3A_441] : memref<2097152xf32, #tpu.memory_space<hbm>> -> memref<8192xf32, #tpu.memory_space<hbm>>
    tpu.wait_dma2 semaphore(%arg24 : memref<!tpu.dma_semaphore, #tpu.memory_space<semaphore_mem>>) src(%dma_wait3A_453 : memref<8192xf32, #tpu.memory_space<hbm>>) dst(%dma_wait3A_452 : memref<8192xf32, #tpu.memory_space<vmem>>)
    %mul3A_454 = arith.constant 49152 : i32
    %mul3A_455 = arith.muli %arg1, %mul3A_454 : i32
    %add3A_456 = arith.constant 262144 : i32
    %add3A_457 = arith.addi %add3A_456, %mul3A_455 : i32
    %add3A_458 = arith.constant 0 : i32
    %add3A_459 = arith.addi %add3A_457, %add3A_458 : i32
    %dma_start3A_460 = arith.constant 0 : i32
    %dma_start3A_461 = tpu.memref_slice %arg22[%dma_start3A_460] : memref<8192xf32, #tpu.memory_space<vmem>> -> memref<8192xf32, #tpu.memory_space<vmem>>
    %dma_start3A_462 = tpu.memref_slice %arg7[%add3A_459] : memref<1310720xf32, #tpu.memory_space<vmem_shared>> -> memref<8192xf32, #tpu.memory_space<vmem_shared>>
    %dma_start3A_463 = tpu.memref_slice %arg7[%add3A_459] : memref<1310720xf32, #tpu.memory_space<vmem_shared>> -> memref<8192xf32, #tpu.memory_space<vmem_shared>>
    %dma_start3A_464 = arith.constant 0 : i32
    %dma_start3A_465 = tpu.memref_slice %arg22[%dma_start3A_464] : memref<8192xf32, #tpu.memory_space<vmem>> -> memref<8192xf32, #tpu.memory_space<vmem>>
    tpu.enqueue_dma source(%dma_start3A_465 : memref<8192xf32, #tpu.memory_space<vmem>>) target(%dma_start3A_463 : memref<8192xf32, #tpu.memory_space<vmem_shared>>) target_semaphore(%arg25 : memref<!tpu.dma_semaphore, #tpu.memory_space<semaphore_mem>>)
    %mul3A_466 = arith.constant 49152 : i32
    %mul3A_467 = arith.muli %arg1, %mul3A_466 : i32
    %add3A_468 = arith.constant 1048576 : i32
    %add3A_469 = arith.addi %add3A_468, %mul3A_467 : i32
    %add3A_470 = arith.constant 8192 : i32
    %add3A_471 = arith.addi %add3A_469, %add3A_470 : i32
    %dma_start3A_472 = arith.constant 0 : i32
    %dma_start3A_473 = tpu.memref_slice %arg23[%dma_start3A_472] : memref<8192xf32, #tpu.memory_space<vmem>> -> memref<8192xf32, #tpu.memory_space<vmem>>
    %dma_start3A_474 = tpu.memref_slice %arg3[%add3A_471] : memref<2097152xf32, #tpu.memory_space<hbm>> -> memref<8192xf32, #tpu.memory_space<hbm>>
    %dma_start3A_475 = arith.constant 0 : i32
    %dma_start3A_476 = tpu.memref_slice %arg23[%dma_start3A_475] : memref<8192xf32, #tpu.memory_space<vmem>> -> memref<8192xf32, #tpu.memory_space<vmem>>
    %dma_start3A_477 = tpu.memref_slice %arg3[%add3A_471] : memref<2097152xf32, #tpu.memory_space<hbm>> -> memref<8192xf32, #tpu.memory_space<hbm>>
    tpu.enqueue_dma source(%dma_start3A_477 : memref<8192xf32, #tpu.memory_space<hbm>>) target(%dma_start3A_476 : memref<8192xf32, #tpu.memory_space<vmem>>) target_semaphore(%arg24 : memref<!tpu.dma_semaphore, #tpu.memory_space<semaphore_mem>>)
    %dma_wait3A_478 = arith.constant 0 : i32
    %dma_wait3A_479 = tpu.memref_slice %arg23[%dma_wait3A_478] : memref<8192xf32, #tpu.memory_space<vmem>> -> memref<8192xf32, #tpu.memory_space<vmem>>
    %dma_wait3A_480 = tpu.memref_slice %arg3[%add3A_471] : memref<2097152xf32, #tpu.memory_space<hbm>> -> memref<8192xf32, #tpu.memory_space<hbm>>
    %dma_wait3A_481 = arith.constant 0 : i32
    %dma_wait3A_482 = tpu.memref_slice %arg23[%dma_wait3A_481] : memref<8192xf32, #tpu.memory_space<vmem>> -> memref<8192xf32, #tpu.memory_space<vmem>>
    %dma_wait3A_483 = tpu.memref_slice %arg3[%add3A_471] : memref<2097152xf32, #tpu.memory_space<hbm>> -> memref<8192xf32, #tpu.memory_space<hbm>>
    tpu.wait_dma2 semaphore(%arg24 : memref<!tpu.dma_semaphore, #tpu.memory_space<semaphore_mem>>) src(%dma_wait3A_483 : memref<8192xf32, #tpu.memory_space<hbm>>) dst(%dma_wait3A_482 : memref<8192xf32, #tpu.memory_space<vmem>>)
    %mul3A_484 = arith.constant 49152 : i32
    %mul3A_485 = arith.muli %arg1, %mul3A_484 : i32
    %add3A_486 = arith.constant 262144 : i32
    %add3A_487 = arith.addi %add3A_486, %mul3A_485 : i32
    %add3A_488 = arith.constant 8192 : i32
    %add3A_489 = arith.addi %add3A_487, %add3A_488 : i32
    %dma_start3A_490 = arith.constant 0 : i32
    %dma_start3A_491 = tpu.memref_slice %arg23[%dma_start3A_490] : memref<8192xf32, #tpu.memory_space<vmem>> -> memref<8192xf32, #tpu.memory_space<vmem>>
    %dma_start3A_492 = tpu.memref_slice %arg7[%add3A_489] : memref<1310720xf32, #tpu.memory_space<vmem_shared>> -> memref<8192xf32, #tpu.memory_space<vmem_shared>>
    %dma_start3A_493 = tpu.memref_slice %arg7[%add3A_489] : memref<1310720xf32, #tpu.memory_space<vmem_shared>> -> memref<8192xf32, #tpu.memory_space<vmem_shared>>
    %dma_start3A_494 = arith.constant 0 : i32
    %dma_start3A_495 = tpu.memref_slice %arg23[%dma_start3A_494] : memref<8192xf32, #tpu.memory_space<vmem>> -> memref<8192xf32, #tpu.memory_space<vmem>>
    tpu.enqueue_dma source(%dma_start3A_495 : memref<8192xf32, #tpu.memory_space<vmem>>) target(%dma_start3A_493 : memref<8192xf32, #tpu.memory_space<vmem_shared>>) target_semaphore(%arg25 : memref<!tpu.dma_semaphore, #tpu.memory_space<semaphore_mem>>)
    %dma_wait3A_496 = arith.constant 0 : i32
    %dma_wait3A_497 = tpu.memref_slice %arg22[%dma_wait3A_496] : memref<8192xf32, #tpu.memory_space<vmem>> -> memref<8192xf32, #tpu.memory_space<vmem>>
    %dma_wait3A_498 = tpu.memref_slice %arg7[%add3A_459] : memref<1310720xf32, #tpu.memory_space<vmem_shared>> -> memref<8192xf32, #tpu.memory_space<vmem_shared>>
    %dma_wait3A_499 = tpu.memref_slice %arg7[%add3A_459] : memref<1310720xf32, #tpu.memory_space<vmem_shared>> -> memref<8192xf32, #tpu.memory_space<vmem_shared>>
    %dma_wait3A_500 = arith.constant 0 : i32
    %dma_wait3A_501 = tpu.memref_slice %arg22[%dma_wait3A_500] : memref<8192xf32, #tpu.memory_space<vmem>> -> memref<8192xf32, #tpu.memory_space<vmem>>
    tpu.wait_dma2 semaphore(%arg25 : memref<!tpu.dma_semaphore, #tpu.memory_space<semaphore_mem>>) src(%dma_wait3A_501 : memref<8192xf32, #tpu.memory_space<vmem>>) dst(%dma_wait3A_499 : memref<8192xf32, #tpu.memory_space<vmem_shared>>)
    %mul3A_502 = arith.constant 49152 : i32
    %mul3A_503 = arith.muli %arg1, %mul3A_502 : i32
    %add3A_504 = arith.constant 1048576 : i32
    %add3A_505 = arith.addi %add3A_504, %mul3A_503 : i32
    %add3A_506 = arith.constant 16384 : i32
    %add3A_507 = arith.addi %add3A_505, %add3A_506 : i32
    %dma_start3A_508 = arith.constant 0 : i32
    %dma_start3A_509 = tpu.memref_slice %arg22[%dma_start3A_508] : memref<8192xf32, #tpu.memory_space<vmem>> -> memref<8192xf32, #tpu.memory_space<vmem>>
    %dma_start3A_510 = tpu.memref_slice %arg3[%add3A_507] : memref<2097152xf32, #tpu.memory_space<hbm>> -> memref<8192xf32, #tpu.memory_space<hbm>>
    %dma_start3A_511 = arith.constant 0 : i32
    %dma_start3A_512 = tpu.memref_slice %arg22[%dma_start3A_511] : memref<8192xf32, #tpu.memory_space<vmem>> -> memref<8192xf32, #tpu.memory_space<vmem>>
    %dma_start3A_513 = tpu.memref_slice %arg3[%add3A_507] : memref<2097152xf32, #tpu.memory_space<hbm>> -> memref<8192xf32, #tpu.memory_space<hbm>>
    tpu.enqueue_dma source(%dma_start3A_513 : memref<8192xf32, #tpu.memory_space<hbm>>) target(%dma_start3A_512 : memref<8192xf32, #tpu.memory_space<vmem>>) target_semaphore(%arg24 : memref<!tpu.dma_semaphore, #tpu.memory_space<semaphore_mem>>)
    %dma_wait3A_514 = arith.constant 0 : i32
    %dma_wait3A_515 = tpu.memref_slice %arg22[%dma_wait3A_514] : memref<8192xf32, #tpu.memory_space<vmem>> -> memref<8192xf32, #tpu.memory_space<vmem>>
    %dma_wait3A_516 = tpu.memref_slice %arg3[%add3A_507] : memref<2097152xf32, #tpu.memory_space<hbm>> -> memref<8192xf32, #tpu.memory_space<hbm>>
    %dma_wait3A_517 = arith.constant 0 : i32
    %dma_wait3A_518 = tpu.memref_slice %arg22[%dma_wait3A_517] : memref<8192xf32, #tpu.memory_space<vmem>> -> memref<8192xf32, #tpu.memory_space<vmem>>
    %dma_wait3A_519 = tpu.memref_slice %arg3[%add3A_507] : memref<2097152xf32, #tpu.memory_space<hbm>> -> memref<8192xf32, #tpu.memory_space<hbm>>
    tpu.wait_dma2 semaphore(%arg24 : memref<!tpu.dma_semaphore, #tpu.memory_space<semaphore_mem>>) src(%dma_wait3A_519 : memref<8192xf32, #tpu.memory_space<hbm>>) dst(%dma_wait3A_518 : memref<8192xf32, #tpu.memory_space<vmem>>)
    %mul3A_520 = arith.constant 49152 : i32
    %mul3A_521 = arith.muli %arg1, %mul3A_520 : i32
    %add3A_522 = arith.constant 262144 : i32
    %add3A_523 = arith.addi %add3A_522, %mul3A_521 : i32
    %add3A_524 = arith.constant 16384 : i32
    %add3A_525 = arith.addi %add3A_523, %add3A_524 : i32
    %dma_start3A_526 = arith.constant 0 : i32
    %dma_start3A_527 = tpu.memref_slice %arg22[%dma_start3A_526] : memref<8192xf32, #tpu.memory_space<vmem>> -> memref<8192xf32, #tpu.memory_space<vmem>>
    %dma_start3A_528 = tpu.memref_slice %arg7[%add3A_525] : memref<1310720xf32, #tpu.memory_space<vmem_shared>> -> memref<8192xf32, #tpu.memory_space<vmem_shared>>
    %dma_start3A_529 = tpu.memref_slice %arg7[%add3A_525] : memref<1310720xf32, #tpu.memory_space<vmem_shared>> -> memref<8192xf32, #tpu.memory_space<vmem_shared>>
    %dma_start3A_530 = arith.constant 0 : i32
    %dma_start3A_531 = tpu.memref_slice %arg22[%dma_start3A_530] : memref<8192xf32, #tpu.memory_space<vmem>> -> memref<8192xf32, #tpu.memory_space<vmem>>
    tpu.enqueue_dma source(%dma_start3A_531 : memref<8192xf32, #tpu.memory_space<vmem>>) target(%dma_start3A_529 : memref<8192xf32, #tpu.memory_space<vmem_shared>>) target_semaphore(%arg25 : memref<!tpu.dma_semaphore, #tpu.memory_space<semaphore_mem>>)
    %dma_wait3A_532 = arith.constant 0 : i32
    %dma_wait3A_533 = tpu.memref_slice %arg23[%dma_wait3A_532] : memref<8192xf32, #tpu.memory_space<vmem>> -> memref<8192xf32, #tpu.memory_space<vmem>>
    %dma_wait3A_534 = tpu.memref_slice %arg7[%add3A_489] : memref<1310720xf32, #tpu.memory_space<vmem_shared>> -> memref<8192xf32, #tpu.memory_space<vmem_shared>>
    %dma_wait3A_535 = tpu.memref_slice %arg7[%add3A_489] : memref<1310720xf32, #tpu.memory_space<vmem_shared>> -> memref<8192xf32, #tpu.memory_space<vmem_shared>>
    %dma_wait3A_536 = arith.constant 0 : i32
    %dma_wait3A_537 = tpu.memref_slice %arg23[%dma_wait3A_536] : memref<8192xf32, #tpu.memory_space<vmem>> -> memref<8192xf32, #tpu.memory_space<vmem>>
    tpu.wait_dma2 semaphore(%arg25 : memref<!tpu.dma_semaphore, #tpu.memory_space<semaphore_mem>>) src(%dma_wait3A_537 : memref<8192xf32, #tpu.memory_space<vmem>>) dst(%dma_wait3A_535 : memref<8192xf32, #tpu.memory_space<vmem_shared>>)
    %mul3A_538 = arith.constant 49152 : i32
    %mul3A_539 = arith.muli %arg1, %mul3A_538 : i32
    %add3A_540 = arith.constant 1048576 : i32
    %add3A_541 = arith.addi %add3A_540, %mul3A_539 : i32
    %add3A_542 = arith.constant 24576 : i32
    %add3A_543 = arith.addi %add3A_541, %add3A_542 : i32
    %dma_start3A_544 = arith.constant 0 : i32
    %dma_start3A_545 = tpu.memref_slice %arg23[%dma_start3A_544] : memref<8192xf32, #tpu.memory_space<vmem>> -> memref<8192xf32, #tpu.memory_space<vmem>>
    %dma_start3A_546 = tpu.memref_slice %arg3[%add3A_543] : memref<2097152xf32, #tpu.memory_space<hbm>> -> memref<8192xf32, #tpu.memory_space<hbm>>
    %dma_start3A_547 = arith.constant 0 : i32
    %dma_start3A_548 = tpu.memref_slice %arg23[%dma_start3A_547] : memref<8192xf32, #tpu.memory_space<vmem>> -> memref<8192xf32, #tpu.memory_space<vmem>>
    %dma_start3A_549 = tpu.memref_slice %arg3[%add3A_543] : memref<2097152xf32, #tpu.memory_space<hbm>> -> memref<8192xf32, #tpu.memory_space<hbm>>
    tpu.enqueue_dma source(%dma_start3A_549 : memref<8192xf32, #tpu.memory_space<hbm>>) target(%dma_start3A_548 : memref<8192xf32, #tpu.memory_space<vmem>>) target_semaphore(%arg24 : memref<!tpu.dma_semaphore, #tpu.memory_space<semaphore_mem>>)
    %dma_wait3A_550 = arith.constant 0 : i32
    %dma_wait3A_551 = tpu.memref_slice %arg23[%dma_wait3A_550] : memref<8192xf32, #tpu.memory_space<vmem>> -> memref<8192xf32, #tpu.memory_space<vmem>>
    %dma_wait3A_552 = tpu.memref_slice %arg3[%add3A_543] : memref<2097152xf32, #tpu.memory_space<hbm>> -> memref<8192xf32, #tpu.memory_space<hbm>>
    %dma_wait3A_553 = arith.constant 0 : i32
    %dma_wait3A_554 = tpu.memref_slice %arg23[%dma_wait3A_553] : memref<8192xf32, #tpu.memory_space<vmem>> -> memref<8192xf32, #tpu.memory_space<vmem>>
    %dma_wait3A_555 = tpu.memref_slice %arg3[%add3A_543] : memref<2097152xf32, #tpu.memory_space<hbm>> -> memref<8192xf32, #tpu.memory_space<hbm>>
    tpu.wait_dma2 semaphore(%arg24 : memref<!tpu.dma_semaphore, #tpu.memory_space<semaphore_mem>>) src(%dma_wait3A_555 : memref<8192xf32, #tpu.memory_space<hbm>>) dst(%dma_wait3A_554 : memref<8192xf32, #tpu.memory_space<vmem>>)
    %mul3A_556 = arith.constant 49152 : i32
    %mul3A_557 = arith.muli %arg1, %mul3A_556 : i32
    %add3A_558 = arith.constant 262144 : i32
    %add3A_559 = arith.addi %add3A_558, %mul3A_557 : i32
    %add3A_560 = arith.constant 24576 : i32
    %add3A_561 = arith.addi %add3A_559, %add3A_560 : i32
    %dma_start3A_562 = arith.constant 0 : i32
    %dma_start3A_563 = tpu.memref_slice %arg23[%dma_start3A_562] : memref<8192xf32, #tpu.memory_space<vmem>> -> memref<8192xf32, #tpu.memory_space<vmem>>
    %dma_start3A_564 = tpu.memref_slice %arg7[%add3A_561] : memref<1310720xf32, #tpu.memory_space<vmem_shared>> -> memref<8192xf32, #tpu.memory_space<vmem_shared>>
    %dma_start3A_565 = tpu.memref_slice %arg7[%add3A_561] : memref<1310720xf32, #tpu.memory_space<vmem_shared>> -> memref<8192xf32, #tpu.memory_space<vmem_shared>>
    %dma_start3A_566 = arith.constant 0 : i32
    %dma_start3A_567 = tpu.memref_slice %arg23[%dma_start3A_566] : memref<8192xf32, #tpu.memory_space<vmem>> -> memref<8192xf32, #tpu.memory_space<vmem>>
    tpu.enqueue_dma source(%dma_start3A_567 : memref<8192xf32, #tpu.memory_space<vmem>>) target(%dma_start3A_565 : memref<8192xf32, #tpu.memory_space<vmem_shared>>) target_semaphore(%arg25 : memref<!tpu.dma_semaphore, #tpu.memory_space<semaphore_mem>>)
    %dma_wait3A_568 = arith.constant 0 : i32
    %dma_wait3A_569 = tpu.memref_slice %arg22[%dma_wait3A_568] : memref<8192xf32, #tpu.memory_space<vmem>> -> memref<8192xf32, #tpu.memory_space<vmem>>
    %dma_wait3A_570 = tpu.memref_slice %arg7[%add3A_525] : memref<1310720xf32, #tpu.memory_space<vmem_shared>> -> memref<8192xf32, #tpu.memory_space<vmem_shared>>
    %dma_wait3A_571 = tpu.memref_slice %arg7[%add3A_525] : memref<1310720xf32, #tpu.memory_space<vmem_shared>> -> memref<8192xf32, #tpu.memory_space<vmem_shared>>
    %dma_wait3A_572 = arith.constant 0 : i32
    %dma_wait3A_573 = tpu.memref_slice %arg22[%dma_wait3A_572] : memref<8192xf32, #tpu.memory_space<vmem>> -> memref<8192xf32, #tpu.memory_space<vmem>>
    tpu.wait_dma2 semaphore(%arg25 : memref<!tpu.dma_semaphore, #tpu.memory_space<semaphore_mem>>) src(%dma_wait3A_573 : memref<8192xf32, #tpu.memory_space<vmem>>) dst(%dma_wait3A_571 : memref<8192xf32, #tpu.memory_space<vmem_shared>>)
    %mul3A_574 = arith.constant 49152 : i32
    %mul3A_575 = arith.muli %arg1, %mul3A_574 : i32
    %add3A_576 = arith.constant 1048576 : i32
    %add3A_577 = arith.addi %add3A_576, %mul3A_575 : i32
    %add3A_578 = arith.constant 32768 : i32
    %add3A_579 = arith.addi %add3A_577, %add3A_578 : i32
    %dma_start3A_580 = arith.constant 0 : i32
    %dma_start3A_581 = tpu.memref_slice %arg22[%dma_start3A_580] : memref<8192xf32, #tpu.memory_space<vmem>> -> memref<8192xf32, #tpu.memory_space<vmem>>
    %dma_start3A_582 = tpu.memref_slice %arg3[%add3A_579] : memref<2097152xf32, #tpu.memory_space<hbm>> -> memref<8192xf32, #tpu.memory_space<hbm>>
    %dma_start3A_583 = arith.constant 0 : i32
    %dma_start3A_584 = tpu.memref_slice %arg22[%dma_start3A_583] : memref<8192xf32, #tpu.memory_space<vmem>> -> memref<8192xf32, #tpu.memory_space<vmem>>
    %dma_start3A_585 = tpu.memref_slice %arg3[%add3A_579] : memref<2097152xf32, #tpu.memory_space<hbm>> -> memref<8192xf32, #tpu.memory_space<hbm>>
    tpu.enqueue_dma source(%dma_start3A_585 : memref<8192xf32, #tpu.memory_space<hbm>>) target(%dma_start3A_584 : memref<8192xf32, #tpu.memory_space<vmem>>) target_semaphore(%arg24 : memref<!tpu.dma_semaphore, #tpu.memory_space<semaphore_mem>>)
    %dma_wait3A_586 = arith.constant 0 : i32
    %dma_wait3A_587 = tpu.memref_slice %arg22[%dma_wait3A_586] : memref<8192xf32, #tpu.memory_space<vmem>> -> memref<8192xf32, #tpu.memory_space<vmem>>
    %dma_wait3A_588 = tpu.memref_slice %arg3[%add3A_579] : memref<2097152xf32, #tpu.memory_space<hbm>> -> memref<8192xf32, #tpu.memory_space<hbm>>
    %dma_wait3A_589 = arith.constant 0 : i32
    %dma_wait3A_590 = tpu.memref_slice %arg22[%dma_wait3A_589] : memref<8192xf32, #tpu.memory_space<vmem>> -> memref<8192xf32, #tpu.memory_space<vmem>>
    %dma_wait3A_591 = tpu.memref_slice %arg3[%add3A_579] : memref<2097152xf32, #tpu.memory_space<hbm>> -> memref<8192xf32, #tpu.memory_space<hbm>>
    tpu.wait_dma2 semaphore(%arg24 : memref<!tpu.dma_semaphore, #tpu.memory_space<semaphore_mem>>) src(%dma_wait3A_591 : memref<8192xf32, #tpu.memory_space<hbm>>) dst(%dma_wait3A_590 : memref<8192xf32, #tpu.memory_space<vmem>>)
    %mul3A_592 = arith.constant 49152 : i32
    %mul3A_593 = arith.muli %arg1, %mul3A_592 : i32
    %add3A_594 = arith.constant 262144 : i32
    %add3A_595 = arith.addi %add3A_594, %mul3A_593 : i32
    %add3A_596 = arith.constant 32768 : i32
    %add3A_597 = arith.addi %add3A_595, %add3A_596 : i32
    %dma_start3A_598 = arith.constant 0 : i32
    %dma_start3A_599 = tpu.memref_slice %arg22[%dma_start3A_598] : memref<8192xf32, #tpu.memory_space<vmem>> -> memref<8192xf32, #tpu.memory_space<vmem>>
    %dma_start3A_600 = tpu.memref_slice %arg7[%add3A_597] : memref<1310720xf32, #tpu.memory_space<vmem_shared>> -> memref<8192xf32, #tpu.memory_space<vmem_shared>>
    %dma_start3A_601 = tpu.memref_slice %arg7[%add3A_597] : memref<1310720xf32, #tpu.memory_space<vmem_shared>> -> memref<8192xf32, #tpu.memory_space<vmem_shared>>
    %dma_start3A_602 = arith.constant 0 : i32
    %dma_start3A_603 = tpu.memref_slice %arg22[%dma_start3A_602] : memref<8192xf32, #tpu.memory_space<vmem>> -> memref<8192xf32, #tpu.memory_space<vmem>>
    tpu.enqueue_dma source(%dma_start3A_603 : memref<8192xf32, #tpu.memory_space<vmem>>) target(%dma_start3A_601 : memref<8192xf32, #tpu.memory_space<vmem_shared>>) target_semaphore(%arg25 : memref<!tpu.dma_semaphore, #tpu.memory_space<semaphore_mem>>)
    %dma_wait3A_604 = arith.constant 0 : i32
    %dma_wait3A_605 = tpu.memref_slice %arg23[%dma_wait3A_604] : memref<8192xf32, #tpu.memory_space<vmem>> -> memref<8192xf32, #tpu.memory_space<vmem>>
    %dma_wait3A_606 = tpu.memref_slice %arg7[%add3A_561] : memref<1310720xf32, #tpu.memory_space<vmem_shared>> -> memref<8192xf32, #tpu.memory_space<vmem_shared>>
    %dma_wait3A_607 = tpu.memref_slice %arg7[%add3A_561] : memref<1310720xf32, #tpu.memory_space<vmem_shared>> -> memref<8192xf32, #tpu.memory_space<vmem_shared>>
    %dma_wait3A_608 = arith.constant 0 : i32
    %dma_wait3A_609 = tpu.memref_slice %arg23[%dma_wait3A_608] : memref<8192xf32, #tpu.memory_space<vmem>> -> memref<8192xf32, #tpu.memory_space<vmem>>
    tpu.wait_dma2 semaphore(%arg25 : memref<!tpu.dma_semaphore, #tpu.memory_space<semaphore_mem>>) src(%dma_wait3A_609 : memref<8192xf32, #tpu.memory_space<vmem>>) dst(%dma_wait3A_607 : memref<8192xf32, #tpu.memory_space<vmem_shared>>)
    %mul3A_610 = arith.constant 49152 : i32
    %mul3A_611 = arith.muli %arg1, %mul3A_610 : i32
    %add3A_612 = arith.constant 1048576 : i32
    %add3A_613 = arith.addi %add3A_612, %mul3A_611 : i32
    %add3A_614 = arith.constant 40960 : i32
    %add3A_615 = arith.addi %add3A_613, %add3A_614 : i32
    %dma_start3A_616 = arith.constant 0 : i32
    %dma_start3A_617 = tpu.memref_slice %arg23[%dma_start3A_616] : memref<8192xf32, #tpu.memory_space<vmem>> -> memref<8192xf32, #tpu.memory_space<vmem>>
    %dma_start3A_618 = tpu.memref_slice %arg3[%add3A_615] : memref<2097152xf32, #tpu.memory_space<hbm>> -> memref<8192xf32, #tpu.memory_space<hbm>>
    %dma_start3A_619 = arith.constant 0 : i32
    %dma_start3A_620 = tpu.memref_slice %arg23[%dma_start3A_619] : memref<8192xf32, #tpu.memory_space<vmem>> -> memref<8192xf32, #tpu.memory_space<vmem>>
    %dma_start3A_621 = tpu.memref_slice %arg3[%add3A_615] : memref<2097152xf32, #tpu.memory_space<hbm>> -> memref<8192xf32, #tpu.memory_space<hbm>>
    tpu.enqueue_dma source(%dma_start3A_621 : memref<8192xf32, #tpu.memory_space<hbm>>) target(%dma_start3A_620 : memref<8192xf32, #tpu.memory_space<vmem>>) target_semaphore(%arg24 : memref<!tpu.dma_semaphore, #tpu.memory_space<semaphore_mem>>)
    %dma_wait3A_622 = arith.constant 0 : i32
    %dma_wait3A_623 = tpu.memref_slice %arg23[%dma_wait3A_622] : memref<8192xf32, #tpu.memory_space<vmem>> -> memref<8192xf32, #tpu.memory_space<vmem>>
    %dma_wait3A_624 = tpu.memref_slice %arg3[%add3A_615] : memref<2097152xf32, #tpu.memory_space<hbm>> -> memref<8192xf32, #tpu.memory_space<hbm>>
    %dma_wait3A_625 = arith.constant 0 : i32
    %dma_wait3A_626 = tpu.memref_slice %arg23[%dma_wait3A_625] : memref<8192xf32, #tpu.memory_space<vmem>> -> memref<8192xf32, #tpu.memory_space<vmem>>
    %dma_wait3A_627 = tpu.memref_slice %arg3[%add3A_615] : memref<2097152xf32, #tpu.memory_space<hbm>> -> memref<8192xf32, #tpu.memory_space<hbm>>
    tpu.wait_dma2 semaphore(%arg24 : memref<!tpu.dma_semaphore, #tpu.memory_space<semaphore_mem>>) src(%dma_wait3A_627 : memref<8192xf32, #tpu.memory_space<hbm>>) dst(%dma_wait3A_626 : memref<8192xf32, #tpu.memory_space<vmem>>)
    %mul3A_628 = arith.constant 49152 : i32
    %mul3A_629 = arith.muli %arg1, %mul3A_628 : i32
    %add3A_630 = arith.constant 262144 : i32
    %add3A_631 = arith.addi %add3A_630, %mul3A_629 : i32
    %add3A_632 = arith.constant 40960 : i32
    %add3A_633 = arith.addi %add3A_631, %add3A_632 : i32
    %dma_start3A_634 = arith.constant 0 : i32
    %dma_start3A_635 = tpu.memref_slice %arg23[%dma_start3A_634] : memref<8192xf32, #tpu.memory_space<vmem>> -> memref<8192xf32, #tpu.memory_space<vmem>>
    %dma_start3A_636 = tpu.memref_slice %arg7[%add3A_633] : memref<1310720xf32, #tpu.memory_space<vmem_shared>> -> memref<8192xf32, #tpu.memory_space<vmem_shared>>
    %dma_start3A_637 = tpu.memref_slice %arg7[%add3A_633] : memref<1310720xf32, #tpu.memory_space<vmem_shared>> -> memref<8192xf32, #tpu.memory_space<vmem_shared>>
    %dma_start3A_638 = arith.constant 0 : i32
    %dma_start3A_639 = tpu.memref_slice %arg23[%dma_start3A_638] : memref<8192xf32, #tpu.memory_space<vmem>> -> memref<8192xf32, #tpu.memory_space<vmem>>
    tpu.enqueue_dma source(%dma_start3A_639 : memref<8192xf32, #tpu.memory_space<vmem>>) target(%dma_start3A_637 : memref<8192xf32, #tpu.memory_space<vmem_shared>>) target_semaphore(%arg25 : memref<!tpu.dma_semaphore, #tpu.memory_space<semaphore_mem>>)
    %dma_wait3A_640 = arith.constant 0 : i32
    %dma_wait3A_641 = tpu.memref_slice %arg22[%dma_wait3A_640] : memref<8192xf32, #tpu.memory_space<vmem>> -> memref<8192xf32, #tpu.memory_space<vmem>>
    %dma_wait3A_642 = tpu.memref_slice %arg7[%add3A_597] : memref<1310720xf32, #tpu.memory_space<vmem_shared>> -> memref<8192xf32, #tpu.memory_space<vmem_shared>>
    %dma_wait3A_643 = tpu.memref_slice %arg7[%add3A_597] : memref<1310720xf32, #tpu.memory_space<vmem_shared>> -> memref<8192xf32, #tpu.memory_space<vmem_shared>>
    %dma_wait3A_644 = arith.constant 0 : i32
    %dma_wait3A_645 = tpu.memref_slice %arg22[%dma_wait3A_644] : memref<8192xf32, #tpu.memory_space<vmem>> -> memref<8192xf32, #tpu.memory_space<vmem>>
    tpu.wait_dma2 semaphore(%arg25 : memref<!tpu.dma_semaphore, #tpu.memory_space<semaphore_mem>>) src(%dma_wait3A_645 : memref<8192xf32, #tpu.memory_space<vmem>>) dst(%dma_wait3A_643 : memref<8192xf32, #tpu.memory_space<vmem_shared>>)
    %dma_wait3A_646 = arith.constant 0 : i32
    %dma_wait3A_647 = tpu.memref_slice %arg23[%dma_wait3A_646] : memref<8192xf32, #tpu.memory_space<vmem>> -> memref<8192xf32, #tpu.memory_space<vmem>>
    %dma_wait3A_648 = tpu.memref_slice %arg7[%add3A_633] : memref<1310720xf32, #tpu.memory_space<vmem_shared>> -> memref<8192xf32, #tpu.memory_space<vmem_shared>>
    %dma_wait3A_649 = tpu.memref_slice %arg7[%add3A_633] : memref<1310720xf32, #tpu.memory_space<vmem_shared>> -> memref<8192xf32, #tpu.memory_space<vmem_shared>>
    %dma_wait3A_650 = arith.constant 0 : i32
    %dma_wait3A_651 = tpu.memref_slice %arg23[%dma_wait3A_650] : memref<8192xf32, #tpu.memory_space<vmem>> -> memref<8192xf32, #tpu.memory_space<vmem>>
    tpu.wait_dma2 semaphore(%arg25 : memref<!tpu.dma_semaphore, #tpu.memory_space<semaphore_mem>>) src(%dma_wait3A_651 : memref<8192xf32, #tpu.memory_space<vmem>>) dst(%dma_wait3A_649 : memref<8192xf32, #tpu.memory_space<vmem_shared>>)
    "tpu.trace_stop"() : () -> ()
    %barrier3A_652 = arith.constant 0 : index
    tpu.barrier barrier_id(%barrier3A_652)
    %dma_start3A_653 = arith.constant 2048 : i32
    %dma_start3A_654 = tpu.memref_slice %arg19[%dma_start3A_653] : memref<4096xf32, #tpu.memory_space<vmem>> -> memref<1536xf32, #tpu.memory_space<vmem>>
    %dma_start3A_655 = arith.constant 2048 : i32
    %dma_start3A_656 = tpu.memref_slice %arg16[%dma_start3A_655] : memref<4096xi32, #tpu.memory_space<vmem>> -> memref<1536xi32, #tpu.memory_space<vmem>>
    %dma_start3A_657 = arith.constant 0 : i32
    %dma_start3A_658 = tpu.memref_slice %arg7[%dma_start3A_657] : memref<1310720xf32, #tpu.memory_space<vmem_shared>> -> memref<1310720xf32, #tpu.memory_space<vmem_shared>>
    tpu.enqueue_indirect_dma source(%dma_start3A_658 : memref<1310720xf32, #tpu.memory_space<vmem_shared>>) target(%dma_start3A_654 : memref<1536xf32, #tpu.memory_space<vmem>>) offsets(%dma_start3A_656 : memref<1536xi32, #tpu.memory_space<vmem>>) semaphore(%arg26 : memref<!tpu.dma_semaphore, #tpu.memory_space<semaphore_mem>>)
    "tpu.trace_start"() <{level = 10 : i32, message = "ph_wait_v"}> : () -> ()
    %dma_wait3A_659 = arith.constant 2048 : i32
    %dma_wait3A_660 = tpu.memref_slice %arg19[%dma_wait3A_659] : memref<4096xf32, #tpu.memory_space<vmem>> -> memref<1536xf32, #tpu.memory_space<vmem>>
    %dma_wait3A_661 = arith.constant 2048 : i32
    %dma_wait3A_662 = tpu.memref_slice %arg16[%dma_wait3A_661] : memref<4096xi32, #tpu.memory_space<vmem>> -> memref<1536xi32, #tpu.memory_space<vmem>>
    %dma_wait3A_663 = arith.constant 0 : i32
    %dma_wait3A_664 = tpu.memref_slice %arg7[%dma_wait3A_663] : memref<1310720xf32, #tpu.memory_space<vmem_shared>> -> memref<1310720xf32, #tpu.memory_space<vmem_shared>>
    tpu.wait_indirect_dma semaphore(%arg26 : memref<!tpu.dma_semaphore, #tpu.memory_space<semaphore_mem>>) src(%dma_wait3A_664 : memref<1310720xf32, #tpu.memory_space<vmem_shared>>) dst(%dma_wait3A_660 : memref<1536xf32, #tpu.memory_space<vmem>>)
    "tpu.trace_stop"() : () -> ()
    %barrier3A_665 = arith.constant 0 : index
    tpu.barrier barrier_id(%barrier3A_665)
    "tpu.trace_start"() <{level = 10 : i32, message = "ph_wait_vt"}> : () -> ()
    %dma_wait3A_666 = arith.constant 3584 : i32
    %dma_wait3A_667 = tpu.memref_slice %arg19[%dma_wait3A_666] : memref<4096xf32, #tpu.memory_space<vmem>> -> memref<512xf32, #tpu.memory_space<vmem>>
    %dma_wait3A_668 = arith.constant 3584 : i32
    %dma_wait3A_669 = tpu.memref_slice %arg16[%dma_wait3A_668] : memref<4096xi32, #tpu.memory_space<vmem>> -> memref<512xi32, #tpu.memory_space<vmem>>
    %dma_wait3A_670 = arith.constant 0 : i32
    %dma_wait3A_671 = tpu.memref_slice %arg7[%dma_wait3A_670] : memref<1310720xf32, #tpu.memory_space<vmem_shared>> -> memref<1310720xf32, #tpu.memory_space<vmem_shared>>
    tpu.wait_indirect_dma semaphore(%arg29 : memref<!tpu.dma_semaphore, #tpu.memory_space<semaphore_mem>>) src(%dma_wait3A_671 : memref<1310720xf32, #tpu.memory_space<vmem_shared>>) dst(%dma_wait3A_667 : memref<512xf32, #tpu.memory_space<vmem>>)
    "tpu.trace_stop"() : () -> ()
    %scan3A_672 = arith.constant 0 : i32
    %scan3A_673 = arith.constant 0 : i32
    %scan3A_674 = arith.constant 32 : i32
    %scan3A_675 = arith.addi %scan3A_673, %scan3A_674 : i32
    %scan3A_676 = arith.constant 1 : i32
    scf.for %scan3A_1966 = %scan3A_673 to %scan3A_675 step %scan3A_676  : i32 {
      %mul3A_1967 = arith.constant 16 : i32
      %mul3A_1968 = arith.muli %scan3A_1966, %mul3A_1967 : i32
      %get3A = arith.index_cast %mul3A_1968 : i32 to index
      %get3A_1969 = tpu.vector_load %arg19[%get3A] {strides = array<i32>} : memref<4096xf32, #tpu.memory_space<vmem>>, vector<16xf32>,
      %get3A_1970 = vector.shape_cast %get3A_1969 : vector<16xf32> to vector<16xf32>
      %add3A_1971 = arith.constant 512 : i32
      %add3A_1972 = arith.addi %add3A_1971, %mul3A_1968 : i32
      %get3A_1973 = arith.index_cast %add3A_1972 : i32 to index
      %get3A_1974 = tpu.vector_load %arg19[%get3A_1973] {strides = array<i32>} : memref<4096xf32, #tpu.memory_space<vmem>>, vector<16xf32>,
      %get3A_1975 = vector.shape_cast %get3A_1974 : vector<16xf32> to vector<16xf32>
      %add3A_1976 = arith.addf %get3A_1970, %get3A_1975 : vector<16xf32>
      %add3A_1977 = arith.constant 1024 : i32
      %add3A_1978 = arith.addi %add3A_1977, %mul3A_1968 : i32
      %get3A_1979 = arith.index_cast %add3A_1978 : i32 to index
      %get3A_1980 = tpu.vector_load %arg19[%get3A_1979] {strides = array<i32>} : memref<4096xf32, #tpu.memory_space<vmem>>, vector<16xf32>,
      %get3A_1981 = vector.shape_cast %get3A_1980 : vector<16xf32> to vector<16xf32>
      %add3A_1982 = arith.addf %add3A_1976, %get3A_1981 : vector<16xf32>
      %add3A_1983 = arith.constant 1536 : i32
      %add3A_1984 = arith.addi %add3A_1983, %mul3A_1968 : i32
      %get3A_1985 = arith.index_cast %add3A_1984 : i32 to index
      %get3A_1986 = tpu.vector_load %arg19[%get3A_1985] {strides = array<i32>} : memref<4096xf32, #tpu.memory_space<vmem>>, vector<16xf32>,
      %get3A_1987 = vector.shape_cast %get3A_1986 : vector<16xf32> to vector<16xf32>
      %add3A_1988 = arith.addf %add3A_1982, %get3A_1987 : vector<16xf32>
      %add3A_1989 = arith.constant 2048 : i32
      %add3A_1990 = arith.addi %add3A_1989, %mul3A_1968 : i32
      %get3A_1991 = arith.index_cast %add3A_1990 : i32 to index
      %get3A_1992 = tpu.vector_load %arg19[%get3A_1991] {strides = array<i32>} : memref<4096xf32, #tpu.memory_space<vmem>>, vector<16xf32>,
      %get3A_1993 = vector.shape_cast %get3A_1992 : vector<16xf32> to vector<16xf32>
      %add3A_1994 = arith.addf %add3A_1988, %get3A_1993 : vector<16xf32>
      %add3A_1995 = arith.constant 2560 : i32
      %add3A_1996 = arith.addi %add3A_1995, %mul3A_1968 : i32
      %get3A_1997 = arith.index_cast %add3A_1996 : i32 to index
      %get3A_1998 = tpu.vector_load %arg19[%get3A_1997] {strides = array<i32>} : memref<4096xf32, #tpu.memory_space<vmem>>, vector<16xf32>,
      %get3A_1999 = vector.shape_cast %get3A_1998 : vector<16xf32> to vector<16xf32>
      %add3A_2000 = arith.addf %add3A_1994, %get3A_1999 : vector<16xf32>
      %add3A_2001 = arith.constant 3072 : i32
      %add3A_2002 = arith.addi %add3A_2001, %mul3A_1968 : i32
      %get3A_2003 = arith.index_cast %add3A_2002 : i32 to index
      %get3A_2004 = tpu.vector_load %arg19[%get3A_2003] {strides = array<i32>} : memref<4096xf32, #tpu.memory_space<vmem>>, vector<16xf32>,
      %get3A_2005 = vector.shape_cast %get3A_2004 : vector<16xf32> to vector<16xf32>
      %add3A_2006 = arith.addf %add3A_2000, %get3A_2005 : vector<16xf32>
      %add3A_2007 = arith.constant 3584 : i32
      %add3A_2008 = arith.addi %add3A_2007, %mul3A_1968 : i32
      %get3A_2009 = arith.index_cast %add3A_2008 : i32 to index
      %get3A_2010 = tpu.vector_load %arg19[%get3A_2009] {strides = array<i32>} : memref<4096xf32, #tpu.memory_space<vmem>>, vector<16xf32>,
      %get3A_2011 = vector.shape_cast %get3A_2010 : vector<16xf32> to vector<16xf32>
      %add3A_2012 = arith.addf %add3A_2006, %get3A_2011 : vector<16xf32>
      %get3A_2013 = arith.index_cast %mul3A_1968 : i32 to index
      %get3A_2014 = tpu.vector_load %arg9[%get3A_2013] {strides = array<i32>} : memref<512xf32, #tpu.memory_space<vmem>>, vector<16xf32>,
      %get3A_2015 = vector.shape_cast %get3A_2014 : vector<16xf32> to vector<16xf32>
      %add3A_2016 = arith.addf %get3A_2015, %add3A_2012 : vector<16xf32>
      %jit3A = arith.constant -7.000000e-02 : f32
      %jit3A_2017 = arith.constant 7.000000e-02 : f32
      %max3A = vector.broadcast %jit3A : f32 to vector<16xf32>
      %max3A_2018 = arith.maximumf %max3A, %add3A_2016 : vector<16xf32>
      %min3A = vector.broadcast %jit3A_2017 : f32 to vector<16xf32>
      %min3A_2019 = arith.minimumf %min3A, %max3A_2018 : vector<16xf32>
      %swap3A = arith.index_cast %mul3A_1968 : i32 to index
      %swap3A_2020 = tpu.vector_load %arg13[%swap3A] {strides = array<i32>} : memref<512xf32, #tpu.memory_space<vmem>>, vector<16xf32>,
      %swap3A_2021 = vector.shape_cast %swap3A_2020 : vector<16xf32> to vector<16xf32>
      %swap3A_2022 = vector.shape_cast %min3A_2019 : vector<16xf32> to vector<16xf32>
      tpu.vector_store %arg13[%swap3A], %swap3A_2022 {strides = array<i32>} : memref<512xf32, #tpu.memory_space<vmem>>, vector<16xf32>,
      %get3A_2023 = arith.index_cast %mul3A_1968 : i32 to index
      %get3A_2024 = tpu.vector_load %arg10[%get3A_2023] {strides = array<i32>} : memref<512xf32, #tpu.memory_space<vmem>>, vector<16xf32>,
      %get3A_2025 = vector.shape_cast %get3A_2024 : vector<16xf32> to vector<16xf32>
      %mul3A_2026 = arith.constant 0.123046875 : f32
      %mul3A_2027 = vector.broadcast %mul3A_2026 : f32 to vector<16xf32>
      %mul3A_2028 = arith.mulf %get3A_2025, %mul3A_2027 : vector<16xf32>
      %swap3A_2029 = arith.index_cast %mul3A_1968 : i32 to index
      %swap3A_2030 = tpu.vector_load %arg10[%swap3A_2029] {strides = array<i32>} : memref<512xf32, #tpu.memory_space<vmem>>, vector<16xf32>,
      %swap3A_2031 = vector.shape_cast %swap3A_2030 : vector<16xf32> to vector<16xf32>
      %swap3A_2032 = vector.shape_cast %mul3A_2028 : vector<16xf32> to vector<16xf32>
      tpu.vector_store %arg10[%swap3A_2029], %swap3A_2032 {strides = array<i32>} : memref<512xf32, #tpu.memory_space<vmem>>, vector<16xf32>,
      %get3A_2033 = arith.index_cast %mul3A_1968 : i32 to index
      %get3A_2034 = tpu.vector_load %arg11[%get3A_2033] {strides = array<i32>} : memref<512xf32, #tpu.memory_space<vmem>>, vector<16xf32>,
      %get3A_2035 = vector.shape_cast %get3A_2034 : vector<16xf32> to vector<16xf32>
      %mul3A_2036 = arith.constant 0.123046875 : f32
      %mul3A_2037 = vector.broadcast %mul3A_2036 : f32 to vector<16xf32>
      %mul3A_2038 = arith.mulf %get3A_2035, %mul3A_2037 : vector<16xf32>
      %swap3A_2039 = arith.index_cast %mul3A_1968 : i32 to index
      %swap3A_2040 = tpu.vector_load %arg11[%swap3A_2039] {strides = array<i32>} : memref<512xf32, #tpu.memory_space<vmem>>, vector<16xf32>,
      %swap3A_2041 = vector.shape_cast %swap3A_2040 : vector<16xf32> to vector<16xf32>
      %swap3A_2042 = vector.shape_cast %mul3A_2038 : vector<16xf32> to vector<16xf32>
      tpu.vector_store %arg11[%swap3A_2039], %swap3A_2042 {strides = array<i32>} : memref<512xf32, #tpu.memory_space<vmem>>, vector<16xf32>,
      %sub3A = arith.constant -7.000000e-02 : f32
      %sub3A_2043 = vector.broadcast %sub3A : f32 to vector<16xf32>
      %sub3A_2044 = arith.subf %min3A_2019, %sub3A_2043 : vector<16xf32>
      %div3A = arith.constant 1.400000e-01 : f32
      %div3A_2045 = vector.broadcast %div3A : f32 to vector<16xf32>
      %div3A_2046 = arith.divf %sub3A_2044, %div3A_2045 : vector<16xf32>
      %jit3A_2047 = arith.constant 0.000000e+00 : f32
      %jit3A_2048 = arith.constant 0.999998986 : f32
      %max3A_2049 = vector.broadcast %jit3A_2047 : f32 to vector<16xf32>
      %max3A_2050 = arith.maximumf %max3A_2049, %div3A_2046 : vector<16xf32>
      %min3A_2051 = vector.broadcast %jit3A_2048 : f32 to vector<16xf32>
      %min3A_2052 = arith.minimumf %min3A_2051, %max3A_2050 : vector<16xf32>
      %mul3A_2053 = arith.constant 6.300000e+01 : f32
      %mul3A_2054 = vector.broadcast %mul3A_2053 : f32 to vector<16xf32>
      %mul3A_2055 = arith.mulf %min3A_2052, %mul3A_2054 : vector<16xf32>
      %swap3A_2056 = arith.index_cast %mul3A_1968 : i32 to index
      %swap3A_2057 = tpu.vector_load %arg12[%swap3A_2056] {strides = array<i32>} : memref<512xf32, #tpu.memory_space<vmem>>, vector<16xf32>,
      %swap3A_2058 = vector.shape_cast %swap3A_2057 : vector<16xf32> to vector<16xf32>
      %swap3A_2059 = vector.shape_cast %mul3A_2055 : vector<16xf32> to vector<16xf32>
      tpu.vector_store %arg12[%swap3A_2056], %swap3A_2059 {strides = array<i32>} : memref<512xf32, #tpu.memory_space<vmem>>, vector<16xf32>,
    }
    %scan3A_677 = arith.constant 32 : i32
    %scan3A_678 = arith.constant 0 : i32
    %scan3A_679 = arith.constant 0 : i32
    %scan3A_680 = arith.constant 32 : i32
    %scan3A_681 = arith.addi %scan3A_679, %scan3A_680 : i32
    %scan3A_682 = arith.constant 1 : i32
    scf.for %scan3A_1966 = %scan3A_679 to %scan3A_681 step %scan3A_682  : i32 {
      %mul3A_1967 = arith.constant 16 : i32
      %mul3A_1968 = arith.muli %scan3A_1966, %mul3A_1967 : i32
      %get3A = arith.index_cast %mul3A_1968 : i32 to index
      %get3A_1969 = tpu.vector_load %arg10[%get3A] {strides = array<i32>} : memref<512xf32, #tpu.memory_space<vmem>>, vector<16xf32>,
      %get3A_1970 = vector.shape_cast %get3A_1969 : vector<16xf32> to vector<16xf32>
      %add3A_1971 = arith.constant 0.000000e+00 : f32
      %add3A_1972 = vector.broadcast %add3A_1971 : f32 to vector<16xf32>
      %add3A_1973 = arith.addf %get3A_1970, %add3A_1972 : vector<16xf32>
      %convert_element_type3A = arith.fptosi %add3A_1973 : vector<16xf32> to vector<16xi32>
      %min3A = arith.constant 62 : i32
      %min3A_1974 = vector.broadcast %min3A : i32 to vector<16xi32>
      %min3A_1975 = arith.minsi %convert_element_type3A, %min3A_1974 : vector<16xi32>
      %get3A_1976 = arith.index_cast %mul3A_1968 : i32 to index
      %get3A_1977 = tpu.vector_load %arg11[%get3A_1976] {strides = array<i32>} : memref<512xf32, #tpu.memory_space<vmem>>, vector<16xf32>,
      %get3A_1978 = vector.shape_cast %get3A_1977 : vector<16xf32> to vector<16xf32>
      %add3A_1979 = arith.constant 0.000000e+00 : f32
      %add3A_1980 = vector.broadcast %add3A_1979 : f32 to vector<16xf32>
      %add3A_1981 = arith.addf %get3A_1978, %add3A_1980 : vector<16xf32>
      %convert_element_type3A_1982 = arith.fptosi %add3A_1981 : vector<16xf32> to vector<16xi32>
      %min3A_1983 = arith.constant 62 : i32
      %min3A_1984 = vector.broadcast %min3A_1983 : i32 to vector<16xi32>
      %min3A_1985 = arith.minsi %convert_element_type3A_1982, %min3A_1984 : vector<16xi32>
      %get3A_1986 = arith.index_cast %mul3A_1968 : i32 to index
      %get3A_1987 = tpu.vector_load %arg12[%get3A_1986] {strides = array<i32>} : memref<512xf32, #tpu.memory_space<vmem>>, vector<16xf32>,
      %get3A_1988 = vector.shape_cast %get3A_1987 : vector<16xf32> to vector<16xf32>
      %add3A_1989 = arith.constant 0.000000e+00 : f32
      %add3A_1990 = vector.broadcast %add3A_1989 : f32 to vector<16xf32>
      %add3A_1991 = arith.addf %get3A_1988, %add3A_1990 : vector<16xf32>
      %convert_element_type3A_1992 = arith.fptosi %add3A_1991 : vector<16xf32> to vector<16xi32>
      %min3A_1993 = arith.constant 62 : i32
      %min3A_1994 = vector.broadcast %min3A_1993 : i32 to vector<16xi32>
      %min3A_1995 = arith.minsi %convert_element_type3A_1992, %min3A_1994 : vector<16xi32>
      %mul3A_1996 = arith.constant 63 : i32
      %mul3A_1997 = vector.broadcast %mul3A_1996 : i32 to vector<16xi32>
      %mul3A_1998 = arith.muli %min3A_1985, %mul3A_1997 : vector<16xi32>
      %add3A_1999 = arith.addi %min3A_1975, %mul3A_1998 : vector<16xi32>
      %mul3A_2000 = arith.constant 3969 : i32
      %mul3A_2001 = vector.broadcast %mul3A_2000 : i32 to vector<16xi32>
      %mul3A_2002 = arith.muli %min3A_1995, %mul3A_2001 : vector<16xi32>
      %add3A_2003 = arith.addi %add3A_1999, %mul3A_2002 : vector<16xi32>
      %add3A_2004 = arith.constant 262144 : i32
      %add3A_2005 = vector.broadcast %add3A_2004 : i32 to vector<16xi32>
      %add3A_2006 = arith.addi %add3A_2003, %add3A_2005 : vector<16xi32>
      %add3A_2007 = arith.constant 0 : i32
      %add3A_2008 = arith.addi %add3A_2007, %mul3A_1968 : i32
      %swap3A = arith.index_cast %add3A_2008 : i32 to index
      %swap3A_2009 = tpu.vector_load %arg18[%swap3A] {strides = array<i32>} : memref<4096xi32, #tpu.memory_space<vmem>>, vector<16xi32>,
      %swap3A_2010 = vector.shape_cast %swap3A_2009 : vector<16xi32> to vector<16xi32>
      %swap3A_2011 = vector.shape_cast %add3A_2006 : vector<16xi32> to vector<16xi32>
      tpu.vector_store %arg18[%swap3A], %swap3A_2011 {strides = array<i32>} : memref<4096xi32, #tpu.memory_space<vmem>>, vector<16xi32>,
    }
    %scan3A_683 = arith.constant 32 : i32
    %scan3A_684 = arith.constant 0 : i32
    %scan3A_685 = arith.constant 0 : i32
    %scan3A_686 = arith.constant 32 : i32
    %scan3A_687 = arith.addi %scan3A_685, %scan3A_686 : i32
    %scan3A_688 = arith.constant 1 : i32
    scf.for %scan3A_1966 = %scan3A_685 to %scan3A_687 step %scan3A_688  : i32 {
      %mul3A_1967 = arith.constant 16 : i32
      %mul3A_1968 = arith.muli %scan3A_1966, %mul3A_1967 : i32
      %get3A = arith.index_cast %mul3A_1968 : i32 to index
      %get3A_1969 = tpu.vector_load %arg10[%get3A] {strides = array<i32>} : memref<512xf32, #tpu.memory_space<vmem>>, vector<16xf32>,
      %get3A_1970 = vector.shape_cast %get3A_1969 : vector<16xf32> to vector<16xf32>
      %add3A_1971 = arith.constant 1.250000e-01 : f32
      %add3A_1972 = vector.broadcast %add3A_1971 : f32 to vector<16xf32>
      %add3A_1973 = arith.addf %get3A_1970, %add3A_1972 : vector<16xf32>
      %convert_element_type3A = arith.fptosi %add3A_1973 : vector<16xf32> to vector<16xi32>
      %min3A = arith.constant 62 : i32
      %min3A_1974 = vector.broadcast %min3A : i32 to vector<16xi32>
      %min3A_1975 = arith.minsi %convert_element_type3A, %min3A_1974 : vector<16xi32>
      %get3A_1976 = arith.index_cast %mul3A_1968 : i32 to index
      %get3A_1977 = tpu.vector_load %arg11[%get3A_1976] {strides = array<i32>} : memref<512xf32, #tpu.memory_space<vmem>>, vector<16xf32>,
      %get3A_1978 = vector.shape_cast %get3A_1977 : vector<16xf32> to vector<16xf32>
      %add3A_1979 = arith.constant 1.250000e-01 : f32
      %add3A_1980 = vector.broadcast %add3A_1979 : f32 to vector<16xf32>
      %add3A_1981 = arith.addf %get3A_1978, %add3A_1980 : vector<16xf32>
      %convert_element_type3A_1982 = arith.fptosi %add3A_1981 : vector<16xf32> to vector<16xi32>
      %min3A_1983 = arith.constant 62 : i32
      %min3A_1984 = vector.broadcast %min3A_1983 : i32 to vector<16xi32>
      %min3A_1985 = arith.minsi %convert_element_type3A_1982, %min3A_1984 : vector<16xi32>
      %get3A_1986 = arith.index_cast %mul3A_1968 : i32 to index
      %get3A_1987 = tpu.vector_load %arg12[%get3A_1986] {strides = array<i32>} : memref<512xf32, #tpu.memory_space<vmem>>, vector<16xf32>,
      %get3A_1988 = vector.shape_cast %get3A_1987 : vector<16xf32> to vector<16xf32>
      %add3A_1989 = arith.constant 1.250000e-01 : f32
      %add3A_1990 = vector.broadcast %add3A_1989 : f32 to vector<16xf32>
      %add3A_1991 = arith.addf %get3A_1988, %add3A_1990 : vector<16xf32>
      %convert_element_type3A_1992 = arith.fptosi %add3A_1991 : vector<16xf32> to vector<16xi32>
      %min3A_1993 = arith.constant 62 : i32
      %min3A_1994 = vector.broadcast %min3A_1993 : i32 to vector<16xi32>
      %min3A_1995 = arith.minsi %convert_element_type3A_1992, %min3A_1994 : vector<16xi32>
      %mul3A_1996 = arith.constant 63 : i32
      %mul3A_1997 = vector.broadcast %mul3A_1996 : i32 to vector<16xi32>
      %mul3A_1998 = arith.muli %min3A_1985, %mul3A_1997 : vector<16xi32>
      %add3A_1999 = arith.addi %min3A_1975, %mul3A_1998 : vector<16xi32>
      %mul3A_2000 = arith.constant 3969 : i32
      %mul3A_2001 = vector.broadcast %mul3A_2000 : i32 to vector<16xi32>
      %mul3A_2002 = arith.muli %min3A_1995, %mul3A_2001 : vector<16xi32>
      %add3A_2003 = arith.addi %add3A_1999, %mul3A_2002 : vector<16xi32>
      %add3A_2004 = arith.constant 512191 : i32
      %add3A_2005 = vector.broadcast %add3A_2004 : i32 to vector<16xi32>
      %add3A_2006 = arith.addi %add3A_2003, %add3A_2005 : vector<16xi32>
      %add3A_2007 = arith.constant 512 : i32
      %add3A_2008 = arith.addi %add3A_2007, %mul3A_1968 : i32
      %swap3A = arith.index_cast %add3A_2008 : i32 to index
      %swap3A_2009 = tpu.vector_load %arg18[%swap3A] {strides = array<i32>} : memref<4096xi32, #tpu.memory_space<vmem>>, vector<16xi32>,
      %swap3A_2010 = vector.shape_cast %swap3A_2009 : vector<16xi32> to vector<16xi32>
      %swap3A_2011 = vector.shape_cast %add3A_2006 : vector<16xi32> to vector<16xi32>
      tpu.vector_store %arg18[%swap3A], %swap3A_2011 {strides = array<i32>} : memref<4096xi32, #tpu.memory_space<vmem>>, vector<16xi32>,
    }
    %scan3A_689 = arith.constant 32 : i32
    %scan3A_690 = arith.constant 0 : i32
    %scan3A_691 = arith.constant 0 : i32
    %scan3A_692 = arith.constant 32 : i32
    %scan3A_693 = arith.addi %scan3A_691, %scan3A_692 : i32
    %scan3A_694 = arith.constant 1 : i32
    scf.for %scan3A_1966 = %scan3A_691 to %scan3A_693 step %scan3A_694  : i32 {
      %mul3A_1967 = arith.constant 16 : i32
      %mul3A_1968 = arith.muli %scan3A_1966, %mul3A_1967 : i32
      %get3A = arith.index_cast %mul3A_1968 : i32 to index
      %get3A_1969 = tpu.vector_load %arg10[%get3A] {strides = array<i32>} : memref<512xf32, #tpu.memory_space<vmem>>, vector<16xf32>,
      %get3A_1970 = vector.shape_cast %get3A_1969 : vector<16xf32> to vector<16xf32>
      %add3A_1971 = arith.constant 2.500000e-01 : f32
      %add3A_1972 = vector.broadcast %add3A_1971 : f32 to vector<16xf32>
      %add3A_1973 = arith.addf %get3A_1970, %add3A_1972 : vector<16xf32>
      %convert_element_type3A = arith.fptosi %add3A_1973 : vector<16xf32> to vector<16xi32>
      %min3A = arith.constant 62 : i32
      %min3A_1974 = vector.broadcast %min3A : i32 to vector<16xi32>
      %min3A_1975 = arith.minsi %convert_element_type3A, %min3A_1974 : vector<16xi32>
      %get3A_1976 = arith.index_cast %mul3A_1968 : i32 to index
      %get3A_1977 = tpu.vector_load %arg11[%get3A_1976] {strides = array<i32>} : memref<512xf32, #tpu.memory_space<vmem>>, vector<16xf32>,
      %get3A_1978 = vector.shape_cast %get3A_1977 : vector<16xf32> to vector<16xf32>
      %add3A_1979 = arith.constant 2.500000e-01 : f32
      %add3A_1980 = vector.broadcast %add3A_1979 : f32 to vector<16xf32>
      %add3A_1981 = arith.addf %get3A_1978, %add3A_1980 : vector<16xf32>
      %convert_element_type3A_1982 = arith.fptosi %add3A_1981 : vector<16xf32> to vector<16xi32>
      %min3A_1983 = arith.constant 62 : i32
      %min3A_1984 = vector.broadcast %min3A_1983 : i32 to vector<16xi32>
      %min3A_1985 = arith.minsi %convert_element_type3A_1982, %min3A_1984 : vector<16xi32>
      %get3A_1986 = arith.index_cast %mul3A_1968 : i32 to index
      %get3A_1987 = tpu.vector_load %arg12[%get3A_1986] {strides = array<i32>} : memref<512xf32, #tpu.memory_space<vmem>>, vector<16xf32>,
      %get3A_1988 = vector.shape_cast %get3A_1987 : vector<16xf32> to vector<16xf32>
      %add3A_1989 = arith.constant 2.500000e-01 : f32
      %add3A_1990 = vector.broadcast %add3A_1989 : f32 to vector<16xf32>
      %add3A_1991 = arith.addf %get3A_1988, %add3A_1990 : vector<16xf32>
      %convert_element_type3A_1992 = arith.fptosi %add3A_1991 : vector<16xf32> to vector<16xi32>
      %min3A_1993 = arith.constant 62 : i32
      %min3A_1994 = vector.broadcast %min3A_1993 : i32 to vector<16xi32>
      %min3A_1995 = arith.minsi %convert_element_type3A_1992, %min3A_1994 : vector<16xi32>
      %mul3A_1996 = arith.constant 63 : i32
      %mul3A_1997 = vector.broadcast %mul3A_1996 : i32 to vector<16xi32>
      %mul3A_1998 = arith.muli %min3A_1985, %mul3A_1997 : vector<16xi32>
      %add3A_1999 = arith.addi %min3A_1975, %mul3A_1998 : vector<16xi32>
      %mul3A_2000 = arith.constant 3969 : i32
      %mul3A_2001 = vector.broadcast %mul3A_2000 : i32 to vector<16xi32>
      %mul3A_2002 = arith.muli %min3A_1995, %mul3A_2001 : vector<16xi32>
      %add3A_2003 = arith.addi %add3A_1999, %mul3A_2002 : vector<16xi32>
      %add3A_2004 = arith.constant 762238 : i32
      %add3A_2005 = vector.broadcast %add3A_2004 : i32 to vector<16xi32>
      %add3A_2006 = arith.addi %add3A_2003, %add3A_2005 : vector<16xi32>
      %add3A_2007 = arith.constant 1024 : i32
      %add3A_2008 = arith.addi %add3A_2007, %mul3A_1968 : i32
      %swap3A = arith.index_cast %add3A_2008 : i32 to index
      %swap3A_2009 = tpu.vector_load %arg18[%swap3A] {strides = array<i32>} : memref<4096xi32, #tpu.memory_space<vmem>>, vector<16xi32>,
      %swap3A_2010 = vector.shape_cast %swap3A_2009 : vector<16xi32> to vector<16xi32>
      %swap3A_2011 = vector.shape_cast %add3A_2006 : vector<16xi32> to vector<16xi32>
      tpu.vector_store %arg18[%swap3A], %swap3A_2011 {strides = array<i32>} : memref<4096xi32, #tpu.memory_space<vmem>>, vector<16xi32>,
    }
    %scan3A_695 = arith.constant 32 : i32
    %scan3A_696 = arith.constant 0 : i32
    %scan3A_697 = arith.constant 0 : i32
    %scan3A_698 = arith.constant 32 : i32
    %scan3A_699 = arith.addi %scan3A_697, %scan3A_698 : i32
    %scan3A_700 = arith.constant 1 : i32
    scf.for %scan3A_1966 = %scan3A_697 to %scan3A_699 step %scan3A_700  : i32 {
      %mul3A_1967 = arith.constant 16 : i32
      %mul3A_1968 = arith.muli %scan3A_1966, %mul3A_1967 : i32
      %get3A = arith.index_cast %mul3A_1968 : i32 to index
      %get3A_1969 = tpu.vector_load %arg10[%get3A] {strides = array<i32>} : memref<512xf32, #tpu.memory_space<vmem>>, vector<16xf32>,
      %get3A_1970 = vector.shape_cast %get3A_1969 : vector<16xf32> to vector<16xf32>
      %add3A_1971 = arith.constant 3.750000e-01 : f32
      %add3A_1972 = vector.broadcast %add3A_1971 : f32 to vector<16xf32>
      %add3A_1973 = arith.addf %get3A_1970, %add3A_1972 : vector<16xf32>
      %convert_element_type3A = arith.fptosi %add3A_1973 : vector<16xf32> to vector<16xi32>
      %min3A = arith.constant 62 : i32
      %min3A_1974 = vector.broadcast %min3A : i32 to vector<16xi32>
      %min3A_1975 = arith.minsi %convert_element_type3A, %min3A_1974 : vector<16xi32>
      %get3A_1976 = arith.index_cast %mul3A_1968 : i32 to index
      %get3A_1977 = tpu.vector_load %arg11[%get3A_1976] {strides = array<i32>} : memref<512xf32, #tpu.memory_space<vmem>>, vector<16xf32>,
      %get3A_1978 = vector.shape_cast %get3A_1977 : vector<16xf32> to vector<16xf32>
      %add3A_1979 = arith.constant 3.750000e-01 : f32
      %add3A_1980 = vector.broadcast %add3A_1979 : f32 to vector<16xf32>
      %add3A_1981 = arith.addf %get3A_1978, %add3A_1980 : vector<16xf32>
      %convert_element_type3A_1982 = arith.fptosi %add3A_1981 : vector<16xf32> to vector<16xi32>
      %min3A_1983 = arith.constant 62 : i32
      %min3A_1984 = vector.broadcast %min3A_1983 : i32 to vector<16xi32>
      %min3A_1985 = arith.minsi %convert_element_type3A_1982, %min3A_1984 : vector<16xi32>
      %get3A_1986 = arith.index_cast %mul3A_1968 : i32 to index
      %get3A_1987 = tpu.vector_load %arg12[%get3A_1986] {strides = array<i32>} : memref<512xf32, #tpu.memory_space<vmem>>, vector<16xf32>,
      %get3A_1988 = vector.shape_cast %get3A_1987 : vector<16xf32> to vector<16xf32>
      %add3A_1989 = arith.constant 3.750000e-01 : f32
      %add3A_1990 = vector.broadcast %add3A_1989 : f32 to vector<16xf32>
      %add3A_1991 = arith.addf %get3A_1988, %add3A_1990 : vector<16xf32>
      %convert_element_type3A_1992 = arith.fptosi %add3A_1991 : vector<16xf32> to vector<16xi32>
      %min3A_1993 = arith.constant 62 : i32
      %min3A_1994 = vector.broadcast %min3A_1993 : i32 to vector<16xi32>
      %min3A_1995 = arith.minsi %convert_element_type3A_1992, %min3A_1994 : vector<16xi32>
      %mul3A_1996 = arith.constant 63 : i32
      %mul3A_1997 = vector.broadcast %mul3A_1996 : i32 to vector<16xi32>
      %mul3A_1998 = arith.muli %min3A_1985, %mul3A_1997 : vector<16xi32>
      %add3A_1999 = arith.addi %min3A_1975, %mul3A_1998 : vector<16xi32>
      %mul3A_2000 = arith.constant 3969 : i32
      %mul3A_2001 = vector.broadcast %mul3A_2000 : i32 to vector<16xi32>
      %mul3A_2002 = arith.muli %min3A_1995, %mul3A_2001 : vector<16xi32>
      %add3A_2003 = arith.addi %add3A_1999, %mul3A_2002 : vector<16xi32>
      %add3A_2004 = arith.constant 1012285 : i32
      %add3A_2005 = vector.broadcast %add3A_2004 : i32 to vector<16xi32>
      %add3A_2006 = arith.addi %add3A_2003, %add3A_2005 : vector<16xi32>
      %add3A_2007 = arith.constant 1536 : i32
      %add3A_2008 = arith.addi %add3A_2007, %mul3A_1968 : i32
      %swap3A = arith.index_cast %add3A_2008 : i32 to index
      %swap3A_2009 = tpu.vector_load %arg18[%swap3A] {strides = array<i32>} : memref<4096xi32, #tpu.memory_space<vmem>>, vector<16xi32>,
      %swap3A_2010 = vector.shape_cast %swap3A_2009 : vector<16xi32> to vector<16xi32>
      %swap3A_2011 = vector.shape_cast %add3A_2006 : vector<16xi32> to vector<16xi32>
      tpu.vector_store %arg18[%swap3A], %swap3A_2011 {strides = array<i32>} : memref<4096xi32, #tpu.memory_space<vmem>>, vector<16xi32>,
    }
    %scan3A_701 = arith.constant 32 : i32
    %scan3A_702 = arith.constant 0 : i32
    %scan3A_703 = arith.constant 0 : i32
    %scan3A_704 = arith.constant 32 : i32
    %scan3A_705 = arith.addi %scan3A_703, %scan3A_704 : i32
    %scan3A_706 = arith.constant 1 : i32
    scf.for %scan3A_1966 = %scan3A_703 to %scan3A_705 step %scan3A_706  : i32 {
      %mul3A_1967 = arith.constant 16 : i32
      %mul3A_1968 = arith.muli %scan3A_1966, %mul3A_1967 : i32
      %get3A = arith.index_cast %mul3A_1968 : i32 to index
      %get3A_1969 = tpu.vector_load %arg10[%get3A] {strides = array<i32>} : memref<512xf32, #tpu.memory_space<vmem>>, vector<16xf32>,
      %get3A_1970 = vector.shape_cast %get3A_1969 : vector<16xf32> to vector<16xf32>
      %add3A_1971 = arith.constant 5.000000e-01 : f32
      %add3A_1972 = vector.broadcast %add3A_1971 : f32 to vector<16xf32>
      %add3A_1973 = arith.addf %get3A_1970, %add3A_1972 : vector<16xf32>
      %convert_element_type3A = arith.fptosi %add3A_1973 : vector<16xf32> to vector<16xi32>
      %min3A = arith.constant 62 : i32
      %min3A_1974 = vector.broadcast %min3A : i32 to vector<16xi32>
      %min3A_1975 = arith.minsi %convert_element_type3A, %min3A_1974 : vector<16xi32>
      %get3A_1976 = arith.index_cast %mul3A_1968 : i32 to index
      %get3A_1977 = tpu.vector_load %arg11[%get3A_1976] {strides = array<i32>} : memref<512xf32, #tpu.memory_space<vmem>>, vector<16xf32>,
      %get3A_1978 = vector.shape_cast %get3A_1977 : vector<16xf32> to vector<16xf32>
      %add3A_1979 = arith.constant 5.000000e-01 : f32
      %add3A_1980 = vector.broadcast %add3A_1979 : f32 to vector<16xf32>
      %add3A_1981 = arith.addf %get3A_1978, %add3A_1980 : vector<16xf32>
      %convert_element_type3A_1982 = arith.fptosi %add3A_1981 : vector<16xf32> to vector<16xi32>
      %min3A_1983 = arith.constant 62 : i32
      %min3A_1984 = vector.broadcast %min3A_1983 : i32 to vector<16xi32>
      %min3A_1985 = arith.minsi %convert_element_type3A_1982, %min3A_1984 : vector<16xi32>
      %get3A_1986 = arith.index_cast %mul3A_1968 : i32 to index
      %get3A_1987 = tpu.vector_load %arg12[%get3A_1986] {strides = array<i32>} : memref<512xf32, #tpu.memory_space<vmem>>, vector<16xf32>,
      %get3A_1988 = vector.shape_cast %get3A_1987 : vector<16xf32> to vector<16xf32>
      %add3A_1989 = arith.constant 5.000000e-01 : f32
      %add3A_1990 = vector.broadcast %add3A_1989 : f32 to vector<16xf32>
      %add3A_1991 = arith.addf %get3A_1988, %add3A_1990 : vector<16xf32>
      %convert_element_type3A_1992 = arith.fptosi %add3A_1991 : vector<16xf32> to vector<16xi32>
      %min3A_1993 = arith.constant 62 : i32
      %min3A_1994 = vector.broadcast %min3A_1993 : i32 to vector<16xi32>
      %min3A_1995 = arith.minsi %convert_element_type3A_1992, %min3A_1994 : vector<16xi32>
      %mul3A_1996 = arith.constant 63 : i32
      %mul3A_1997 = vector.broadcast %mul3A_1996 : i32 to vector<16xi32>
      %mul3A_1998 = arith.muli %min3A_1985, %mul3A_1997 : vector<16xi32>
      %add3A_1999 = arith.addi %min3A_1975, %mul3A_1998 : vector<16xi32>
      %mul3A_2000 = arith.constant 3969 : i32
      %mul3A_2001 = vector.broadcast %mul3A_2000 : i32 to vector<16xi32>
      %mul3A_2002 = arith.muli %min3A_1995, %mul3A_2001 : vector<16xi32>
      %add3A_2003 = arith.addi %add3A_1999, %mul3A_2002 : vector<16xi32>
      %add3A_2004 = arith.constant 262148 : i32
      %add3A_2005 = vector.broadcast %add3A_2004 : i32 to vector<16xi32>
      %add3A_2006 = arith.addi %add3A_2003, %add3A_2005 : vector<16xi32>
      %add3A_2007 = arith.constant 2048 : i32
      %add3A_2008 = arith.addi %add3A_2007, %mul3A_1968 : i32
      %swap3A = arith.index_cast %add3A_2008 : i32 to index
      %swap3A_2009 = tpu.vector_load %arg18[%swap3A] {strides = array<i32>} : memref<4096xi32, #tpu.memory_space<vmem>>, vector<16xi32>,
      %swap3A_2010 = vector.shape_cast %swap3A_2009 : vector<16xi32> to vector<16xi32>
      %swap3A_2011 = vector.shape_cast %add3A_2006 : vector<16xi32> to vector<16xi32>
      tpu.vector_store %arg18[%swap3A], %swap3A_2011 {strides = array<i32>} : memref<4096xi32, #tpu.memory_space<vmem>>, vector<16xi32>,
    }
    %scan3A_707 = arith.constant 32 : i32
    %scan3A_708 = arith.constant 0 : i32
    %scan3A_709 = arith.constant 0 : i32
    %scan3A_710 = arith.constant 32 : i32
    %scan3A_711 = arith.addi %scan3A_709, %scan3A_710 : i32
    %scan3A_712 = arith.constant 1 : i32
    scf.for %scan3A_1966 = %scan3A_709 to %scan3A_711 step %scan3A_712  : i32 {
      %mul3A_1967 = arith.constant 16 : i32
      %mul3A_1968 = arith.muli %scan3A_1966, %mul3A_1967 : i32
      %get3A = arith.index_cast %mul3A_1968 : i32 to index
      %get3A_1969 = tpu.vector_load %arg10[%get3A] {strides = array<i32>} : memref<512xf32, #tpu.memory_space<vmem>>, vector<16xf32>,
      %get3A_1970 = vector.shape_cast %get3A_1969 : vector<16xf32> to vector<16xf32>
      %add3A_1971 = arith.constant 6.250000e-01 : f32
      %add3A_1972 = vector.broadcast %add3A_1971 : f32 to vector<16xf32>
      %add3A_1973 = arith.addf %get3A_1970, %add3A_1972 : vector<16xf32>
      %convert_element_type3A = arith.fptosi %add3A_1973 : vector<16xf32> to vector<16xi32>
      %min3A = arith.constant 62 : i32
      %min3A_1974 = vector.broadcast %min3A : i32 to vector<16xi32>
      %min3A_1975 = arith.minsi %convert_element_type3A, %min3A_1974 : vector<16xi32>
      %get3A_1976 = arith.index_cast %mul3A_1968 : i32 to index
      %get3A_1977 = tpu.vector_load %arg11[%get3A_1976] {strides = array<i32>} : memref<512xf32, #tpu.memory_space<vmem>>, vector<16xf32>,
      %get3A_1978 = vector.shape_cast %get3A_1977 : vector<16xf32> to vector<16xf32>
      %add3A_1979 = arith.constant 6.250000e-01 : f32
      %add3A_1980 = vector.broadcast %add3A_1979 : f32 to vector<16xf32>
      %add3A_1981 = arith.addf %get3A_1978, %add3A_1980 : vector<16xf32>
      %convert_element_type3A_1982 = arith.fptosi %add3A_1981 : vector<16xf32> to vector<16xi32>
      %min3A_1983 = arith.constant 62 : i32
      %min3A_1984 = vector.broadcast %min3A_1983 : i32 to vector<16xi32>
      %min3A_1985 = arith.minsi %convert_element_type3A_1982, %min3A_1984 : vector<16xi32>
      %get3A_1986 = arith.index_cast %mul3A_1968 : i32 to index
      %get3A_1987 = tpu.vector_load %arg12[%get3A_1986] {strides = array<i32>} : memref<512xf32, #tpu.memory_space<vmem>>, vector<16xf32>,
      %get3A_1988 = vector.shape_cast %get3A_1987 : vector<16xf32> to vector<16xf32>
      %add3A_1989 = arith.constant 6.250000e-01 : f32
      %add3A_1990 = vector.broadcast %add3A_1989 : f32 to vector<16xf32>
      %add3A_1991 = arith.addf %get3A_1988, %add3A_1990 : vector<16xf32>
      %convert_element_type3A_1992 = arith.fptosi %add3A_1991 : vector<16xf32> to vector<16xi32>
      %min3A_1993 = arith.constant 62 : i32
      %min3A_1994 = vector.broadcast %min3A_1993 : i32 to vector<16xi32>
      %min3A_1995 = arith.minsi %convert_element_type3A_1992, %min3A_1994 : vector<16xi32>
      %mul3A_1996 = arith.constant 63 : i32
      %mul3A_1997 = vector.broadcast %mul3A_1996 : i32 to vector<16xi32>
      %mul3A_1998 = arith.muli %min3A_1985, %mul3A_1997 : vector<16xi32>
      %add3A_1999 = arith.addi %min3A_1975, %mul3A_1998 : vector<16xi32>
      %mul3A_2000 = arith.constant 3969 : i32
      %mul3A_2001 = vector.broadcast %mul3A_2000 : i32 to vector<16xi32>
      %mul3A_2002 = arith.muli %min3A_1995, %mul3A_2001 : vector<16xi32>
      %add3A_2003 = arith.addi %add3A_1999, %mul3A_2002 : vector<16xi32>
      %add3A_2004 = arith.constant 512195 : i32
      %add3A_2005 = vector.broadcast %add3A_2004 : i32 to vector<16xi32>
      %add3A_2006 = arith.addi %add3A_2003, %add3A_2005 : vector<16xi32>
      %add3A_2007 = arith.constant 2560 : i32
      %add3A_2008 = arith.addi %add3A_2007, %mul3A_1968 : i32
      %swap3A = arith.index_cast %add3A_2008 : i32 to index
      %swap3A_2009 = tpu.vector_load %arg18[%swap3A] {strides = array<i32>} : memref<4096xi32, #tpu.memory_space<vmem>>, vector<16xi32>,
      %swap3A_2010 = vector.shape_cast %swap3A_2009 : vector<16xi32> to vector<16xi32>
      %swap3A_2011 = vector.shape_cast %add3A_2006 : vector<16xi32> to vector<16xi32>
      tpu.vector_store %arg18[%swap3A], %swap3A_2011 {strides = array<i32>} : memref<4096xi32, #tpu.memory_space<vmem>>, vector<16xi32>,
    }
    %scan3A_713 = arith.constant 32 : i32
    %scan3A_714 = arith.constant 0 : i32
    %scan3A_715 = arith.constant 0 : i32
    %scan3A_716 = arith.constant 32 : i32
    %scan3A_717 = arith.addi %scan3A_715, %scan3A_716 : i32
    %scan3A_718 = arith.constant 1 : i32
    scf.for %scan3A_1966 = %scan3A_715 to %scan3A_717 step %scan3A_718  : i32 {
      %mul3A_1967 = arith.constant 16 : i32
      %mul3A_1968 = arith.muli %scan3A_1966, %mul3A_1967 : i32
      %get3A = arith.index_cast %mul3A_1968 : i32 to index
      %get3A_1969 = tpu.vector_load %arg10[%get3A] {strides = array<i32>} : memref<512xf32, #tpu.memory_space<vmem>>, vector<16xf32>,
      %get3A_1970 = vector.shape_cast %get3A_1969 : vector<16xf32> to vector<16xf32>
      %add3A_1971 = arith.constant 7.500000e-01 : f32
      %add3A_1972 = vector.broadcast %add3A_1971 : f32 to vector<16xf32>
      %add3A_1973 = arith.addf %get3A_1970, %add3A_1972 : vector<16xf32>
      %convert_element_type3A = arith.fptosi %add3A_1973 : vector<16xf32> to vector<16xi32>
      %min3A = arith.constant 62 : i32
      %min3A_1974 = vector.broadcast %min3A : i32 to vector<16xi32>
      %min3A_1975 = arith.minsi %convert_element_type3A, %min3A_1974 : vector<16xi32>
      %get3A_1976 = arith.index_cast %mul3A_1968 : i32 to index
      %get3A_1977 = tpu.vector_load %arg11[%get3A_1976] {strides = array<i32>} : memref<512xf32, #tpu.memory_space<vmem>>, vector<16xf32>,
      %get3A_1978 = vector.shape_cast %get3A_1977 : vector<16xf32> to vector<16xf32>
      %add3A_1979 = arith.constant 7.500000e-01 : f32
      %add3A_1980 = vector.broadcast %add3A_1979 : f32 to vector<16xf32>
      %add3A_1981 = arith.addf %get3A_1978, %add3A_1980 : vector<16xf32>
      %convert_element_type3A_1982 = arith.fptosi %add3A_1981 : vector<16xf32> to vector<16xi32>
      %min3A_1983 = arith.constant 62 : i32
      %min3A_1984 = vector.broadcast %min3A_1983 : i32 to vector<16xi32>
      %min3A_1985 = arith.minsi %convert_element_type3A_1982, %min3A_1984 : vector<16xi32>
      %get3A_1986 = arith.index_cast %mul3A_1968 : i32 to index
      %get3A_1987 = tpu.vector_load %arg12[%get3A_1986] {strides = array<i32>} : memref<512xf32, #tpu.memory_space<vmem>>, vector<16xf32>,
      %get3A_1988 = vector.shape_cast %get3A_1987 : vector<16xf32> to vector<16xf32>
      %add3A_1989 = arith.constant 7.500000e-01 : f32
      %add3A_1990 = vector.broadcast %add3A_1989 : f32 to vector<16xf32>
      %add3A_1991 = arith.addf %get3A_1988, %add3A_1990 : vector<16xf32>
      %convert_element_type3A_1992 = arith.fptosi %add3A_1991 : vector<16xf32> to vector<16xi32>
      %min3A_1993 = arith.constant 62 : i32
      %min3A_1994 = vector.broadcast %min3A_1993 : i32 to vector<16xi32>
      %min3A_1995 = arith.minsi %convert_element_type3A_1992, %min3A_1994 : vector<16xi32>
      %mul3A_1996 = arith.constant 63 : i32
      %mul3A_1997 = vector.broadcast %mul3A_1996 : i32 to vector<16xi32>
      %mul3A_1998 = arith.muli %min3A_1985, %mul3A_1997 : vector<16xi32>
      %add3A_1999 = arith.addi %min3A_1975, %mul3A_1998 : vector<16xi32>
      %mul3A_2000 = arith.constant 3969 : i32
      %mul3A_2001 = vector.broadcast %mul3A_2000 : i32 to vector<16xi32>
      %mul3A_2002 = arith.muli %min3A_1995, %mul3A_2001 : vector<16xi32>
      %add3A_2003 = arith.addi %add3A_1999, %mul3A_2002 : vector<16xi32>
      %add3A_2004 = arith.constant 762242 : i32
      %add3A_2005 = vector.broadcast %add3A_2004 : i32 to vector<16xi32>
      %add3A_2006 = arith.addi %add3A_2003, %add3A_2005 : vector<16xi32>
      %add3A_2007 = arith.constant 3072 : i32
      %add3A_2008 = arith.addi %add3A_2007, %mul3A_1968 : i32
      %swap3A = arith.index_cast %add3A_2008 : i32 to index
      %swap3A_2009 = tpu.vector_load %arg18[%swap3A] {strides = array<i32>} : memref<4096xi32, #tpu.memory_space<vmem>>, vector<16xi32>,
      %swap3A_2010 = vector.shape_cast %swap3A_2009 : vector<16xi32> to vector<16xi32>
      %swap3A_2011 = vector.shape_cast %add3A_2006 : vector<16xi32> to vector<16xi32>
      tpu.vector_store %arg18[%swap3A], %swap3A_2011 {strides = array<i32>} : memref<4096xi32, #tpu.memory_space<vmem>>, vector<16xi32>,
    }
    %scan3A_719 = arith.constant 32 : i32
    %scan3A_720 = arith.constant 0 : i32
    %scan3A_721 = arith.constant 0 : i32
    %scan3A_722 = arith.constant 32 : i32
    %scan3A_723 = arith.addi %scan3A_721, %scan3A_722 : i32
    %scan3A_724 = arith.constant 1 : i32
    scf.for %scan3A_1966 = %scan3A_721 to %scan3A_723 step %scan3A_724  : i32 {
      %mul3A_1967 = arith.constant 16 : i32
      %mul3A_1968 = arith.muli %scan3A_1966, %mul3A_1967 : i32
      %get3A = arith.index_cast %mul3A_1968 : i32 to index
      %get3A_1969 = tpu.vector_load %arg10[%get3A] {strides = array<i32>} : memref<512xf32, #tpu.memory_space<vmem>>, vector<16xf32>,
      %get3A_1970 = vector.shape_cast %get3A_1969 : vector<16xf32> to vector<16xf32>
      %add3A_1971 = arith.constant 8.750000e-01 : f32
      %add3A_1972 = vector.broadcast %add3A_1971 : f32 to vector<16xf32>
      %add3A_1973 = arith.addf %get3A_1970, %add3A_1972 : vector<16xf32>
      %convert_element_type3A = arith.fptosi %add3A_1973 : vector<16xf32> to vector<16xi32>
      %min3A = arith.constant 62 : i32
      %min3A_1974 = vector.broadcast %min3A : i32 to vector<16xi32>
      %min3A_1975 = arith.minsi %convert_element_type3A, %min3A_1974 : vector<16xi32>
      %get3A_1976 = arith.index_cast %mul3A_1968 : i32 to index
      %get3A_1977 = tpu.vector_load %arg11[%get3A_1976] {strides = array<i32>} : memref<512xf32, #tpu.memory_space<vmem>>, vector<16xf32>,
      %get3A_1978 = vector.shape_cast %get3A_1977 : vector<16xf32> to vector<16xf32>
      %add3A_1979 = arith.constant 8.750000e-01 : f32
      %add3A_1980 = vector.broadcast %add3A_1979 : f32 to vector<16xf32>
      %add3A_1981 = arith.addf %get3A_1978, %add3A_1980 : vector<16xf32>
      %convert_element_type3A_1982 = arith.fptosi %add3A_1981 : vector<16xf32> to vector<16xi32>
      %min3A_1983 = arith.constant 62 : i32
      %min3A_1984 = vector.broadcast %min3A_1983 : i32 to vector<16xi32>
      %min3A_1985 = arith.minsi %convert_element_type3A_1982, %min3A_1984 : vector<16xi32>
      %get3A_1986 = arith.index_cast %mul3A_1968 : i32 to index
      %get3A_1987 = tpu.vector_load %arg12[%get3A_1986] {strides = array<i32>} : memref<512xf32, #tpu.memory_space<vmem>>, vector<16xf32>,
      %get3A_1988 = vector.shape_cast %get3A_1987 : vector<16xf32> to vector<16xf32>
      %add3A_1989 = arith.constant 8.750000e-01 : f32
      %add3A_1990 = vector.broadcast %add3A_1989 : f32 to vector<16xf32>
      %add3A_1991 = arith.addf %get3A_1988, %add3A_1990 : vector<16xf32>
      %convert_element_type3A_1992 = arith.fptosi %add3A_1991 : vector<16xf32> to vector<16xi32>
      %min3A_1993 = arith.constant 62 : i32
      %min3A_1994 = vector.broadcast %min3A_1993 : i32 to vector<16xi32>
      %min3A_1995 = arith.minsi %convert_element_type3A_1992, %min3A_1994 : vector<16xi32>
      %mul3A_1996 = arith.constant 63 : i32
      %mul3A_1997 = vector.broadcast %mul3A_1996 : i32 to vector<16xi32>
      %mul3A_1998 = arith.muli %min3A_1985, %mul3A_1997 : vector<16xi32>
      %add3A_1999 = arith.addi %min3A_1975, %mul3A_1998 : vector<16xi32>
      %mul3A_2000 = arith.constant 3969 : i32
      %mul3A_2001 = vector.broadcast %mul3A_2000 : i32 to vector<16xi32>
      %mul3A_2002 = arith.muli %min3A_1995, %mul3A_2001 : vector<16xi32>
      %add3A_2003 = arith.addi %add3A_1999, %mul3A_2002 : vector<16xi32>
      %add3A_2004 = arith.constant 1012289 : i32
      %add3A_2005 = vector.broadcast %add3A_2004 : i32 to vector<16xi32>
      %add3A_2006 = arith.addi %add3A_2003, %add3A_2005 : vector<16xi32>
      %add3A_2007 = arith.constant 3584 : i32
      %add3A_2008 = arith.addi %add3A_2007, %mul3A_1968 : i32
      %swap3A = arith.index_cast %add3A_2008 : i32 to index
      %swap3A_2009 = tpu.vector_load %arg18[%swap3A] {strides = array<i32>} : memref<4096xi32, #tpu.memory_space<vmem>>, vector<16xi32>,
      %swap3A_2010 = vector.shape_cast %swap3A_2009 : vector<16xi32> to vector<16xi32>
      %swap3A_2011 = vector.shape_cast %add3A_2006 : vector<16xi32> to vector<16xi32>
      tpu.vector_store %arg18[%swap3A], %swap3A_2011 {strides = array<i32>} : memref<4096xi32, #tpu.memory_space<vmem>>, vector<16xi32>,
    }
    %scan3A_725 = arith.constant 32 : i32
    %barrier3A_726 = arith.constant 0 : index
    tpu.barrier barrier_id(%barrier3A_726)
    "tpu.trace_start"() <{level = 10 : i32, message = "ph_stage_wp"}> : () -> ()
    %mul3A_727 = arith.constant 62512 : i32
    %mul3A_728 = arith.muli %arg1, %mul3A_727 : i32
    %add3A_729 = arith.constant 0 : i32
    %add3A_730 = arith.addi %add3A_729, %mul3A_728 : i32
    %add3A_731 = arith.constant 0 : i32
    %add3A_732 = arith.addi %add3A_730, %add3A_731 : i32
    %dma_start3A_733 = arith.constant 0 : i32
    %dma_start3A_734 = tpu.memref_slice %arg22[%dma_start3A_733] : memref<8192xf32, #tpu.memory_space<vmem>> -> memref<8192xf32, #tpu.memory_space<vmem>>
    %dma_start3A_735 = tpu.memref_slice %arg5[%add3A_732] : memref<2000376xf32, #tpu.memory_space<hbm>> -> memref<8192xf32, #tpu.memory_space<hbm>>
    %dma_start3A_736 = arith.constant 0 : i32
    %dma_start3A_737 = tpu.memref_slice %arg22[%dma_start3A_736] : memref<8192xf32, #tpu.memory_space<vmem>> -> memref<8192xf32, #tpu.memory_space<vmem>>
    %dma_start3A_738 = tpu.memref_slice %arg5[%add3A_732] : memref<2000376xf32, #tpu.memory_space<hbm>> -> memref<8192xf32, #tpu.memory_space<hbm>>
    tpu.enqueue_dma source(%dma_start3A_738 : memref<8192xf32, #tpu.memory_space<hbm>>) target(%dma_start3A_737 : memref<8192xf32, #tpu.memory_space<vmem>>) target_semaphore(%arg24 : memref<!tpu.dma_semaphore, #tpu.memory_space<semaphore_mem>>)
    %dma_wait3A_739 = arith.constant 0 : i32
    %dma_wait3A_740 = tpu.memref_slice %arg22[%dma_wait3A_739] : memref<8192xf32, #tpu.memory_space<vmem>> -> memref<8192xf32, #tpu.memory_space<vmem>>
    %dma_wait3A_741 = tpu.memref_slice %arg5[%add3A_732] : memref<2000376xf32, #tpu.memory_space<hbm>> -> memref<8192xf32, #tpu.memory_space<hbm>>
    %dma_wait3A_742 = arith.constant 0 : i32
    %dma_wait3A_743 = tpu.memref_slice %arg22[%dma_wait3A_742] : memref<8192xf32, #tpu.memory_space<vmem>> -> memref<8192xf32, #tpu.memory_space<vmem>>
    %dma_wait3A_744 = tpu.memref_slice %arg5[%add3A_732] : memref<2000376xf32, #tpu.memory_space<hbm>> -> memref<8192xf32, #tpu.memory_space<hbm>>
    tpu.wait_dma2 semaphore(%arg24 : memref<!tpu.dma_semaphore, #tpu.memory_space<semaphore_mem>>) src(%dma_wait3A_744 : memref<8192xf32, #tpu.memory_space<hbm>>) dst(%dma_wait3A_743 : memref<8192xf32, #tpu.memory_space<vmem>>)
    %mul3A_745 = arith.constant 62512 : i32
    %mul3A_746 = arith.muli %arg1, %mul3A_745 : i32
    %add3A_747 = arith.constant 262144 : i32
    %add3A_748 = arith.addi %add3A_747, %mul3A_746 : i32
    %add3A_749 = arith.constant 0 : i32
    %add3A_750 = arith.addi %add3A_748, %add3A_749 : i32
    %dma_start3A_751 = arith.constant 0 : i32
    %dma_start3A_752 = tpu.memref_slice %arg22[%dma_start3A_751] : memref<8192xf32, #tpu.memory_space<vmem>> -> memref<8192xf32, #tpu.memory_space<vmem>>
    %dma_start3A_753 = tpu.memref_slice %arg7[%add3A_750] : memref<1310720xf32, #tpu.memory_space<vmem_shared>> -> memref<8192xf32, #tpu.memory_space<vmem_shared>>
    %dma_start3A_754 = tpu.memref_slice %arg7[%add3A_750] : memref<1310720xf32, #tpu.memory_space<vmem_shared>> -> memref<8192xf32, #tpu.memory_space<vmem_shared>>
    %dma_start3A_755 = arith.constant 0 : i32
    %dma_start3A_756 = tpu.memref_slice %arg22[%dma_start3A_755] : memref<8192xf32, #tpu.memory_space<vmem>> -> memref<8192xf32, #tpu.memory_space<vmem>>
    tpu.enqueue_dma source(%dma_start3A_756 : memref<8192xf32, #tpu.memory_space<vmem>>) target(%dma_start3A_754 : memref<8192xf32, #tpu.memory_space<vmem_shared>>) target_semaphore(%arg25 : memref<!tpu.dma_semaphore, #tpu.memory_space<semaphore_mem>>)
    %mul3A_757 = arith.constant 62512 : i32
    %mul3A_758 = arith.muli %arg1, %mul3A_757 : i32
    %add3A_759 = arith.constant 0 : i32
    %add3A_760 = arith.addi %add3A_759, %mul3A_758 : i32
    %add3A_761 = arith.constant 8192 : i32
    %add3A_762 = arith.addi %add3A_760, %add3A_761 : i32
    %dma_start3A_763 = arith.constant 0 : i32
    %dma_start3A_764 = tpu.memref_slice %arg23[%dma_start3A_763] : memref<8192xf32, #tpu.memory_space<vmem>> -> memref<8192xf32, #tpu.memory_space<vmem>>
    %dma_start3A_765 = tpu.memref_slice %arg5[%add3A_762] : memref<2000376xf32, #tpu.memory_space<hbm>> -> memref<8192xf32, #tpu.memory_space<hbm>>
    %dma_start3A_766 = arith.constant 0 : i32
    %dma_start3A_767 = tpu.memref_slice %arg23[%dma_start3A_766] : memref<8192xf32, #tpu.memory_space<vmem>> -> memref<8192xf32, #tpu.memory_space<vmem>>
    %dma_start3A_768 = tpu.memref_slice %arg5[%add3A_762] : memref<2000376xf32, #tpu.memory_space<hbm>> -> memref<8192xf32, #tpu.memory_space<hbm>>
    tpu.enqueue_dma source(%dma_start3A_768 : memref<8192xf32, #tpu.memory_space<hbm>>) target(%dma_start3A_767 : memref<8192xf32, #tpu.memory_space<vmem>>) target_semaphore(%arg24 : memref<!tpu.dma_semaphore, #tpu.memory_space<semaphore_mem>>)
    %dma_wait3A_769 = arith.constant 0 : i32
    %dma_wait3A_770 = tpu.memref_slice %arg23[%dma_wait3A_769] : memref<8192xf32, #tpu.memory_space<vmem>> -> memref<8192xf32, #tpu.memory_space<vmem>>
    %dma_wait3A_771 = tpu.memref_slice %arg5[%add3A_762] : memref<2000376xf32, #tpu.memory_space<hbm>> -> memref<8192xf32, #tpu.memory_space<hbm>>
    %dma_wait3A_772 = arith.constant 0 : i32
    %dma_wait3A_773 = tpu.memref_slice %arg23[%dma_wait3A_772] : memref<8192xf32, #tpu.memory_space<vmem>> -> memref<8192xf32, #tpu.memory_space<vmem>>
    %dma_wait3A_774 = tpu.memref_slice %arg5[%add3A_762] : memref<2000376xf32, #tpu.memory_space<hbm>> -> memref<8192xf32, #tpu.memory_space<hbm>>
    tpu.wait_dma2 semaphore(%arg24 : memref<!tpu.dma_semaphore, #tpu.memory_space<semaphore_mem>>) src(%dma_wait3A_774 : memref<8192xf32, #tpu.memory_space<hbm>>) dst(%dma_wait3A_773 : memref<8192xf32, #tpu.memory_space<vmem>>)
    %mul3A_775 = arith.constant 62512 : i32
    %mul3A_776 = arith.muli %arg1, %mul3A_775 : i32
    %add3A_777 = arith.constant 262144 : i32
    %add3A_778 = arith.addi %add3A_777, %mul3A_776 : i32
    %add3A_779 = arith.constant 8192 : i32
    %add3A_780 = arith.addi %add3A_778, %add3A_779 : i32
    %dma_start3A_781 = arith.constant 0 : i32
    %dma_start3A_782 = tpu.memref_slice %arg23[%dma_start3A_781] : memref<8192xf32, #tpu.memory_space<vmem>> -> memref<8192xf32, #tpu.memory_space<vmem>>
    %dma_start3A_783 = tpu.memref_slice %arg7[%add3A_780] : memref<1310720xf32, #tpu.memory_space<vmem_shared>> -> memref<8192xf32, #tpu.memory_space<vmem_shared>>
    %dma_start3A_784 = tpu.memref_slice %arg7[%add3A_780] : memref<1310720xf32, #tpu.memory_space<vmem_shared>> -> memref<8192xf32, #tpu.memory_space<vmem_shared>>
    %dma_start3A_785 = arith.constant 0 : i32
    %dma_start3A_786 = tpu.memref_slice %arg23[%dma_start3A_785] : memref<8192xf32, #tpu.memory_space<vmem>> -> memref<8192xf32, #tpu.memory_space<vmem>>
    tpu.enqueue_dma source(%dma_start3A_786 : memref<8192xf32, #tpu.memory_space<vmem>>) target(%dma_start3A_784 : memref<8192xf32, #tpu.memory_space<vmem_shared>>) target_semaphore(%arg25 : memref<!tpu.dma_semaphore, #tpu.memory_space<semaphore_mem>>)
    %dma_wait3A_787 = arith.constant 0 : i32
    %dma_wait3A_788 = tpu.memref_slice %arg22[%dma_wait3A_787] : memref<8192xf32, #tpu.memory_space<vmem>> -> memref<8192xf32, #tpu.memory_space<vmem>>
    %dma_wait3A_789 = tpu.memref_slice %arg7[%add3A_750] : memref<1310720xf32, #tpu.memory_space<vmem_shared>> -> memref<8192xf32, #tpu.memory_space<vmem_shared>>
    %dma_wait3A_790 = tpu.memref_slice %arg7[%add3A_750] : memref<1310720xf32, #tpu.memory_space<vmem_shared>> -> memref<8192xf32, #tpu.memory_space<vmem_shared>>
    %dma_wait3A_791 = arith.constant 0 : i32
    %dma_wait3A_792 = tpu.memref_slice %arg22[%dma_wait3A_791] : memref<8192xf32, #tpu.memory_space<vmem>> -> memref<8192xf32, #tpu.memory_space<vmem>>
    tpu.wait_dma2 semaphore(%arg25 : memref<!tpu.dma_semaphore, #tpu.memory_space<semaphore_mem>>) src(%dma_wait3A_792 : memref<8192xf32, #tpu.memory_space<vmem>>) dst(%dma_wait3A_790 : memref<8192xf32, #tpu.memory_space<vmem_shared>>)
    %mul3A_793 = arith.constant 62512 : i32
    %mul3A_794 = arith.muli %arg1, %mul3A_793 : i32
    %add3A_795 = arith.constant 0 : i32
    %add3A_796 = arith.addi %add3A_795, %mul3A_794 : i32
    %add3A_797 = arith.constant 16384 : i32
    %add3A_798 = arith.addi %add3A_796, %add3A_797 : i32
    %dma_start3A_799 = arith.constant 0 : i32
    %dma_start3A_800 = tpu.memref_slice %arg22[%dma_start3A_799] : memref<8192xf32, #tpu.memory_space<vmem>> -> memref<8192xf32, #tpu.memory_space<vmem>>
    %dma_start3A_801 = tpu.memref_slice %arg5[%add3A_798] : memref<2000376xf32, #tpu.memory_space<hbm>> -> memref<8192xf32, #tpu.memory_space<hbm>>
    %dma_start3A_802 = arith.constant 0 : i32
    %dma_start3A_803 = tpu.memref_slice %arg22[%dma_start3A_802] : memref<8192xf32, #tpu.memory_space<vmem>> -> memref<8192xf32, #tpu.memory_space<vmem>>
    %dma_start3A_804 = tpu.memref_slice %arg5[%add3A_798] : memref<2000376xf32, #tpu.memory_space<hbm>> -> memref<8192xf32, #tpu.memory_space<hbm>>
    tpu.enqueue_dma source(%dma_start3A_804 : memref<8192xf32, #tpu.memory_space<hbm>>) target(%dma_start3A_803 : memref<8192xf32, #tpu.memory_space<vmem>>) target_semaphore(%arg24 : memref<!tpu.dma_semaphore, #tpu.memory_space<semaphore_mem>>)
    %dma_wait3A_805 = arith.constant 0 : i32
    %dma_wait3A_806 = tpu.memref_slice %arg22[%dma_wait3A_805] : memref<8192xf32, #tpu.memory_space<vmem>> -> memref<8192xf32, #tpu.memory_space<vmem>>
    %dma_wait3A_807 = tpu.memref_slice %arg5[%add3A_798] : memref<2000376xf32, #tpu.memory_space<hbm>> -> memref<8192xf32, #tpu.memory_space<hbm>>
    %dma_wait3A_808 = arith.constant 0 : i32
    %dma_wait3A_809 = tpu.memref_slice %arg22[%dma_wait3A_808] : memref<8192xf32, #tpu.memory_space<vmem>> -> memref<8192xf32, #tpu.memory_space<vmem>>
    %dma_wait3A_810 = tpu.memref_slice %arg5[%add3A_798] : memref<2000376xf32, #tpu.memory_space<hbm>> -> memref<8192xf32, #tpu.memory_space<hbm>>
    tpu.wait_dma2 semaphore(%arg24 : memref<!tpu.dma_semaphore, #tpu.memory_space<semaphore_mem>>) src(%dma_wait3A_810 : memref<8192xf32, #tpu.memory_space<hbm>>) dst(%dma_wait3A_809 : memref<8192xf32, #tpu.memory_space<vmem>>)
    %mul3A_811 = arith.constant 62512 : i32
    %mul3A_812 = arith.muli %arg1, %mul3A_811 : i32
    %add3A_813 = arith.constant 262144 : i32
    %add3A_814 = arith.addi %add3A_813, %mul3A_812 : i32
    %add3A_815 = arith.constant 16384 : i32
    %add3A_816 = arith.addi %add3A_814, %add3A_815 : i32
    %dma_start3A_817 = arith.constant 0 : i32
    %dma_start3A_818 = tpu.memref_slice %arg22[%dma_start3A_817] : memref<8192xf32, #tpu.memory_space<vmem>> -> memref<8192xf32, #tpu.memory_space<vmem>>
    %dma_start3A_819 = tpu.memref_slice %arg7[%add3A_816] : memref<1310720xf32, #tpu.memory_space<vmem_shared>> -> memref<8192xf32, #tpu.memory_space<vmem_shared>>
    %dma_start3A_820 = tpu.memref_slice %arg7[%add3A_816] : memref<1310720xf32, #tpu.memory_space<vmem_shared>> -> memref<8192xf32, #tpu.memory_space<vmem_shared>>
    %dma_start3A_821 = arith.constant 0 : i32
    %dma_start3A_822 = tpu.memref_slice %arg22[%dma_start3A_821] : memref<8192xf32, #tpu.memory_space<vmem>> -> memref<8192xf32, #tpu.memory_space<vmem>>
    tpu.enqueue_dma source(%dma_start3A_822 : memref<8192xf32, #tpu.memory_space<vmem>>) target(%dma_start3A_820 : memref<8192xf32, #tpu.memory_space<vmem_shared>>) target_semaphore(%arg25 : memref<!tpu.dma_semaphore, #tpu.memory_space<semaphore_mem>>)
    %dma_wait3A_823 = arith.constant 0 : i32
    %dma_wait3A_824 = tpu.memref_slice %arg23[%dma_wait3A_823] : memref<8192xf32, #tpu.memory_space<vmem>> -> memref<8192xf32, #tpu.memory_space<vmem>>
    %dma_wait3A_825 = tpu.memref_slice %arg7[%add3A_780] : memref<1310720xf32, #tpu.memory_space<vmem_shared>> -> memref<8192xf32, #tpu.memory_space<vmem_shared>>
    %dma_wait3A_826 = tpu.memref_slice %arg7[%add3A_780] : memref<1310720xf32, #tpu.memory_space<vmem_shared>> -> memref<8192xf32, #tpu.memory_space<vmem_shared>>
    %dma_wait3A_827 = arith.constant 0 : i32
    %dma_wait3A_828 = tpu.memref_slice %arg23[%dma_wait3A_827] : memref<8192xf32, #tpu.memory_space<vmem>> -> memref<8192xf32, #tpu.memory_space<vmem>>
    tpu.wait_dma2 semaphore(%arg25 : memref<!tpu.dma_semaphore, #tpu.memory_space<semaphore_mem>>) src(%dma_wait3A_828 : memref<8192xf32, #tpu.memory_space<vmem>>) dst(%dma_wait3A_826 : memref<8192xf32, #tpu.memory_space<vmem_shared>>)
    %mul3A_829 = arith.constant 62512 : i32
    %mul3A_830 = arith.muli %arg1, %mul3A_829 : i32
    %add3A_831 = arith.constant 0 : i32
    %add3A_832 = arith.addi %add3A_831, %mul3A_830 : i32
    %add3A_833 = arith.constant 24576 : i32
    %add3A_834 = arith.addi %add3A_832, %add3A_833 : i32
    %dma_start3A_835 = arith.constant 0 : i32
    %dma_start3A_836 = tpu.memref_slice %arg23[%dma_start3A_835] : memref<8192xf32, #tpu.memory_space<vmem>> -> memref<8192xf32, #tpu.memory_space<vmem>>
    %dma_start3A_837 = tpu.memref_slice %arg5[%add3A_834] : memref<2000376xf32, #tpu.memory_space<hbm>> -> memref<8192xf32, #tpu.memory_space<hbm>>
    %dma_start3A_838 = arith.constant 0 : i32
    %dma_start3A_839 = tpu.memref_slice %arg23[%dma_start3A_838] : memref<8192xf32, #tpu.memory_space<vmem>> -> memref<8192xf32, #tpu.memory_space<vmem>>
    %dma_start3A_840 = tpu.memref_slice %arg5[%add3A_834] : memref<2000376xf32, #tpu.memory_space<hbm>> -> memref<8192xf32, #tpu.memory_space<hbm>>
    tpu.enqueue_dma source(%dma_start3A_840 : memref<8192xf32, #tpu.memory_space<hbm>>) target(%dma_start3A_839 : memref<8192xf32, #tpu.memory_space<vmem>>) target_semaphore(%arg24 : memref<!tpu.dma_semaphore, #tpu.memory_space<semaphore_mem>>)
    %dma_wait3A_841 = arith.constant 0 : i32
    %dma_wait3A_842 = tpu.memref_slice %arg23[%dma_wait3A_841] : memref<8192xf32, #tpu.memory_space<vmem>> -> memref<8192xf32, #tpu.memory_space<vmem>>
    %dma_wait3A_843 = tpu.memref_slice %arg5[%add3A_834] : memref<2000376xf32, #tpu.memory_space<hbm>> -> memref<8192xf32, #tpu.memory_space<hbm>>
    %dma_wait3A_844 = arith.constant 0 : i32
    %dma_wait3A_845 = tpu.memref_slice %arg23[%dma_wait3A_844] : memref<8192xf32, #tpu.memory_space<vmem>> -> memref<8192xf32, #tpu.memory_space<vmem>>
    %dma_wait3A_846 = tpu.memref_slice %arg5[%add3A_834] : memref<2000376xf32, #tpu.memory_space<hbm>> -> memref<8192xf32, #tpu.memory_space<hbm>>
    tpu.wait_dma2 semaphore(%arg24 : memref<!tpu.dma_semaphore, #tpu.memory_space<semaphore_mem>>) src(%dma_wait3A_846 : memref<8192xf32, #tpu.memory_space<hbm>>) dst(%dma_wait3A_845 : memref<8192xf32, #tpu.memory_space<vmem>>)
    %mul3A_847 = arith.constant 62512 : i32
    %mul3A_848 = arith.muli %arg1, %mul3A_847 : i32
    %add3A_849 = arith.constant 262144 : i32
    %add3A_850 = arith.addi %add3A_849, %mul3A_848 : i32
    %add3A_851 = arith.constant 24576 : i32
    %add3A_852 = arith.addi %add3A_850, %add3A_851 : i32
    %dma_start3A_853 = arith.constant 0 : i32
    %dma_start3A_854 = tpu.memref_slice %arg23[%dma_start3A_853] : memref<8192xf32, #tpu.memory_space<vmem>> -> memref<8192xf32, #tpu.memory_space<vmem>>
    %dma_start3A_855 = tpu.memref_slice %arg7[%add3A_852] : memref<1310720xf32, #tpu.memory_space<vmem_shared>> -> memref<8192xf32, #tpu.memory_space<vmem_shared>>
    %dma_start3A_856 = tpu.memref_slice %arg7[%add3A_852] : memref<1310720xf32, #tpu.memory_space<vmem_shared>> -> memref<8192xf32, #tpu.memory_space<vmem_shared>>
    %dma_start3A_857 = arith.constant 0 : i32
    %dma_start3A_858 = tpu.memref_slice %arg23[%dma_start3A_857] : memref<8192xf32, #tpu.memory_space<vmem>> -> memref<8192xf32, #tpu.memory_space<vmem>>
    tpu.enqueue_dma source(%dma_start3A_858 : memref<8192xf32, #tpu.memory_space<vmem>>) target(%dma_start3A_856 : memref<8192xf32, #tpu.memory_space<vmem_shared>>) target_semaphore(%arg25 : memref<!tpu.dma_semaphore, #tpu.memory_space<semaphore_mem>>)
    %dma_wait3A_859 = arith.constant 0 : i32
    %dma_wait3A_860 = tpu.memref_slice %arg22[%dma_wait3A_859] : memref<8192xf32, #tpu.memory_space<vmem>> -> memref<8192xf32, #tpu.memory_space<vmem>>
    %dma_wait3A_861 = tpu.memref_slice %arg7[%add3A_816] : memref<1310720xf32, #tpu.memory_space<vmem_shared>> -> memref<8192xf32, #tpu.memory_space<vmem_shared>>
    %dma_wait3A_862 = tpu.memref_slice %arg7[%add3A_816] : memref<1310720xf32, #tpu.memory_space<vmem_shared>> -> memref<8192xf32, #tpu.memory_space<vmem_shared>>
    %dma_wait3A_863 = arith.constant 0 : i32
    %dma_wait3A_864 = tpu.memref_slice %arg22[%dma_wait3A_863] : memref<8192xf32, #tpu.memory_space<vmem>> -> memref<8192xf32, #tpu.memory_space<vmem>>
    tpu.wait_dma2 semaphore(%arg25 : memref<!tpu.dma_semaphore, #tpu.memory_space<semaphore_mem>>) src(%dma_wait3A_864 : memref<8192xf32, #tpu.memory_space<vmem>>) dst(%dma_wait3A_862 : memref<8192xf32, #tpu.memory_space<vmem_shared>>)
    %mul3A_865 = arith.constant 62512 : i32
    %mul3A_866 = arith.muli %arg1, %mul3A_865 : i32
    %add3A_867 = arith.constant 0 : i32
    %add3A_868 = arith.addi %add3A_867, %mul3A_866 : i32
    %add3A_869 = arith.constant 32768 : i32
    %add3A_870 = arith.addi %add3A_868, %add3A_869 : i32
    %dma_start3A_871 = arith.constant 0 : i32
    %dma_start3A_872 = tpu.memref_slice %arg22[%dma_start3A_871] : memref<8192xf32, #tpu.memory_space<vmem>> -> memref<8192xf32, #tpu.memory_space<vmem>>
    %dma_start3A_873 = tpu.memref_slice %arg5[%add3A_870] : memref<2000376xf32, #tpu.memory_space<hbm>> -> memref<8192xf32, #tpu.memory_space<hbm>>
    %dma_start3A_874 = arith.constant 0 : i32
    %dma_start3A_875 = tpu.memref_slice %arg22[%dma_start3A_874] : memref<8192xf32, #tpu.memory_space<vmem>> -> memref<8192xf32, #tpu.memory_space<vmem>>
    %dma_start3A_876 = tpu.memref_slice %arg5[%add3A_870] : memref<2000376xf32, #tpu.memory_space<hbm>> -> memref<8192xf32, #tpu.memory_space<hbm>>
    tpu.enqueue_dma source(%dma_start3A_876 : memref<8192xf32, #tpu.memory_space<hbm>>) target(%dma_start3A_875 : memref<8192xf32, #tpu.memory_space<vmem>>) target_semaphore(%arg24 : memref<!tpu.dma_semaphore, #tpu.memory_space<semaphore_mem>>)
    %dma_wait3A_877 = arith.constant 0 : i32
    %dma_wait3A_878 = tpu.memref_slice %arg22[%dma_wait3A_877] : memref<8192xf32, #tpu.memory_space<vmem>> -> memref<8192xf32, #tpu.memory_space<vmem>>
    %dma_wait3A_879 = tpu.memref_slice %arg5[%add3A_870] : memref<2000376xf32, #tpu.memory_space<hbm>> -> memref<8192xf32, #tpu.memory_space<hbm>>
    %dma_wait3A_880 = arith.constant 0 : i32
    %dma_wait3A_881 = tpu.memref_slice %arg22[%dma_wait3A_880] : memref<8192xf32, #tpu.memory_space<vmem>> -> memref<8192xf32, #tpu.memory_space<vmem>>
    %dma_wait3A_882 = tpu.memref_slice %arg5[%add3A_870] : memref<2000376xf32, #tpu.memory_space<hbm>> -> memref<8192xf32, #tpu.memory_space<hbm>>
    tpu.wait_dma2 semaphore(%arg24 : memref<!tpu.dma_semaphore, #tpu.memory_space<semaphore_mem>>) src(%dma_wait3A_882 : memref<8192xf32, #tpu.memory_space<hbm>>) dst(%dma_wait3A_881 : memref<8192xf32, #tpu.memory_space<vmem>>)
    %mul3A_883 = arith.constant 62512 : i32
    %mul3A_884 = arith.muli %arg1, %mul3A_883 : i32
    %add3A_885 = arith.constant 262144 : i32
    %add3A_886 = arith.addi %add3A_885, %mul3A_884 : i32
    %add3A_887 = arith.constant 32768 : i32
    %add3A_888 = arith.addi %add3A_886, %add3A_887 : i32
    %dma_start3A_889 = arith.constant 0 : i32
    %dma_start3A_890 = tpu.memref_slice %arg22[%dma_start3A_889] : memref<8192xf32, #tpu.memory_space<vmem>> -> memref<8192xf32, #tpu.memory_space<vmem>>
    %dma_start3A_891 = tpu.memref_slice %arg7[%add3A_888] : memref<1310720xf32, #tpu.memory_space<vmem_shared>> -> memref<8192xf32, #tpu.memory_space<vmem_shared>>
    %dma_start3A_892 = tpu.memref_slice %arg7[%add3A_888] : memref<1310720xf32, #tpu.memory_space<vmem_shared>> -> memref<8192xf32, #tpu.memory_space<vmem_shared>>
    %dma_start3A_893 = arith.constant 0 : i32
    %dma_start3A_894 = tpu.memref_slice %arg22[%dma_start3A_893] : memref<8192xf32, #tpu.memory_space<vmem>> -> memref<8192xf32, #tpu.memory_space<vmem>>
    tpu.enqueue_dma source(%dma_start3A_894 : memref<8192xf32, #tpu.memory_space<vmem>>) target(%dma_start3A_892 : memref<8192xf32, #tpu.memory_space<vmem_shared>>) target_semaphore(%arg25 : memref<!tpu.dma_semaphore, #tpu.memory_space<semaphore_mem>>)
    %dma_wait3A_895 = arith.constant 0 : i32
    %dma_wait3A_896 = tpu.memref_slice %arg23[%dma_wait3A_895] : memref<8192xf32, #tpu.memory_space<vmem>> -> memref<8192xf32, #tpu.memory_space<vmem>>
    %dma_wait3A_897 = tpu.memref_slice %arg7[%add3A_852] : memref<1310720xf32, #tpu.memory_space<vmem_shared>> -> memref<8192xf32, #tpu.memory_space<vmem_shared>>
    %dma_wait3A_898 = tpu.memref_slice %arg7[%add3A_852] : memref<1310720xf32, #tpu.memory_space<vmem_shared>> -> memref<8192xf32, #tpu.memory_space<vmem_shared>>
    %dma_wait3A_899 = arith.constant 0 : i32
    %dma_wait3A_900 = tpu.memref_slice %arg23[%dma_wait3A_899] : memref<8192xf32, #tpu.memory_space<vmem>> -> memref<8192xf32, #tpu.memory_space<vmem>>
    tpu.wait_dma2 semaphore(%arg25 : memref<!tpu.dma_semaphore, #tpu.memory_space<semaphore_mem>>) src(%dma_wait3A_900 : memref<8192xf32, #tpu.memory_space<vmem>>) dst(%dma_wait3A_898 : memref<8192xf32, #tpu.memory_space<vmem_shared>>)
    %mul3A_901 = arith.constant 62512 : i32
    %mul3A_902 = arith.muli %arg1, %mul3A_901 : i32
    %add3A_903 = arith.constant 0 : i32
    %add3A_904 = arith.addi %add3A_903, %mul3A_902 : i32
    %add3A_905 = arith.constant 40960 : i32
    %add3A_906 = arith.addi %add3A_904, %add3A_905 : i32
    %dma_start3A_907 = arith.constant 0 : i32
    %dma_start3A_908 = tpu.memref_slice %arg23[%dma_start3A_907] : memref<8192xf32, #tpu.memory_space<vmem>> -> memref<8192xf32, #tpu.memory_space<vmem>>
    %dma_start3A_909 = tpu.memref_slice %arg5[%add3A_906] : memref<2000376xf32, #tpu.memory_space<hbm>> -> memref<8192xf32, #tpu.memory_space<hbm>>
    %dma_start3A_910 = arith.constant 0 : i32
    %dma_start3A_911 = tpu.memref_slice %arg23[%dma_start3A_910] : memref<8192xf32, #tpu.memory_space<vmem>> -> memref<8192xf32, #tpu.memory_space<vmem>>
    %dma_start3A_912 = tpu.memref_slice %arg5[%add3A_906] : memref<2000376xf32, #tpu.memory_space<hbm>> -> memref<8192xf32, #tpu.memory_space<hbm>>
    tpu.enqueue_dma source(%dma_start3A_912 : memref<8192xf32, #tpu.memory_space<hbm>>) target(%dma_start3A_911 : memref<8192xf32, #tpu.memory_space<vmem>>) target_semaphore(%arg24 : memref<!tpu.dma_semaphore, #tpu.memory_space<semaphore_mem>>)
    %dma_wait3A_913 = arith.constant 0 : i32
    %dma_wait3A_914 = tpu.memref_slice %arg23[%dma_wait3A_913] : memref<8192xf32, #tpu.memory_space<vmem>> -> memref<8192xf32, #tpu.memory_space<vmem>>
    %dma_wait3A_915 = tpu.memref_slice %arg5[%add3A_906] : memref<2000376xf32, #tpu.memory_space<hbm>> -> memref<8192xf32, #tpu.memory_space<hbm>>
    %dma_wait3A_916 = arith.constant 0 : i32
    %dma_wait3A_917 = tpu.memref_slice %arg23[%dma_wait3A_916] : memref<8192xf32, #tpu.memory_space<vmem>> -> memref<8192xf32, #tpu.memory_space<vmem>>
    %dma_wait3A_918 = tpu.memref_slice %arg5[%add3A_906] : memref<2000376xf32, #tpu.memory_space<hbm>> -> memref<8192xf32, #tpu.memory_space<hbm>>
    tpu.wait_dma2 semaphore(%arg24 : memref<!tpu.dma_semaphore, #tpu.memory_space<semaphore_mem>>) src(%dma_wait3A_918 : memref<8192xf32, #tpu.memory_space<hbm>>) dst(%dma_wait3A_917 : memref<8192xf32, #tpu.memory_space<vmem>>)
    %mul3A_919 = arith.constant 62512 : i32
    %mul3A_920 = arith.muli %arg1, %mul3A_919 : i32
    %add3A_921 = arith.constant 262144 : i32
    %add3A_922 = arith.addi %add3A_921, %mul3A_920 : i32
    %add3A_923 = arith.constant 40960 : i32
    %add3A_924 = arith.addi %add3A_922, %add3A_923 : i32
    %dma_start3A_925 = arith.constant 0 : i32
    %dma_start3A_926 = tpu.memref_slice %arg23[%dma_start3A_925] : memref<8192xf32, #tpu.memory_space<vmem>> -> memref<8192xf32, #tpu.memory_space<vmem>>
    %dma_start3A_927 = tpu.memref_slice %arg7[%add3A_924] : memref<1310720xf32, #tpu.memory_space<vmem_shared>> -> memref<8192xf32, #tpu.memory_space<vmem_shared>>
    %dma_start3A_928 = tpu.memref_slice %arg7[%add3A_924] : memref<1310720xf32, #tpu.memory_space<vmem_shared>> -> memref<8192xf32, #tpu.memory_space<vmem_shared>>
    %dma_start3A_929 = arith.constant 0 : i32
    %dma_start3A_930 = tpu.memref_slice %arg23[%dma_start3A_929] : memref<8192xf32, #tpu.memory_space<vmem>> -> memref<8192xf32, #tpu.memory_space<vmem>>
    tpu.enqueue_dma source(%dma_start3A_930 : memref<8192xf32, #tpu.memory_space<vmem>>) target(%dma_start3A_928 : memref<8192xf32, #tpu.memory_space<vmem_shared>>) target_semaphore(%arg25 : memref<!tpu.dma_semaphore, #tpu.memory_space<semaphore_mem>>)
    %dma_wait3A_931 = arith.constant 0 : i32
    %dma_wait3A_932 = tpu.memref_slice %arg22[%dma_wait3A_931] : memref<8192xf32, #tpu.memory_space<vmem>> -> memref<8192xf32, #tpu.memory_space<vmem>>
    %dma_wait3A_933 = tpu.memref_slice %arg7[%add3A_888] : memref<1310720xf32, #tpu.memory_space<vmem_shared>> -> memref<8192xf32, #tpu.memory_space<vmem_shared>>
    %dma_wait3A_934 = tpu.memref_slice %arg7[%add3A_888] : memref<1310720xf32, #tpu.memory_space<vmem_shared>> -> memref<8192xf32, #tpu.memory_space<vmem_shared>>
    %dma_wait3A_935 = arith.constant 0 : i32
    %dma_wait3A_936 = tpu.memref_slice %arg22[%dma_wait3A_935] : memref<8192xf32, #tpu.memory_space<vmem>> -> memref<8192xf32, #tpu.memory_space<vmem>>
    tpu.wait_dma2 semaphore(%arg25 : memref<!tpu.dma_semaphore, #tpu.memory_space<semaphore_mem>>) src(%dma_wait3A_936 : memref<8192xf32, #tpu.memory_space<vmem>>) dst(%dma_wait3A_934 : memref<8192xf32, #tpu.memory_space<vmem_shared>>)
    %mul3A_937 = arith.constant 62512 : i32
    %mul3A_938 = arith.muli %arg1, %mul3A_937 : i32
    %add3A_939 = arith.constant 0 : i32
    %add3A_940 = arith.addi %add3A_939, %mul3A_938 : i32
    %add3A_941 = arith.constant 49152 : i32
    %add3A_942 = arith.addi %add3A_940, %add3A_941 : i32
    %dma_start3A_943 = arith.constant 0 : i32
    %dma_start3A_944 = tpu.memref_slice %arg22[%dma_start3A_943] : memref<8192xf32, #tpu.memory_space<vmem>> -> memref<8192xf32, #tpu.memory_space<vmem>>
    %dma_start3A_945 = tpu.memref_slice %arg5[%add3A_942] : memref<2000376xf32, #tpu.memory_space<hbm>> -> memref<8192xf32, #tpu.memory_space<hbm>>
    %dma_start3A_946 = arith.constant 0 : i32
    %dma_start3A_947 = tpu.memref_slice %arg22[%dma_start3A_946] : memref<8192xf32, #tpu.memory_space<vmem>> -> memref<8192xf32, #tpu.memory_space<vmem>>
    %dma_start3A_948 = tpu.memref_slice %arg5[%add3A_942] : memref<2000376xf32, #tpu.memory_space<hbm>> -> memref<8192xf32, #tpu.memory_space<hbm>>
    tpu.enqueue_dma source(%dma_start3A_948 : memref<8192xf32, #tpu.memory_space<hbm>>) target(%dma_start3A_947 : memref<8192xf32, #tpu.memory_space<vmem>>) target_semaphore(%arg24 : memref<!tpu.dma_semaphore, #tpu.memory_space<semaphore_mem>>)
    %dma_wait3A_949 = arith.constant 0 : i32
    %dma_wait3A_950 = tpu.memref_slice %arg22[%dma_wait3A_949] : memref<8192xf32, #tpu.memory_space<vmem>> -> memref<8192xf32, #tpu.memory_space<vmem>>
    %dma_wait3A_951 = tpu.memref_slice %arg5[%add3A_942] : memref<2000376xf32, #tpu.memory_space<hbm>> -> memref<8192xf32, #tpu.memory_space<hbm>>
    %dma_wait3A_952 = arith.constant 0 : i32
    %dma_wait3A_953 = tpu.memref_slice %arg22[%dma_wait3A_952] : memref<8192xf32, #tpu.memory_space<vmem>> -> memref<8192xf32, #tpu.memory_space<vmem>>
    %dma_wait3A_954 = tpu.memref_slice %arg5[%add3A_942] : memref<2000376xf32, #tpu.memory_space<hbm>> -> memref<8192xf32, #tpu.memory_space<hbm>>
    tpu.wait_dma2 semaphore(%arg24 : memref<!tpu.dma_semaphore, #tpu.memory_space<semaphore_mem>>) src(%dma_wait3A_954 : memref<8192xf32, #tpu.memory_space<hbm>>) dst(%dma_wait3A_953 : memref<8192xf32, #tpu.memory_space<vmem>>)
    %mul3A_955 = arith.constant 62512 : i32
    %mul3A_956 = arith.muli %arg1, %mul3A_955 : i32
    %add3A_957 = arith.constant 262144 : i32
    %add3A_958 = arith.addi %add3A_957, %mul3A_956 : i32
    %add3A_959 = arith.constant 49152 : i32
    %add3A_960 = arith.addi %add3A_958, %add3A_959 : i32
    %dma_start3A_961 = arith.constant 0 : i32
    %dma_start3A_962 = tpu.memref_slice %arg22[%dma_start3A_961] : memref<8192xf32, #tpu.memory_space<vmem>> -> memref<8192xf32, #tpu.memory_space<vmem>>
    %dma_start3A_963 = tpu.memref_slice %arg7[%add3A_960] : memref<1310720xf32, #tpu.memory_space<vmem_shared>> -> memref<8192xf32, #tpu.memory_space<vmem_shared>>
    %dma_start3A_964 = tpu.memref_slice %arg7[%add3A_960] : memref<1310720xf32, #tpu.memory_space<vmem_shared>> -> memref<8192xf32, #tpu.memory_space<vmem_shared>>
    %dma_start3A_965 = arith.constant 0 : i32
    %dma_start3A_966 = tpu.memref_slice %arg22[%dma_start3A_965] : memref<8192xf32, #tpu.memory_space<vmem>> -> memref<8192xf32, #tpu.memory_space<vmem>>
    tpu.enqueue_dma source(%dma_start3A_966 : memref<8192xf32, #tpu.memory_space<vmem>>) target(%dma_start3A_964 : memref<8192xf32, #tpu.memory_space<vmem_shared>>) target_semaphore(%arg25 : memref<!tpu.dma_semaphore, #tpu.memory_space<semaphore_mem>>)
    %dma_wait3A_967 = arith.constant 0 : i32
    %dma_wait3A_968 = tpu.memref_slice %arg23[%dma_wait3A_967] : memref<8192xf32, #tpu.memory_space<vmem>> -> memref<8192xf32, #tpu.memory_space<vmem>>
    %dma_wait3A_969 = tpu.memref_slice %arg7[%add3A_924] : memref<1310720xf32, #tpu.memory_space<vmem_shared>> -> memref<8192xf32, #tpu.memory_space<vmem_shared>>
    %dma_wait3A_970 = tpu.memref_slice %arg7[%add3A_924] : memref<1310720xf32, #tpu.memory_space<vmem_shared>> -> memref<8192xf32, #tpu.memory_space<vmem_shared>>
    %dma_wait3A_971 = arith.constant 0 : i32
    %dma_wait3A_972 = tpu.memref_slice %arg23[%dma_wait3A_971] : memref<8192xf32, #tpu.memory_space<vmem>> -> memref<8192xf32, #tpu.memory_space<vmem>>
    tpu.wait_dma2 semaphore(%arg25 : memref<!tpu.dma_semaphore, #tpu.memory_space<semaphore_mem>>) src(%dma_wait3A_972 : memref<8192xf32, #tpu.memory_space<vmem>>) dst(%dma_wait3A_970 : memref<8192xf32, #tpu.memory_space<vmem_shared>>)
    %mul3A_973 = arith.constant 62512 : i32
    %mul3A_974 = arith.muli %arg1, %mul3A_973 : i32
    %add3A_975 = arith.constant 0 : i32
    %add3A_976 = arith.addi %add3A_975, %mul3A_974 : i32
    %add3A_977 = arith.constant 57344 : i32
    %add3A_978 = arith.addi %add3A_976, %add3A_977 : i32
    %dma_start3A_979 = arith.constant 0 : i32
    %dma_start3A_980 = tpu.memref_slice %arg23[%dma_start3A_979] : memref<8192xf32, #tpu.memory_space<vmem>> -> memref<5168xf32, #tpu.memory_space<vmem>>
    %dma_start3A_981 = tpu.memref_slice %arg5[%add3A_978] : memref<2000376xf32, #tpu.memory_space<hbm>> -> memref<5168xf32, #tpu.memory_space<hbm>>
    %dma_start3A_982 = arith.constant 0 : i32
    %dma_start3A_983 = tpu.memref_slice %arg23[%dma_start3A_982] : memref<8192xf32, #tpu.memory_space<vmem>> -> memref<5168xf32, #tpu.memory_space<vmem>>
    %dma_start3A_984 = tpu.memref_slice %arg5[%add3A_978] : memref<2000376xf32, #tpu.memory_space<hbm>> -> memref<5168xf32, #tpu.memory_space<hbm>>
    tpu.enqueue_dma source(%dma_start3A_984 : memref<5168xf32, #tpu.memory_space<hbm>>) target(%dma_start3A_983 : memref<5168xf32, #tpu.memory_space<vmem>>) target_semaphore(%arg24 : memref<!tpu.dma_semaphore, #tpu.memory_space<semaphore_mem>>)
    %dma_wait3A_985 = arith.constant 0 : i32
    %dma_wait3A_986 = tpu.memref_slice %arg23[%dma_wait3A_985] : memref<8192xf32, #tpu.memory_space<vmem>> -> memref<5168xf32, #tpu.memory_space<vmem>>
    %dma_wait3A_987 = tpu.memref_slice %arg5[%add3A_978] : memref<2000376xf32, #tpu.memory_space<hbm>> -> memref<5168xf32, #tpu.memory_space<hbm>>
    %dma_wait3A_988 = arith.constant 0 : i32
    %dma_wait3A_989 = tpu.memref_slice %arg23[%dma_wait3A_988] : memref<8192xf32, #tpu.memory_space<vmem>> -> memref<5168xf32, #tpu.memory_space<vmem>>
    %dma_wait3A_990 = tpu.memref_slice %arg5[%add3A_978] : memref<2000376xf32, #tpu.memory_space<hbm>> -> memref<5168xf32, #tpu.memory_space<hbm>>
    tpu.wait_dma2 semaphore(%arg24 : memref<!tpu.dma_semaphore, #tpu.memory_space<semaphore_mem>>) src(%dma_wait3A_990 : memref<5168xf32, #tpu.memory_space<hbm>>) dst(%dma_wait3A_989 : memref<5168xf32, #tpu.memory_space<vmem>>)
    %mul3A_991 = arith.constant 62512 : i32
    %mul3A_992 = arith.muli %arg1, %mul3A_991 : i32
    %add3A_993 = arith.constant 262144 : i32
    %add3A_994 = arith.addi %add3A_993, %mul3A_992 : i32
    %add3A_995 = arith.constant 57344 : i32
    %add3A_996 = arith.addi %add3A_994, %add3A_995 : i32
    %dma_start3A_997 = arith.constant 0 : i32
    %dma_start3A_998 = tpu.memref_slice %arg23[%dma_start3A_997] : memref<8192xf32, #tpu.memory_space<vmem>> -> memref<5168xf32, #tpu.memory_space<vmem>>
    %dma_start3A_999 = tpu.memref_slice %arg7[%add3A_996] : memref<1310720xf32, #tpu.memory_space<vmem_shared>> -> memref<5168xf32, #tpu.memory_space<vmem_shared>>
    %dma_start3A_1000 = tpu.memref_slice %arg7[%add3A_996] : memref<1310720xf32, #tpu.memory_space<vmem_shared>> -> memref<5168xf32, #tpu.memory_space<vmem_shared>>
    %dma_start3A_1001 = arith.constant 0 : i32
    %dma_start3A_1002 = tpu.memref_slice %arg23[%dma_start3A_1001] : memref<8192xf32, #tpu.memory_space<vmem>> -> memref<5168xf32, #tpu.memory_space<vmem>>
    tpu.enqueue_dma source(%dma_start3A_1002 : memref<5168xf32, #tpu.memory_space<vmem>>) target(%dma_start3A_1000 : memref<5168xf32, #tpu.memory_space<vmem_shared>>) target_semaphore(%arg25 : memref<!tpu.dma_semaphore, #tpu.memory_space<semaphore_mem>>)
    %dma_wait3A_1003 = arith.constant 0 : i32
    %dma_wait3A_1004 = tpu.memref_slice %arg22[%dma_wait3A_1003] : memref<8192xf32, #tpu.memory_space<vmem>> -> memref<8192xf32, #tpu.memory_space<vmem>>
    %dma_wait3A_1005 = tpu.memref_slice %arg7[%add3A_960] : memref<1310720xf32, #tpu.memory_space<vmem_shared>> -> memref<8192xf32, #tpu.memory_space<vmem_shared>>
    %dma_wait3A_1006 = tpu.memref_slice %arg7[%add3A_960] : memref<1310720xf32, #tpu.memory_space<vmem_shared>> -> memref<8192xf32, #tpu.memory_space<vmem_shared>>
    %dma_wait3A_1007 = arith.constant 0 : i32
    %dma_wait3A_1008 = tpu.memref_slice %arg22[%dma_wait3A_1007] : memref<8192xf32, #tpu.memory_space<vmem>> -> memref<8192xf32, #tpu.memory_space<vmem>>
    tpu.wait_dma2 semaphore(%arg25 : memref<!tpu.dma_semaphore, #tpu.memory_space<semaphore_mem>>) src(%dma_wait3A_1008 : memref<8192xf32, #tpu.memory_space<vmem>>) dst(%dma_wait3A_1006 : memref<8192xf32, #tpu.memory_space<vmem_shared>>)
    %dma_wait3A_1009 = arith.constant 0 : i32
    %dma_wait3A_1010 = tpu.memref_slice %arg23[%dma_wait3A_1009] : memref<8192xf32, #tpu.memory_space<vmem>> -> memref<5168xf32, #tpu.memory_space<vmem>>
    %dma_wait3A_1011 = tpu.memref_slice %arg7[%add3A_996] : memref<1310720xf32, #tpu.memory_space<vmem_shared>> -> memref<5168xf32, #tpu.memory_space<vmem_shared>>
    %dma_wait3A_1012 = tpu.memref_slice %arg7[%add3A_996] : memref<1310720xf32, #tpu.memory_space<vmem_shared>> -> memref<5168xf32, #tpu.memory_space<vmem_shared>>
    %dma_wait3A_1013 = arith.constant 0 : i32
    %dma_wait3A_1014 = tpu.memref_slice %arg23[%dma_wait3A_1013] : memref<8192xf32, #tpu.memory_space<vmem>> -> memref<5168xf32, #tpu.memory_space<vmem>>
    tpu.wait_dma2 semaphore(%arg25 : memref<!tpu.dma_semaphore, #tpu.memory_space<semaphore_mem>>) src(%dma_wait3A_1014 : memref<5168xf32, #tpu.memory_space<vmem>>) dst(%dma_wait3A_1012 : memref<5168xf32, #tpu.memory_space<vmem_shared>>)
    "tpu.trace_stop"() : () -> ()
    %barrier3A_1015 = arith.constant 0 : index
    tpu.barrier barrier_id(%barrier3A_1015)
    %dma_start3A_1016 = arith.constant 0 : i32
    %dma_start3A_1017 = tpu.memref_slice %arg21[%dma_start3A_1016] : memref<4096xf32, #tpu.memory_space<vmem>> -> memref<2048xf32, #tpu.memory_space<vmem>>
    %dma_start3A_1018 = arith.constant 0 : i32
    %dma_start3A_1019 = tpu.memref_slice %arg18[%dma_start3A_1018] : memref<4096xi32, #tpu.memory_space<vmem>> -> memref<2048xi32, #tpu.memory_space<vmem>>
    %dma_start3A_1020 = arith.constant 0 : i32
    %dma_start3A_1021 = tpu.memref_slice %arg7[%dma_start3A_1020] : memref<1310720xf32, #tpu.memory_space<vmem_shared>> -> memref<1310720xf32, #tpu.memory_space<vmem_shared>>
    tpu.enqueue_indirect_dma source(%dma_start3A_1021 : memref<1310720xf32, #tpu.memory_space<vmem_shared>>) target(%dma_start3A_1017 : memref<2048xf32, #tpu.memory_space<vmem>>) offsets(%dma_start3A_1019 : memref<2048xi32, #tpu.memory_space<vmem>>) semaphore(%arg28 : memref<!tpu.dma_semaphore, #tpu.memory_space<semaphore_mem>>)
    "tpu.trace_start"() <{level = 10 : i32, message = "ph_wait_p"}> : () -> ()
    %dma_wait3A_1022 = arith.constant 0 : i32
    %dma_wait3A_1023 = tpu.memref_slice %arg21[%dma_wait3A_1022] : memref<4096xf32, #tpu.memory_space<vmem>> -> memref<2048xf32, #tpu.memory_space<vmem>>
    %dma_wait3A_1024 = arith.constant 0 : i32
    %dma_wait3A_1025 = tpu.memref_slice %arg18[%dma_wait3A_1024] : memref<4096xi32, #tpu.memory_space<vmem>> -> memref<2048xi32, #tpu.memory_space<vmem>>
    %dma_wait3A_1026 = arith.constant 0 : i32
    %dma_wait3A_1027 = tpu.memref_slice %arg7[%dma_wait3A_1026] : memref<1310720xf32, #tpu.memory_space<vmem_shared>> -> memref<1310720xf32, #tpu.memory_space<vmem_shared>>
    tpu.wait_indirect_dma semaphore(%arg28 : memref<!tpu.dma_semaphore, #tpu.memory_space<semaphore_mem>>) src(%dma_wait3A_1027 : memref<1310720xf32, #tpu.memory_space<vmem_shared>>) dst(%dma_wait3A_1023 : memref<2048xf32, #tpu.memory_space<vmem>>)
    "tpu.trace_stop"() : () -> ()
    %barrier3A_1028 = arith.constant 0 : index
    tpu.barrier barrier_id(%barrier3A_1028)
    "tpu.trace_start"() <{level = 10 : i32, message = "ph_stage_wp"}> : () -> ()
    %mul3A_1029 = arith.constant 62512 : i32
    %mul3A_1030 = arith.muli %arg1, %mul3A_1029 : i32
    %add3A_1031 = arith.constant 1000184 : i32
    %add3A_1032 = arith.addi %add3A_1031, %mul3A_1030 : i32
    %add3A_1033 = arith.constant 0 : i32
    %add3A_1034 = arith.addi %add3A_1032, %add3A_1033 : i32
    %dma_start3A_1035 = arith.constant 0 : i32
    %dma_start3A_1036 = tpu.memref_slice %arg22[%dma_start3A_1035] : memref<8192xf32, #tpu.memory_space<vmem>> -> memref<8192xf32, #tpu.memory_space<vmem>>
    %dma_start3A_1037 = tpu.memref_slice %arg5[%add3A_1034] : memref<2000376xf32, #tpu.memory_space<hbm>> -> memref<8192xf32, #tpu.memory_space<hbm>>
    %dma_start3A_1038 = arith.constant 0 : i32
    %dma_start3A_1039 = tpu.memref_slice %arg22[%dma_start3A_1038] : memref<8192xf32, #tpu.memory_space<vmem>> -> memref<8192xf32, #tpu.memory_space<vmem>>
    %dma_start3A_1040 = tpu.memref_slice %arg5[%add3A_1034] : memref<2000376xf32, #tpu.memory_space<hbm>> -> memref<8192xf32, #tpu.memory_space<hbm>>
    tpu.enqueue_dma source(%dma_start3A_1040 : memref<8192xf32, #tpu.memory_space<hbm>>) target(%dma_start3A_1039 : memref<8192xf32, #tpu.memory_space<vmem>>) target_semaphore(%arg24 : memref<!tpu.dma_semaphore, #tpu.memory_space<semaphore_mem>>)
    %dma_wait3A_1041 = arith.constant 0 : i32
    %dma_wait3A_1042 = tpu.memref_slice %arg22[%dma_wait3A_1041] : memref<8192xf32, #tpu.memory_space<vmem>> -> memref<8192xf32, #tpu.memory_space<vmem>>
    %dma_wait3A_1043 = tpu.memref_slice %arg5[%add3A_1034] : memref<2000376xf32, #tpu.memory_space<hbm>> -> memref<8192xf32, #tpu.memory_space<hbm>>
    %dma_wait3A_1044 = arith.constant 0 : i32
    %dma_wait3A_1045 = tpu.memref_slice %arg22[%dma_wait3A_1044] : memref<8192xf32, #tpu.memory_space<vmem>> -> memref<8192xf32, #tpu.memory_space<vmem>>
    %dma_wait3A_1046 = tpu.memref_slice %arg5[%add3A_1034] : memref<2000376xf32, #tpu.memory_space<hbm>> -> memref<8192xf32, #tpu.memory_space<hbm>>
    tpu.wait_dma2 semaphore(%arg24 : memref<!tpu.dma_semaphore, #tpu.memory_space<semaphore_mem>>) src(%dma_wait3A_1046 : memref<8192xf32, #tpu.memory_space<hbm>>) dst(%dma_wait3A_1045 : memref<8192xf32, #tpu.memory_space<vmem>>)
    %mul3A_1047 = arith.constant 62512 : i32
    %mul3A_1048 = arith.muli %arg1, %mul3A_1047 : i32
    %add3A_1049 = arith.constant 262144 : i32
    %add3A_1050 = arith.addi %add3A_1049, %mul3A_1048 : i32
    %add3A_1051 = arith.constant 0 : i32
    %add3A_1052 = arith.addi %add3A_1050, %add3A_1051 : i32
    %dma_start3A_1053 = arith.constant 0 : i32
    %dma_start3A_1054 = tpu.memref_slice %arg22[%dma_start3A_1053] : memref<8192xf32, #tpu.memory_space<vmem>> -> memref<8192xf32, #tpu.memory_space<vmem>>
    %dma_start3A_1055 = tpu.memref_slice %arg7[%add3A_1052] : memref<1310720xf32, #tpu.memory_space<vmem_shared>> -> memref<8192xf32, #tpu.memory_space<vmem_shared>>
    %dma_start3A_1056 = tpu.memref_slice %arg7[%add3A_1052] : memref<1310720xf32, #tpu.memory_space<vmem_shared>> -> memref<8192xf32, #tpu.memory_space<vmem_shared>>
    %dma_start3A_1057 = arith.constant 0 : i32
    %dma_start3A_1058 = tpu.memref_slice %arg22[%dma_start3A_1057] : memref<8192xf32, #tpu.memory_space<vmem>> -> memref<8192xf32, #tpu.memory_space<vmem>>
    tpu.enqueue_dma source(%dma_start3A_1058 : memref<8192xf32, #tpu.memory_space<vmem>>) target(%dma_start3A_1056 : memref<8192xf32, #tpu.memory_space<vmem_shared>>) target_semaphore(%arg25 : memref<!tpu.dma_semaphore, #tpu.memory_space<semaphore_mem>>)
    %mul3A_1059 = arith.constant 62512 : i32
    %mul3A_1060 = arith.muli %arg1, %mul3A_1059 : i32
    %add3A_1061 = arith.constant 1000184 : i32
    %add3A_1062 = arith.addi %add3A_1061, %mul3A_1060 : i32
    %add3A_1063 = arith.constant 8192 : i32
    %add3A_1064 = arith.addi %add3A_1062, %add3A_1063 : i32
    %dma_start3A_1065 = arith.constant 0 : i32
    %dma_start3A_1066 = tpu.memref_slice %arg23[%dma_start3A_1065] : memref<8192xf32, #tpu.memory_space<vmem>> -> memref<8192xf32, #tpu.memory_space<vmem>>
    %dma_start3A_1067 = tpu.memref_slice %arg5[%add3A_1064] : memref<2000376xf32, #tpu.memory_space<hbm>> -> memref<8192xf32, #tpu.memory_space<hbm>>
    %dma_start3A_1068 = arith.constant 0 : i32
    %dma_start3A_1069 = tpu.memref_slice %arg23[%dma_start3A_1068] : memref<8192xf32, #tpu.memory_space<vmem>> -> memref<8192xf32, #tpu.memory_space<vmem>>
    %dma_start3A_1070 = tpu.memref_slice %arg5[%add3A_1064] : memref<2000376xf32, #tpu.memory_space<hbm>> -> memref<8192xf32, #tpu.memory_space<hbm>>
    tpu.enqueue_dma source(%dma_start3A_1070 : memref<8192xf32, #tpu.memory_space<hbm>>) target(%dma_start3A_1069 : memref<8192xf32, #tpu.memory_space<vmem>>) target_semaphore(%arg24 : memref<!tpu.dma_semaphore, #tpu.memory_space<semaphore_mem>>)
    %dma_wait3A_1071 = arith.constant 0 : i32
    %dma_wait3A_1072 = tpu.memref_slice %arg23[%dma_wait3A_1071] : memref<8192xf32, #tpu.memory_space<vmem>> -> memref<8192xf32, #tpu.memory_space<vmem>>
    %dma_wait3A_1073 = tpu.memref_slice %arg5[%add3A_1064] : memref<2000376xf32, #tpu.memory_space<hbm>> -> memref<8192xf32, #tpu.memory_space<hbm>>
    %dma_wait3A_1074 = arith.constant 0 : i32
    %dma_wait3A_1075 = tpu.memref_slice %arg23[%dma_wait3A_1074] : memref<8192xf32, #tpu.memory_space<vmem>> -> memref<8192xf32, #tpu.memory_space<vmem>>
    %dma_wait3A_1076 = tpu.memref_slice %arg5[%add3A_1064] : memref<2000376xf32, #tpu.memory_space<hbm>> -> memref<8192xf32, #tpu.memory_space<hbm>>
    tpu.wait_dma2 semaphore(%arg24 : memref<!tpu.dma_semaphore, #tpu.memory_space<semaphore_mem>>) src(%dma_wait3A_1076 : memref<8192xf32, #tpu.memory_space<hbm>>) dst(%dma_wait3A_1075 : memref<8192xf32, #tpu.memory_space<vmem>>)
    %mul3A_1077 = arith.constant 62512 : i32
    %mul3A_1078 = arith.muli %arg1, %mul3A_1077 : i32
    %add3A_1079 = arith.constant 262144 : i32
    %add3A_1080 = arith.addi %add3A_1079, %mul3A_1078 : i32
    %add3A_1081 = arith.constant 8192 : i32
    %add3A_1082 = arith.addi %add3A_1080, %add3A_1081 : i32
    %dma_start3A_1083 = arith.constant 0 : i32
    %dma_start3A_1084 = tpu.memref_slice %arg23[%dma_start3A_1083] : memref<8192xf32, #tpu.memory_space<vmem>> -> memref<8192xf32, #tpu.memory_space<vmem>>
    %dma_start3A_1085 = tpu.memref_slice %arg7[%add3A_1082] : memref<1310720xf32, #tpu.memory_space<vmem_shared>> -> memref<8192xf32, #tpu.memory_space<vmem_shared>>
    %dma_start3A_1086 = tpu.memref_slice %arg7[%add3A_1082] : memref<1310720xf32, #tpu.memory_space<vmem_shared>> -> memref<8192xf32, #tpu.memory_space<vmem_shared>>
    %dma_start3A_1087 = arith.constant 0 : i32
    %dma_start3A_1088 = tpu.memref_slice %arg23[%dma_start3A_1087] : memref<8192xf32, #tpu.memory_space<vmem>> -> memref<8192xf32, #tpu.memory_space<vmem>>
    tpu.enqueue_dma source(%dma_start3A_1088 : memref<8192xf32, #tpu.memory_space<vmem>>) target(%dma_start3A_1086 : memref<8192xf32, #tpu.memory_space<vmem_shared>>) target_semaphore(%arg25 : memref<!tpu.dma_semaphore, #tpu.memory_space<semaphore_mem>>)
    %dma_wait3A_1089 = arith.constant 0 : i32
    %dma_wait3A_1090 = tpu.memref_slice %arg22[%dma_wait3A_1089] : memref<8192xf32, #tpu.memory_space<vmem>> -> memref<8192xf32, #tpu.memory_space<vmem>>
    %dma_wait3A_1091 = tpu.memref_slice %arg7[%add3A_1052] : memref<1310720xf32, #tpu.memory_space<vmem_shared>> -> memref<8192xf32, #tpu.memory_space<vmem_shared>>
    %dma_wait3A_1092 = tpu.memref_slice %arg7[%add3A_1052] : memref<1310720xf32, #tpu.memory_space<vmem_shared>> -> memref<8192xf32, #tpu.memory_space<vmem_shared>>
    %dma_wait3A_1093 = arith.constant 0 : i32
    %dma_wait3A_1094 = tpu.memref_slice %arg22[%dma_wait3A_1093] : memref<8192xf32, #tpu.memory_space<vmem>> -> memref<8192xf32, #tpu.memory_space<vmem>>
    tpu.wait_dma2 semaphore(%arg25 : memref<!tpu.dma_semaphore, #tpu.memory_space<semaphore_mem>>) src(%dma_wait3A_1094 : memref<8192xf32, #tpu.memory_space<vmem>>) dst(%dma_wait3A_1092 : memref<8192xf32, #tpu.memory_space<vmem_shared>>)
    %mul3A_1095 = arith.constant 62512 : i32
    %mul3A_1096 = arith.muli %arg1, %mul3A_1095 : i32
    %add3A_1097 = arith.constant 1000184 : i32
    %add3A_1098 = arith.addi %add3A_1097, %mul3A_1096 : i32
    %add3A_1099 = arith.constant 16384 : i32
    %add3A_1100 = arith.addi %add3A_1098, %add3A_1099 : i32
    %dma_start3A_1101 = arith.constant 0 : i32
    %dma_start3A_1102 = tpu.memref_slice %arg22[%dma_start3A_1101] : memref<8192xf32, #tpu.memory_space<vmem>> -> memref<8192xf32, #tpu.memory_space<vmem>>
    %dma_start3A_1103 = tpu.memref_slice %arg5[%add3A_1100] : memref<2000376xf32, #tpu.memory_space<hbm>> -> memref<8192xf32, #tpu.memory_space<hbm>>
    %dma_start3A_1104 = arith.constant 0 : i32
    %dma_start3A_1105 = tpu.memref_slice %arg22[%dma_start3A_1104] : memref<8192xf32, #tpu.memory_space<vmem>> -> memref<8192xf32, #tpu.memory_space<vmem>>
    %dma_start3A_1106 = tpu.memref_slice %arg5[%add3A_1100] : memref<2000376xf32, #tpu.memory_space<hbm>> -> memref<8192xf32, #tpu.memory_space<hbm>>
    tpu.enqueue_dma source(%dma_start3A_1106 : memref<8192xf32, #tpu.memory_space<hbm>>) target(%dma_start3A_1105 : memref<8192xf32, #tpu.memory_space<vmem>>) target_semaphore(%arg24 : memref<!tpu.dma_semaphore, #tpu.memory_space<semaphore_mem>>)
    %dma_wait3A_1107 = arith.constant 0 : i32
    %dma_wait3A_1108 = tpu.memref_slice %arg22[%dma_wait3A_1107] : memref<8192xf32, #tpu.memory_space<vmem>> -> memref<8192xf32, #tpu.memory_space<vmem>>
    %dma_wait3A_1109 = tpu.memref_slice %arg5[%add3A_1100] : memref<2000376xf32, #tpu.memory_space<hbm>> -> memref<8192xf32, #tpu.memory_space<hbm>>
    %dma_wait3A_1110 = arith.constant 0 : i32
    %dma_wait3A_1111 = tpu.memref_slice %arg22[%dma_wait3A_1110] : memref<8192xf32, #tpu.memory_space<vmem>> -> memref<8192xf32, #tpu.memory_space<vmem>>
    %dma_wait3A_1112 = tpu.memref_slice %arg5[%add3A_1100] : memref<2000376xf32, #tpu.memory_space<hbm>> -> memref<8192xf32, #tpu.memory_space<hbm>>
    tpu.wait_dma2 semaphore(%arg24 : memref<!tpu.dma_semaphore, #tpu.memory_space<semaphore_mem>>) src(%dma_wait3A_1112 : memref<8192xf32, #tpu.memory_space<hbm>>) dst(%dma_wait3A_1111 : memref<8192xf32, #tpu.memory_space<vmem>>)
    %mul3A_1113 = arith.constant 62512 : i32
    %mul3A_1114 = arith.muli %arg1, %mul3A_1113 : i32
    %add3A_1115 = arith.constant 262144 : i32
    %add3A_1116 = arith.addi %add3A_1115, %mul3A_1114 : i32
    %add3A_1117 = arith.constant 16384 : i32
    %add3A_1118 = arith.addi %add3A_1116, %add3A_1117 : i32
    %dma_start3A_1119 = arith.constant 0 : i32
    %dma_start3A_1120 = tpu.memref_slice %arg22[%dma_start3A_1119] : memref<8192xf32, #tpu.memory_space<vmem>> -> memref<8192xf32, #tpu.memory_space<vmem>>
    %dma_start3A_1121 = tpu.memref_slice %arg7[%add3A_1118] : memref<1310720xf32, #tpu.memory_space<vmem_shared>> -> memref<8192xf32, #tpu.memory_space<vmem_shared>>
    %dma_start3A_1122 = tpu.memref_slice %arg7[%add3A_1118] : memref<1310720xf32, #tpu.memory_space<vmem_shared>> -> memref<8192xf32, #tpu.memory_space<vmem_shared>>
    %dma_start3A_1123 = arith.constant 0 : i32
    %dma_start3A_1124 = tpu.memref_slice %arg22[%dma_start3A_1123] : memref<8192xf32, #tpu.memory_space<vmem>> -> memref<8192xf32, #tpu.memory_space<vmem>>
    tpu.enqueue_dma source(%dma_start3A_1124 : memref<8192xf32, #tpu.memory_space<vmem>>) target(%dma_start3A_1122 : memref<8192xf32, #tpu.memory_space<vmem_shared>>) target_semaphore(%arg25 : memref<!tpu.dma_semaphore, #tpu.memory_space<semaphore_mem>>)
    %dma_wait3A_1125 = arith.constant 0 : i32
    %dma_wait3A_1126 = tpu.memref_slice %arg23[%dma_wait3A_1125] : memref<8192xf32, #tpu.memory_space<vmem>> -> memref<8192xf32, #tpu.memory_space<vmem>>
    %dma_wait3A_1127 = tpu.memref_slice %arg7[%add3A_1082] : memref<1310720xf32, #tpu.memory_space<vmem_shared>> -> memref<8192xf32, #tpu.memory_space<vmem_shared>>
    %dma_wait3A_1128 = tpu.memref_slice %arg7[%add3A_1082] : memref<1310720xf32, #tpu.memory_space<vmem_shared>> -> memref<8192xf32, #tpu.memory_space<vmem_shared>>
    %dma_wait3A_1129 = arith.constant 0 : i32
    %dma_wait3A_1130 = tpu.memref_slice %arg23[%dma_wait3A_1129] : memref<8192xf32, #tpu.memory_space<vmem>> -> memref<8192xf32, #tpu.memory_space<vmem>>
    tpu.wait_dma2 semaphore(%arg25 : memref<!tpu.dma_semaphore, #tpu.memory_space<semaphore_mem>>) src(%dma_wait3A_1130 : memref<8192xf32, #tpu.memory_space<vmem>>) dst(%dma_wait3A_1128 : memref<8192xf32, #tpu.memory_space<vmem_shared>>)
    %mul3A_1131 = arith.constant 62512 : i32
    %mul3A_1132 = arith.muli %arg1, %mul3A_1131 : i32
    %add3A_1133 = arith.constant 1000184 : i32
    %add3A_1134 = arith.addi %add3A_1133, %mul3A_1132 : i32
    %add3A_1135 = arith.constant 24576 : i32
    %add3A_1136 = arith.addi %add3A_1134, %add3A_1135 : i32
    %dma_start3A_1137 = arith.constant 0 : i32
    %dma_start3A_1138 = tpu.memref_slice %arg23[%dma_start3A_1137] : memref<8192xf32, #tpu.memory_space<vmem>> -> memref<8192xf32, #tpu.memory_space<vmem>>
    %dma_start3A_1139 = tpu.memref_slice %arg5[%add3A_1136] : memref<2000376xf32, #tpu.memory_space<hbm>> -> memref<8192xf32, #tpu.memory_space<hbm>>
    %dma_start3A_1140 = arith.constant 0 : i32
    %dma_start3A_1141 = tpu.memref_slice %arg23[%dma_start3A_1140] : memref<8192xf32, #tpu.memory_space<vmem>> -> memref<8192xf32, #tpu.memory_space<vmem>>
    %dma_start3A_1142 = tpu.memref_slice %arg5[%add3A_1136] : memref<2000376xf32, #tpu.memory_space<hbm>> -> memref<8192xf32, #tpu.memory_space<hbm>>
    tpu.enqueue_dma source(%dma_start3A_1142 : memref<8192xf32, #tpu.memory_space<hbm>>) target(%dma_start3A_1141 : memref<8192xf32, #tpu.memory_space<vmem>>) target_semaphore(%arg24 : memref<!tpu.dma_semaphore, #tpu.memory_space<semaphore_mem>>)
    %dma_wait3A_1143 = arith.constant 0 : i32
    %dma_wait3A_1144 = tpu.memref_slice %arg23[%dma_wait3A_1143] : memref<8192xf32, #tpu.memory_space<vmem>> -> memref<8192xf32, #tpu.memory_space<vmem>>
    %dma_wait3A_1145 = tpu.memref_slice %arg5[%add3A_1136] : memref<2000376xf32, #tpu.memory_space<hbm>> -> memref<8192xf32, #tpu.memory_space<hbm>>
    %dma_wait3A_1146 = arith.constant 0 : i32
    %dma_wait3A_1147 = tpu.memref_slice %arg23[%dma_wait3A_1146] : memref<8192xf32, #tpu.memory_space<vmem>> -> memref<8192xf32, #tpu.memory_space<vmem>>
    %dma_wait3A_1148 = tpu.memref_slice %arg5[%add3A_1136] : memref<2000376xf32, #tpu.memory_space<hbm>> -> memref<8192xf32, #tpu.memory_space<hbm>>
    tpu.wait_dma2 semaphore(%arg24 : memref<!tpu.dma_semaphore, #tpu.memory_space<semaphore_mem>>) src(%dma_wait3A_1148 : memref<8192xf32, #tpu.memory_space<hbm>>) dst(%dma_wait3A_1147 : memref<8192xf32, #tpu.memory_space<vmem>>)
    %mul3A_1149 = arith.constant 62512 : i32
    %mul3A_1150 = arith.muli %arg1, %mul3A_1149 : i32
    %add3A_1151 = arith.constant 262144 : i32
    %add3A_1152 = arith.addi %add3A_1151, %mul3A_1150 : i32
    %add3A_1153 = arith.constant 24576 : i32
    %add3A_1154 = arith.addi %add3A_1152, %add3A_1153 : i32
    %dma_start3A_1155 = arith.constant 0 : i32
    %dma_start3A_1156 = tpu.memref_slice %arg23[%dma_start3A_1155] : memref<8192xf32, #tpu.memory_space<vmem>> -> memref<8192xf32, #tpu.memory_space<vmem>>
    %dma_start3A_1157 = tpu.memref_slice %arg7[%add3A_1154] : memref<1310720xf32, #tpu.memory_space<vmem_shared>> -> memref<8192xf32, #tpu.memory_space<vmem_shared>>
    %dma_start3A_1158 = tpu.memref_slice %arg7[%add3A_1154] : memref<1310720xf32, #tpu.memory_space<vmem_shared>> -> memref<8192xf32, #tpu.memory_space<vmem_shared>>
    %dma_start3A_1159 = arith.constant 0 : i32
    %dma_start3A_1160 = tpu.memref_slice %arg23[%dma_start3A_1159] : memref<8192xf32, #tpu.memory_space<vmem>> -> memref<8192xf32, #tpu.memory_space<vmem>>
    tpu.enqueue_dma source(%dma_start3A_1160 : memref<8192xf32, #tpu.memory_space<vmem>>) target(%dma_start3A_1158 : memref<8192xf32, #tpu.memory_space<vmem_shared>>) target_semaphore(%arg25 : memref<!tpu.dma_semaphore, #tpu.memory_space<semaphore_mem>>)
    %dma_wait3A_1161 = arith.constant 0 : i32
    %dma_wait3A_1162 = tpu.memref_slice %arg22[%dma_wait3A_1161] : memref<8192xf32, #tpu.memory_space<vmem>> -> memref<8192xf32, #tpu.memory_space<vmem>>
    %dma_wait3A_1163 = tpu.memref_slice %arg7[%add3A_1118] : memref<1310720xf32, #tpu.memory_space<vmem_shared>> -> memref<8192xf32, #tpu.memory_space<vmem_shared>>
    %dma_wait3A_1164 = tpu.memref_slice %arg7[%add3A_1118] : memref<1310720xf32, #tpu.memory_space<vmem_shared>> -> memref<8192xf32, #tpu.memory_space<vmem_shared>>
    %dma_wait3A_1165 = arith.constant 0 : i32
    %dma_wait3A_1166 = tpu.memref_slice %arg22[%dma_wait3A_1165] : memref<8192xf32, #tpu.memory_space<vmem>> -> memref<8192xf32, #tpu.memory_space<vmem>>
    tpu.wait_dma2 semaphore(%arg25 : memref<!tpu.dma_semaphore, #tpu.memory_space<semaphore_mem>>) src(%dma_wait3A_1166 : memref<8192xf32, #tpu.memory_space<vmem>>) dst(%dma_wait3A_1164 : memref<8192xf32, #tpu.memory_space<vmem_shared>>)
    %mul3A_1167 = arith.constant 62512 : i32
    %mul3A_1168 = arith.muli %arg1, %mul3A_1167 : i32
    %add3A_1169 = arith.constant 1000184 : i32
    %add3A_1170 = arith.addi %add3A_1169, %mul3A_1168 : i32
    %add3A_1171 = arith.constant 32768 : i32
    %add3A_1172 = arith.addi %add3A_1170, %add3A_1171 : i32
    %dma_start3A_1173 = arith.constant 0 : i32
    %dma_start3A_1174 = tpu.memref_slice %arg22[%dma_start3A_1173] : memref<8192xf32, #tpu.memory_space<vmem>> -> memref<8192xf32, #tpu.memory_space<vmem>>
    %dma_start3A_1175 = tpu.memref_slice %arg5[%add3A_1172] : memref<2000376xf32, #tpu.memory_space<hbm>> -> memref<8192xf32, #tpu.memory_space<hbm>>
    %dma_start3A_1176 = arith.constant 0 : i32
    %dma_start3A_1177 = tpu.memref_slice %arg22[%dma_start3A_1176] : memref<8192xf32, #tpu.memory_space<vmem>> -> memref<8192xf32, #tpu.memory_space<vmem>>
    %dma_start3A_1178 = tpu.memref_slice %arg5[%add3A_1172] : memref<2000376xf32, #tpu.memory_space<hbm>> -> memref<8192xf32, #tpu.memory_space<hbm>>
    tpu.enqueue_dma source(%dma_start3A_1178 : memref<8192xf32, #tpu.memory_space<hbm>>) target(%dma_start3A_1177 : memref<8192xf32, #tpu.memory_space<vmem>>) target_semaphore(%arg24 : memref<!tpu.dma_semaphore, #tpu.memory_space<semaphore_mem>>)
    %dma_wait3A_1179 = arith.constant 0 : i32
    %dma_wait3A_1180 = tpu.memref_slice %arg22[%dma_wait3A_1179] : memref<8192xf32, #tpu.memory_space<vmem>> -> memref<8192xf32, #tpu.memory_space<vmem>>
    %dma_wait3A_1181 = tpu.memref_slice %arg5[%add3A_1172] : memref<2000376xf32, #tpu.memory_space<hbm>> -> memref<8192xf32, #tpu.memory_space<hbm>>
    %dma_wait3A_1182 = arith.constant 0 : i32
    %dma_wait3A_1183 = tpu.memref_slice %arg22[%dma_wait3A_1182] : memref<8192xf32, #tpu.memory_space<vmem>> -> memref<8192xf32, #tpu.memory_space<vmem>>
    %dma_wait3A_1184 = tpu.memref_slice %arg5[%add3A_1172] : memref<2000376xf32, #tpu.memory_space<hbm>> -> memref<8192xf32, #tpu.memory_space<hbm>>
    tpu.wait_dma2 semaphore(%arg24 : memref<!tpu.dma_semaphore, #tpu.memory_space<semaphore_mem>>) src(%dma_wait3A_1184 : memref<8192xf32, #tpu.memory_space<hbm>>) dst(%dma_wait3A_1183 : memref<8192xf32, #tpu.memory_space<vmem>>)
    %mul3A_1185 = arith.constant 62512 : i32
    %mul3A_1186 = arith.muli %arg1, %mul3A_1185 : i32
    %add3A_1187 = arith.constant 262144 : i32
    %add3A_1188 = arith.addi %add3A_1187, %mul3A_1186 : i32
    %add3A_1189 = arith.constant 32768 : i32
    %add3A_1190 = arith.addi %add3A_1188, %add3A_1189 : i32
    %dma_start3A_1191 = arith.constant 0 : i32
    %dma_start3A_1192 = tpu.memref_slice %arg22[%dma_start3A_1191] : memref<8192xf32, #tpu.memory_space<vmem>> -> memref<8192xf32, #tpu.memory_space<vmem>>
    %dma_start3A_1193 = tpu.memref_slice %arg7[%add3A_1190] : memref<1310720xf32, #tpu.memory_space<vmem_shared>> -> memref<8192xf32, #tpu.memory_space<vmem_shared>>
    %dma_start3A_1194 = tpu.memref_slice %arg7[%add3A_1190] : memref<1310720xf32, #tpu.memory_space<vmem_shared>> -> memref<8192xf32, #tpu.memory_space<vmem_shared>>
    %dma_start3A_1195 = arith.constant 0 : i32
    %dma_start3A_1196 = tpu.memref_slice %arg22[%dma_start3A_1195] : memref<8192xf32, #tpu.memory_space<vmem>> -> memref<8192xf32, #tpu.memory_space<vmem>>
    tpu.enqueue_dma source(%dma_start3A_1196 : memref<8192xf32, #tpu.memory_space<vmem>>) target(%dma_start3A_1194 : memref<8192xf32, #tpu.memory_space<vmem_shared>>) target_semaphore(%arg25 : memref<!tpu.dma_semaphore, #tpu.memory_space<semaphore_mem>>)
    %dma_wait3A_1197 = arith.constant 0 : i32
    %dma_wait3A_1198 = tpu.memref_slice %arg23[%dma_wait3A_1197] : memref<8192xf32, #tpu.memory_space<vmem>> -> memref<8192xf32, #tpu.memory_space<vmem>>
    %dma_wait3A_1199 = tpu.memref_slice %arg7[%add3A_1154] : memref<1310720xf32, #tpu.memory_space<vmem_shared>> -> memref<8192xf32, #tpu.memory_space<vmem_shared>>
    %dma_wait3A_1200 = tpu.memref_slice %arg7[%add3A_1154] : memref<1310720xf32, #tpu.memory_space<vmem_shared>> -> memref<8192xf32, #tpu.memory_space<vmem_shared>>
    %dma_wait3A_1201 = arith.constant 0 : i32
    %dma_wait3A_1202 = tpu.memref_slice %arg23[%dma_wait3A_1201] : memref<8192xf32, #tpu.memory_space<vmem>> -> memref<8192xf32, #tpu.memory_space<vmem>>
    tpu.wait_dma2 semaphore(%arg25 : memref<!tpu.dma_semaphore, #tpu.memory_space<semaphore_mem>>) src(%dma_wait3A_1202 : memref<8192xf32, #tpu.memory_space<vmem>>) dst(%dma_wait3A_1200 : memref<8192xf32, #tpu.memory_space<vmem_shared>>)
    %mul3A_1203 = arith.constant 62512 : i32
    %mul3A_1204 = arith.muli %arg1, %mul3A_1203 : i32
    %add3A_1205 = arith.constant 1000184 : i32
    %add3A_1206 = arith.addi %add3A_1205, %mul3A_1204 : i32
    %add3A_1207 = arith.constant 40960 : i32
    %add3A_1208 = arith.addi %add3A_1206, %add3A_1207 : i32
    %dma_start3A_1209 = arith.constant 0 : i32
    %dma_start3A_1210 = tpu.memref_slice %arg23[%dma_start3A_1209] : memref<8192xf32, #tpu.memory_space<vmem>> -> memref<8192xf32, #tpu.memory_space<vmem>>
    %dma_start3A_1211 = tpu.memref_slice %arg5[%add3A_1208] : memref<2000376xf32, #tpu.memory_space<hbm>> -> memref<8192xf32, #tpu.memory_space<hbm>>
    %dma_start3A_1212 = arith.constant 0 : i32
    %dma_start3A_1213 = tpu.memref_slice %arg23[%dma_start3A_1212] : memref<8192xf32, #tpu.memory_space<vmem>> -> memref<8192xf32, #tpu.memory_space<vmem>>
    %dma_start3A_1214 = tpu.memref_slice %arg5[%add3A_1208] : memref<2000376xf32, #tpu.memory_space<hbm>> -> memref<8192xf32, #tpu.memory_space<hbm>>
    tpu.enqueue_dma source(%dma_start3A_1214 : memref<8192xf32, #tpu.memory_space<hbm>>) target(%dma_start3A_1213 : memref<8192xf32, #tpu.memory_space<vmem>>) target_semaphore(%arg24 : memref<!tpu.dma_semaphore, #tpu.memory_space<semaphore_mem>>)
    %dma_wait3A_1215 = arith.constant 0 : i32
    %dma_wait3A_1216 = tpu.memref_slice %arg23[%dma_wait3A_1215] : memref<8192xf32, #tpu.memory_space<vmem>> -> memref<8192xf32, #tpu.memory_space<vmem>>
    %dma_wait3A_1217 = tpu.memref_slice %arg5[%add3A_1208] : memref<2000376xf32, #tpu.memory_space<hbm>> -> memref<8192xf32, #tpu.memory_space<hbm>>
    %dma_wait3A_1218 = arith.constant 0 : i32
    %dma_wait3A_1219 = tpu.memref_slice %arg23[%dma_wait3A_1218] : memref<8192xf32, #tpu.memory_space<vmem>> -> memref<8192xf32, #tpu.memory_space<vmem>>
    %dma_wait3A_1220 = tpu.memref_slice %arg5[%add3A_1208] : memref<2000376xf32, #tpu.memory_space<hbm>> -> memref<8192xf32, #tpu.memory_space<hbm>>
    tpu.wait_dma2 semaphore(%arg24 : memref<!tpu.dma_semaphore, #tpu.memory_space<semaphore_mem>>) src(%dma_wait3A_1220 : memref<8192xf32, #tpu.memory_space<hbm>>) dst(%dma_wait3A_1219 : memref<8192xf32, #tpu.memory_space<vmem>>)
    %mul3A_1221 = arith.constant 62512 : i32
    %mul3A_1222 = arith.muli %arg1, %mul3A_1221 : i32
    %add3A_1223 = arith.constant 262144 : i32
    %add3A_1224 = arith.addi %add3A_1223, %mul3A_1222 : i32
    %add3A_1225 = arith.constant 40960 : i32
    %add3A_1226 = arith.addi %add3A_1224, %add3A_1225 : i32
    %dma_start3A_1227 = arith.constant 0 : i32
    %dma_start3A_1228 = tpu.memref_slice %arg23[%dma_start3A_1227] : memref<8192xf32, #tpu.memory_space<vmem>> -> memref<8192xf32, #tpu.memory_space<vmem>>
    %dma_start3A_1229 = tpu.memref_slice %arg7[%add3A_1226] : memref<1310720xf32, #tpu.memory_space<vmem_shared>> -> memref<8192xf32, #tpu.memory_space<vmem_shared>>
    %dma_start3A_1230 = tpu.memref_slice %arg7[%add3A_1226] : memref<1310720xf32, #tpu.memory_space<vmem_shared>> -> memref<8192xf32, #tpu.memory_space<vmem_shared>>
    %dma_start3A_1231 = arith.constant 0 : i32
    %dma_start3A_1232 = tpu.memref_slice %arg23[%dma_start3A_1231] : memref<8192xf32, #tpu.memory_space<vmem>> -> memref<8192xf32, #tpu.memory_space<vmem>>
    tpu.enqueue_dma source(%dma_start3A_1232 : memref<8192xf32, #tpu.memory_space<vmem>>) target(%dma_start3A_1230 : memref<8192xf32, #tpu.memory_space<vmem_shared>>) target_semaphore(%arg25 : memref<!tpu.dma_semaphore, #tpu.memory_space<semaphore_mem>>)
    %dma_wait3A_1233 = arith.constant 0 : i32
    %dma_wait3A_1234 = tpu.memref_slice %arg22[%dma_wait3A_1233] : memref<8192xf32, #tpu.memory_space<vmem>> -> memref<8192xf32, #tpu.memory_space<vmem>>
    %dma_wait3A_1235 = tpu.memref_slice %arg7[%add3A_1190] : memref<1310720xf32, #tpu.memory_space<vmem_shared>> -> memref<8192xf32, #tpu.memory_space<vmem_shared>>
    %dma_wait3A_1236 = tpu.memref_slice %arg7[%add3A_1190] : memref<1310720xf32, #tpu.memory_space<vmem_shared>> -> memref<8192xf32, #tpu.memory_space<vmem_shared>>
    %dma_wait3A_1237 = arith.constant 0 : i32
    %dma_wait3A_1238 = tpu.memref_slice %arg22[%dma_wait3A_1237] : memref<8192xf32, #tpu.memory_space<vmem>> -> memref<8192xf32, #tpu.memory_space<vmem>>
    tpu.wait_dma2 semaphore(%arg25 : memref<!tpu.dma_semaphore, #tpu.memory_space<semaphore_mem>>) src(%dma_wait3A_1238 : memref<8192xf32, #tpu.memory_space<vmem>>) dst(%dma_wait3A_1236 : memref<8192xf32, #tpu.memory_space<vmem_shared>>)
    %mul3A_1239 = arith.constant 62512 : i32
    %mul3A_1240 = arith.muli %arg1, %mul3A_1239 : i32
    %add3A_1241 = arith.constant 1000184 : i32
    %add3A_1242 = arith.addi %add3A_1241, %mul3A_1240 : i32
    %add3A_1243 = arith.constant 49152 : i32
    %add3A_1244 = arith.addi %add3A_1242, %add3A_1243 : i32
    %dma_start3A_1245 = arith.constant 0 : i32
    %dma_start3A_1246 = tpu.memref_slice %arg22[%dma_start3A_1245] : memref<8192xf32, #tpu.memory_space<vmem>> -> memref<8192xf32, #tpu.memory_space<vmem>>
    %dma_start3A_1247 = tpu.memref_slice %arg5[%add3A_1244] : memref<2000376xf32, #tpu.memory_space<hbm>> -> memref<8192xf32, #tpu.memory_space<hbm>>
    %dma_start3A_1248 = arith.constant 0 : i32
    %dma_start3A_1249 = tpu.memref_slice %arg22[%dma_start3A_1248] : memref<8192xf32, #tpu.memory_space<vmem>> -> memref<8192xf32, #tpu.memory_space<vmem>>
    %dma_start3A_1250 = tpu.memref_slice %arg5[%add3A_1244] : memref<2000376xf32, #tpu.memory_space<hbm>> -> memref<8192xf32, #tpu.memory_space<hbm>>
    tpu.enqueue_dma source(%dma_start3A_1250 : memref<8192xf32, #tpu.memory_space<hbm>>) target(%dma_start3A_1249 : memref<8192xf32, #tpu.memory_space<vmem>>) target_semaphore(%arg24 : memref<!tpu.dma_semaphore, #tpu.memory_space<semaphore_mem>>)
    %dma_wait3A_1251 = arith.constant 0 : i32
    %dma_wait3A_1252 = tpu.memref_slice %arg22[%dma_wait3A_1251] : memref<8192xf32, #tpu.memory_space<vmem>> -> memref<8192xf32, #tpu.memory_space<vmem>>
    %dma_wait3A_1253 = tpu.memref_slice %arg5[%add3A_1244] : memref<2000376xf32, #tpu.memory_space<hbm>> -> memref<8192xf32, #tpu.memory_space<hbm>>
    %dma_wait3A_1254 = arith.constant 0 : i32
    %dma_wait3A_1255 = tpu.memref_slice %arg22[%dma_wait3A_1254] : memref<8192xf32, #tpu.memory_space<vmem>> -> memref<8192xf32, #tpu.memory_space<vmem>>
    %dma_wait3A_1256 = tpu.memref_slice %arg5[%add3A_1244] : memref<2000376xf32, #tpu.memory_space<hbm>> -> memref<8192xf32, #tpu.memory_space<hbm>>
    tpu.wait_dma2 semaphore(%arg24 : memref<!tpu.dma_semaphore, #tpu.memory_space<semaphore_mem>>) src(%dma_wait3A_1256 : memref<8192xf32, #tpu.memory_space<hbm>>) dst(%dma_wait3A_1255 : memref<8192xf32, #tpu.memory_space<vmem>>)
    %mul3A_1257 = arith.constant 62512 : i32
    %mul3A_1258 = arith.muli %arg1, %mul3A_1257 : i32
    %add3A_1259 = arith.constant 262144 : i32
    %add3A_1260 = arith.addi %add3A_1259, %mul3A_1258 : i32
    %add3A_1261 = arith.constant 49152 : i32
    %add3A_1262 = arith.addi %add3A_1260, %add3A_1261 : i32
    %dma_start3A_1263 = arith.constant 0 : i32
    %dma_start3A_1264 = tpu.memref_slice %arg22[%dma_start3A_1263] : memref<8192xf32, #tpu.memory_space<vmem>> -> memref<8192xf32, #tpu.memory_space<vmem>>
    %dma_start3A_1265 = tpu.memref_slice %arg7[%add3A_1262] : memref<1310720xf32, #tpu.memory_space<vmem_shared>> -> memref<8192xf32, #tpu.memory_space<vmem_shared>>
    %dma_start3A_1266 = tpu.memref_slice %arg7[%add3A_1262] : memref<1310720xf32, #tpu.memory_space<vmem_shared>> -> memref<8192xf32, #tpu.memory_space<vmem_shared>>
    %dma_start3A_1267 = arith.constant 0 : i32
    %dma_start3A_1268 = tpu.memref_slice %arg22[%dma_start3A_1267] : memref<8192xf32, #tpu.memory_space<vmem>> -> memref<8192xf32, #tpu.memory_space<vmem>>
    tpu.enqueue_dma source(%dma_start3A_1268 : memref<8192xf32, #tpu.memory_space<vmem>>) target(%dma_start3A_1266 : memref<8192xf32, #tpu.memory_space<vmem_shared>>) target_semaphore(%arg25 : memref<!tpu.dma_semaphore, #tpu.memory_space<semaphore_mem>>)
    %dma_wait3A_1269 = arith.constant 0 : i32
    %dma_wait3A_1270 = tpu.memref_slice %arg23[%dma_wait3A_1269] : memref<8192xf32, #tpu.memory_space<vmem>> -> memref<8192xf32, #tpu.memory_space<vmem>>
    %dma_wait3A_1271 = tpu.memref_slice %arg7[%add3A_1226] : memref<1310720xf32, #tpu.memory_space<vmem_shared>> -> memref<8192xf32, #tpu.memory_space<vmem_shared>>
    %dma_wait3A_1272 = tpu.memref_slice %arg7[%add3A_1226] : memref<1310720xf32, #tpu.memory_space<vmem_shared>> -> memref<8192xf32, #tpu.memory_space<vmem_shared>>
    %dma_wait3A_1273 = arith.constant 0 : i32
    %dma_wait3A_1274 = tpu.memref_slice %arg23[%dma_wait3A_1273] : memref<8192xf32, #tpu.memory_space<vmem>> -> memref<8192xf32, #tpu.memory_space<vmem>>
    tpu.wait_dma2 semaphore(%arg25 : memref<!tpu.dma_semaphore, #tpu.memory_space<semaphore_mem>>) src(%dma_wait3A_1274 : memref<8192xf32, #tpu.memory_space<vmem>>) dst(%dma_wait3A_1272 : memref<8192xf32, #tpu.memory_space<vmem_shared>>)
    %mul3A_1275 = arith.constant 62512 : i32
    %mul3A_1276 = arith.muli %arg1, %mul3A_1275 : i32
    %add3A_1277 = arith.constant 1000184 : i32
    %add3A_1278 = arith.addi %add3A_1277, %mul3A_1276 : i32
    %add3A_1279 = arith.constant 57344 : i32
    %add3A_1280 = arith.addi %add3A_1278, %add3A_1279 : i32
    %dma_start3A_1281 = arith.constant 0 : i32
    %dma_start3A_1282 = tpu.memref_slice %arg23[%dma_start3A_1281] : memref<8192xf32, #tpu.memory_space<vmem>> -> memref<5168xf32, #tpu.memory_space<vmem>>
    %dma_start3A_1283 = tpu.memref_slice %arg5[%add3A_1280] : memref<2000376xf32, #tpu.memory_space<hbm>> -> memref<5168xf32, #tpu.memory_space<hbm>>
    %dma_start3A_1284 = arith.constant 0 : i32
    %dma_start3A_1285 = tpu.memref_slice %arg23[%dma_start3A_1284] : memref<8192xf32, #tpu.memory_space<vmem>> -> memref<5168xf32, #tpu.memory_space<vmem>>
    %dma_start3A_1286 = tpu.memref_slice %arg5[%add3A_1280] : memref<2000376xf32, #tpu.memory_space<hbm>> -> memref<5168xf32, #tpu.memory_space<hbm>>
    tpu.enqueue_dma source(%dma_start3A_1286 : memref<5168xf32, #tpu.memory_space<hbm>>) target(%dma_start3A_1285 : memref<5168xf32, #tpu.memory_space<vmem>>) target_semaphore(%arg24 : memref<!tpu.dma_semaphore, #tpu.memory_space<semaphore_mem>>)
    %dma_wait3A_1287 = arith.constant 0 : i32
    %dma_wait3A_1288 = tpu.memref_slice %arg23[%dma_wait3A_1287] : memref<8192xf32, #tpu.memory_space<vmem>> -> memref<5168xf32, #tpu.memory_space<vmem>>
    %dma_wait3A_1289 = tpu.memref_slice %arg5[%add3A_1280] : memref<2000376xf32, #tpu.memory_space<hbm>> -> memref<5168xf32, #tpu.memory_space<hbm>>
    %dma_wait3A_1290 = arith.constant 0 : i32
    %dma_wait3A_1291 = tpu.memref_slice %arg23[%dma_wait3A_1290] : memref<8192xf32, #tpu.memory_space<vmem>> -> memref<5168xf32, #tpu.memory_space<vmem>>
    %dma_wait3A_1292 = tpu.memref_slice %arg5[%add3A_1280] : memref<2000376xf32, #tpu.memory_space<hbm>> -> memref<5168xf32, #tpu.memory_space<hbm>>
    tpu.wait_dma2 semaphore(%arg24 : memref<!tpu.dma_semaphore, #tpu.memory_space<semaphore_mem>>) src(%dma_wait3A_1292 : memref<5168xf32, #tpu.memory_space<hbm>>) dst(%dma_wait3A_1291 : memref<5168xf32, #tpu.memory_space<vmem>>)
    %mul3A_1293 = arith.constant 62512 : i32
    %mul3A_1294 = arith.muli %arg1, %mul3A_1293 : i32
    %add3A_1295 = arith.constant 262144 : i32
    %add3A_1296 = arith.addi %add3A_1295, %mul3A_1294 : i32
    %add3A_1297 = arith.constant 57344 : i32
    %add3A_1298 = arith.addi %add3A_1296, %add3A_1297 : i32
    %dma_start3A_1299 = arith.constant 0 : i32
    %dma_start3A_1300 = tpu.memref_slice %arg23[%dma_start3A_1299] : memref<8192xf32, #tpu.memory_space<vmem>> -> memref<5168xf32, #tpu.memory_space<vmem>>
    %dma_start3A_1301 = tpu.memref_slice %arg7[%add3A_1298] : memref<1310720xf32, #tpu.memory_space<vmem_shared>> -> memref<5168xf32, #tpu.memory_space<vmem_shared>>
    %dma_start3A_1302 = tpu.memref_slice %arg7[%add3A_1298] : memref<1310720xf32, #tpu.memory_space<vmem_shared>> -> memref<5168xf32, #tpu.memory_space<vmem_shared>>
    %dma_start3A_1303 = arith.constant 0 : i32
    %dma_start3A_1304 = tpu.memref_slice %arg23[%dma_start3A_1303] : memref<8192xf32, #tpu.memory_space<vmem>> -> memref<5168xf32, #tpu.memory_space<vmem>>
    tpu.enqueue_dma source(%dma_start3A_1304 : memref<5168xf32, #tpu.memory_space<vmem>>) target(%dma_start3A_1302 : memref<5168xf32, #tpu.memory_space<vmem_shared>>) target_semaphore(%arg25 : memref<!tpu.dma_semaphore, #tpu.memory_space<semaphore_mem>>)
    %dma_wait3A_1305 = arith.constant 0 : i32
    %dma_wait3A_1306 = tpu.memref_slice %arg22[%dma_wait3A_1305] : memref<8192xf32, #tpu.memory_space<vmem>> -> memref<8192xf32, #tpu.memory_space<vmem>>
    %dma_wait3A_1307 = tpu.memref_slice %arg7[%add3A_1262] : memref<1310720xf32, #tpu.memory_space<vmem_shared>> -> memref<8192xf32, #tpu.memory_space<vmem_shared>>
    %dma_wait3A_1308 = tpu.memref_slice %arg7[%add3A_1262] : memref<1310720xf32, #tpu.memory_space<vmem_shared>> -> memref<8192xf32, #tpu.memory_space<vmem_shared>>
    %dma_wait3A_1309 = arith.constant 0 : i32
    %dma_wait3A_1310 = tpu.memref_slice %arg22[%dma_wait3A_1309] : memref<8192xf32, #tpu.memory_space<vmem>> -> memref<8192xf32, #tpu.memory_space<vmem>>
    tpu.wait_dma2 semaphore(%arg25 : memref<!tpu.dma_semaphore, #tpu.memory_space<semaphore_mem>>) src(%dma_wait3A_1310 : memref<8192xf32, #tpu.memory_space<vmem>>) dst(%dma_wait3A_1308 : memref<8192xf32, #tpu.memory_space<vmem_shared>>)
    %dma_wait3A_1311 = arith.constant 0 : i32
    %dma_wait3A_1312 = tpu.memref_slice %arg23[%dma_wait3A_1311] : memref<8192xf32, #tpu.memory_space<vmem>> -> memref<5168xf32, #tpu.memory_space<vmem>>
    %dma_wait3A_1313 = tpu.memref_slice %arg7[%add3A_1298] : memref<1310720xf32, #tpu.memory_space<vmem_shared>> -> memref<5168xf32, #tpu.memory_space<vmem_shared>>
    %dma_wait3A_1314 = tpu.memref_slice %arg7[%add3A_1298] : memref<1310720xf32, #tpu.memory_space<vmem_shared>> -> memref<5168xf32, #tpu.memory_space<vmem_shared>>
    %dma_wait3A_1315 = arith.constant 0 : i32
    %dma_wait3A_1316 = tpu.memref_slice %arg23[%dma_wait3A_1315] : memref<8192xf32, #tpu.memory_space<vmem>> -> memref<5168xf32, #tpu.memory_space<vmem>>
    tpu.wait_dma2 semaphore(%arg25 : memref<!tpu.dma_semaphore, #tpu.memory_space<semaphore_mem>>) src(%dma_wait3A_1316 : memref<5168xf32, #tpu.memory_space<vmem>>) dst(%dma_wait3A_1314 : memref<5168xf32, #tpu.memory_space<vmem_shared>>)
    "tpu.trace_stop"() : () -> ()
    %barrier3A_1317 = arith.constant 0 : index
    tpu.barrier barrier_id(%barrier3A_1317)
    %dma_start3A_1318 = arith.constant 2048 : i32
    %dma_start3A_1319 = tpu.memref_slice %arg21[%dma_start3A_1318] : memref<4096xf32, #tpu.memory_space<vmem>> -> memref<2048xf32, #tpu.memory_space<vmem>>
    %dma_start3A_1320 = arith.constant 2048 : i32
    %dma_start3A_1321 = tpu.memref_slice %arg18[%dma_start3A_1320] : memref<4096xi32, #tpu.memory_space<vmem>> -> memref<2048xi32, #tpu.memory_space<vmem>>
    %dma_start3A_1322 = arith.constant 0 : i32
    %dma_start3A_1323 = tpu.memref_slice %arg7[%dma_start3A_1322] : memref<1310720xf32, #tpu.memory_space<vmem_shared>> -> memref<1310720xf32, #tpu.memory_space<vmem_shared>>
    tpu.enqueue_indirect_dma source(%dma_start3A_1323 : memref<1310720xf32, #tpu.memory_space<vmem_shared>>) target(%dma_start3A_1319 : memref<2048xf32, #tpu.memory_space<vmem>>) offsets(%dma_start3A_1321 : memref<2048xi32, #tpu.memory_space<vmem>>) semaphore(%arg28 : memref<!tpu.dma_semaphore, #tpu.memory_space<semaphore_mem>>)
    "tpu.trace_start"() <{level = 10 : i32, message = "ph_wait_p"}> : () -> ()
    %dma_wait3A_1324 = arith.constant 2048 : i32
    %dma_wait3A_1325 = tpu.memref_slice %arg21[%dma_wait3A_1324] : memref<4096xf32, #tpu.memory_space<vmem>> -> memref<2048xf32, #tpu.memory_space<vmem>>
    %dma_wait3A_1326 = arith.constant 2048 : i32
    %dma_wait3A_1327 = tpu.memref_slice %arg18[%dma_wait3A_1326] : memref<4096xi32, #tpu.memory_space<vmem>> -> memref<2048xi32, #tpu.memory_space<vmem>>
    %dma_wait3A_1328 = arith.constant 0 : i32
    %dma_wait3A_1329 = tpu.memref_slice %arg7[%dma_wait3A_1328] : memref<1310720xf32, #tpu.memory_space<vmem_shared>> -> memref<1310720xf32, #tpu.memory_space<vmem_shared>>
    tpu.wait_indirect_dma semaphore(%arg28 : memref<!tpu.dma_semaphore, #tpu.memory_space<semaphore_mem>>) src(%dma_wait3A_1329 : memref<1310720xf32, #tpu.memory_space<vmem_shared>>) dst(%dma_wait3A_1325 : memref<2048xf32, #tpu.memory_space<vmem>>)
    "tpu.trace_stop"() : () -> ()
    %barrier3A_1330 = arith.constant 0 : index
    tpu.barrier barrier_id(%barrier3A_1330)
    %scan3A_1331 = arith.constant 0 : i32
    %scan3A_1332 = arith.constant 0 : i32
    %scan3A_1333 = arith.constant 32 : i32
    %scan3A_1334 = arith.addi %scan3A_1332, %scan3A_1333 : i32
    %scan3A_1335 = arith.constant 1 : i32
    scf.for %scan3A_1966 = %scan3A_1332 to %scan3A_1334 step %scan3A_1335  : i32 {
      %mul3A_1967 = arith.constant 16 : i32
      %mul3A_1968 = arith.muli %scan3A_1966, %mul3A_1967 : i32
      %get3A = arith.index_cast %mul3A_1968 : i32 to index
      %get3A_1969 = tpu.vector_load %arg21[%get3A] {strides = array<i32>} : memref<4096xf32, #tpu.memory_space<vmem>>, vector<16xf32>,
      %get3A_1970 = vector.shape_cast %get3A_1969 : vector<16xf32> to vector<16xf32>
      %add3A_1971 = arith.constant 512 : i32
      %add3A_1972 = arith.addi %add3A_1971, %mul3A_1968 : i32
      %get3A_1973 = arith.index_cast %add3A_1972 : i32 to index
      %get3A_1974 = tpu.vector_load %arg21[%get3A_1973] {strides = array<i32>} : memref<4096xf32, #tpu.memory_space<vmem>>, vector<16xf32>,
      %get3A_1975 = vector.shape_cast %get3A_1974 : vector<16xf32> to vector<16xf32>
      %add3A_1976 = arith.addf %get3A_1970, %get3A_1975 : vector<16xf32>
      %add3A_1977 = arith.constant 1024 : i32
      %add3A_1978 = arith.addi %add3A_1977, %mul3A_1968 : i32
      %get3A_1979 = arith.index_cast %add3A_1978 : i32 to index
      %get3A_1980 = tpu.vector_load %arg21[%get3A_1979] {strides = array<i32>} : memref<4096xf32, #tpu.memory_space<vmem>>, vector<16xf32>,
      %get3A_1981 = vector.shape_cast %get3A_1980 : vector<16xf32> to vector<16xf32>
      %add3A_1982 = arith.addf %add3A_1976, %get3A_1981 : vector<16xf32>
      %add3A_1983 = arith.constant 1536 : i32
      %add3A_1984 = arith.addi %add3A_1983, %mul3A_1968 : i32
      %get3A_1985 = arith.index_cast %add3A_1984 : i32 to index
      %get3A_1986 = tpu.vector_load %arg21[%get3A_1985] {strides = array<i32>} : memref<4096xf32, #tpu.memory_space<vmem>>, vector<16xf32>,
      %get3A_1987 = vector.shape_cast %get3A_1986 : vector<16xf32> to vector<16xf32>
      %add3A_1988 = arith.addf %add3A_1982, %get3A_1987 : vector<16xf32>
      %add3A_1989 = arith.constant 2048 : i32
      %add3A_1990 = arith.addi %add3A_1989, %mul3A_1968 : i32
      %get3A_1991 = arith.index_cast %add3A_1990 : i32 to index
      %get3A_1992 = tpu.vector_load %arg21[%get3A_1991] {strides = array<i32>} : memref<4096xf32, #tpu.memory_space<vmem>>, vector<16xf32>,
      %get3A_1993 = vector.shape_cast %get3A_1992 : vector<16xf32> to vector<16xf32>
      %add3A_1994 = arith.addf %add3A_1988, %get3A_1993 : vector<16xf32>
      %add3A_1995 = arith.constant 2560 : i32
      %add3A_1996 = arith.addi %add3A_1995, %mul3A_1968 : i32
      %get3A_1997 = arith.index_cast %add3A_1996 : i32 to index
      %get3A_1998 = tpu.vector_load %arg21[%get3A_1997] {strides = array<i32>} : memref<4096xf32, #tpu.memory_space<vmem>>, vector<16xf32>,
      %get3A_1999 = vector.shape_cast %get3A_1998 : vector<16xf32> to vector<16xf32>
      %add3A_2000 = arith.addf %add3A_1994, %get3A_1999 : vector<16xf32>
      %add3A_2001 = arith.constant 3072 : i32
      %add3A_2002 = arith.addi %add3A_2001, %mul3A_1968 : i32
      %get3A_2003 = arith.index_cast %add3A_2002 : i32 to index
      %get3A_2004 = tpu.vector_load %arg21[%get3A_2003] {strides = array<i32>} : memref<4096xf32, #tpu.memory_space<vmem>>, vector<16xf32>,
      %get3A_2005 = vector.shape_cast %get3A_2004 : vector<16xf32> to vector<16xf32>
      %add3A_2006 = arith.addf %add3A_2000, %get3A_2005 : vector<16xf32>
      %add3A_2007 = arith.constant 3584 : i32
      %add3A_2008 = arith.addi %add3A_2007, %mul3A_1968 : i32
      %get3A_2009 = arith.index_cast %add3A_2008 : i32 to index
      %get3A_2010 = tpu.vector_load %arg21[%get3A_2009] {strides = array<i32>} : memref<4096xf32, #tpu.memory_space<vmem>>, vector<16xf32>,
      %get3A_2011 = vector.shape_cast %get3A_2010 : vector<16xf32> to vector<16xf32>
      %add3A_2012 = arith.addf %add3A_2006, %get3A_2011 : vector<16xf32>
      %get3A_2013 = arith.index_cast %mul3A_1968 : i32 to index
      %get3A_2014 = tpu.vector_load %arg8[%get3A_2013] {strides = array<i32>} : memref<512xf32, #tpu.memory_space<vmem>>, vector<16xf32>,
      %get3A_2015 = vector.shape_cast %get3A_2014 : vector<16xf32> to vector<16xf32>
      %add3A_2016 = arith.addf %get3A_2015, %add3A_2012 : vector<16xf32>
      %jit3A = arith.constant -1.200000e+00 : f32
      %jit3A_2017 = arith.constant 6.000000e-01 : f32
      %max3A = vector.broadcast %jit3A : f32 to vector<16xf32>
      %max3A_2018 = arith.maximumf %max3A, %add3A_2016 : vector<16xf32>
      %min3A = vector.broadcast %jit3A_2017 : f32 to vector<16xf32>
      %min3A_2019 = arith.minimumf %min3A, %max3A_2018 : vector<16xf32>
      %swap3A = arith.index_cast %mul3A_1968 : i32 to index
      %swap3A_2020 = tpu.vector_load %arg14[%swap3A] {strides = array<i32>} : memref<512xf32, #tpu.memory_space<vmem>>, vector<16xf32>,
      %swap3A_2021 = vector.shape_cast %swap3A_2020 : vector<16xf32> to vector<16xf32>
      %swap3A_2022 = vector.shape_cast %min3A_2019 : vector<16xf32> to vector<16xf32>
      tpu.vector_store %arg14[%swap3A], %swap3A_2022 {strides = array<i32>} : memref<512xf32, #tpu.memory_space<vmem>>, vector<16xf32>,
    }
    %scan3A_1336 = arith.constant 32 : i32
    "tpu.trace_start"() <{level = 10 : i32, message = "ph_stage_wr"}> : () -> ()
    %mul3A_1337 = arith.constant 65536 : i32
    %mul3A_1338 = arith.muli %arg1, %mul3A_1337 : i32
    %add3A_1339 = arith.constant 0 : i32
    %add3A_1340 = arith.addi %add3A_1339, %mul3A_1338 : i32
    %add3A_1341 = arith.constant 0 : i32
    %add3A_1342 = arith.addi %add3A_1340, %add3A_1341 : i32
    %dma_start3A_1343 = arith.constant 0 : i32
    %dma_start3A_1344 = tpu.memref_slice %arg22[%dma_start3A_1343] : memref<8192xf32, #tpu.memory_space<vmem>> -> memref<8192xf32, #tpu.memory_space<vmem>>
    %dma_start3A_1345 = tpu.memref_slice %arg4[%add3A_1342] : memref<2097152xf32, #tpu.memory_space<hbm>> -> memref<8192xf32, #tpu.memory_space<hbm>>
    %dma_start3A_1346 = arith.constant 0 : i32
    %dma_start3A_1347 = tpu.memref_slice %arg22[%dma_start3A_1346] : memref<8192xf32, #tpu.memory_space<vmem>> -> memref<8192xf32, #tpu.memory_space<vmem>>
    %dma_start3A_1348 = tpu.memref_slice %arg4[%add3A_1342] : memref<2097152xf32, #tpu.memory_space<hbm>> -> memref<8192xf32, #tpu.memory_space<hbm>>
    tpu.enqueue_dma source(%dma_start3A_1348 : memref<8192xf32, #tpu.memory_space<hbm>>) target(%dma_start3A_1347 : memref<8192xf32, #tpu.memory_space<vmem>>) target_semaphore(%arg24 : memref<!tpu.dma_semaphore, #tpu.memory_space<semaphore_mem>>)
    %dma_wait3A_1349 = arith.constant 0 : i32
    %dma_wait3A_1350 = tpu.memref_slice %arg22[%dma_wait3A_1349] : memref<8192xf32, #tpu.memory_space<vmem>> -> memref<8192xf32, #tpu.memory_space<vmem>>
    %dma_wait3A_1351 = tpu.memref_slice %arg4[%add3A_1342] : memref<2097152xf32, #tpu.memory_space<hbm>> -> memref<8192xf32, #tpu.memory_space<hbm>>
    %dma_wait3A_1352 = arith.constant 0 : i32
    %dma_wait3A_1353 = tpu.memref_slice %arg22[%dma_wait3A_1352] : memref<8192xf32, #tpu.memory_space<vmem>> -> memref<8192xf32, #tpu.memory_space<vmem>>
    %dma_wait3A_1354 = tpu.memref_slice %arg4[%add3A_1342] : memref<2097152xf32, #tpu.memory_space<hbm>> -> memref<8192xf32, #tpu.memory_space<hbm>>
    tpu.wait_dma2 semaphore(%arg24 : memref<!tpu.dma_semaphore, #tpu.memory_space<semaphore_mem>>) src(%dma_wait3A_1354 : memref<8192xf32, #tpu.memory_space<hbm>>) dst(%dma_wait3A_1353 : memref<8192xf32, #tpu.memory_space<vmem>>)
    %mul3A_1355 = arith.constant 65536 : i32
    %mul3A_1356 = arith.muli %arg1, %mul3A_1355 : i32
    %add3A_1357 = arith.constant 262144 : i32
    %add3A_1358 = arith.addi %add3A_1357, %mul3A_1356 : i32
    %add3A_1359 = arith.constant 0 : i32
    %add3A_1360 = arith.addi %add3A_1358, %add3A_1359 : i32
    %dma_start3A_1361 = arith.constant 0 : i32
    %dma_start3A_1362 = tpu.memref_slice %arg22[%dma_start3A_1361] : memref<8192xf32, #tpu.memory_space<vmem>> -> memref<8192xf32, #tpu.memory_space<vmem>>
    %dma_start3A_1363 = tpu.memref_slice %arg7[%add3A_1360] : memref<1310720xf32, #tpu.memory_space<vmem_shared>> -> memref<8192xf32, #tpu.memory_space<vmem_shared>>
    %dma_start3A_1364 = tpu.memref_slice %arg7[%add3A_1360] : memref<1310720xf32, #tpu.memory_space<vmem_shared>> -> memref<8192xf32, #tpu.memory_space<vmem_shared>>
    %dma_start3A_1365 = arith.constant 0 : i32
    %dma_start3A_1366 = tpu.memref_slice %arg22[%dma_start3A_1365] : memref<8192xf32, #tpu.memory_space<vmem>> -> memref<8192xf32, #tpu.memory_space<vmem>>
    tpu.enqueue_dma source(%dma_start3A_1366 : memref<8192xf32, #tpu.memory_space<vmem>>) target(%dma_start3A_1364 : memref<8192xf32, #tpu.memory_space<vmem_shared>>) target_semaphore(%arg25 : memref<!tpu.dma_semaphore, #tpu.memory_space<semaphore_mem>>)
    %mul3A_1367 = arith.constant 65536 : i32
    %mul3A_1368 = arith.muli %arg1, %mul3A_1367 : i32
    %add3A_1369 = arith.constant 0 : i32
    %add3A_1370 = arith.addi %add3A_1369, %mul3A_1368 : i32
    %add3A_1371 = arith.constant 8192 : i32
    %add3A_1372 = arith.addi %add3A_1370, %add3A_1371 : i32
    %dma_start3A_1373 = arith.constant 0 : i32
    %dma_start3A_1374 = tpu.memref_slice %arg23[%dma_start3A_1373] : memref<8192xf32, #tpu.memory_space<vmem>> -> memref<8192xf32, #tpu.memory_space<vmem>>
    %dma_start3A_1375 = tpu.memref_slice %arg4[%add3A_1372] : memref<2097152xf32, #tpu.memory_space<hbm>> -> memref<8192xf32, #tpu.memory_space<hbm>>
    %dma_start3A_1376 = arith.constant 0 : i32
    %dma_start3A_1377 = tpu.memref_slice %arg23[%dma_start3A_1376] : memref<8192xf32, #tpu.memory_space<vmem>> -> memref<8192xf32, #tpu.memory_space<vmem>>
    %dma_start3A_1378 = tpu.memref_slice %arg4[%add3A_1372] : memref<2097152xf32, #tpu.memory_space<hbm>> -> memref<8192xf32, #tpu.memory_space<hbm>>
    tpu.enqueue_dma source(%dma_start3A_1378 : memref<8192xf32, #tpu.memory_space<hbm>>) target(%dma_start3A_1377 : memref<8192xf32, #tpu.memory_space<vmem>>) target_semaphore(%arg24 : memref<!tpu.dma_semaphore, #tpu.memory_space<semaphore_mem>>)
    %dma_wait3A_1379 = arith.constant 0 : i32
    %dma_wait3A_1380 = tpu.memref_slice %arg23[%dma_wait3A_1379] : memref<8192xf32, #tpu.memory_space<vmem>> -> memref<8192xf32, #tpu.memory_space<vmem>>
    %dma_wait3A_1381 = tpu.memref_slice %arg4[%add3A_1372] : memref<2097152xf32, #tpu.memory_space<hbm>> -> memref<8192xf32, #tpu.memory_space<hbm>>
    %dma_wait3A_1382 = arith.constant 0 : i32
    %dma_wait3A_1383 = tpu.memref_slice %arg23[%dma_wait3A_1382] : memref<8192xf32, #tpu.memory_space<vmem>> -> memref<8192xf32, #tpu.memory_space<vmem>>
    %dma_wait3A_1384 = tpu.memref_slice %arg4[%add3A_1372] : memref<2097152xf32, #tpu.memory_space<hbm>> -> memref<8192xf32, #tpu.memory_space<hbm>>
    tpu.wait_dma2 semaphore(%arg24 : memref<!tpu.dma_semaphore, #tpu.memory_space<semaphore_mem>>) src(%dma_wait3A_1384 : memref<8192xf32, #tpu.memory_space<hbm>>) dst(%dma_wait3A_1383 : memref<8192xf32, #tpu.memory_space<vmem>>)
    %mul3A_1385 = arith.constant 65536 : i32
    %mul3A_1386 = arith.muli %arg1, %mul3A_1385 : i32
    %add3A_1387 = arith.constant 262144 : i32
    %add3A_1388 = arith.addi %add3A_1387, %mul3A_1386 : i32
    %add3A_1389 = arith.constant 8192 : i32
    %add3A_1390 = arith.addi %add3A_1388, %add3A_1389 : i32
    %dma_start3A_1391 = arith.constant 0 : i32
    %dma_start3A_1392 = tpu.memref_slice %arg23[%dma_start3A_1391] : memref<8192xf32, #tpu.memory_space<vmem>> -> memref<8192xf32, #tpu.memory_space<vmem>>
    %dma_start3A_1393 = tpu.memref_slice %arg7[%add3A_1390] : memref<1310720xf32, #tpu.memory_space<vmem_shared>> -> memref<8192xf32, #tpu.memory_space<vmem_shared>>
    %dma_start3A_1394 = tpu.memref_slice %arg7[%add3A_1390] : memref<1310720xf32, #tpu.memory_space<vmem_shared>> -> memref<8192xf32, #tpu.memory_space<vmem_shared>>
    %dma_start3A_1395 = arith.constant 0 : i32
    %dma_start3A_1396 = tpu.memref_slice %arg23[%dma_start3A_1395] : memref<8192xf32, #tpu.memory_space<vmem>> -> memref<8192xf32, #tpu.memory_space<vmem>>
    tpu.enqueue_dma source(%dma_start3A_1396 : memref<8192xf32, #tpu.memory_space<vmem>>) target(%dma_start3A_1394 : memref<8192xf32, #tpu.memory_space<vmem_shared>>) target_semaphore(%arg25 : memref<!tpu.dma_semaphore, #tpu.memory_space<semaphore_mem>>)
    %dma_wait3A_1397 = arith.constant 0 : i32
    %dma_wait3A_1398 = tpu.memref_slice %arg22[%dma_wait3A_1397] : memref<8192xf32, #tpu.memory_space<vmem>> -> memref<8192xf32, #tpu.memory_space<vmem>>
    %dma_wait3A_1399 = tpu.memref_slice %arg7[%add3A_1360] : memref<1310720xf32, #tpu.memory_space<vmem_shared>> -> memref<8192xf32, #tpu.memory_space<vmem_shared>>
    %dma_wait3A_1400 = tpu.memref_slice %arg7[%add3A_1360] : memref<1310720xf32, #tpu.memory_space<vmem_shared>> -> memref<8192xf32, #tpu.memory_space<vmem_shared>>
    %dma_wait3A_1401 = arith.constant 0 : i32
    %dma_wait3A_1402 = tpu.memref_slice %arg22[%dma_wait3A_1401] : memref<8192xf32, #tpu.memory_space<vmem>> -> memref<8192xf32, #tpu.memory_space<vmem>>
    tpu.wait_dma2 semaphore(%arg25 : memref<!tpu.dma_semaphore, #tpu.memory_space<semaphore_mem>>) src(%dma_wait3A_1402 : memref<8192xf32, #tpu.memory_space<vmem>>) dst(%dma_wait3A_1400 : memref<8192xf32, #tpu.memory_space<vmem_shared>>)
    %mul3A_1403 = arith.constant 65536 : i32
    %mul3A_1404 = arith.muli %arg1, %mul3A_1403 : i32
    %add3A_1405 = arith.constant 0 : i32
    %add3A_1406 = arith.addi %add3A_1405, %mul3A_1404 : i32
    %add3A_1407 = arith.constant 16384 : i32
    %add3A_1408 = arith.addi %add3A_1406, %add3A_1407 : i32
    %dma_start3A_1409 = arith.constant 0 : i32
    %dma_start3A_1410 = tpu.memref_slice %arg22[%dma_start3A_1409] : memref<8192xf32, #tpu.memory_space<vmem>> -> memref<8192xf32, #tpu.memory_space<vmem>>
    %dma_start3A_1411 = tpu.memref_slice %arg4[%add3A_1408] : memref<2097152xf32, #tpu.memory_space<hbm>> -> memref<8192xf32, #tpu.memory_space<hbm>>
    %dma_start3A_1412 = arith.constant 0 : i32
    %dma_start3A_1413 = tpu.memref_slice %arg22[%dma_start3A_1412] : memref<8192xf32, #tpu.memory_space<vmem>> -> memref<8192xf32, #tpu.memory_space<vmem>>
    %dma_start3A_1414 = tpu.memref_slice %arg4[%add3A_1408] : memref<2097152xf32, #tpu.memory_space<hbm>> -> memref<8192xf32, #tpu.memory_space<hbm>>
    tpu.enqueue_dma source(%dma_start3A_1414 : memref<8192xf32, #tpu.memory_space<hbm>>) target(%dma_start3A_1413 : memref<8192xf32, #tpu.memory_space<vmem>>) target_semaphore(%arg24 : memref<!tpu.dma_semaphore, #tpu.memory_space<semaphore_mem>>)
    %dma_wait3A_1415 = arith.constant 0 : i32
    %dma_wait3A_1416 = tpu.memref_slice %arg22[%dma_wait3A_1415] : memref<8192xf32, #tpu.memory_space<vmem>> -> memref<8192xf32, #tpu.memory_space<vmem>>
    %dma_wait3A_1417 = tpu.memref_slice %arg4[%add3A_1408] : memref<2097152xf32, #tpu.memory_space<hbm>> -> memref<8192xf32, #tpu.memory_space<hbm>>
    %dma_wait3A_1418 = arith.constant 0 : i32
    %dma_wait3A_1419 = tpu.memref_slice %arg22[%dma_wait3A_1418] : memref<8192xf32, #tpu.memory_space<vmem>> -> memref<8192xf32, #tpu.memory_space<vmem>>
    %dma_wait3A_1420 = tpu.memref_slice %arg4[%add3A_1408] : memref<2097152xf32, #tpu.memory_space<hbm>> -> memref<8192xf32, #tpu.memory_space<hbm>>
    tpu.wait_dma2 semaphore(%arg24 : memref<!tpu.dma_semaphore, #tpu.memory_space<semaphore_mem>>) src(%dma_wait3A_1420 : memref<8192xf32, #tpu.memory_space<hbm>>) dst(%dma_wait3A_1419 : memref<8192xf32, #tpu.memory_space<vmem>>)
    %mul3A_1421 = arith.constant 65536 : i32
    %mul3A_1422 = arith.muli %arg1, %mul3A_1421 : i32
    %add3A_1423 = arith.constant 262144 : i32
    %add3A_1424 = arith.addi %add3A_1423, %mul3A_1422 : i32
    %add3A_1425 = arith.constant 16384 : i32
    %add3A_1426 = arith.addi %add3A_1424, %add3A_1425 : i32
    %dma_start3A_1427 = arith.constant 0 : i32
    %dma_start3A_1428 = tpu.memref_slice %arg22[%dma_start3A_1427] : memref<8192xf32, #tpu.memory_space<vmem>> -> memref<8192xf32, #tpu.memory_space<vmem>>
    %dma_start3A_1429 = tpu.memref_slice %arg7[%add3A_1426] : memref<1310720xf32, #tpu.memory_space<vmem_shared>> -> memref<8192xf32, #tpu.memory_space<vmem_shared>>
    %dma_start3A_1430 = tpu.memref_slice %arg7[%add3A_1426] : memref<1310720xf32, #tpu.memory_space<vmem_shared>> -> memref<8192xf32, #tpu.memory_space<vmem_shared>>
    %dma_start3A_1431 = arith.constant 0 : i32
    %dma_start3A_1432 = tpu.memref_slice %arg22[%dma_start3A_1431] : memref<8192xf32, #tpu.memory_space<vmem>> -> memref<8192xf32, #tpu.memory_space<vmem>>
    tpu.enqueue_dma source(%dma_start3A_1432 : memref<8192xf32, #tpu.memory_space<vmem>>) target(%dma_start3A_1430 : memref<8192xf32, #tpu.memory_space<vmem_shared>>) target_semaphore(%arg25 : memref<!tpu.dma_semaphore, #tpu.memory_space<semaphore_mem>>)
    %dma_wait3A_1433 = arith.constant 0 : i32
    %dma_wait3A_1434 = tpu.memref_slice %arg23[%dma_wait3A_1433] : memref<8192xf32, #tpu.memory_space<vmem>> -> memref<8192xf32, #tpu.memory_space<vmem>>
    %dma_wait3A_1435 = tpu.memref_slice %arg7[%add3A_1390] : memref<1310720xf32, #tpu.memory_space<vmem_shared>> -> memref<8192xf32, #tpu.memory_space<vmem_shared>>
    %dma_wait3A_1436 = tpu.memref_slice %arg7[%add3A_1390] : memref<1310720xf32, #tpu.memory_space<vmem_shared>> -> memref<8192xf32, #tpu.memory_space<vmem_shared>>
    %dma_wait3A_1437 = arith.constant 0 : i32
    %dma_wait3A_1438 = tpu.memref_slice %arg23[%dma_wait3A_1437] : memref<8192xf32, #tpu.memory_space<vmem>> -> memref<8192xf32, #tpu.memory_space<vmem>>
    tpu.wait_dma2 semaphore(%arg25 : memref<!tpu.dma_semaphore, #tpu.memory_space<semaphore_mem>>) src(%dma_wait3A_1438 : memref<8192xf32, #tpu.memory_space<vmem>>) dst(%dma_wait3A_1436 : memref<8192xf32, #tpu.memory_space<vmem_shared>>)
    %mul3A_1439 = arith.constant 65536 : i32
    %mul3A_1440 = arith.muli %arg1, %mul3A_1439 : i32
    %add3A_1441 = arith.constant 0 : i32
    %add3A_1442 = arith.addi %add3A_1441, %mul3A_1440 : i32
    %add3A_1443 = arith.constant 24576 : i32
    %add3A_1444 = arith.addi %add3A_1442, %add3A_1443 : i32
    %dma_start3A_1445 = arith.constant 0 : i32
    %dma_start3A_1446 = tpu.memref_slice %arg23[%dma_start3A_1445] : memref<8192xf32, #tpu.memory_space<vmem>> -> memref<8192xf32, #tpu.memory_space<vmem>>
    %dma_start3A_1447 = tpu.memref_slice %arg4[%add3A_1444] : memref<2097152xf32, #tpu.memory_space<hbm>> -> memref<8192xf32, #tpu.memory_space<hbm>>
    %dma_start3A_1448 = arith.constant 0 : i32
    %dma_start3A_1449 = tpu.memref_slice %arg23[%dma_start3A_1448] : memref<8192xf32, #tpu.memory_space<vmem>> -> memref<8192xf32, #tpu.memory_space<vmem>>
    %dma_start3A_1450 = tpu.memref_slice %arg4[%add3A_1444] : memref<2097152xf32, #tpu.memory_space<hbm>> -> memref<8192xf32, #tpu.memory_space<hbm>>
    tpu.enqueue_dma source(%dma_start3A_1450 : memref<8192xf32, #tpu.memory_space<hbm>>) target(%dma_start3A_1449 : memref<8192xf32, #tpu.memory_space<vmem>>) target_semaphore(%arg24 : memref<!tpu.dma_semaphore, #tpu.memory_space<semaphore_mem>>)
    %dma_wait3A_1451 = arith.constant 0 : i32
    %dma_wait3A_1452 = tpu.memref_slice %arg23[%dma_wait3A_1451] : memref<8192xf32, #tpu.memory_space<vmem>> -> memref<8192xf32, #tpu.memory_space<vmem>>
    %dma_wait3A_1453 = tpu.memref_slice %arg4[%add3A_1444] : memref<2097152xf32, #tpu.memory_space<hbm>> -> memref<8192xf32, #tpu.memory_space<hbm>>
    %dma_wait3A_1454 = arith.constant 0 : i32
    %dma_wait3A_1455 = tpu.memref_slice %arg23[%dma_wait3A_1454] : memref<8192xf32, #tpu.memory_space<vmem>> -> memref<8192xf32, #tpu.memory_space<vmem>>
    %dma_wait3A_1456 = tpu.memref_slice %arg4[%add3A_1444] : memref<2097152xf32, #tpu.memory_space<hbm>> -> memref<8192xf32, #tpu.memory_space<hbm>>
    tpu.wait_dma2 semaphore(%arg24 : memref<!tpu.dma_semaphore, #tpu.memory_space<semaphore_mem>>) src(%dma_wait3A_1456 : memref<8192xf32, #tpu.memory_space<hbm>>) dst(%dma_wait3A_1455 : memref<8192xf32, #tpu.memory_space<vmem>>)
    %mul3A_1457 = arith.constant 65536 : i32
    %mul3A_1458 = arith.muli %arg1, %mul3A_1457 : i32
    %add3A_1459 = arith.constant 262144 : i32
    %add3A_1460 = arith.addi %add3A_1459, %mul3A_1458 : i32
    %add3A_1461 = arith.constant 24576 : i32
    %add3A_1462 = arith.addi %add3A_1460, %add3A_1461 : i32
    %dma_start3A_1463 = arith.constant 0 : i32
    %dma_start3A_1464 = tpu.memref_slice %arg23[%dma_start3A_1463] : memref<8192xf32, #tpu.memory_space<vmem>> -> memref<8192xf32, #tpu.memory_space<vmem>>
    %dma_start3A_1465 = tpu.memref_slice %arg7[%add3A_1462] : memref<1310720xf32, #tpu.memory_space<vmem_shared>> -> memref<8192xf32, #tpu.memory_space<vmem_shared>>
    %dma_start3A_1466 = tpu.memref_slice %arg7[%add3A_1462] : memref<1310720xf32, #tpu.memory_space<vmem_shared>> -> memref<8192xf32, #tpu.memory_space<vmem_shared>>
    %dma_start3A_1467 = arith.constant 0 : i32
    %dma_start3A_1468 = tpu.memref_slice %arg23[%dma_start3A_1467] : memref<8192xf32, #tpu.memory_space<vmem>> -> memref<8192xf32, #tpu.memory_space<vmem>>
    tpu.enqueue_dma source(%dma_start3A_1468 : memref<8192xf32, #tpu.memory_space<vmem>>) target(%dma_start3A_1466 : memref<8192xf32, #tpu.memory_space<vmem_shared>>) target_semaphore(%arg25 : memref<!tpu.dma_semaphore, #tpu.memory_space<semaphore_mem>>)
    %dma_wait3A_1469 = arith.constant 0 : i32
    %dma_wait3A_1470 = tpu.memref_slice %arg22[%dma_wait3A_1469] : memref<8192xf32, #tpu.memory_space<vmem>> -> memref<8192xf32, #tpu.memory_space<vmem>>
    %dma_wait3A_1471 = tpu.memref_slice %arg7[%add3A_1426] : memref<1310720xf32, #tpu.memory_space<vmem_shared>> -> memref<8192xf32, #tpu.memory_space<vmem_shared>>
    %dma_wait3A_1472 = tpu.memref_slice %arg7[%add3A_1426] : memref<1310720xf32, #tpu.memory_space<vmem_shared>> -> memref<8192xf32, #tpu.memory_space<vmem_shared>>
    %dma_wait3A_1473 = arith.constant 0 : i32
    %dma_wait3A_1474 = tpu.memref_slice %arg22[%dma_wait3A_1473] : memref<8192xf32, #tpu.memory_space<vmem>> -> memref<8192xf32, #tpu.memory_space<vmem>>
    tpu.wait_dma2 semaphore(%arg25 : memref<!tpu.dma_semaphore, #tpu.memory_space<semaphore_mem>>) src(%dma_wait3A_1474 : memref<8192xf32, #tpu.memory_space<vmem>>) dst(%dma_wait3A_1472 : memref<8192xf32, #tpu.memory_space<vmem_shared>>)
    %mul3A_1475 = arith.constant 65536 : i32
    %mul3A_1476 = arith.muli %arg1, %mul3A_1475 : i32
    %add3A_1477 = arith.constant 0 : i32
    %add3A_1478 = arith.addi %add3A_1477, %mul3A_1476 : i32
    %add3A_1479 = arith.constant 32768 : i32
    %add3A_1480 = arith.addi %add3A_1478, %add3A_1479 : i32
    %dma_start3A_1481 = arith.constant 0 : i32
    %dma_start3A_1482 = tpu.memref_slice %arg22[%dma_start3A_1481] : memref<8192xf32, #tpu.memory_space<vmem>> -> memref<8192xf32, #tpu.memory_space<vmem>>
    %dma_start3A_1483 = tpu.memref_slice %arg4[%add3A_1480] : memref<2097152xf32, #tpu.memory_space<hbm>> -> memref<8192xf32, #tpu.memory_space<hbm>>
    %dma_start3A_1484 = arith.constant 0 : i32
    %dma_start3A_1485 = tpu.memref_slice %arg22[%dma_start3A_1484] : memref<8192xf32, #tpu.memory_space<vmem>> -> memref<8192xf32, #tpu.memory_space<vmem>>
    %dma_start3A_1486 = tpu.memref_slice %arg4[%add3A_1480] : memref<2097152xf32, #tpu.memory_space<hbm>> -> memref<8192xf32, #tpu.memory_space<hbm>>
    tpu.enqueue_dma source(%dma_start3A_1486 : memref<8192xf32, #tpu.memory_space<hbm>>) target(%dma_start3A_1485 : memref<8192xf32, #tpu.memory_space<vmem>>) target_semaphore(%arg24 : memref<!tpu.dma_semaphore, #tpu.memory_space<semaphore_mem>>)
    %dma_wait3A_1487 = arith.constant 0 : i32
    %dma_wait3A_1488 = tpu.memref_slice %arg22[%dma_wait3A_1487] : memref<8192xf32, #tpu.memory_space<vmem>> -> memref<8192xf32, #tpu.memory_space<vmem>>
    %dma_wait3A_1489 = tpu.memref_slice %arg4[%add3A_1480] : memref<2097152xf32, #tpu.memory_space<hbm>> -> memref<8192xf32, #tpu.memory_space<hbm>>
    %dma_wait3A_1490 = arith.constant 0 : i32
    %dma_wait3A_1491 = tpu.memref_slice %arg22[%dma_wait3A_1490] : memref<8192xf32, #tpu.memory_space<vmem>> -> memref<8192xf32, #tpu.memory_space<vmem>>
    %dma_wait3A_1492 = tpu.memref_slice %arg4[%add3A_1480] : memref<2097152xf32, #tpu.memory_space<hbm>> -> memref<8192xf32, #tpu.memory_space<hbm>>
    tpu.wait_dma2 semaphore(%arg24 : memref<!tpu.dma_semaphore, #tpu.memory_space<semaphore_mem>>) src(%dma_wait3A_1492 : memref<8192xf32, #tpu.memory_space<hbm>>) dst(%dma_wait3A_1491 : memref<8192xf32, #tpu.memory_space<vmem>>)
    %mul3A_1493 = arith.constant 65536 : i32
    %mul3A_1494 = arith.muli %arg1, %mul3A_1493 : i32
    %add3A_1495 = arith.constant 262144 : i32
    %add3A_1496 = arith.addi %add3A_1495, %mul3A_1494 : i32
    %add3A_1497 = arith.constant 32768 : i32
    %add3A_1498 = arith.addi %add3A_1496, %add3A_1497 : i32
    %dma_start3A_1499 = arith.constant 0 : i32
    %dma_start3A_1500 = tpu.memref_slice %arg22[%dma_start3A_1499] : memref<8192xf32, #tpu.memory_space<vmem>> -> memref<8192xf32, #tpu.memory_space<vmem>>
    %dma_start3A_1501 = tpu.memref_slice %arg7[%add3A_1498] : memref<1310720xf32, #tpu.memory_space<vmem_shared>> -> memref<8192xf32, #tpu.memory_space<vmem_shared>>
    %dma_start3A_1502 = tpu.memref_slice %arg7[%add3A_1498] : memref<1310720xf32, #tpu.memory_space<vmem_shared>> -> memref<8192xf32, #tpu.memory_space<vmem_shared>>
    %dma_start3A_1503 = arith.constant 0 : i32
    %dma_start3A_1504 = tpu.memref_slice %arg22[%dma_start3A_1503] : memref<8192xf32, #tpu.memory_space<vmem>> -> memref<8192xf32, #tpu.memory_space<vmem>>
    tpu.enqueue_dma source(%dma_start3A_1504 : memref<8192xf32, #tpu.memory_space<vmem>>) target(%dma_start3A_1502 : memref<8192xf32, #tpu.memory_space<vmem_shared>>) target_semaphore(%arg25 : memref<!tpu.dma_semaphore, #tpu.memory_space<semaphore_mem>>)
    %dma_wait3A_1505 = arith.constant 0 : i32
    %dma_wait3A_1506 = tpu.memref_slice %arg23[%dma_wait3A_1505] : memref<8192xf32, #tpu.memory_space<vmem>> -> memref<8192xf32, #tpu.memory_space<vmem>>
    %dma_wait3A_1507 = tpu.memref_slice %arg7[%add3A_1462] : memref<1310720xf32, #tpu.memory_space<vmem_shared>> -> memref<8192xf32, #tpu.memory_space<vmem_shared>>
    %dma_wait3A_1508 = tpu.memref_slice %arg7[%add3A_1462] : memref<1310720xf32, #tpu.memory_space<vmem_shared>> -> memref<8192xf32, #tpu.memory_space<vmem_shared>>
    %dma_wait3A_1509 = arith.constant 0 : i32
    %dma_wait3A_1510 = tpu.memref_slice %arg23[%dma_wait3A_1509] : memref<8192xf32, #tpu.memory_space<vmem>> -> memref<8192xf32, #tpu.memory_space<vmem>>
    tpu.wait_dma2 semaphore(%arg25 : memref<!tpu.dma_semaphore, #tpu.memory_space<semaphore_mem>>) src(%dma_wait3A_1510 : memref<8192xf32, #tpu.memory_space<vmem>>) dst(%dma_wait3A_1508 : memref<8192xf32, #tpu.memory_space<vmem_shared>>)
    %mul3A_1511 = arith.constant 65536 : i32
    %mul3A_1512 = arith.muli %arg1, %mul3A_1511 : i32
    %add3A_1513 = arith.constant 0 : i32
    %add3A_1514 = arith.addi %add3A_1513, %mul3A_1512 : i32
    %add3A_1515 = arith.constant 40960 : i32
    %add3A_1516 = arith.addi %add3A_1514, %add3A_1515 : i32
    %dma_start3A_1517 = arith.constant 0 : i32
    %dma_start3A_1518 = tpu.memref_slice %arg23[%dma_start3A_1517] : memref<8192xf32, #tpu.memory_space<vmem>> -> memref<8192xf32, #tpu.memory_space<vmem>>
    %dma_start3A_1519 = tpu.memref_slice %arg4[%add3A_1516] : memref<2097152xf32, #tpu.memory_space<hbm>> -> memref<8192xf32, #tpu.memory_space<hbm>>
    %dma_start3A_1520 = arith.constant 0 : i32
    %dma_start3A_1521 = tpu.memref_slice %arg23[%dma_start3A_1520] : memref<8192xf32, #tpu.memory_space<vmem>> -> memref<8192xf32, #tpu.memory_space<vmem>>
    %dma_start3A_1522 = tpu.memref_slice %arg4[%add3A_1516] : memref<2097152xf32, #tpu.memory_space<hbm>> -> memref<8192xf32, #tpu.memory_space<hbm>>
    tpu.enqueue_dma source(%dma_start3A_1522 : memref<8192xf32, #tpu.memory_space<hbm>>) target(%dma_start3A_1521 : memref<8192xf32, #tpu.memory_space<vmem>>) target_semaphore(%arg24 : memref<!tpu.dma_semaphore, #tpu.memory_space<semaphore_mem>>)
    %dma_wait3A_1523 = arith.constant 0 : i32
    %dma_wait3A_1524 = tpu.memref_slice %arg23[%dma_wait3A_1523] : memref<8192xf32, #tpu.memory_space<vmem>> -> memref<8192xf32, #tpu.memory_space<vmem>>
    %dma_wait3A_1525 = tpu.memref_slice %arg4[%add3A_1516] : memref<2097152xf32, #tpu.memory_space<hbm>> -> memref<8192xf32, #tpu.memory_space<hbm>>
    %dma_wait3A_1526 = arith.constant 0 : i32
    %dma_wait3A_1527 = tpu.memref_slice %arg23[%dma_wait3A_1526] : memref<8192xf32, #tpu.memory_space<vmem>> -> memref<8192xf32, #tpu.memory_space<vmem>>
    %dma_wait3A_1528 = tpu.memref_slice %arg4[%add3A_1516] : memref<2097152xf32, #tpu.memory_space<hbm>> -> memref<8192xf32, #tpu.memory_space<hbm>>
    tpu.wait_dma2 semaphore(%arg24 : memref<!tpu.dma_semaphore, #tpu.memory_space<semaphore_mem>>) src(%dma_wait3A_1528 : memref<8192xf32, #tpu.memory_space<hbm>>) dst(%dma_wait3A_1527 : memref<8192xf32, #tpu.memory_space<vmem>>)
    %mul3A_1529 = arith.constant 65536 : i32
    %mul3A_1530 = arith.muli %arg1, %mul3A_1529 : i32
    %add3A_1531 = arith.constant 262144 : i32
    %add3A_1532 = arith.addi %add3A_1531, %mul3A_1530 : i32
    %add3A_1533 = arith.constant 40960 : i32
    %add3A_1534 = arith.addi %add3A_1532, %add3A_1533 : i32
    %dma_start3A_1535 = arith.constant 0 : i32
    %dma_start3A_1536 = tpu.memref_slice %arg23[%dma_start3A_1535] : memref<8192xf32, #tpu.memory_space<vmem>> -> memref<8192xf32, #tpu.memory_space<vmem>>
    %dma_start3A_1537 = tpu.memref_slice %arg7[%add3A_1534] : memref<1310720xf32, #tpu.memory_space<vmem_shared>> -> memref<8192xf32, #tpu.memory_space<vmem_shared>>
    %dma_start3A_1538 = tpu.memref_slice %arg7[%add3A_1534] : memref<1310720xf32, #tpu.memory_space<vmem_shared>> -> memref<8192xf32, #tpu.memory_space<vmem_shared>>
    %dma_start3A_1539 = arith.constant 0 : i32
    %dma_start3A_1540 = tpu.memref_slice %arg23[%dma_start3A_1539] : memref<8192xf32, #tpu.memory_space<vmem>> -> memref<8192xf32, #tpu.memory_space<vmem>>
    tpu.enqueue_dma source(%dma_start3A_1540 : memref<8192xf32, #tpu.memory_space<vmem>>) target(%dma_start3A_1538 : memref<8192xf32, #tpu.memory_space<vmem_shared>>) target_semaphore(%arg25 : memref<!tpu.dma_semaphore, #tpu.memory_space<semaphore_mem>>)
    %dma_wait3A_1541 = arith.constant 0 : i32
    %dma_wait3A_1542 = tpu.memref_slice %arg22[%dma_wait3A_1541] : memref<8192xf32, #tpu.memory_space<vmem>> -> memref<8192xf32, #tpu.memory_space<vmem>>
    %dma_wait3A_1543 = tpu.memref_slice %arg7[%add3A_1498] : memref<1310720xf32, #tpu.memory_space<vmem_shared>> -> memref<8192xf32, #tpu.memory_space<vmem_shared>>
    %dma_wait3A_1544 = tpu.memref_slice %arg7[%add3A_1498] : memref<1310720xf32, #tpu.memory_space<vmem_shared>> -> memref<8192xf32, #tpu.memory_space<vmem_shared>>
    %dma_wait3A_1545 = arith.constant 0 : i32
    %dma_wait3A_1546 = tpu.memref_slice %arg22[%dma_wait3A_1545] : memref<8192xf32, #tpu.memory_space<vmem>> -> memref<8192xf32, #tpu.memory_space<vmem>>
    tpu.wait_dma2 semaphore(%arg25 : memref<!tpu.dma_semaphore, #tpu.memory_space<semaphore_mem>>) src(%dma_wait3A_1546 : memref<8192xf32, #tpu.memory_space<vmem>>) dst(%dma_wait3A_1544 : memref<8192xf32, #tpu.memory_space<vmem_shared>>)
    %mul3A_1547 = arith.constant 65536 : i32
    %mul3A_1548 = arith.muli %arg1, %mul3A_1547 : i32
    %add3A_1549 = arith.constant 0 : i32
    %add3A_1550 = arith.addi %add3A_1549, %mul3A_1548 : i32
    %add3A_1551 = arith.constant 49152 : i32
    %add3A_1552 = arith.addi %add3A_1550, %add3A_1551 : i32
    %dma_start3A_1553 = arith.constant 0 : i32
    %dma_start3A_1554 = tpu.memref_slice %arg22[%dma_start3A_1553] : memref<8192xf32, #tpu.memory_space<vmem>> -> memref<8192xf32, #tpu.memory_space<vmem>>
    %dma_start3A_1555 = tpu.memref_slice %arg4[%add3A_1552] : memref<2097152xf32, #tpu.memory_space<hbm>> -> memref<8192xf32, #tpu.memory_space<hbm>>
    %dma_start3A_1556 = arith.constant 0 : i32
    %dma_start3A_1557 = tpu.memref_slice %arg22[%dma_start3A_1556] : memref<8192xf32, #tpu.memory_space<vmem>> -> memref<8192xf32, #tpu.memory_space<vmem>>
    %dma_start3A_1558 = tpu.memref_slice %arg4[%add3A_1552] : memref<2097152xf32, #tpu.memory_space<hbm>> -> memref<8192xf32, #tpu.memory_space<hbm>>
    tpu.enqueue_dma source(%dma_start3A_1558 : memref<8192xf32, #tpu.memory_space<hbm>>) target(%dma_start3A_1557 : memref<8192xf32, #tpu.memory_space<vmem>>) target_semaphore(%arg24 : memref<!tpu.dma_semaphore, #tpu.memory_space<semaphore_mem>>)
    %dma_wait3A_1559 = arith.constant 0 : i32
    %dma_wait3A_1560 = tpu.memref_slice %arg22[%dma_wait3A_1559] : memref<8192xf32, #tpu.memory_space<vmem>> -> memref<8192xf32, #tpu.memory_space<vmem>>
    %dma_wait3A_1561 = tpu.memref_slice %arg4[%add3A_1552] : memref<2097152xf32, #tpu.memory_space<hbm>> -> memref<8192xf32, #tpu.memory_space<hbm>>
    %dma_wait3A_1562 = arith.constant 0 : i32
    %dma_wait3A_1563 = tpu.memref_slice %arg22[%dma_wait3A_1562] : memref<8192xf32, #tpu.memory_space<vmem>> -> memref<8192xf32, #tpu.memory_space<vmem>>
    %dma_wait3A_1564 = tpu.memref_slice %arg4[%add3A_1552] : memref<2097152xf32, #tpu.memory_space<hbm>> -> memref<8192xf32, #tpu.memory_space<hbm>>
    tpu.wait_dma2 semaphore(%arg24 : memref<!tpu.dma_semaphore, #tpu.memory_space<semaphore_mem>>) src(%dma_wait3A_1564 : memref<8192xf32, #tpu.memory_space<hbm>>) dst(%dma_wait3A_1563 : memref<8192xf32, #tpu.memory_space<vmem>>)
    %mul3A_1565 = arith.constant 65536 : i32
    %mul3A_1566 = arith.muli %arg1, %mul3A_1565 : i32
    %add3A_1567 = arith.constant 262144 : i32
    %add3A_1568 = arith.addi %add3A_1567, %mul3A_1566 : i32
    %add3A_1569 = arith.constant 49152 : i32
    %add3A_1570 = arith.addi %add3A_1568, %add3A_1569 : i32
    %dma_start3A_1571 = arith.constant 0 : i32
    %dma_start3A_1572 = tpu.memref_slice %arg22[%dma_start3A_1571] : memref<8192xf32, #tpu.memory_space<vmem>> -> memref<8192xf32, #tpu.memory_space<vmem>>
    %dma_start3A_1573 = tpu.memref_slice %arg7[%add3A_1570] : memref<1310720xf32, #tpu.memory_space<vmem_shared>> -> memref<8192xf32, #tpu.memory_space<vmem_shared>>
    %dma_start3A_1574 = tpu.memref_slice %arg7[%add3A_1570] : memref<1310720xf32, #tpu.memory_space<vmem_shared>> -> memref<8192xf32, #tpu.memory_space<vmem_shared>>
    %dma_start3A_1575 = arith.constant 0 : i32
    %dma_start3A_1576 = tpu.memref_slice %arg22[%dma_start3A_1575] : memref<8192xf32, #tpu.memory_space<vmem>> -> memref<8192xf32, #tpu.memory_space<vmem>>
    tpu.enqueue_dma source(%dma_start3A_1576 : memref<8192xf32, #tpu.memory_space<vmem>>) target(%dma_start3A_1574 : memref<8192xf32, #tpu.memory_space<vmem_shared>>) target_semaphore(%arg25 : memref<!tpu.dma_semaphore, #tpu.memory_space<semaphore_mem>>)
    %dma_wait3A_1577 = arith.constant 0 : i32
    %dma_wait3A_1578 = tpu.memref_slice %arg23[%dma_wait3A_1577] : memref<8192xf32, #tpu.memory_space<vmem>> -> memref<8192xf32, #tpu.memory_space<vmem>>
    %dma_wait3A_1579 = tpu.memref_slice %arg7[%add3A_1534] : memref<1310720xf32, #tpu.memory_space<vmem_shared>> -> memref<8192xf32, #tpu.memory_space<vmem_shared>>
    %dma_wait3A_1580 = tpu.memref_slice %arg7[%add3A_1534] : memref<1310720xf32, #tpu.memory_space<vmem_shared>> -> memref<8192xf32, #tpu.memory_space<vmem_shared>>
    %dma_wait3A_1581 = arith.constant 0 : i32
    %dma_wait3A_1582 = tpu.memref_slice %arg23[%dma_wait3A_1581] : memref<8192xf32, #tpu.memory_space<vmem>> -> memref<8192xf32, #tpu.memory_space<vmem>>
    tpu.wait_dma2 semaphore(%arg25 : memref<!tpu.dma_semaphore, #tpu.memory_space<semaphore_mem>>) src(%dma_wait3A_1582 : memref<8192xf32, #tpu.memory_space<vmem>>) dst(%dma_wait3A_1580 : memref<8192xf32, #tpu.memory_space<vmem_shared>>)
    %mul3A_1583 = arith.constant 65536 : i32
    %mul3A_1584 = arith.muli %arg1, %mul3A_1583 : i32
    %add3A_1585 = arith.constant 0 : i32
    %add3A_1586 = arith.addi %add3A_1585, %mul3A_1584 : i32
    %add3A_1587 = arith.constant 57344 : i32
    %add3A_1588 = arith.addi %add3A_1586, %add3A_1587 : i32
    %dma_start3A_1589 = arith.constant 0 : i32
    %dma_start3A_1590 = tpu.memref_slice %arg23[%dma_start3A_1589] : memref<8192xf32, #tpu.memory_space<vmem>> -> memref<8192xf32, #tpu.memory_space<vmem>>
    %dma_start3A_1591 = tpu.memref_slice %arg4[%add3A_1588] : memref<2097152xf32, #tpu.memory_space<hbm>> -> memref<8192xf32, #tpu.memory_space<hbm>>
    %dma_start3A_1592 = arith.constant 0 : i32
    %dma_start3A_1593 = tpu.memref_slice %arg23[%dma_start3A_1592] : memref<8192xf32, #tpu.memory_space<vmem>> -> memref<8192xf32, #tpu.memory_space<vmem>>
    %dma_start3A_1594 = tpu.memref_slice %arg4[%add3A_1588] : memref<2097152xf32, #tpu.memory_space<hbm>> -> memref<8192xf32, #tpu.memory_space<hbm>>
    tpu.enqueue_dma source(%dma_start3A_1594 : memref<8192xf32, #tpu.memory_space<hbm>>) target(%dma_start3A_1593 : memref<8192xf32, #tpu.memory_space<vmem>>) target_semaphore(%arg24 : memref<!tpu.dma_semaphore, #tpu.memory_space<semaphore_mem>>)
    %dma_wait3A_1595 = arith.constant 0 : i32
    %dma_wait3A_1596 = tpu.memref_slice %arg23[%dma_wait3A_1595] : memref<8192xf32, #tpu.memory_space<vmem>> -> memref<8192xf32, #tpu.memory_space<vmem>>
    %dma_wait3A_1597 = tpu.memref_slice %arg4[%add3A_1588] : memref<2097152xf32, #tpu.memory_space<hbm>> -> memref<8192xf32, #tpu.memory_space<hbm>>
    %dma_wait3A_1598 = arith.constant 0 : i32
    %dma_wait3A_1599 = tpu.memref_slice %arg23[%dma_wait3A_1598] : memref<8192xf32, #tpu.memory_space<vmem>> -> memref<8192xf32, #tpu.memory_space<vmem>>
    %dma_wait3A_1600 = tpu.memref_slice %arg4[%add3A_1588] : memref<2097152xf32, #tpu.memory_space<hbm>> -> memref<8192xf32, #tpu.memory_space<hbm>>
    tpu.wait_dma2 semaphore(%arg24 : memref<!tpu.dma_semaphore, #tpu.memory_space<semaphore_mem>>) src(%dma_wait3A_1600 : memref<8192xf32, #tpu.memory_space<hbm>>) dst(%dma_wait3A_1599 : memref<8192xf32, #tpu.memory_space<vmem>>)
    %mul3A_1601 = arith.constant 65536 : i32
    %mul3A_1602 = arith.muli %arg1, %mul3A_1601 : i32
    %add3A_1603 = arith.constant 262144 : i32
    %add3A_1604 = arith.addi %add3A_1603, %mul3A_1602 : i32
    %add3A_1605 = arith.constant 57344 : i32
    %add3A_1606 = arith.addi %add3A_1604, %add3A_1605 : i32
    %dma_start3A_1607 = arith.constant 0 : i32
    %dma_start3A_1608 = tpu.memref_slice %arg23[%dma_start3A_1607] : memref<8192xf32, #tpu.memory_space<vmem>> -> memref<8192xf32, #tpu.memory_space<vmem>>
    %dma_start3A_1609 = tpu.memref_slice %arg7[%add3A_1606] : memref<1310720xf32, #tpu.memory_space<vmem_shared>> -> memref<8192xf32, #tpu.memory_space<vmem_shared>>
    %dma_start3A_1610 = tpu.memref_slice %arg7[%add3A_1606] : memref<1310720xf32, #tpu.memory_space<vmem_shared>> -> memref<8192xf32, #tpu.memory_space<vmem_shared>>
    %dma_start3A_1611 = arith.constant 0 : i32
    %dma_start3A_1612 = tpu.memref_slice %arg23[%dma_start3A_1611] : memref<8192xf32, #tpu.memory_space<vmem>> -> memref<8192xf32, #tpu.memory_space<vmem>>
    tpu.enqueue_dma source(%dma_start3A_1612 : memref<8192xf32, #tpu.memory_space<vmem>>) target(%dma_start3A_1610 : memref<8192xf32, #tpu.memory_space<vmem_shared>>) target_semaphore(%arg25 : memref<!tpu.dma_semaphore, #tpu.memory_space<semaphore_mem>>)
    %dma_wait3A_1613 = arith.constant 0 : i32
    %dma_wait3A_1614 = tpu.memref_slice %arg22[%dma_wait3A_1613] : memref<8192xf32, #tpu.memory_space<vmem>> -> memref<8192xf32, #tpu.memory_space<vmem>>
    %dma_wait3A_1615 = tpu.memref_slice %arg7[%add3A_1570] : memref<1310720xf32, #tpu.memory_space<vmem_shared>> -> memref<8192xf32, #tpu.memory_space<vmem_shared>>
    %dma_wait3A_1616 = tpu.memref_slice %arg7[%add3A_1570] : memref<1310720xf32, #tpu.memory_space<vmem_shared>> -> memref<8192xf32, #tpu.memory_space<vmem_shared>>
    %dma_wait3A_1617 = arith.constant 0 : i32
    %dma_wait3A_1618 = tpu.memref_slice %arg22[%dma_wait3A_1617] : memref<8192xf32, #tpu.memory_space<vmem>> -> memref<8192xf32, #tpu.memory_space<vmem>>
    tpu.wait_dma2 semaphore(%arg25 : memref<!tpu.dma_semaphore, #tpu.memory_space<semaphore_mem>>) src(%dma_wait3A_1618 : memref<8192xf32, #tpu.memory_space<vmem>>) dst(%dma_wait3A_1616 : memref<8192xf32, #tpu.memory_space<vmem_shared>>)
    %dma_wait3A_1619 = arith.constant 0 : i32
    %dma_wait3A_1620 = tpu.memref_slice %arg23[%dma_wait3A_1619] : memref<8192xf32, #tpu.memory_space<vmem>> -> memref<8192xf32, #tpu.memory_space<vmem>>
    %dma_wait3A_1621 = tpu.memref_slice %arg7[%add3A_1606] : memref<1310720xf32, #tpu.memory_space<vmem_shared>> -> memref<8192xf32, #tpu.memory_space<vmem_shared>>
    %dma_wait3A_1622 = tpu.memref_slice %arg7[%add3A_1606] : memref<1310720xf32, #tpu.memory_space<vmem_shared>> -> memref<8192xf32, #tpu.memory_space<vmem_shared>>
    %dma_wait3A_1623 = arith.constant 0 : i32
    %dma_wait3A_1624 = tpu.memref_slice %arg23[%dma_wait3A_1623] : memref<8192xf32, #tpu.memory_space<vmem>> -> memref<8192xf32, #tpu.memory_space<vmem>>
    tpu.wait_dma2 semaphore(%arg25 : memref<!tpu.dma_semaphore, #tpu.memory_space<semaphore_mem>>) src(%dma_wait3A_1624 : memref<8192xf32, #tpu.memory_space<vmem>>) dst(%dma_wait3A_1622 : memref<8192xf32, #tpu.memory_space<vmem_shared>>)
    "tpu.trace_stop"() : () -> ()
    %barrier3A_1625 = arith.constant 0 : index
    tpu.barrier barrier_id(%barrier3A_1625)
    %dma_start3A_1626 = arith.constant 0 : i32
    %dma_start3A_1627 = tpu.memref_slice %arg20[%dma_start3A_1626] : memref<4096xf32, #tpu.memory_space<vmem>> -> memref<2048xf32, #tpu.memory_space<vmem>>
    %dma_start3A_1628 = arith.constant 0 : i32
    %dma_start3A_1629 = tpu.memref_slice %arg16[%dma_start3A_1628] : memref<4096xi32, #tpu.memory_space<vmem>> -> memref<2048xi32, #tpu.memory_space<vmem>>
    %dma_start3A_1630 = arith.constant 0 : i32
    %dma_start3A_1631 = tpu.memref_slice %arg7[%dma_start3A_1630] : memref<1310720xf32, #tpu.memory_space<vmem_shared>> -> memref<1310720xf32, #tpu.memory_space<vmem_shared>>
    tpu.enqueue_indirect_dma source(%dma_start3A_1631 : memref<1310720xf32, #tpu.memory_space<vmem_shared>>) target(%dma_start3A_1627 : memref<2048xf32, #tpu.memory_space<vmem>>) offsets(%dma_start3A_1629 : memref<2048xi32, #tpu.memory_space<vmem>>) semaphore(%arg27 : memref<!tpu.dma_semaphore, #tpu.memory_space<semaphore_mem>>)
    "tpu.trace_start"() <{level = 10 : i32, message = "ph_wait_r"}> : () -> ()
    %dma_wait3A_1632 = arith.constant 0 : i32
    %dma_wait3A_1633 = tpu.memref_slice %arg20[%dma_wait3A_1632] : memref<4096xf32, #tpu.memory_space<vmem>> -> memref<2048xf32, #tpu.memory_space<vmem>>
    %dma_wait3A_1634 = arith.constant 0 : i32
    %dma_wait3A_1635 = tpu.memref_slice %arg16[%dma_wait3A_1634] : memref<4096xi32, #tpu.memory_space<vmem>> -> memref<2048xi32, #tpu.memory_space<vmem>>
    %dma_wait3A_1636 = arith.constant 0 : i32
    %dma_wait3A_1637 = tpu.memref_slice %arg7[%dma_wait3A_1636] : memref<1310720xf32, #tpu.memory_space<vmem_shared>> -> memref<1310720xf32, #tpu.memory_space<vmem_shared>>
    tpu.wait_indirect_dma semaphore(%arg27 : memref<!tpu.dma_semaphore, #tpu.memory_space<semaphore_mem>>) src(%dma_wait3A_1637 : memref<1310720xf32, #tpu.memory_space<vmem_shared>>) dst(%dma_wait3A_1633 : memref<2048xf32, #tpu.memory_space<vmem>>)
    "tpu.trace_stop"() : () -> ()
    %barrier3A_1638 = arith.constant 0 : index
    tpu.barrier barrier_id(%barrier3A_1638)
    "tpu.trace_start"() <{level = 10 : i32, message = "ph_stage_wr"}> : () -> ()
    %mul3A_1639 = arith.constant 65536 : i32
    %mul3A_1640 = arith.muli %arg1, %mul3A_1639 : i32
    %add3A_1641 = arith.constant 1048576 : i32
    %add3A_1642 = arith.addi %add3A_1641, %mul3A_1640 : i32
    %add3A_1643 = arith.constant 0 : i32
    %add3A_1644 = arith.addi %add3A_1642, %add3A_1643 : i32
    %dma_start3A_1645 = arith.constant 0 : i32
    %dma_start3A_1646 = tpu.memref_slice %arg22[%dma_start3A_1645] : memref<8192xf32, #tpu.memory_space<vmem>> -> memref<8192xf32, #tpu.memory_space<vmem>>
    %dma_start3A_1647 = tpu.memref_slice %arg4[%add3A_1644] : memref<2097152xf32, #tpu.memory_space<hbm>> -> memref<8192xf32, #tpu.memory_space<hbm>>
    %dma_start3A_1648 = arith.constant 0 : i32
    %dma_start3A_1649 = tpu.memref_slice %arg22[%dma_start3A_1648] : memref<8192xf32, #tpu.memory_space<vmem>> -> memref<8192xf32, #tpu.memory_space<vmem>>
    %dma_start3A_1650 = tpu.memref_slice %arg4[%add3A_1644] : memref<2097152xf32, #tpu.memory_space<hbm>> -> memref<8192xf32, #tpu.memory_space<hbm>>
    tpu.enqueue_dma source(%dma_start3A_1650 : memref<8192xf32, #tpu.memory_space<hbm>>) target(%dma_start3A_1649 : memref<8192xf32, #tpu.memory_space<vmem>>) target_semaphore(%arg24 : memref<!tpu.dma_semaphore, #tpu.memory_space<semaphore_mem>>)
    %dma_wait3A_1651 = arith.constant 0 : i32
    %dma_wait3A_1652 = tpu.memref_slice %arg22[%dma_wait3A_1651] : memref<8192xf32, #tpu.memory_space<vmem>> -> memref<8192xf32, #tpu.memory_space<vmem>>
    %dma_wait3A_1653 = tpu.memref_slice %arg4[%add3A_1644] : memref<2097152xf32, #tpu.memory_space<hbm>> -> memref<8192xf32, #tpu.memory_space<hbm>>
    %dma_wait3A_1654 = arith.constant 0 : i32
    %dma_wait3A_1655 = tpu.memref_slice %arg22[%dma_wait3A_1654] : memref<8192xf32, #tpu.memory_space<vmem>> -> memref<8192xf32, #tpu.memory_space<vmem>>
    %dma_wait3A_1656 = tpu.memref_slice %arg4[%add3A_1644] : memref<2097152xf32, #tpu.memory_space<hbm>> -> memref<8192xf32, #tpu.memory_space<hbm>>
    tpu.wait_dma2 semaphore(%arg24 : memref<!tpu.dma_semaphore, #tpu.memory_space<semaphore_mem>>) src(%dma_wait3A_1656 : memref<8192xf32, #tpu.memory_space<hbm>>) dst(%dma_wait3A_1655 : memref<8192xf32, #tpu.memory_space<vmem>>)
    %mul3A_1657 = arith.constant 65536 : i32
    %mul3A_1658 = arith.muli %arg1, %mul3A_1657 : i32
    %add3A_1659 = arith.constant 262144 : i32
    %add3A_1660 = arith.addi %add3A_1659, %mul3A_1658 : i32
    %add3A_1661 = arith.constant 0 : i32
    %add3A_1662 = arith.addi %add3A_1660, %add3A_1661 : i32
    %dma_start3A_1663 = arith.constant 0 : i32
    %dma_start3A_1664 = tpu.memref_slice %arg22[%dma_start3A_1663] : memref<8192xf32, #tpu.memory_space<vmem>> -> memref<8192xf32, #tpu.memory_space<vmem>>
    %dma_start3A_1665 = tpu.memref_slice %arg7[%add3A_1662] : memref<1310720xf32, #tpu.memory_space<vmem_shared>> -> memref<8192xf32, #tpu.memory_space<vmem_shared>>
    %dma_start3A_1666 = tpu.memref_slice %arg7[%add3A_1662] : memref<1310720xf32, #tpu.memory_space<vmem_shared>> -> memref<8192xf32, #tpu.memory_space<vmem_shared>>
    %dma_start3A_1667 = arith.constant 0 : i32
    %dma_start3A_1668 = tpu.memref_slice %arg22[%dma_start3A_1667] : memref<8192xf32, #tpu.memory_space<vmem>> -> memref<8192xf32, #tpu.memory_space<vmem>>
    tpu.enqueue_dma source(%dma_start3A_1668 : memref<8192xf32, #tpu.memory_space<vmem>>) target(%dma_start3A_1666 : memref<8192xf32, #tpu.memory_space<vmem_shared>>) target_semaphore(%arg25 : memref<!tpu.dma_semaphore, #tpu.memory_space<semaphore_mem>>)
    %mul3A_1669 = arith.constant 65536 : i32
    %mul3A_1670 = arith.muli %arg1, %mul3A_1669 : i32
    %add3A_1671 = arith.constant 1048576 : i32
    %add3A_1672 = arith.addi %add3A_1671, %mul3A_1670 : i32
    %add3A_1673 = arith.constant 8192 : i32
    %add3A_1674 = arith.addi %add3A_1672, %add3A_1673 : i32
    %dma_start3A_1675 = arith.constant 0 : i32
    %dma_start3A_1676 = tpu.memref_slice %arg23[%dma_start3A_1675] : memref<8192xf32, #tpu.memory_space<vmem>> -> memref<8192xf32, #tpu.memory_space<vmem>>
    %dma_start3A_1677 = tpu.memref_slice %arg4[%add3A_1674] : memref<2097152xf32, #tpu.memory_space<hbm>> -> memref<8192xf32, #tpu.memory_space<hbm>>
    %dma_start3A_1678 = arith.constant 0 : i32
    %dma_start3A_1679 = tpu.memref_slice %arg23[%dma_start3A_1678] : memref<8192xf32, #tpu.memory_space<vmem>> -> memref<8192xf32, #tpu.memory_space<vmem>>
    %dma_start3A_1680 = tpu.memref_slice %arg4[%add3A_1674] : memref<2097152xf32, #tpu.memory_space<hbm>> -> memref<8192xf32, #tpu.memory_space<hbm>>
    tpu.enqueue_dma source(%dma_start3A_1680 : memref<8192xf32, #tpu.memory_space<hbm>>) target(%dma_start3A_1679 : memref<8192xf32, #tpu.memory_space<vmem>>) target_semaphore(%arg24 : memref<!tpu.dma_semaphore, #tpu.memory_space<semaphore_mem>>)
    %dma_wait3A_1681 = arith.constant 0 : i32
    %dma_wait3A_1682 = tpu.memref_slice %arg23[%dma_wait3A_1681] : memref<8192xf32, #tpu.memory_space<vmem>> -> memref<8192xf32, #tpu.memory_space<vmem>>
    %dma_wait3A_1683 = tpu.memref_slice %arg4[%add3A_1674] : memref<2097152xf32, #tpu.memory_space<hbm>> -> memref<8192xf32, #tpu.memory_space<hbm>>
    %dma_wait3A_1684 = arith.constant 0 : i32
    %dma_wait3A_1685 = tpu.memref_slice %arg23[%dma_wait3A_1684] : memref<8192xf32, #tpu.memory_space<vmem>> -> memref<8192xf32, #tpu.memory_space<vmem>>
    %dma_wait3A_1686 = tpu.memref_slice %arg4[%add3A_1674] : memref<2097152xf32, #tpu.memory_space<hbm>> -> memref<8192xf32, #tpu.memory_space<hbm>>
    tpu.wait_dma2 semaphore(%arg24 : memref<!tpu.dma_semaphore, #tpu.memory_space<semaphore_mem>>) src(%dma_wait3A_1686 : memref<8192xf32, #tpu.memory_space<hbm>>) dst(%dma_wait3A_1685 : memref<8192xf32, #tpu.memory_space<vmem>>)
    %mul3A_1687 = arith.constant 65536 : i32
    %mul3A_1688 = arith.muli %arg1, %mul3A_1687 : i32
    %add3A_1689 = arith.constant 262144 : i32
    %add3A_1690 = arith.addi %add3A_1689, %mul3A_1688 : i32
    %add3A_1691 = arith.constant 8192 : i32
    %add3A_1692 = arith.addi %add3A_1690, %add3A_1691 : i32
    %dma_start3A_1693 = arith.constant 0 : i32
    %dma_start3A_1694 = tpu.memref_slice %arg23[%dma_start3A_1693] : memref<8192xf32, #tpu.memory_space<vmem>> -> memref<8192xf32, #tpu.memory_space<vmem>>
    %dma_start3A_1695 = tpu.memref_slice %arg7[%add3A_1692] : memref<1310720xf32, #tpu.memory_space<vmem_shared>> -> memref<8192xf32, #tpu.memory_space<vmem_shared>>
    %dma_start3A_1696 = tpu.memref_slice %arg7[%add3A_1692] : memref<1310720xf32, #tpu.memory_space<vmem_shared>> -> memref<8192xf32, #tpu.memory_space<vmem_shared>>
    %dma_start3A_1697 = arith.constant 0 : i32
    %dma_start3A_1698 = tpu.memref_slice %arg23[%dma_start3A_1697] : memref<8192xf32, #tpu.memory_space<vmem>> -> memref<8192xf32, #tpu.memory_space<vmem>>
    tpu.enqueue_dma source(%dma_start3A_1698 : memref<8192xf32, #tpu.memory_space<vmem>>) target(%dma_start3A_1696 : memref<8192xf32, #tpu.memory_space<vmem_shared>>) target_semaphore(%arg25 : memref<!tpu.dma_semaphore, #tpu.memory_space<semaphore_mem>>)
    %dma_wait3A_1699 = arith.constant 0 : i32
    %dma_wait3A_1700 = tpu.memref_slice %arg22[%dma_wait3A_1699] : memref<8192xf32, #tpu.memory_space<vmem>> -> memref<8192xf32, #tpu.memory_space<vmem>>
    %dma_wait3A_1701 = tpu.memref_slice %arg7[%add3A_1662] : memref<1310720xf32, #tpu.memory_space<vmem_shared>> -> memref<8192xf32, #tpu.memory_space<vmem_shared>>
    %dma_wait3A_1702 = tpu.memref_slice %arg7[%add3A_1662] : memref<1310720xf32, #tpu.memory_space<vmem_shared>> -> memref<8192xf32, #tpu.memory_space<vmem_shared>>
    %dma_wait3A_1703 = arith.constant 0 : i32
    %dma_wait3A_1704 = tpu.memref_slice %arg22[%dma_wait3A_1703] : memref<8192xf32, #tpu.memory_space<vmem>> -> memref<8192xf32, #tpu.memory_space<vmem>>
    tpu.wait_dma2 semaphore(%arg25 : memref<!tpu.dma_semaphore, #tpu.memory_space<semaphore_mem>>) src(%dma_wait3A_1704 : memref<8192xf32, #tpu.memory_space<vmem>>) dst(%dma_wait3A_1702 : memref<8192xf32, #tpu.memory_space<vmem_shared>>)
    %mul3A_1705 = arith.constant 65536 : i32
    %mul3A_1706 = arith.muli %arg1, %mul3A_1705 : i32
    %add3A_1707 = arith.constant 1048576 : i32
    %add3A_1708 = arith.addi %add3A_1707, %mul3A_1706 : i32
    %add3A_1709 = arith.constant 16384 : i32
    %add3A_1710 = arith.addi %add3A_1708, %add3A_1709 : i32
    %dma_start3A_1711 = arith.constant 0 : i32
    %dma_start3A_1712 = tpu.memref_slice %arg22[%dma_start3A_1711] : memref<8192xf32, #tpu.memory_space<vmem>> -> memref<8192xf32, #tpu.memory_space<vmem>>
    %dma_start3A_1713 = tpu.memref_slice %arg4[%add3A_1710] : memref<2097152xf32, #tpu.memory_space<hbm>> -> memref<8192xf32, #tpu.memory_space<hbm>>
    %dma_start3A_1714 = arith.constant 0 : i32
    %dma_start3A_1715 = tpu.memref_slice %arg22[%dma_start3A_1714] : memref<8192xf32, #tpu.memory_space<vmem>> -> memref<8192xf32, #tpu.memory_space<vmem>>
    %dma_start3A_1716 = tpu.memref_slice %arg4[%add3A_1710] : memref<2097152xf32, #tpu.memory_space<hbm>> -> memref<8192xf32, #tpu.memory_space<hbm>>
    tpu.enqueue_dma source(%dma_start3A_1716 : memref<8192xf32, #tpu.memory_space<hbm>>) target(%dma_start3A_1715 : memref<8192xf32, #tpu.memory_space<vmem>>) target_semaphore(%arg24 : memref<!tpu.dma_semaphore, #tpu.memory_space<semaphore_mem>>)
    %dma_wait3A_1717 = arith.constant 0 : i32
    %dma_wait3A_1718 = tpu.memref_slice %arg22[%dma_wait3A_1717] : memref<8192xf32, #tpu.memory_space<vmem>> -> memref<8192xf32, #tpu.memory_space<vmem>>
    %dma_wait3A_1719 = tpu.memref_slice %arg4[%add3A_1710] : memref<2097152xf32, #tpu.memory_space<hbm>> -> memref<8192xf32, #tpu.memory_space<hbm>>
    %dma_wait3A_1720 = arith.constant 0 : i32
    %dma_wait3A_1721 = tpu.memref_slice %arg22[%dma_wait3A_1720] : memref<8192xf32, #tpu.memory_space<vmem>> -> memref<8192xf32, #tpu.memory_space<vmem>>
    %dma_wait3A_1722 = tpu.memref_slice %arg4[%add3A_1710] : memref<2097152xf32, #tpu.memory_space<hbm>> -> memref<8192xf32, #tpu.memory_space<hbm>>
    tpu.wait_dma2 semaphore(%arg24 : memref<!tpu.dma_semaphore, #tpu.memory_space<semaphore_mem>>) src(%dma_wait3A_1722 : memref<8192xf32, #tpu.memory_space<hbm>>) dst(%dma_wait3A_1721 : memref<8192xf32, #tpu.memory_space<vmem>>)
    %mul3A_1723 = arith.constant 65536 : i32
    %mul3A_1724 = arith.muli %arg1, %mul3A_1723 : i32
    %add3A_1725 = arith.constant 262144 : i32
    %add3A_1726 = arith.addi %add3A_1725, %mul3A_1724 : i32
    %add3A_1727 = arith.constant 16384 : i32
    %add3A_1728 = arith.addi %add3A_1726, %add3A_1727 : i32
    %dma_start3A_1729 = arith.constant 0 : i32
    %dma_start3A_1730 = tpu.memref_slice %arg22[%dma_start3A_1729] : memref<8192xf32, #tpu.memory_space<vmem>> -> memref<8192xf32, #tpu.memory_space<vmem>>
    %dma_start3A_1731 = tpu.memref_slice %arg7[%add3A_1728] : memref<1310720xf32, #tpu.memory_space<vmem_shared>> -> memref<8192xf32, #tpu.memory_space<vmem_shared>>
    %dma_start3A_1732 = tpu.memref_slice %arg7[%add3A_1728] : memref<1310720xf32, #tpu.memory_space<vmem_shared>> -> memref<8192xf32, #tpu.memory_space<vmem_shared>>
    %dma_start3A_1733 = arith.constant 0 : i32
    %dma_start3A_1734 = tpu.memref_slice %arg22[%dma_start3A_1733] : memref<8192xf32, #tpu.memory_space<vmem>> -> memref<8192xf32, #tpu.memory_space<vmem>>
    tpu.enqueue_dma source(%dma_start3A_1734 : memref<8192xf32, #tpu.memory_space<vmem>>) target(%dma_start3A_1732 : memref<8192xf32, #tpu.memory_space<vmem_shared>>) target_semaphore(%arg25 : memref<!tpu.dma_semaphore, #tpu.memory_space<semaphore_mem>>)
    %dma_wait3A_1735 = arith.constant 0 : i32
    %dma_wait3A_1736 = tpu.memref_slice %arg23[%dma_wait3A_1735] : memref<8192xf32, #tpu.memory_space<vmem>> -> memref<8192xf32, #tpu.memory_space<vmem>>
    %dma_wait3A_1737 = tpu.memref_slice %arg7[%add3A_1692] : memref<1310720xf32, #tpu.memory_space<vmem_shared>> -> memref<8192xf32, #tpu.memory_space<vmem_shared>>
    %dma_wait3A_1738 = tpu.memref_slice %arg7[%add3A_1692] : memref<1310720xf32, #tpu.memory_space<vmem_shared>> -> memref<8192xf32, #tpu.memory_space<vmem_shared>>
    %dma_wait3A_1739 = arith.constant 0 : i32
    %dma_wait3A_1740 = tpu.memref_slice %arg23[%dma_wait3A_1739] : memref<8192xf32, #tpu.memory_space<vmem>> -> memref<8192xf32, #tpu.memory_space<vmem>>
    tpu.wait_dma2 semaphore(%arg25 : memref<!tpu.dma_semaphore, #tpu.memory_space<semaphore_mem>>) src(%dma_wait3A_1740 : memref<8192xf32, #tpu.memory_space<vmem>>) dst(%dma_wait3A_1738 : memref<8192xf32, #tpu.memory_space<vmem_shared>>)
    %mul3A_1741 = arith.constant 65536 : i32
    %mul3A_1742 = arith.muli %arg1, %mul3A_1741 : i32
    %add3A_1743 = arith.constant 1048576 : i32
    %add3A_1744 = arith.addi %add3A_1743, %mul3A_1742 : i32
    %add3A_1745 = arith.constant 24576 : i32
    %add3A_1746 = arith.addi %add3A_1744, %add3A_1745 : i32
    %dma_start3A_1747 = arith.constant 0 : i32
    %dma_start3A_1748 = tpu.memref_slice %arg23[%dma_start3A_1747] : memref<8192xf32, #tpu.memory_space<vmem>> -> memref<8192xf32, #tpu.memory_space<vmem>>
    %dma_start3A_1749 = tpu.memref_slice %arg4[%add3A_1746] : memref<2097152xf32, #tpu.memory_space<hbm>> -> memref<8192xf32, #tpu.memory_space<hbm>>
    %dma_start3A_1750 = arith.constant 0 : i32
    %dma_start3A_1751 = tpu.memref_slice %arg23[%dma_start3A_1750] : memref<8192xf32, #tpu.memory_space<vmem>> -> memref<8192xf32, #tpu.memory_space<vmem>>
    %dma_start3A_1752 = tpu.memref_slice %arg4[%add3A_1746] : memref<2097152xf32, #tpu.memory_space<hbm>> -> memref<8192xf32, #tpu.memory_space<hbm>>
    tpu.enqueue_dma source(%dma_start3A_1752 : memref<8192xf32, #tpu.memory_space<hbm>>) target(%dma_start3A_1751 : memref<8192xf32, #tpu.memory_space<vmem>>) target_semaphore(%arg24 : memref<!tpu.dma_semaphore, #tpu.memory_space<semaphore_mem>>)
    %dma_wait3A_1753 = arith.constant 0 : i32
    %dma_wait3A_1754 = tpu.memref_slice %arg23[%dma_wait3A_1753] : memref<8192xf32, #tpu.memory_space<vmem>> -> memref<8192xf32, #tpu.memory_space<vmem>>
    %dma_wait3A_1755 = tpu.memref_slice %arg4[%add3A_1746] : memref<2097152xf32, #tpu.memory_space<hbm>> -> memref<8192xf32, #tpu.memory_space<hbm>>
    %dma_wait3A_1756 = arith.constant 0 : i32
    %dma_wait3A_1757 = tpu.memref_slice %arg23[%dma_wait3A_1756] : memref<8192xf32, #tpu.memory_space<vmem>> -> memref<8192xf32, #tpu.memory_space<vmem>>
    %dma_wait3A_1758 = tpu.memref_slice %arg4[%add3A_1746] : memref<2097152xf32, #tpu.memory_space<hbm>> -> memref<8192xf32, #tpu.memory_space<hbm>>
    tpu.wait_dma2 semaphore(%arg24 : memref<!tpu.dma_semaphore, #tpu.memory_space<semaphore_mem>>) src(%dma_wait3A_1758 : memref<8192xf32, #tpu.memory_space<hbm>>) dst(%dma_wait3A_1757 : memref<8192xf32, #tpu.memory_space<vmem>>)
    %mul3A_1759 = arith.constant 65536 : i32
    %mul3A_1760 = arith.muli %arg1, %mul3A_1759 : i32
    %add3A_1761 = arith.constant 262144 : i32
    %add3A_1762 = arith.addi %add3A_1761, %mul3A_1760 : i32
    %add3A_1763 = arith.constant 24576 : i32
    %add3A_1764 = arith.addi %add3A_1762, %add3A_1763 : i32
    %dma_start3A_1765 = arith.constant 0 : i32
    %dma_start3A_1766 = tpu.memref_slice %arg23[%dma_start3A_1765] : memref<8192xf32, #tpu.memory_space<vmem>> -> memref<8192xf32, #tpu.memory_space<vmem>>
    %dma_start3A_1767 = tpu.memref_slice %arg7[%add3A_1764] : memref<1310720xf32, #tpu.memory_space<vmem_shared>> -> memref<8192xf32, #tpu.memory_space<vmem_shared>>
    %dma_start3A_1768 = tpu.memref_slice %arg7[%add3A_1764] : memref<1310720xf32, #tpu.memory_space<vmem_shared>> -> memref<8192xf32, #tpu.memory_space<vmem_shared>>
    %dma_start3A_1769 = arith.constant 0 : i32
    %dma_start3A_1770 = tpu.memref_slice %arg23[%dma_start3A_1769] : memref<8192xf32, #tpu.memory_space<vmem>> -> memref<8192xf32, #tpu.memory_space<vmem>>
    tpu.enqueue_dma source(%dma_start3A_1770 : memref<8192xf32, #tpu.memory_space<vmem>>) target(%dma_start3A_1768 : memref<8192xf32, #tpu.memory_space<vmem_shared>>) target_semaphore(%arg25 : memref<!tpu.dma_semaphore, #tpu.memory_space<semaphore_mem>>)
    %dma_wait3A_1771 = arith.constant 0 : i32
    %dma_wait3A_1772 = tpu.memref_slice %arg22[%dma_wait3A_1771] : memref<8192xf32, #tpu.memory_space<vmem>> -> memref<8192xf32, #tpu.memory_space<vmem>>
    %dma_wait3A_1773 = tpu.memref_slice %arg7[%add3A_1728] : memref<1310720xf32, #tpu.memory_space<vmem_shared>> -> memref<8192xf32, #tpu.memory_space<vmem_shared>>
    %dma_wait3A_1774 = tpu.memref_slice %arg7[%add3A_1728] : memref<1310720xf32, #tpu.memory_space<vmem_shared>> -> memref<8192xf32, #tpu.memory_space<vmem_shared>>
    %dma_wait3A_1775 = arith.constant 0 : i32
    %dma_wait3A_1776 = tpu.memref_slice %arg22[%dma_wait3A_1775] : memref<8192xf32, #tpu.memory_space<vmem>> -> memref<8192xf32, #tpu.memory_space<vmem>>
    tpu.wait_dma2 semaphore(%arg25 : memref<!tpu.dma_semaphore, #tpu.memory_space<semaphore_mem>>) src(%dma_wait3A_1776 : memref<8192xf32, #tpu.memory_space<vmem>>) dst(%dma_wait3A_1774 : memref<8192xf32, #tpu.memory_space<vmem_shared>>)
    %mul3A_1777 = arith.constant 65536 : i32
    %mul3A_1778 = arith.muli %arg1, %mul3A_1777 : i32
    %add3A_1779 = arith.constant 1048576 : i32
    %add3A_1780 = arith.addi %add3A_1779, %mul3A_1778 : i32
    %add3A_1781 = arith.constant 32768 : i32
    %add3A_1782 = arith.addi %add3A_1780, %add3A_1781 : i32
    %dma_start3A_1783 = arith.constant 0 : i32
    %dma_start3A_1784 = tpu.memref_slice %arg22[%dma_start3A_1783] : memref<8192xf32, #tpu.memory_space<vmem>> -> memref<8192xf32, #tpu.memory_space<vmem>>
    %dma_start3A_1785 = tpu.memref_slice %arg4[%add3A_1782] : memref<2097152xf32, #tpu.memory_space<hbm>> -> memref<8192xf32, #tpu.memory_space<hbm>>
    %dma_start3A_1786 = arith.constant 0 : i32
    %dma_start3A_1787 = tpu.memref_slice %arg22[%dma_start3A_1786] : memref<8192xf32, #tpu.memory_space<vmem>> -> memref<8192xf32, #tpu.memory_space<vmem>>
    %dma_start3A_1788 = tpu.memref_slice %arg4[%add3A_1782] : memref<2097152xf32, #tpu.memory_space<hbm>> -> memref<8192xf32, #tpu.memory_space<hbm>>
    tpu.enqueue_dma source(%dma_start3A_1788 : memref<8192xf32, #tpu.memory_space<hbm>>) target(%dma_start3A_1787 : memref<8192xf32, #tpu.memory_space<vmem>>) target_semaphore(%arg24 : memref<!tpu.dma_semaphore, #tpu.memory_space<semaphore_mem>>)
    %dma_wait3A_1789 = arith.constant 0 : i32
    %dma_wait3A_1790 = tpu.memref_slice %arg22[%dma_wait3A_1789] : memref<8192xf32, #tpu.memory_space<vmem>> -> memref<8192xf32, #tpu.memory_space<vmem>>
    %dma_wait3A_1791 = tpu.memref_slice %arg4[%add3A_1782] : memref<2097152xf32, #tpu.memory_space<hbm>> -> memref<8192xf32, #tpu.memory_space<hbm>>
    %dma_wait3A_1792 = arith.constant 0 : i32
    %dma_wait3A_1793 = tpu.memref_slice %arg22[%dma_wait3A_1792] : memref<8192xf32, #tpu.memory_space<vmem>> -> memref<8192xf32, #tpu.memory_space<vmem>>
    %dma_wait3A_1794 = tpu.memref_slice %arg4[%add3A_1782] : memref<2097152xf32, #tpu.memory_space<hbm>> -> memref<8192xf32, #tpu.memory_space<hbm>>
    tpu.wait_dma2 semaphore(%arg24 : memref<!tpu.dma_semaphore, #tpu.memory_space<semaphore_mem>>) src(%dma_wait3A_1794 : memref<8192xf32, #tpu.memory_space<hbm>>) dst(%dma_wait3A_1793 : memref<8192xf32, #tpu.memory_space<vmem>>)
    %mul3A_1795 = arith.constant 65536 : i32
    %mul3A_1796 = arith.muli %arg1, %mul3A_1795 : i32
    %add3A_1797 = arith.constant 262144 : i32
    %add3A_1798 = arith.addi %add3A_1797, %mul3A_1796 : i32
    %add3A_1799 = arith.constant 32768 : i32
    %add3A_1800 = arith.addi %add3A_1798, %add3A_1799 : i32
    %dma_start3A_1801 = arith.constant 0 : i32
    %dma_start3A_1802 = tpu.memref_slice %arg22[%dma_start3A_1801] : memref<8192xf32, #tpu.memory_space<vmem>> -> memref<8192xf32, #tpu.memory_space<vmem>>
    %dma_start3A_1803 = tpu.memref_slice %arg7[%add3A_1800] : memref<1310720xf32, #tpu.memory_space<vmem_shared>> -> memref<8192xf32, #tpu.memory_space<vmem_shared>>
    %dma_start3A_1804 = tpu.memref_slice %arg7[%add3A_1800] : memref<1310720xf32, #tpu.memory_space<vmem_shared>> -> memref<8192xf32, #tpu.memory_space<vmem_shared>>
    %dma_start3A_1805 = arith.constant 0 : i32
    %dma_start3A_1806 = tpu.memref_slice %arg22[%dma_start3A_1805] : memref<8192xf32, #tpu.memory_space<vmem>> -> memref<8192xf32, #tpu.memory_space<vmem>>
    tpu.enqueue_dma source(%dma_start3A_1806 : memref<8192xf32, #tpu.memory_space<vmem>>) target(%dma_start3A_1804 : memref<8192xf32, #tpu.memory_space<vmem_shared>>) target_semaphore(%arg25 : memref<!tpu.dma_semaphore, #tpu.memory_space<semaphore_mem>>)
    %dma_wait3A_1807 = arith.constant 0 : i32
    %dma_wait3A_1808 = tpu.memref_slice %arg23[%dma_wait3A_1807] : memref<8192xf32, #tpu.memory_space<vmem>> -> memref<8192xf32, #tpu.memory_space<vmem>>
    %dma_wait3A_1809 = tpu.memref_slice %arg7[%add3A_1764] : memref<1310720xf32, #tpu.memory_space<vmem_shared>> -> memref<8192xf32, #tpu.memory_space<vmem_shared>>
    %dma_wait3A_1810 = tpu.memref_slice %arg7[%add3A_1764] : memref<1310720xf32, #tpu.memory_space<vmem_shared>> -> memref<8192xf32, #tpu.memory_space<vmem_shared>>
    %dma_wait3A_1811 = arith.constant 0 : i32
    %dma_wait3A_1812 = tpu.memref_slice %arg23[%dma_wait3A_1811] : memref<8192xf32, #tpu.memory_space<vmem>> -> memref<8192xf32, #tpu.memory_space<vmem>>
    tpu.wait_dma2 semaphore(%arg25 : memref<!tpu.dma_semaphore, #tpu.memory_space<semaphore_mem>>) src(%dma_wait3A_1812 : memref<8192xf32, #tpu.memory_space<vmem>>) dst(%dma_wait3A_1810 : memref<8192xf32, #tpu.memory_space<vmem_shared>>)
    %mul3A_1813 = arith.constant 65536 : i32
    %mul3A_1814 = arith.muli %arg1, %mul3A_1813 : i32
    %add3A_1815 = arith.constant 1048576 : i32
    %add3A_1816 = arith.addi %add3A_1815, %mul3A_1814 : i32
    %add3A_1817 = arith.constant 40960 : i32
    %add3A_1818 = arith.addi %add3A_1816, %add3A_1817 : i32
    %dma_start3A_1819 = arith.constant 0 : i32
    %dma_start3A_1820 = tpu.memref_slice %arg23[%dma_start3A_1819] : memref<8192xf32, #tpu.memory_space<vmem>> -> memref<8192xf32, #tpu.memory_space<vmem>>
    %dma_start3A_1821 = tpu.memref_slice %arg4[%add3A_1818] : memref<2097152xf32, #tpu.memory_space<hbm>> -> memref<8192xf32, #tpu.memory_space<hbm>>
    %dma_start3A_1822 = arith.constant 0 : i32
    %dma_start3A_1823 = tpu.memref_slice %arg23[%dma_start3A_1822] : memref<8192xf32, #tpu.memory_space<vmem>> -> memref<8192xf32, #tpu.memory_space<vmem>>
    %dma_start3A_1824 = tpu.memref_slice %arg4[%add3A_1818] : memref<2097152xf32, #tpu.memory_space<hbm>> -> memref<8192xf32, #tpu.memory_space<hbm>>
    tpu.enqueue_dma source(%dma_start3A_1824 : memref<8192xf32, #tpu.memory_space<hbm>>) target(%dma_start3A_1823 : memref<8192xf32, #tpu.memory_space<vmem>>) target_semaphore(%arg24 : memref<!tpu.dma_semaphore, #tpu.memory_space<semaphore_mem>>)
    %dma_wait3A_1825 = arith.constant 0 : i32
    %dma_wait3A_1826 = tpu.memref_slice %arg23[%dma_wait3A_1825] : memref<8192xf32, #tpu.memory_space<vmem>> -> memref<8192xf32, #tpu.memory_space<vmem>>
    %dma_wait3A_1827 = tpu.memref_slice %arg4[%add3A_1818] : memref<2097152xf32, #tpu.memory_space<hbm>> -> memref<8192xf32, #tpu.memory_space<hbm>>
    %dma_wait3A_1828 = arith.constant 0 : i32
    %dma_wait3A_1829 = tpu.memref_slice %arg23[%dma_wait3A_1828] : memref<8192xf32, #tpu.memory_space<vmem>> -> memref<8192xf32, #tpu.memory_space<vmem>>
    %dma_wait3A_1830 = tpu.memref_slice %arg4[%add3A_1818] : memref<2097152xf32, #tpu.memory_space<hbm>> -> memref<8192xf32, #tpu.memory_space<hbm>>
    tpu.wait_dma2 semaphore(%arg24 : memref<!tpu.dma_semaphore, #tpu.memory_space<semaphore_mem>>) src(%dma_wait3A_1830 : memref<8192xf32, #tpu.memory_space<hbm>>) dst(%dma_wait3A_1829 : memref<8192xf32, #tpu.memory_space<vmem>>)
    %mul3A_1831 = arith.constant 65536 : i32
    %mul3A_1832 = arith.muli %arg1, %mul3A_1831 : i32
    %add3A_1833 = arith.constant 262144 : i32
    %add3A_1834 = arith.addi %add3A_1833, %mul3A_1832 : i32
    %add3A_1835 = arith.constant 40960 : i32
    %add3A_1836 = arith.addi %add3A_1834, %add3A_1835 : i32
    %dma_start3A_1837 = arith.constant 0 : i32
    %dma_start3A_1838 = tpu.memref_slice %arg23[%dma_start3A_1837] : memref<8192xf32, #tpu.memory_space<vmem>> -> memref<8192xf32, #tpu.memory_space<vmem>>
    %dma_start3A_1839 = tpu.memref_slice %arg7[%add3A_1836] : memref<1310720xf32, #tpu.memory_space<vmem_shared>> -> memref<8192xf32, #tpu.memory_space<vmem_shared>>
    %dma_start3A_1840 = tpu.memref_slice %arg7[%add3A_1836] : memref<1310720xf32, #tpu.memory_space<vmem_shared>> -> memref<8192xf32, #tpu.memory_space<vmem_shared>>
    %dma_start3A_1841 = arith.constant 0 : i32
    %dma_start3A_1842 = tpu.memref_slice %arg23[%dma_start3A_1841] : memref<8192xf32, #tpu.memory_space<vmem>> -> memref<8192xf32, #tpu.memory_space<vmem>>
    tpu.enqueue_dma source(%dma_start3A_1842 : memref<8192xf32, #tpu.memory_space<vmem>>) target(%dma_start3A_1840 : memref<8192xf32, #tpu.memory_space<vmem_shared>>) target_semaphore(%arg25 : memref<!tpu.dma_semaphore, #tpu.memory_space<semaphore_mem>>)
    %dma_wait3A_1843 = arith.constant 0 : i32
    %dma_wait3A_1844 = tpu.memref_slice %arg22[%dma_wait3A_1843] : memref<8192xf32, #tpu.memory_space<vmem>> -> memref<8192xf32, #tpu.memory_space<vmem>>
    %dma_wait3A_1845 = tpu.memref_slice %arg7[%add3A_1800] : memref<1310720xf32, #tpu.memory_space<vmem_shared>> -> memref<8192xf32, #tpu.memory_space<vmem_shared>>
    %dma_wait3A_1846 = tpu.memref_slice %arg7[%add3A_1800] : memref<1310720xf32, #tpu.memory_space<vmem_shared>> -> memref<8192xf32, #tpu.memory_space<vmem_shared>>
    %dma_wait3A_1847 = arith.constant 0 : i32
    %dma_wait3A_1848 = tpu.memref_slice %arg22[%dma_wait3A_1847] : memref<8192xf32, #tpu.memory_space<vmem>> -> memref<8192xf32, #tpu.memory_space<vmem>>
    tpu.wait_dma2 semaphore(%arg25 : memref<!tpu.dma_semaphore, #tpu.memory_space<semaphore_mem>>) src(%dma_wait3A_1848 : memref<8192xf32, #tpu.memory_space<vmem>>) dst(%dma_wait3A_1846 : memref<8192xf32, #tpu.memory_space<vmem_shared>>)
    %mul3A_1849 = arith.constant 65536 : i32
    %mul3A_1850 = arith.muli %arg1, %mul3A_1849 : i32
    %add3A_1851 = arith.constant 1048576 : i32
    %add3A_1852 = arith.addi %add3A_1851, %mul3A_1850 : i32
    %add3A_1853 = arith.constant 49152 : i32
    %add3A_1854 = arith.addi %add3A_1852, %add3A_1853 : i32
    %dma_start3A_1855 = arith.constant 0 : i32
    %dma_start3A_1856 = tpu.memref_slice %arg22[%dma_start3A_1855] : memref<8192xf32, #tpu.memory_space<vmem>> -> memref<8192xf32, #tpu.memory_space<vmem>>
    %dma_start3A_1857 = tpu.memref_slice %arg4[%add3A_1854] : memref<2097152xf32, #tpu.memory_space<hbm>> -> memref<8192xf32, #tpu.memory_space<hbm>>
    %dma_start3A_1858 = arith.constant 0 : i32
    %dma_start3A_1859 = tpu.memref_slice %arg22[%dma_start3A_1858] : memref<8192xf32, #tpu.memory_space<vmem>> -> memref<8192xf32, #tpu.memory_space<vmem>>
    %dma_start3A_1860 = tpu.memref_slice %arg4[%add3A_1854] : memref<2097152xf32, #tpu.memory_space<hbm>> -> memref<8192xf32, #tpu.memory_space<hbm>>
    tpu.enqueue_dma source(%dma_start3A_1860 : memref<8192xf32, #tpu.memory_space<hbm>>) target(%dma_start3A_1859 : memref<8192xf32, #tpu.memory_space<vmem>>) target_semaphore(%arg24 : memref<!tpu.dma_semaphore, #tpu.memory_space<semaphore_mem>>)
    %dma_wait3A_1861 = arith.constant 0 : i32
    %dma_wait3A_1862 = tpu.memref_slice %arg22[%dma_wait3A_1861] : memref<8192xf32, #tpu.memory_space<vmem>> -> memref<8192xf32, #tpu.memory_space<vmem>>
    %dma_wait3A_1863 = tpu.memref_slice %arg4[%add3A_1854] : memref<2097152xf32, #tpu.memory_space<hbm>> -> memref<8192xf32, #tpu.memory_space<hbm>>
    %dma_wait3A_1864 = arith.constant 0 : i32
    %dma_wait3A_1865 = tpu.memref_slice %arg22[%dma_wait3A_1864] : memref<8192xf32, #tpu.memory_space<vmem>> -> memref<8192xf32, #tpu.memory_space<vmem>>
    %dma_wait3A_1866 = tpu.memref_slice %arg4[%add3A_1854] : memref<2097152xf32, #tpu.memory_space<hbm>> -> memref<8192xf32, #tpu.memory_space<hbm>>
    tpu.wait_dma2 semaphore(%arg24 : memref<!tpu.dma_semaphore, #tpu.memory_space<semaphore_mem>>) src(%dma_wait3A_1866 : memref<8192xf32, #tpu.memory_space<hbm>>) dst(%dma_wait3A_1865 : memref<8192xf32, #tpu.memory_space<vmem>>)
    %mul3A_1867 = arith.constant 65536 : i32
    %mul3A_1868 = arith.muli %arg1, %mul3A_1867 : i32
    %add3A_1869 = arith.constant 262144 : i32
    %add3A_1870 = arith.addi %add3A_1869, %mul3A_1868 : i32
    %add3A_1871 = arith.constant 49152 : i32
    %add3A_1872 = arith.addi %add3A_1870, %add3A_1871 : i32
    %dma_start3A_1873 = arith.constant 0 : i32
    %dma_start3A_1874 = tpu.memref_slice %arg22[%dma_start3A_1873] : memref<8192xf32, #tpu.memory_space<vmem>> -> memref<8192xf32, #tpu.memory_space<vmem>>
    %dma_start3A_1875 = tpu.memref_slice %arg7[%add3A_1872] : memref<1310720xf32, #tpu.memory_space<vmem_shared>> -> memref<8192xf32, #tpu.memory_space<vmem_shared>>
    %dma_start3A_1876 = tpu.memref_slice %arg7[%add3A_1872] : memref<1310720xf32, #tpu.memory_space<vmem_shared>> -> memref<8192xf32, #tpu.memory_space<vmem_shared>>
    %dma_start3A_1877 = arith.constant 0 : i32
    %dma_start3A_1878 = tpu.memref_slice %arg22[%dma_start3A_1877] : memref<8192xf32, #tpu.memory_space<vmem>> -> memref<8192xf32, #tpu.memory_space<vmem>>
    tpu.enqueue_dma source(%dma_start3A_1878 : memref<8192xf32, #tpu.memory_space<vmem>>) target(%dma_start3A_1876 : memref<8192xf32, #tpu.memory_space<vmem_shared>>) target_semaphore(%arg25 : memref<!tpu.dma_semaphore, #tpu.memory_space<semaphore_mem>>)
    %dma_wait3A_1879 = arith.constant 0 : i32
    %dma_wait3A_1880 = tpu.memref_slice %arg23[%dma_wait3A_1879] : memref<8192xf32, #tpu.memory_space<vmem>> -> memref<8192xf32, #tpu.memory_space<vmem>>
    %dma_wait3A_1881 = tpu.memref_slice %arg7[%add3A_1836] : memref<1310720xf32, #tpu.memory_space<vmem_shared>> -> memref<8192xf32, #tpu.memory_space<vmem_shared>>
    %dma_wait3A_1882 = tpu.memref_slice %arg7[%add3A_1836] : memref<1310720xf32, #tpu.memory_space<vmem_shared>> -> memref<8192xf32, #tpu.memory_space<vmem_shared>>
    %dma_wait3A_1883 = arith.constant 0 : i32
    %dma_wait3A_1884 = tpu.memref_slice %arg23[%dma_wait3A_1883] : memref<8192xf32, #tpu.memory_space<vmem>> -> memref<8192xf32, #tpu.memory_space<vmem>>
    tpu.wait_dma2 semaphore(%arg25 : memref<!tpu.dma_semaphore, #tpu.memory_space<semaphore_mem>>) src(%dma_wait3A_1884 : memref<8192xf32, #tpu.memory_space<vmem>>) dst(%dma_wait3A_1882 : memref<8192xf32, #tpu.memory_space<vmem_shared>>)
    %mul3A_1885 = arith.constant 65536 : i32
    %mul3A_1886 = arith.muli %arg1, %mul3A_1885 : i32
    %add3A_1887 = arith.constant 1048576 : i32
    %add3A_1888 = arith.addi %add3A_1887, %mul3A_1886 : i32
    %add3A_1889 = arith.constant 57344 : i32
    %add3A_1890 = arith.addi %add3A_1888, %add3A_1889 : i32
    %dma_start3A_1891 = arith.constant 0 : i32
    %dma_start3A_1892 = tpu.memref_slice %arg23[%dma_start3A_1891] : memref<8192xf32, #tpu.memory_space<vmem>> -> memref<8192xf32, #tpu.memory_space<vmem>>
    %dma_start3A_1893 = tpu.memref_slice %arg4[%add3A_1890] : memref<2097152xf32, #tpu.memory_space<hbm>> -> memref<8192xf32, #tpu.memory_space<hbm>>
    %dma_start3A_1894 = arith.constant 0 : i32
    %dma_start3A_1895 = tpu.memref_slice %arg23[%dma_start3A_1894] : memref<8192xf32, #tpu.memory_space<vmem>> -> memref<8192xf32, #tpu.memory_space<vmem>>
    %dma_start3A_1896 = tpu.memref_slice %arg4[%add3A_1890] : memref<2097152xf32, #tpu.memory_space<hbm>> -> memref<8192xf32, #tpu.memory_space<hbm>>
    tpu.enqueue_dma source(%dma_start3A_1896 : memref<8192xf32, #tpu.memory_space<hbm>>) target(%dma_start3A_1895 : memref<8192xf32, #tpu.memory_space<vmem>>) target_semaphore(%arg24 : memref<!tpu.dma_semaphore, #tpu.memory_space<semaphore_mem>>)
    %dma_wait3A_1897 = arith.constant 0 : i32
    %dma_wait3A_1898 = tpu.memref_slice %arg23[%dma_wait3A_1897] : memref<8192xf32, #tpu.memory_space<vmem>> -> memref<8192xf32, #tpu.memory_space<vmem>>
    %dma_wait3A_1899 = tpu.memref_slice %arg4[%add3A_1890] : memref<2097152xf32, #tpu.memory_space<hbm>> -> memref<8192xf32, #tpu.memory_space<hbm>>
    %dma_wait3A_1900 = arith.constant 0 : i32
    %dma_wait3A_1901 = tpu.memref_slice %arg23[%dma_wait3A_1900] : memref<8192xf32, #tpu.memory_space<vmem>> -> memref<8192xf32, #tpu.memory_space<vmem>>
    %dma_wait3A_1902 = tpu.memref_slice %arg4[%add3A_1890] : memref<2097152xf32, #tpu.memory_space<hbm>> -> memref<8192xf32, #tpu.memory_space<hbm>>
    tpu.wait_dma2 semaphore(%arg24 : memref<!tpu.dma_semaphore, #tpu.memory_space<semaphore_mem>>) src(%dma_wait3A_1902 : memref<8192xf32, #tpu.memory_space<hbm>>) dst(%dma_wait3A_1901 : memref<8192xf32, #tpu.memory_space<vmem>>)
    %mul3A_1903 = arith.constant 65536 : i32
    %mul3A_1904 = arith.muli %arg1, %mul3A_1903 : i32
    %add3A_1905 = arith.constant 262144 : i32
    %add3A_1906 = arith.addi %add3A_1905, %mul3A_1904 : i32
    %add3A_1907 = arith.constant 57344 : i32
    %add3A_1908 = arith.addi %add3A_1906, %add3A_1907 : i32
    %dma_start3A_1909 = arith.constant 0 : i32
    %dma_start3A_1910 = tpu.memref_slice %arg23[%dma_start3A_1909] : memref<8192xf32, #tpu.memory_space<vmem>> -> memref<8192xf32, #tpu.memory_space<vmem>>
    %dma_start3A_1911 = tpu.memref_slice %arg7[%add3A_1908] : memref<1310720xf32, #tpu.memory_space<vmem_shared>> -> memref<8192xf32, #tpu.memory_space<vmem_shared>>
    %dma_start3A_1912 = tpu.memref_slice %arg7[%add3A_1908] : memref<1310720xf32, #tpu.memory_space<vmem_shared>> -> memref<8192xf32, #tpu.memory_space<vmem_shared>>
    %dma_start3A_1913 = arith.constant 0 : i32
    %dma_start3A_1914 = tpu.memref_slice %arg23[%dma_start3A_1913] : memref<8192xf32, #tpu.memory_space<vmem>> -> memref<8192xf32, #tpu.memory_space<vmem>>
    tpu.enqueue_dma source(%dma_start3A_1914 : memref<8192xf32, #tpu.memory_space<vmem>>) target(%dma_start3A_1912 : memref<8192xf32, #tpu.memory_space<vmem_shared>>) target_semaphore(%arg25 : memref<!tpu.dma_semaphore, #tpu.memory_space<semaphore_mem>>)
    %dma_wait3A_1915 = arith.constant 0 : i32
    %dma_wait3A_1916 = tpu.memref_slice %arg22[%dma_wait3A_1915] : memref<8192xf32, #tpu.memory_space<vmem>> -> memref<8192xf32, #tpu.memory_space<vmem>>
    %dma_wait3A_1917 = tpu.memref_slice %arg7[%add3A_1872] : memref<1310720xf32, #tpu.memory_space<vmem_shared>> -> memref<8192xf32, #tpu.memory_space<vmem_shared>>
    %dma_wait3A_1918 = tpu.memref_slice %arg7[%add3A_1872] : memref<1310720xf32, #tpu.memory_space<vmem_shared>> -> memref<8192xf32, #tpu.memory_space<vmem_shared>>
    %dma_wait3A_1919 = arith.constant 0 : i32
    %dma_wait3A_1920 = tpu.memref_slice %arg22[%dma_wait3A_1919] : memref<8192xf32, #tpu.memory_space<vmem>> -> memref<8192xf32, #tpu.memory_space<vmem>>
    tpu.wait_dma2 semaphore(%arg25 : memref<!tpu.dma_semaphore, #tpu.memory_space<semaphore_mem>>) src(%dma_wait3A_1920 : memref<8192xf32, #tpu.memory_space<vmem>>) dst(%dma_wait3A_1918 : memref<8192xf32, #tpu.memory_space<vmem_shared>>)
    %dma_wait3A_1921 = arith.constant 0 : i32
    %dma_wait3A_1922 = tpu.memref_slice %arg23[%dma_wait3A_1921] : memref<8192xf32, #tpu.memory_space<vmem>> -> memref<8192xf32, #tpu.memory_space<vmem>>
    %dma_wait3A_1923 = tpu.memref_slice %arg7[%add3A_1908] : memref<1310720xf32, #tpu.memory_space<vmem_shared>> -> memref<8192xf32, #tpu.memory_space<vmem_shared>>
    %dma_wait3A_1924 = tpu.memref_slice %arg7[%add3A_1908] : memref<1310720xf32, #tpu.memory_space<vmem_shared>> -> memref<8192xf32, #tpu.memory_space<vmem_shared>>
    %dma_wait3A_1925 = arith.constant 0 : i32
    %dma_wait3A_1926 = tpu.memref_slice %arg23[%dma_wait3A_1925] : memref<8192xf32, #tpu.memory_space<vmem>> -> memref<8192xf32, #tpu.memory_space<vmem>>
    tpu.wait_dma2 semaphore(%arg25 : memref<!tpu.dma_semaphore, #tpu.memory_space<semaphore_mem>>) src(%dma_wait3A_1926 : memref<8192xf32, #tpu.memory_space<vmem>>) dst(%dma_wait3A_1924 : memref<8192xf32, #tpu.memory_space<vmem_shared>>)
    "tpu.trace_stop"() : () -> ()
    %barrier3A_1927 = arith.constant 0 : index
    tpu.barrier barrier_id(%barrier3A_1927)
    %dma_start3A_1928 = arith.constant 2048 : i32
    %dma_start3A_1929 = tpu.memref_slice %arg20[%dma_start3A_1928] : memref<4096xf32, #tpu.memory_space<vmem>> -> memref<1536xf32, #tpu.memory_space<vmem>>
    %dma_start3A_1930 = arith.constant 2048 : i32
    %dma_start3A_1931 = tpu.memref_slice %arg16[%dma_start3A_1930] : memref<4096xi32, #tpu.memory_space<vmem>> -> memref<1536xi32, #tpu.memory_space<vmem>>
    %dma_start3A_1932 = arith.constant 0 : i32
    %dma_start3A_1933 = tpu.memref_slice %arg7[%dma_start3A_1932] : memref<1310720xf32, #tpu.memory_space<vmem_shared>> -> memref<1310720xf32, #tpu.memory_space<vmem_shared>>
    tpu.enqueue_indirect_dma source(%dma_start3A_1933 : memref<1310720xf32, #tpu.memory_space<vmem_shared>>) target(%dma_start3A_1929 : memref<1536xf32, #tpu.memory_space<vmem>>) offsets(%dma_start3A_1931 : memref<1536xi32, #tpu.memory_space<vmem>>) semaphore(%arg27 : memref<!tpu.dma_semaphore, #tpu.memory_space<semaphore_mem>>)
    %dma_start3A_1934 = arith.constant 3584 : i32
    %dma_start3A_1935 = tpu.memref_slice %arg20[%dma_start3A_1934] : memref<4096xf32, #tpu.memory_space<vmem>> -> memref<512xf32, #tpu.memory_space<vmem>>
    %dma_start3A_1936 = arith.constant 0 : i32
    %dma_start3A_1937 = tpu.memref_slice %dma_start3A_1935[%dma_start3A_1936] : memref<512xf32, #tpu.memory_space<vmem>> -> memref<512xf32, #tpu.memory_space<vmem>>
    %dma_start3A_1938 = arith.constant 0 : i32
    %dma_start3A_1939 = tpu.memref_slice %arg17[%dma_start3A_1938] : memref<512xi32, #tpu.memory_space<vmem>> -> memref<512xi32, #tpu.memory_space<vmem>>
    %dma_start3A_1940 = arith.constant 0 : i32
    %dma_start3A_1941 = tpu.memref_slice %arg7[%dma_start3A_1940] : memref<1310720xf32, #tpu.memory_space<vmem_shared>> -> memref<1310720xf32, #tpu.memory_space<vmem_shared>>
    tpu.enqueue_indirect_dma source(%dma_start3A_1941 : memref<1310720xf32, #tpu.memory_space<vmem_shared>>) target(%dma_start3A_1937 : memref<512xf32, #tpu.memory_space<vmem>>) offsets(%dma_start3A_1939 : memref<512xi32, #tpu.memory_space<vmem>>) semaphore(%arg30 : memref<!tpu.dma_semaphore, #tpu.memory_space<semaphore_mem>>)
    "tpu.trace_start"() <{level = 10 : i32, message = "ph_wait_r"}> : () -> ()
    %dma_wait3A_1942 = arith.constant 2048 : i32
    %dma_wait3A_1943 = tpu.memref_slice %arg20[%dma_wait3A_1942] : memref<4096xf32, #tpu.memory_space<vmem>> -> memref<1536xf32, #tpu.memory_space<vmem>>
    %dma_wait3A_1944 = arith.constant 2048 : i32
    %dma_wait3A_1945 = tpu.memref_slice %arg16[%dma_wait3A_1944] : memref<4096xi32, #tpu.memory_space<vmem>> -> memref<1536xi32, #tpu.memory_space<vmem>>
    %dma_wait3A_1946 = arith.constant 0 : i32
    %dma_wait3A_1947 = tpu.memref_slice %arg7[%dma_wait3A_1946] : memref<1310720xf32, #tpu.memory_space<vmem_shared>> -> memref<1310720xf32, #tpu.memory_space<vmem_shared>>
    tpu.wait_indirect_dma semaphore(%arg27 : memref<!tpu.dma_semaphore, #tpu.memory_space<semaphore_mem>>) src(%dma_wait3A_1947 : memref<1310720xf32, #tpu.memory_space<vmem_shared>>) dst(%dma_wait3A_1943 : memref<1536xf32, #tpu.memory_space<vmem>>)
    %dma_wait3A_1948 = arith.constant 3584 : i32
    %dma_wait3A_1949 = tpu.memref_slice %arg20[%dma_wait3A_1948] : memref<4096xf32, #tpu.memory_space<vmem>> -> memref<512xf32, #tpu.memory_space<vmem>>
    %dma_wait3A_1950 = arith.constant 0 : i32
    %dma_wait3A_1951 = tpu.memref_slice %dma_wait3A_1949[%dma_wait3A_1950] : memref<512xf32, #tpu.memory_space<vmem>> -> memref<512xf32, #tpu.memory_space<vmem>>
    %dma_wait3A_1952 = arith.constant 0 : i32
    %dma_wait3A_1953 = tpu.memref_slice %arg17[%dma_wait3A_1952] : memref<512xi32, #tpu.memory_space<vmem>> -> memref<512xi32, #tpu.memory_space<vmem>>
    %dma_wait3A_1954 = arith.constant 0 : i32
    %dma_wait3A_1955 = tpu.memref_slice %arg7[%dma_wait3A_1954] : memref<1310720xf32, #tpu.memory_space<vmem_shared>> -> memref<1310720xf32, #tpu.memory_space<vmem_shared>>
    tpu.wait_indirect_dma semaphore(%arg30 : memref<!tpu.dma_semaphore, #tpu.memory_space<semaphore_mem>>) src(%dma_wait3A_1955 : memref<1310720xf32, #tpu.memory_space<vmem_shared>>) dst(%dma_wait3A_1951 : memref<512xf32, #tpu.memory_space<vmem>>)
    "tpu.trace_stop"() : () -> ()
    %scan3A_1956 = arith.constant 0 : i32
    %scan3A_1957 = arith.constant 0 : i32
    %scan3A_1958 = arith.constant 32 : i32
    %scan3A_1959 = arith.addi %scan3A_1957, %scan3A_1958 : i32
    %scan3A_1960 = arith.constant 1 : i32
    scf.for %scan3A_1966 = %scan3A_1957 to %scan3A_1959 step %scan3A_1960  : i32 {
      %mul3A_1967 = arith.constant 16 : i32
      %mul3A_1968 = arith.muli %scan3A_1966, %mul3A_1967 : i32
      %get3A = arith.index_cast %mul3A_1968 : i32 to index
      %get3A_1969 = tpu.vector_load %arg20[%get3A] {strides = array<i32>} : memref<4096xf32, #tpu.memory_space<vmem>>, vector<16xf32>,
      %get3A_1970 = vector.shape_cast %get3A_1969 : vector<16xf32> to vector<16xf32>
      %add3A_1971 = arith.constant 512 : i32
      %add3A_1972 = arith.addi %add3A_1971, %mul3A_1968 : i32
      %get3A_1973 = arith.index_cast %add3A_1972 : i32 to index
      %get3A_1974 = tpu.vector_load %arg20[%get3A_1973] {strides = array<i32>} : memref<4096xf32, #tpu.memory_space<vmem>>, vector<16xf32>,
      %get3A_1975 = vector.shape_cast %get3A_1974 : vector<16xf32> to vector<16xf32>
      %add3A_1976 = arith.addf %get3A_1970, %get3A_1975 : vector<16xf32>
      %add3A_1977 = arith.constant 1024 : i32
      %add3A_1978 = arith.addi %add3A_1977, %mul3A_1968 : i32
      %get3A_1979 = arith.index_cast %add3A_1978 : i32 to index
      %get3A_1980 = tpu.vector_load %arg20[%get3A_1979] {strides = array<i32>} : memref<4096xf32, #tpu.memory_space<vmem>>, vector<16xf32>,
      %get3A_1981 = vector.shape_cast %get3A_1980 : vector<16xf32> to vector<16xf32>
      %add3A_1982 = arith.addf %add3A_1976, %get3A_1981 : vector<16xf32>
      %add3A_1983 = arith.constant 1536 : i32
      %add3A_1984 = arith.addi %add3A_1983, %mul3A_1968 : i32
      %get3A_1985 = arith.index_cast %add3A_1984 : i32 to index
      %get3A_1986 = tpu.vector_load %arg20[%get3A_1985] {strides = array<i32>} : memref<4096xf32, #tpu.memory_space<vmem>>, vector<16xf32>,
      %get3A_1987 = vector.shape_cast %get3A_1986 : vector<16xf32> to vector<16xf32>
      %add3A_1988 = arith.addf %add3A_1982, %get3A_1987 : vector<16xf32>
      %add3A_1989 = arith.constant 2048 : i32
      %add3A_1990 = arith.addi %add3A_1989, %mul3A_1968 : i32
      %get3A_1991 = arith.index_cast %add3A_1990 : i32 to index
      %get3A_1992 = tpu.vector_load %arg20[%get3A_1991] {strides = array<i32>} : memref<4096xf32, #tpu.memory_space<vmem>>, vector<16xf32>,
      %get3A_1993 = vector.shape_cast %get3A_1992 : vector<16xf32> to vector<16xf32>
      %add3A_1994 = arith.addf %add3A_1988, %get3A_1993 : vector<16xf32>
      %add3A_1995 = arith.constant 2560 : i32
      %add3A_1996 = arith.addi %add3A_1995, %mul3A_1968 : i32
      %get3A_1997 = arith.index_cast %add3A_1996 : i32 to index
      %get3A_1998 = tpu.vector_load %arg20[%get3A_1997] {strides = array<i32>} : memref<4096xf32, #tpu.memory_space<vmem>>, vector<16xf32>,
      %get3A_1999 = vector.shape_cast %get3A_1998 : vector<16xf32> to vector<16xf32>
      %add3A_2000 = arith.addf %add3A_1994, %get3A_1999 : vector<16xf32>
      %add3A_2001 = arith.constant 3072 : i32
      %add3A_2002 = arith.addi %add3A_2001, %mul3A_1968 : i32
      %get3A_2003 = arith.index_cast %add3A_2002 : i32 to index
      %get3A_2004 = tpu.vector_load %arg20[%get3A_2003] {strides = array<i32>} : memref<4096xf32, #tpu.memory_space<vmem>>, vector<16xf32>,
      %get3A_2005 = vector.shape_cast %get3A_2004 : vector<16xf32> to vector<16xf32>
      %add3A_2006 = arith.addf %add3A_2000, %get3A_2005 : vector<16xf32>
      %add3A_2007 = arith.constant 3584 : i32
      %add3A_2008 = arith.addi %add3A_2007, %mul3A_1968 : i32
      %get3A_2009 = arith.index_cast %add3A_2008 : i32 to index
      %get3A_2010 = tpu.vector_load %arg20[%get3A_2009] {strides = array<i32>} : memref<4096xf32, #tpu.memory_space<vmem>>, vector<16xf32>,
      %get3A_2011 = vector.shape_cast %get3A_2010 : vector<16xf32> to vector<16xf32>
      %add3A_2012 = arith.addf %add3A_2006, %get3A_2011 : vector<16xf32>
      %swap3A = arith.index_cast %mul3A_1968 : i32 to index
      %swap3A_2013 = tpu.vector_load %arg15[%swap3A] {strides = array<i32>} : memref<512xf32, #tpu.memory_space<vmem>>, vector<16xf32>,
      %swap3A_2014 = vector.shape_cast %swap3A_2013 : vector<16xf32> to vector<16xf32>
      %swap3A_2015 = vector.shape_cast %add3A_2012 : vector<16xf32> to vector<16xf32>
      tpu.vector_store %arg15[%swap3A], %swap3A_2015 {strides = array<i32>} : memref<512xf32, #tpu.memory_space<vmem>>, vector<16xf32>,
    }
    %scan3A_1961 = arith.constant 32 : i32
    "tpu.region"() ({
      %run_scoped3A = tpu.sem_alloc : memref<!tpu.dma_semaphore, #tpu.memory_space<semaphore_mem>>
      %dma_start3A_1966 = tpu.memref_slice %arg6[%mul3A_2] : memref<49152xf32, #tpu.memory_space<hbm>> -> memref<512xf32, #tpu.memory_space<hbm>>
      %dma_start3A_1967 = tpu.memref_slice %arg6[%mul3A_2] : memref<49152xf32, #tpu.memory_space<hbm>> -> memref<512xf32, #tpu.memory_space<hbm>>
      tpu.enqueue_dma source(%arg14 : memref<512xf32, #tpu.memory_space<vmem>>) target(%dma_start3A_1967 : memref<512xf32, #tpu.memory_space<hbm>>) target_semaphore(%run_scoped3A : memref<!tpu.dma_semaphore, #tpu.memory_space<semaphore_mem>>)
      %dma_wait3A_1968 = tpu.memref_slice %arg6[%mul3A_2] : memref<49152xf32, #tpu.memory_space<hbm>> -> memref<512xf32, #tpu.memory_space<hbm>>
      %dma_wait3A_1969 = tpu.memref_slice %arg6[%mul3A_2] : memref<49152xf32, #tpu.memory_space<hbm>> -> memref<512xf32, #tpu.memory_space<hbm>>
      tpu.wait_dma2 semaphore(%run_scoped3A : memref<!tpu.dma_semaphore, #tpu.memory_space<semaphore_mem>>) src(%arg14 : memref<512xf32, #tpu.memory_space<vmem>>) dst(%dma_wait3A_1969 : memref<512xf32, #tpu.memory_space<hbm>>)
      tpu.yield
    }) : () -> ()
    %add3A_1962 = arith.constant 16384 : i32
    %add3A_1963 = arith.addi %add3A_1962, %mul3A_2 : i32
    "tpu.region"() ({
      %run_scoped3A = tpu.sem_alloc : memref<!tpu.dma_semaphore, #tpu.memory_space<semaphore_mem>>
      %dma_start3A_1966 = tpu.memref_slice %arg6[%add3A_1963] : memref<49152xf32, #tpu.memory_space<hbm>> -> memref<512xf32, #tpu.memory_space<hbm>>
      %dma_start3A_1967 = tpu.memref_slice %arg6[%add3A_1963] : memref<49152xf32, #tpu.memory_space<hbm>> -> memref<512xf32, #tpu.memory_space<hbm>>
      tpu.enqueue_dma source(%arg13 : memref<512xf32, #tpu.memory_space<vmem>>) target(%dma_start3A_1967 : memref<512xf32, #tpu.memory_space<hbm>>) target_semaphore(%run_scoped3A : memref<!tpu.dma_semaphore, #tpu.memory_space<semaphore_mem>>)
      %dma_wait3A_1968 = tpu.memref_slice %arg6[%add3A_1963] : memref<49152xf32, #tpu.memory_space<hbm>> -> memref<512xf32, #tpu.memory_space<hbm>>
      %dma_wait3A_1969 = tpu.memref_slice %arg6[%add3A_1963] : memref<49152xf32, #tpu.memory_space<hbm>> -> memref<512xf32, #tpu.memory_space<hbm>>
      tpu.wait_dma2 semaphore(%run_scoped3A : memref<!tpu.dma_semaphore, #tpu.memory_space<semaphore_mem>>) src(%arg13 : memref<512xf32, #tpu.memory_space<vmem>>) dst(%dma_wait3A_1969 : memref<512xf32, #tpu.memory_space<hbm>>)
      tpu.yield
    }) : () -> ()
    %add3A_1964 = arith.constant 32768 : i32
    %add3A_1965 = arith.addi %add3A_1964, %mul3A_2 : i32
    "tpu.region"() ({
      %run_scoped3A = tpu.sem_alloc : memref<!tpu.dma_semaphore, #tpu.memory_space<semaphore_mem>>
      %dma_start3A_1966 = tpu.memref_slice %arg6[%add3A_1965] : memref<49152xf32, #tpu.memory_space<hbm>> -> memref<512xf32, #tpu.memory_space<hbm>>
      %dma_start3A_1967 = tpu.memref_slice %arg6[%add3A_1965] : memref<49152xf32, #tpu.memory_space<hbm>> -> memref<512xf32, #tpu.memory_space<hbm>>
      tpu.enqueue_dma source(%arg15 : memref<512xf32, #tpu.memory_space<vmem>>) target(%dma_start3A_1967 : memref<512xf32, #tpu.memory_space<hbm>>) target_semaphore(%run_scoped3A : memref<!tpu.dma_semaphore, #tpu.memory_space<semaphore_mem>>)
      %dma_wait3A_1968 = tpu.memref_slice %arg6[%add3A_1965] : memref<49152xf32, #tpu.memory_space<hbm>> -> memref<512xf32, #tpu.memory_space<hbm>>
      %dma_wait3A_1969 = tpu.memref_slice %arg6[%add3A_1965] : memref<49152xf32, #tpu.memory_space<hbm>> -> memref<512xf32, #tpu.memory_space<hbm>>
      tpu.wait_dma2 semaphore(%run_scoped3A : memref<!tpu.dma_semaphore, #tpu.memory_space<semaphore_mem>>) src(%arg15 : memref<512xf32, #tpu.memory_space<vmem>>) dst(%dma_wait3A_1969 : memref<512xf32, #tpu.memory_space<hbm>>)
      tpu.yield
    }) : () -> ()
    return
  }
}

</mosaic_0001>

<sc_bundles>
// kernel: kernel.3.cloned.1.call-start
scs
__scs_entry_jumppad:
0x0: {  	(pc) =	sbr.rel $0x88, $3  }
0x1: {  	(tag) =	ssettag $0x0;
	lr =	simm.s32 $0x1  }
0x2: {  	[smem:$0x3F9D] =	sst lr;
	_ =	strace $0xD0000000  }
0x3: {  	_ = 	snop  }
0x4: {  	_ = 	snop  }
0x5: {  	_ = 	snop  }
0x6: {  	_ = 	snop  }
0x7: {  	_ = 	snop  }
__scs_overlays_trampoline_lowered:
0x8: {  	[smem:$0x3FAC] =	sst s0  }
0x9: {  	[smem:$0x3FAD] =	sst s1  }
0xa: {  	[smem:$0x3FAE] =	sst s2  }
0xb: {  	[smem:$0x3FAF] =	sst s3  }
0xc: {  	[smem:$0x3FB0] =	sst s4  }
0xd: {  	[smem:$0x3FB1] =	sst s5  }
0xe: {  	[smem:$0x3FB2] =	sst s6  }
0xf: {  	[smem:$0x3FB3] =	sst s7  }
0x10: {  	[smem:$0x3FB4] =	sst s8  }
0x11: {  	[smem:$0x3FB5] =	sst s9;
	s0 =	simm.s32 @!p0 $0x0  }
0x12: {  	s1 =	sld [smem:$0x3F9B];
	s0 =	simm.s32 @p0 $0x1  }
0x13: {  	[smem:$0x3FB6] =	sst s0;
	s0 =	simm.s32 @!p1 $0x0  }
0x14: {  	s2 =	sld [smem:$0x3F9A];
	s0 =	simm.s32 @p1 $0x1  }
0x15: {  	[smem:$0x3FB7] =	sst s0;
	s0 =	simm.s32 @!p2 $0x0  }
0x16: {  	s3 =	sld [smem:$0x3FDB];
	s0 =	simm.s32 @p2 $0x1  }
0x17: {  	s4 =	simm.s32 $0x1BF5;
	[smem:$0x3FB9] =	sst s0  }
0x18: {  	s0 =	sld [smem:$0x3F9C];
	_ =	swait.ge [sflag:s4], $0x0  }
0x19: {  	s7 =	sld [smem:$0x3F9D]  }
0x1a: {  	s8 =	sadd.s32 $0xFFFFE003, lr  }
0x1b: {  	s9 =	sadd.s32 $0xFFFFFEF7, lr;
	s5 =	simm.s32 $0xFFFFFFFF;
	p2 =	slt.u32 s8, $0xFFFFF086  }
0x1c: {  	p1 =	slt.u32 s9, $0xF7A;
	s5 =	simm.s32 @!p2 $0x0  }
0x1d: {  	s5 =	simm.s32 @p1 $0x1;
	p0 =	seq.s32 s7, s2  }
0x1e: {  	s7 =	smul.u32 @!p0 $0xF7A, s2;
	p2 =	seq.s32 @!p0 s5, $0x0  }
0x1f: {  	s9 =	smul.u32 $0xF7A, s1;
	s8 =	simm.s32 @!p0 $0x1BF5;
	p2 =	por !p2, p0  }
0x20: {  	[sflag:s8] =	ssyncset.s32 @!p0 $0xFFFFF086;
	s6 =	sadd.s32 @!p0 s3, s7;
	s7 =	simm.s32 @!p0 $0x108  }
0x21: {  	s3 =	sadd.s32 s3, s9;
	s6 =	sadd.s32 @!p0 $0x88, s6;
	s7 =	simm.s32 @p2 $0x1082  }
0x22: {  	[simem:s7], [sflag:s8] =	dma.local @!p0 [hbm:s6], $0xF7A  }
0x23: {  	s9 =	sor.u32 $0xD0000000, s2;
	s6 =	simm.s32 $0x108;
	_ =	swait.ge @!p0 [sflag:s8], $0x0  }
0x24: {  	s3 =	sadd.s32 $0x88, s3;
	s6 =	simm.s32 @!p1 $0x1082;
	[sflag:s4] =	ssyncset.s32 $0xFFFFF086  }
0x25: {  	[simem:s6], [sflag:s4] =	dma.local [hbm:s3], $0xF7A  }
0x26: {  	[smem:$0x3F9D] =	sst s1;
	(tag) =	ssettag s2;
	_ =	strace s9  }
0x27: {  	s1 =	sld [smem:$0x3FAD]  }
0x28: {  	s2 =	sld [smem:$0x3FAE]  }
0x29: {  	s4 =	sld [smem:$0x3FB0]  }
0x2a: {  	p0 =	seq.s32 s5, $0x0;
	s5 =	sld [smem:$0x3FB1]  }
0x2b: {  	s6 =	sld [smem:$0x3FB2]  }
0x2c: {  	s7 =	sld [smem:$0x3FB3]  }
0x2d: {  	s3 =	simm.s32 $0x108;
	s8 =	sld [smem:$0x3FB4]  }
0x2e: {  	s3 =	simm.s32 @!p0 $0x1082;
	s9 =	sld [smem:$0x3FB5]  }
0x2f: {  	lr =	sadd.s32 s0, s3;
	s0 =	sld [smem:$0x3FAC]  }
0x30: {  	s3 =	sld [smem:$0x3FAF]  }
0x31: {  	[smem:$0x3FB8] =	sst s10  }
0x32: {  	s10 =	sld [smem:$0x3FB6];
	_ =	sdelay $0x3  }
0x33: {  	p0 =	seq.s32 s10, $0x1;
	s10 =	sld [smem:$0x3FB8];
	_ =	sdelay $0x3  }
0x34: {  	[smem:$0x3FB8] =	sst s10  }
0x35: {  	s10 =	sld [smem:$0x3FB7];
	_ =	sdelay $0x3  }
0x36: {  	p1 =	seq.s32 s10, $0x1;
	s10 =	sld [smem:$0x3FB8];
	_ =	sdelay $0x3  }
0x37: {  	[smem:$0x3FB8] =	sst s10  }
0x38: {  	s10 =	sld [smem:$0x3FB9]  }
0x39: {  	_ = 	snop;
	(pc) =	sbr.ind lr, $3  }
0x3a: {  	_ = 	snop  }
0x3b: {  	_ = 	snop  }
0x3c: {  	p2 =	seq.s32 s10, $0x1;
	s10 =	sld [smem:$0x3FB8]  }
0x3d: {  	_ =	shalt  }
0x3e: {  	_ =	shalt  }
0x3f: {  	_ =	shalt  }
0x40: {  	_ =	shalt  }
0x41: {  	_ =	shalt  }
0x42: {  	_ =	shalt  }
0x43: {  	_ =	shalt  }
0x44: {  	_ =	shalt  }
0x45: {  	_ =	shalt  }
0x46: {  	_ =	shalt  }
0x47: {  	_ =	shalt  }
0x48: {  	_ =	shalt  }
0x49: {  	_ =	shalt  }
0x4a: {  	_ =	shalt  }
0x4b: {  	_ =	shalt  }
0x4c: {  	_ =	shalt  }
0x4d: {  	_ =	shalt  }
0x4e: {  	_ =	shalt  }
0x4f: {  	_ =	shalt  }
0x50: {  	_ =	shalt  }
0x51: {  	_ =	shalt  }
0x52: {  	_ =	shalt  }
0x53: {  	_ =	shalt  }
0x54: {  	_ =	shalt  }
0x55: {  	_ =	shalt  }
0x56: {  	_ =	shalt  }
0x57: {  	_ =	shalt  }
0x58: {  	_ =	shalt  }
0x59: {  	_ =	shalt  }
0x5a: {  	_ =	shalt  }
0x5b: {  	_ =	shalt  }
0x5c: {  	_ =	shalt  }
0x5d: {  	_ =	shalt  }
0x5e: {  	_ =	shalt  }
0x5f: {  	_ =	shalt  }
0x60: {  	_ =	shalt  }
0x61: {  	_ =	shalt  }
0x62: {  	_ =	shalt  }
0x63: {  	_ =	shalt  }
0x64: {  	_ =	shalt  }
0x65: {  	_ =	shalt  }
0x66: {  	_ =	shalt  }
0x67: {  	_ =	shalt  }
0x68: {  	_ =	shalt  }
0x69: {  	_ =	shalt  }
0x6a: {  	_ =	shalt  }
0x6b: {  	_ =	shalt  }
0x6c: {  	_ =	shalt  }
0x6d: {  	_ =	shalt  }
0x6e: {  	_ =	shalt  }
0x6f: {  	_ =	shalt  }
0x70: {  	_ =	shalt  }
0x71: {  	_ =	shalt  }
0x72: {  	_ =	shalt  }
0x73: {  	_ =	shalt  }
0x74: {  	_ =	shalt  }
0x75: {  	_ =	shalt  }
0x76: {  	_ =	shalt  }
0x77: {  	_ =	shalt  }
0x78: {  	_ =	shalt  }
0x79: {  	_ =	shalt  }
0x7a: {  	_ =	shalt  }
0x7b: {  	_ =	shalt  }
0x7c: {  	_ =	shalt  }
0x7d: {  	_ =	shalt  }
0x7e: {  	_ =	shalt  }
0x7f: {  	_ =	shalt  }
0x80: {  	_ =	shalt  }
0x81: {  	_ =	shalt  }
0x82: {  	_ =	shalt  }
0x83: {  	_ =	shalt  }
0x84: {  	_ =	shalt  }
0x85: {  	_ =	shalt  }
0x86: {  	_ =	shalt  }
0x87: {  	_ =	shalt  }
.Lfunc_end0:
.L_simem_size_0:
called_computation_lowered:
.L_overlay_start_0:
0x88: {  	s2 =	sld [smem:$0x3FD9]  }
0x89: {  	s3 =	sld [smem:$0x3FFE];
	_ =	sdelay $0x1  }
0x8a: {  	s1 =	srdreg.scid  }
0x8b: {  	s0 =	sand.u32 $0x1, s1  }
0x8c: {  	s17 =	sshll.u32 s0, $0xA;
	s2 =	sadd.s32 s3, s2  }
0x8d: {  	s2 =	sadd.s32 s2, s17  }
0x8e: {  	[smem:$0x3FC4] =	sst s2  }
0x8f: {  	_ = 	snop  }
0x90: {  	s2 =	sld [smem:$0x3FD0];
	(tm) =	ssettm $0x1  }
0x91: {  	s18 =	sld [smem:$0x3FFB];
	_ =	sdelay $0x3  }
0x92: {  	_ =	strace s18  }
0x93: {  	s3 =	sld [smem:$0x3FFC];
	_ =	sdelay $0x3  }
0x94: {  	_ =	strace s3  }
0x95: {  	s3 =	sld [smem:$0x3FFD];
	_ =	sdelay $0x3  }
0x96: {  	_ =	strace s3  }
0x97: {  	_ =	strace $0x8FFFFFFF  }
0x98: {  	s19 =	sld [smem:$0x3FDB];
	_ =	sdelay $0x1  }
0x99: {  	s4 =	simm.s32 $_scs_section_size  }
0x9a: {  	s5 =	simm.s32 $_size__tile_overlayer_lowered;
	s6 =	simm.s32 $_tile_overlayer_lowered  }
0x9b: {  	s22 =	simm.s32 $0x1BFF;
	s21 =	sshll.u32 s6, $0x1;
	s3 =	sadd.s32 s4, s19  }
0x9c: {  	s7 =	simm.s32 $0x0;
	s20 =	sshll.u32 s5, $0x1;
	s5 =	sadd.s32 s21, s3  }
0x9d: {  	[timem:s7], [sflag:s22] =	dma.local [hbm:s5], s20  }
0x9e: {  	_ =	swait.ge [sflag:s22], s20  }
0x9f: {  	s4 =	ssub.s32 $0x0, s20;
	[sflag:s22] =	ssyncset.done $0x0  }
0xa0: {  	[sflag:s22] =	ssyncadd.s32 s4;
	_ =	sdelay $0x1  }
0xa1: {  	s23 =	simm.s32 $0x1B8B  }
0xa2: {  	_ =	swait.ge [sflag:s23], $0x1  }
0xa3: {  	[sflag:s23] =	ssyncset.done $0x0  }
0xa4: {  	s25 =	simm.s32 $0x1B8E;
	s24 =	sld [smem:$0x3FFE];
	[sflag:s23] =	ssyncadd.s32 $0xFFFFFFFF  }
0xa5: {  	s26 =	simm.s32 $execute0_lowered;
	[smem:$0x3FD2] =	sst s25  }
0xa6: {  	s5 =	sshll.u32 s26, $0x1;
	_ =	strace $0x80000046;
	[dreg:$0x1] =	wrdreg $0xFFFFFFFF  }
0xa7: {  	s28 =	simm.s32 $_size_execute0_lowered;
	s3 =	sadd.s32 s3, s5;
	[dreg:$0x0] =	wrdreg $0x0  }
0xa8: {  	s5 =	sshll.u32 s28, $0x1;
	[dreg:$0x2] =	wrdreg s3  }
0xa9: {  	[dreg:$0x3] =	wrdreg s5  }
0xaa: {  	[dreg:$0x4] =	wrdreg $0xC0  }
0xab: {  	_ =	task [dreg:s7], $0x5FFFF  }
0xac: {  	[dreg:$0x1] =	wrdreg $0xFFFFFFFF  }
0xad: {  	[dreg:$0x0] =	wrdreg $0x60  }
0xae: {  	[dreg:$0x2] =	wrdreg s2  }
0xaf: {  	[dreg:$0x3] =	wrdreg s24  }
0xb0: {  	[dreg:$0x4] =	wrdreg $0x0  }
0xb1: {  	[dreg:$0x5] =	wrdreg $0x9  }
0xb2: {  	_ =	task.clear_ibuf [dreg:s7], $0x6FFFF;
	_ =	strace $0x90000046  }
0xb3: {  	s29 =	simm.s32 $0x9;
	_ =	strace $0x80000057  }
0xb4: {  	_ =	swait.ge [sflag:s29], $0x1  }
0xb5: {  	[sflag:s29] =	ssyncadd.s32 $0xFFFFFFFF  }
0xb6: {  	_ =	strace $0x90000057  }
0xb7: {  	_ =	sfence  }
0xb8: {  	s30 =	sld [smem:$0x0];
	_ =	sdelay $0x2  }
0xb9: {  	s31 =	sshll.u32 s1, $0xD;
	s1 =	sshrl.u32 s1, $0x2  }
0xba: {  	s3 =	sand.u32 $0x4000, s31;
	s1 =	sadd.s32 s1, s30  }
0xbb: {  	s0 =	sor.u32 s3, s0;
	s1 =	sshll.u32 s1, $0x11  }
0xbc: {  	s0 =	sor.u32 s1, s0  }
0xbd: {  	s0 =	sadd.s32 $0x8F2B, s0  }
0xbe: {  	[sflag:s0] =	ssyncadd.remote.s32 $0x1  }
0xbf: {  	_ =	sfence.sel $0xFFFF  }
0xc0: {  	[dreg:$0x0] =	wrdreg $0xFFFFFFFF;
	(pc) =	sbr.abs _section_cstart, $3  }
0xc1: {  	[dreg:$0x1] =	wrdreg $0xFFFFFFFF  }
0xc2: {  	_ =	task.clear_ibuf [dreg:s7], $0x2FFFF;
	_ =	strace $0x9FFFFFFF  }
0xc3: {  	(tm) =	ssettm $0x7FFFFFFF  }
tec
execute0_lowered:
.L_overlay_start_1:
0x0: {  	(tag) =	ssettag $0x1  }
0x1: {  	s4 =	rddreg [dreg:$0x1]  }
0x2: {  	s0 =	simm.s32 $0x0;
	s1 =	srdreg.scid;
	s31 =	rddreg [dreg:$0x2]  }
0x3: {  	s17 =	stileid.u32;
	[smem:$0x7FF] =	sst s0  }
0x4: {  	s7 =	sadd.s32 $0x3E600, s4;
	s1 =	sand.u32 $0x1, s1;
	s8 =	sadd.s32 $0x1400, s4  }
0x5: {  	s5 =	sshll.u32 s17, $0x7;
	s9 =	sshll.u32 s17, $0xD;
	s2 =	ssub.s32 $0x2, s1  }
0x6: {  	s1 =	sshll.u32 s1, $0x6;
	s10 =	sor.u32 $0x400, s9;
	s11 =	sor.u32 $0x800, s9  }
0x7: {  	s12 =	sadd.s32 s7, s9;
	s3 =	sshrl.u32 s2, $0x1;
	s6 =	sor.u32 s1, s5  }
0x8: {  	s1 =	smul.u32 $0xF430, s17;
	[dreg:$0x4] =	wrdreg s12;
	s20 =	sadd.s32 s7, s10  }
0x9: {  	s21 =	sadd.s32 s7, s11;
	s2 =	ssub.s32 s2, s3;
	[dreg:$0x5] =	wrdreg s20  }
0xa: {  	s3 =	smul.u32 $0xC000, s17;
	[dreg:$0x6] =	wrdreg s21;
	s13 =	sshrl.u32 s1, $0x3  }
0xb: {  	s14 =	sadd.s32 $0xF42F8, s1;
	s23 =	sadd.s32 $0xF62F8, s1;
	s25 =	sadd.s32 $0xF82F8, s1  }
0xc: {  	s29 =	sadd.s32 $0xFA2F8, s1;
	s20 =	sadd.s32 $0xFE2F8, s1;
	s12 =	sshrl.u32 s3, $0x3  }
0xd: {  	s18 =	sadd.s32 s8, s13;
	s22 =	sshrl.u32 s14, $0x3;
	s24 =	sshrl.u32 s23, $0x3  }
0xe: {  	s15 =	sshrl.u32 s29, $0x3;
	s14 =	sshrl.u32 s20, $0x3;
	s13 =	sadd.s32 s8, s22  }
0xf: {  	s29 =	sadd.s32 $0x7E600, s4;
	s14 =	sadd.s32 s8, s14;
	[dreg:$0x8] =	wrdreg s13  }
0x10: {  	s26 =	sshrl.u32 s25, $0x3;
	s20 =	sadd.s32 s29, s10;
	[dreg:$0xd] =	wrdreg s14  }
0x11: {  	s13 =	sadd.s32 s8, s24;
	s14 =	sadd.s32 s7, s12;
	[dreg:$0x16] =	wrdreg s20  }
0x12: {  	s12 =	sor.u32 $0x1000, s9;
	[dreg:$0x9] =	wrdreg s13;
	s13 =	sadd.s32 s8, s26  }
0x13: {  	s24 =	sor.u32 $0x1400, s9;
	s23 =	sadd.s32 s7, s12;
	[dreg:$0xa] =	wrdreg s13  }
0x14: {  	s19 =	sshll.u32 s17, $0xB;
	s25 =	sadd.s32 s7, s24;
	[dreg:$0x11] =	wrdreg s23  }
0x15: {  	s5 =	sadd.s32 s19, s7;
	[dreg:$0x12] =	wrdreg s25  }
0x16: {  	s16 =	sadd.s32 $0xFC2F8, s1;
	s13 =	sadd.s32 s8, s15;
	s25 =	rddreg [dreg:$0x0]  }
0x17: {  	s26 =	sor.u32 $0x1800, s9;
	s23 =	sadd.s32 s29, s24;
	[dreg:$0xb] =	wrdreg s13  }
0x18: {  	s19 =	sshrl.u32 s16, $0x3;
	s24 =	sadd.s32 s29, s26;
	[dreg:$0x1a] =	wrdreg s23  }
0x19: {  	s21 =	sadd.s32 $0x1002F8, s1;
	s13 =	sadd.s32 s8, s19;
	[dreg:$0x1b] =	wrdreg s24  }
0x1a: {  	s15 =	sadd.s32 $0x1022F8, s1;
	s19 =	sadd.s32 s7, s26;
	[dreg:$0xc] =	wrdreg s13  }
0x1b: {  	s15 =	sshrl.u32 s15, $0x3;
	s26 =	sadd.s32 s25, s6;
	[dreg:$0x13] =	wrdreg s19  }
0x1c: {  	s13 =	sshrl.u32 s21, $0x3;
	s21 =	sadd.s32 s29, s11;
	[dreg:$0x1d] =	wrdreg s26  }
0x1d: {  	s13 =	sadd.s32 s8, s13;
	s8 =	sadd.s32 s8, s15;
	[dreg:$0x17] =	wrdreg s21  }
0x1e: {  	[dreg:$0xf] =	wrdreg s8;
	s8 =	sor.u32 $0xC00, s9  }
0x1f: {  	s16 =	sor.u32 $0x1C00, s9;
	[dreg:$0xe] =	wrdreg s13;
	s22 =	sadd.s32 s7, s8  }
0x20: {  	s7 =	sadd.s32 s7, s16;
	[dreg:$0x10] =	wrdreg s22  }
0x21: {  	s8 =	sadd.s32 s29, s8;
	[dreg:$0x14] =	wrdreg s7  }
0x22: {  	s19 =	sadd.s32 s29, s9;
	[dreg:$0x18] =	wrdreg s8;
	s22 =	sadd.s32 s29, s12  }
0x23: {  	s7 =	sadd.s32 s29, s16;
	s29 =	sor.u32 $0x800, s6;
	[dreg:$0x19] =	wrdreg s22  }
0x24: {  	s4 =	sadd.s32 $0xBE600, s4;
	[dreg:$0x1c] =	wrdreg s7;
	s7 =	sadd.s32 s25, s29  }
0x25: {  	s15 =	sadd.s32 s4, s6;
	s4 =	sadd.s32 s4, s29;
	[dreg:$0x1e] =	wrdreg s7  }
0x26: {  	s11 =	sadd.s32 $0x38000, s5;
	[smem:$0x7D4] =	sst s4  }
0x27: {  	s12 =	sadd.s32 $0x38400, s5;
	_ =	strace $0x80000047;
	[smem:$0x7D5] =	sst s11  }
0x28: {  	s9 =	sshll.u32 s17, $0x10;
	s17 =	sadd.s32 $0x20000, s14;
	[smem:$0x7D6] =	sst s12  }
0x29: {  	s20 =	sadd.s32 $0x20400, s14;
	[smem:$0x7D7] =	sst s17  }
0x2a: {  	s21 =	sadd.s32 $0x20800, s14;
	[smem:$0x7D8] =	sst s20  }
0x2b: {  	s22 =	sadd.s32 $0x20C00, s14;
	[smem:$0x7D9] =	sst s21  }
0x2c: {  	s23 =	sadd.s32 $0x21000, s14;
	[smem:$0x7DA] =	sst s22  }
0x2d: {  	s3 =	sadd.s32 s3, s31;
	s24 =	sadd.s32 $0x21400, s14;
	[smem:$0x7DB] =	sst s23  }
0x2e: {  	s25 =	sadd.s32 $0x40000, s3;
	[smem:$0x7DC] =	sst s24  }
0x2f: {  	s26 =	sadd.s32 $0x42000, s3;
	[smem:$0x7DD] =	sst s25  }
0x30: {  	s29 =	sadd.s32 $0x44000, s3;
	[smem:$0x7DE] =	sst s26  }
0x31: {  	s5 =	sadd.s32 $0x46000, s3;
	[smem:$0x7DF] =	sst s29  }
0x32: {  	s14 =	sadd.s32 $0x48000, s3;
	[smem:$0x7E0] =	sst s5  }
0x33: {  	s10 =	sshrl.u32 s9, $0x2;
	s3 =	sadd.s32 $0x4A000, s3;
	[smem:$0x7E1] =	sst s14  }
0x34: {  	s16 =	sadd.s32 s10, s31;
	[smem:$0x7E2] =	sst s3  }
0x35: {  	s4 =	sadd.s32 $0xC00, s18;
	[smem:$0x7EC] =	sst s16  }
0x36: {  	[smem:$0x7F0] =	sst s4  }
0x37: {  	[dreg:$0x7] =	wrdreg s18  }
0x38: {  	s1 =	sadd.s32 s1, s31;
	[dreg:$0x15] =	wrdreg s19  }
0x39: {  	s17 =	sadd.s32 $0x40000, s1;
	[dreg:$0x1f] =	wrdreg s15  }
0x3a: {  	s20 =	sadd.s32 $0x42000, s1;
	[smem:$0x7E3] =	sst s17  }
0x3b: {  	s21 =	sadd.s32 $0x44000, s1;
	[smem:$0x7E4] =	sst s20  }
0x3c: {  	s22 =	sadd.s32 $0x46000, s1;
	[smem:$0x7E5] =	sst s21  }
0x3d: {  	s23 =	sadd.s32 $0x48000, s1;
	[smem:$0x7E6] =	sst s22  }
0x3e: {  	s24 =	sadd.s32 $0x4A000, s1;
	[smem:$0x7E7] =	sst s23  }
0x3f: {  	s25 =	sadd.s32 $0x4C000, s1;
	[smem:$0x7E8] =	sst s24  }
0x40: {  	s1 =	sadd.s32 $0x4E000, s1;
	[smem:$0x7E9] =	sst s25  }
0x41: {  	s26 =	smax.u32 s2, $0x1;
	[smem:$0x7EA] =	sst s1  }
0x42: {  	s29 =	sadd.s32 $0x2000, s16;
	[smem:$0x7EB] =	sst s26  }
0x43: {  	s2 =	sadd.s32 $0x400, s18;
	[smem:$0x7ED] =	sst s29  }
0x44: {  	s3 =	sadd.s32 $0x800, s18;
	[smem:$0x7EE] =	sst s2  }
0x45: {  	s30 =	simm.s32 $0x15000;
	s5 =	sadd.s32 $0x1000, s18;
	[smem:$0x7EF] =	sst s3  }
0x46: {  	s28 =	simm.s32 $0x4;
	s14 =	sadd.s32 $0x1400, s18;
	[smem:$0x7F1] =	sst s5  }
0x47: {  	s13 =	sadd.s32 s9, s31;
	s16 =	sadd.s32 $0x1800, s18;
	[smem:$0x7F2] =	sst s14  }
0x48: {  	s6 =	sadd.s32 $0x40000, s13;
	[smem:$0x7F3] =	sst s16;
	s17 =	sadd.s32 $0x1C00, s18  }
0x49: {  	v0 =	vimm.f32 $1.800000070e+00;
	s8 =	sadd.s32 $0x44000, s13;
	s18 =	sadd.s32 $0x20000, s19;
	[smem:$0x7F4] =	sst s17  }
0x4a: {  	s9 =	sadd.s32 $0x46000, s13;
	s20 =	sadd.s32 $0x20400, s19;
	(erf) = vrcp.f32 v0;
	v0 =	vimm.f32 $1.400000010e-01;
	[smem:$0x7F5] =	sst s18  }
0x4b: {  	s10 =	sadd.s32 $0x48000, s13;
	s21 =	sadd.s32 $0x20800, s19;
	[smem:$0x7F6] =	sst s20;
	(erf) = vrcp.f32 v0  }
0x4c: {  	s7 =	sadd.s32 $0x42000, s13;
	s22 =	sadd.s32 $0x20C00, s19;
	[smem:$0x7F7] =	sst s21  }
0x4d: {  	s11 =	sadd.s32 $0x4A000, s13;
	s23 =	sadd.s32 $0x21000, s19;
	[smem:$0x7F8] =	sst s22  }
0x4e: {  	s12 =	sadd.s32 $0x4C000, s13;
	s24 =	sadd.s32 $0x21400, s19;
	[smem:$0x7F9] =	sst s23  }
0x4f: {  	s13 =	sadd.s32 $0x4E000, s13;
	s25 =	sadd.s32 $0x21800, s19;
	[smem:$0x7FA] =	sst s24  }
0x50: {  	s26 =	sadd.s32 $0x21C00, s19;
	s29 =	sadd.s32 $0x1000, s15;
	[smem:$0x7FB] =	sst s25  }
0x51: {  	s16 =	simm.s32 $0x200;
	s5 =	simm.s32 $0x0;
	[smem:$0x7FC] =	sst s26  }
0x52: {  	[smem:$0x7FD] =	sst s29;
	s17 =	simm.s32 $0x8;
	s18 =	simm.s32 $0x1A200  }
0x53: {  	s20 =	simm.s32 $0x1;
	s21 =	simm.s32 $0x1C200;
	s22 =	simm.s32 $0x2;
	v0 =	vpop (erf)  }
0x54: {  	s23 =	simm.s32 $0x800;
	s24 =	simm.s32 $0x3;
	s26 =	simm.s32 $0x5;
	v1 =	vpop (erf)  }
.LBB2_1:
0x55: {  	_ =	strace $0x80000048  }
0x56: {  	s2 =	simm.s32 $0x14000;
	s1 =	rddreg [dreg:$0x1d]  }
0x57: {  	[tilespmem:s2], [sflag:$0x8] =	stream.linear.gather [hbm4b:s1+s0], $0x200, $0x200038;
	[tilespmem:$0x1E200] =	vst v63  }
0x58: {  	_ =	swait.ge [sflag:s17], $0x200  }
0x59: {  	[sflag:s17] =	ssyncset.done $0x0  }
0x5a: {  	s29 =	simm.s32 $0x14200;
	s25 =	rddreg [dreg:$0x1e];
	[sflag:s17] =	ssyncadd.s32 $0xFFFFFE00  }
0x5b: {  	[tilespmem:s29], [sflag:$0x8] =	stream.linear.gather [hbm4b:s25+s0], $0x200, $0x200038;
	[tilespmem:$0x1E200] =	vst v63  }
0x5c: {  	_ =	swait.ge [sflag:s17], $0x200  }
0x5d: {  	[sflag:s17] =	ssyncset.done $0x0  }
0x5e: {  	[sflag:s17] =	ssyncadd.s32 $0xFFFFFE00  }
0x5f: {  	s1 =	simm.s32 $0x0;
	_ =	strace $0x90000048  }
0x60: {  	v2 =	vld [tilespmem:s1+$0x14200]  }
0x61: {  	v3 =	vld [tilespmem:s1+$0x14000];
	_ =	sdelay $0x3  }
0x62: {  	v2 =	vadd.f32 $7.000000030e-02, v2  }
0x63: {  	s2 =	simm.s32 $0x10;
	v3 =	vadd.f32 $1.200000050e+00, v3  }
0x64: {  	v4 =	vmul.f32 v2, v1;
	v2 =	vld [tilespmem:s2+$0x14200]  }
0x65: {  	v5 =	vmul.f32 v3, v0;
	v3 =	vld [tilespmem:s2+$0x14000];
	_ =	sdelay $0x1  }
0x66: {  	v6 =	vmax.f32 v4, $0.0e+00  }
0x67: {  	s3 =	simm.s32 $0x80;
	v4 =	vmax.f32 v5, $0.0e+00;
	v5 =	vmin.f32 v6, $9.999989860e-01  }
.LBB2_2:
0x68: {  	s4 =	sshra.s32 s3, $0x2;
	p0 =	sne.s32 s3, $0x7C0;
	s3 =	sadd.s32 $0x40, s3;
	v6 =	vadd.f32 $7.000000030e-02, v2;
	v5 =	vmul.f32 $5.120000000e+02, v5  }
.Ltmp0:
0x69: {  	v4 =	vmin.f32 v4, $9.999989860e-01;
	v2 =	vld [tilespmem:s4+$0x14200];
	v7 =	vadd.f32 $1.200000050e+00, v3;
	(pc) =	sbr.rel @p0 .LBB2_2-.Ltmp0, $4  }
0x6a: {  	v4 =	vmul.f32 $5.120000000e+02, v4;
	v3 =	vld [tilespmem:s4+$0x14000];
	v6 =	vmul.f32 v6, v1;
	[tilespmem:s1+$0x14600] =	vst v5  }
0x6b: {  	v5 =	vmul.f32 v7, v0  }
0x6c: {  	v6 =	vmax.f32 v6, $0.0e+00;
	[tilespmem:s1+$0x14400] =	vst v4;
	s1 =	smov.u32 s2;
	s2 =	smov.u32 s4  }
0x6d: {  	v4 =	vmax.f32 v5, $0.0e+00;
	v5 =	vmin.f32 v6, $9.999989860e-01  }
0x6e: {  	v2 =	vadd.f32 $7.000000030e-02, v2  }
0x6f: {  	v3 =	vadd.f32 $1.200000050e+00, v3  }
0x70: {  	v2 =	vmul.f32 v2, v1  }
0x71: {  	v3 =	vmul.f32 v3, v0  }
0x72: {  	v5 =	vmul.f32 $5.120000000e+02, v5;
	v4 =	vmin.f32 v4, $9.999989860e-01;
	v2 =	vmax.f32 v2, $0.0e+00  }
0x73: {  	v4 =	vmul.f32 $5.120000000e+02, v4;
	v3 =	vmax.f32 v3, $0.0e+00;
	v2 =	vmin.f32 v2, $9.999989860e-01  }
0x74: {  	[tilespmem:s1+$0x14600] =	vst v5;
	v2 =	vmul.f32 $5.120000000e+02, v2;
	v3 =	vmin.f32 v3, $9.999989860e-01  }
0x75: {  	[tilespmem:s1+$0x14400] =	vst v4;
	v3 =	vmul.f32 $5.120000000e+02, v3  }
0x76: {  	[tilespmem:s2+$0x14600] =	vst v2  }
0x77: {  	s1 =	simm.s32 $0x0;
	[tilespmem:s2+$0x14400] =	vst v3  }
0x78: {  	v2 =	vld [tilespmem:s1+$0x14600]  }
0x79: {  	v3 =	vld [tilespmem:s1+$0x14400];
	_ =	sdelay $0x3  }
0x7a: {  	s3 =	simm.s32 $0x10;
	v2 =	vtrunc.f32 v2  }
0x7b: {  	v3 =	vtrunc.f32 v3;
	v4 =	vcvt.f32.s32 v2;
	v2 =	vld [tilespmem:s3+$0x14600]  }
0x7c: {  	v5 =	vcvt.f32.s32 v3;
	v3 =	vld [tilespmem:s3+$0x14400]  }
0x7d: {  	vm0 =	vlt.s32 v4, $0x1FF  }
0x7e: {  	vm1 =	vlt.s32 v5, $0x1FF;
	v6 =	vnsel vm0, $0x1FF, v4  }
0x7f: {  	s25 =	simm.s32 $0x0;
	s4 =	simm.s32 $0x80;
	v4 =	vnsel vm1, $0x1FF, v5;
	v5 =	vshll.u32 v6, $0x9  }
.LBB2_4:
0x80: {  	s14 =	sshra.s32 s4, $0x2;
	p0 =	sne.s32 s4, $0x7C0;
	s4 =	sadd.s32 $0x40, s4;
	v6 =	vtrunc.f32 v2;
	v4 =	vadd.s32 v5, v4  }
.Ltmp1:
0x81: {  	v2 =	vld [tilespmem:s14+$0x14600];
	v5 =	vtrunc.f32 v3;
	v6 =	vcvt.f32.s32 v6;
	v4 =	vadd.s32 $0x40000, v4;
	(pc) =	sbr.rel @p0 .LBB2_4-.Ltmp1, $4  }
0x82: {  	s2 =	simm.s32 $0x14400;
	s19 =	simm.s32 $0x14600;
	v3 =	vld [tilespmem:s14+$0x14400];
	v5 =	vcvt.f32.s32 v5;
	[tilespmem:s1+$0x15000] =	vst v4;
	s1 =	smov.u32 s3  }
0x83: {  	s3 =	smov.u32 s14;
	vm0 =	vlt.s32 v6, $0x1FF  }
0x84: {  	vm1 =	vlt.s32 v5, $0x1FF;
	v6 =	vnsel vm0, $0x1FF, v6  }
0x85: {  	v4 =	vnsel vm1, $0x1FF, v5;
	v5 =	vshll.u32 v6, $0x9  }
0x86: {  	v2 =	vtrunc.f32 v2  }
0x87: {  	v3 =	vtrunc.f32 v3;
	v2 =	vcvt.f32.s32 v2  }
0x88: {  	v3 =	vcvt.f32.s32 v3  }
0x89: {  	vm0 =	vlt.s32 v2, $0x1FF  }
0x8a: {  	v2 =	vnsel vm0, $0x1FF, v2;
	vm15 =	vlt.s32 v3, $0x1FF  }
0x8b: {  	v4 =	vadd.s32 v5, v4;
	v3 =	vnsel vm15, $0x1FF, v3;
	v2 =	vshll.u32 v2, $0x9  }
0x8c: {  	v4 =	vadd.s32 $0x40000, v4;
	v2 =	vadd.s32 v2, v3  }
0x8d: {  	[tilespmem:s1+$0x15000] =	vst v4;
	v2 =	vadd.s32 $0x40000, v2  }
0x8e: {  	[tilespmem:s3+$0x15000] =	vst v2  }
0x8f: {  	s4 =	simm.s32 $0x14600;
	s1 =	simm.s32 $0x14400;
	s3 =	simm.s32 $0x10;
	v2 =	vld [tilespmem:s19+$0x0]  }
.LBB2_6:
0x90: {  	p0 =	sne.s32 s3, $0x1F0;
	v3 =	vld [tilespmem:s1+$0x0];
	_ =	sdelay $0x3  }
0x91: {  	v2 =	vadd.f32 $1.250000000e-01, v2  }
0x92: {  	v3 =	vadd.f32 $1.250000000e-01, v3  }
0x93: {  	v2 =	vtrunc.f32 v2  }
0x94: {  	v3 =	vtrunc.f32 v3;
	v2 =	vcvt.f32.s32 v2  }
0x95: {  	v3 =	vcvt.f32.s32 v3  }
0x96: {  	vm0 =	vlt.s32 v2, $0x1FF  }
0x97: {  	vm1 =	vlt.s32 v3, $0x1FF;
	v2 =	vnsel vm0, $0x1FF, v2  }
.Ltmp2:
0x98: {  	v3 =	vnsel vm1, $0x1FF, v3;
	v2 =	vshll.u32 v2, $0x9;
	(pc) =	sbr.rel @p0 .LBB2_6-.Ltmp2, $4  }
0x99: {  	v2 =	vadd.s32 v2, v3  }
0x9a: {  	s14 =	sand.u32 $0x1F0, s25;
	s25 =	smov.u32 s3;
	v2 =	vadd.s32 $0x80000, v2  }
0x9b: {  	s4 =	sadd.s32 $0x10, s4;
	[tilespmem:s14+$0x15200] =	vst v2  }
0x9c: {  	s3 =	sadd.s32 $0x10, s3;
	s1 =	sadd.s32 $0x10, s1;
	v2 =	vld [tilespmem:s4+$0x0]  }
0x9d: {  	v3 =	vld [tilespmem:s1+$0x0];
	_ =	sdelay $0x3  }
0x9e: {  	v2 =	vadd.f32 $1.250000000e-01, v2  }
0x9f: {  	v3 =	vadd.f32 $1.250000000e-01, v3  }
0xa0: {  	v2 =	vtrunc.f32 v2  }
0xa1: {  	v3 =	vtrunc.f32 v3;
	v2 =	vcvt.f32.s32 v2  }
0xa2: {  	v3 =	vcvt.f32.s32 v3  }
0xa3: {  	vm0 =	vlt.s32 v2, $0x1FF  }
0xa4: {  	vm1 =	vlt.s32 v3, $0x1FF;
	v2 =	vnsel vm0, $0x1FF, v2  }
0xa5: {  	v3 =	vnsel vm1, $0x1FF, v3;
	v2 =	vshll.u32 v2, $0x9  }
0xa6: {  	v2 =	vadd.s32 v2, v3  }
0xa7: {  	s29 =	sand.u32 $0x1F0, s25;
	v2 =	vadd.s32 $0x80000, v2  }
0xa8: {  	[tilespmem:s29+$0x15200] =	vst v2  }
0xa9: {  	s25 =	simm.s32 $0x0;
	s3 =	simm.s32 $0x10;
	s1 =	simm.s32 $0x0;
	v2 =	vld [tilespmem:s19+$0x0]  }
.LBB2_8:
0xaa: {  	p0 =	sne.s32 s3, $0x1F0;
	v3 =	vld [tilespmem:s2+$0x0];
	_ =	sdelay $0x3  }
0xab: {  	v2 =	vadd.f32 $2.500000000e-01, v2  }
0xac: {  	v3 =	vadd.f32 $2.500000000e-01, v3  }
0xad: {  	v2 =	vtrunc.f32 v2  }
0xae: {  	v3 =	vtrunc.f32 v3;
	v2 =	vcvt.f32.s32 v2  }
0xaf: {  	v3 =	vcvt.f32.s32 v3  }
0xb0: {  	vm0 =	vlt.s32 v2, $0x1FF  }
0xb1: {  	vm1 =	vlt.s32 v3, $0x1FF;
	v2 =	vnsel vm0, $0x1FF, v2  }
.Ltmp3:
0xb2: {  	v3 =	vnsel vm1, $0x1FF, v3;
	v2 =	vshll.u32 v2, $0x9;
	(pc) =	sbr.rel @p0 .LBB2_8-.Ltmp3, $4  }
0xb3: {  	v2 =	vadd.s32 v2, v3  }
0xb4: {  	s4 =	sand.u32 $0x1F0, s1;
	s1 =	smov.u32 s3;
	v2 =	vadd.s32 $0xC0000, v2  }
0xb5: {  	s19 =	sadd.s32 $0x10, s19;
	[tilespmem:s4+$0x15400] =	vst v2  }
0xb6: {  	s3 =	sadd.s32 $0x10, s3;
	s2 =	sadd.s32 $0x10, s2;
	v2 =	vld [tilespmem:s19+$0x0]  }
0xb7: {  	v3 =	vld [tilespmem:s2+$0x0];
	_ =	sdelay $0x3  }
0xb8: {  	v2 =	vadd.f32 $2.500000000e-01, v2  }
0xb9: {  	v3 =	vadd.f32 $2.500000000e-01, v3  }
0xba: {  	v2 =	vtrunc.f32 v2  }
0xbb: {  	v3 =	vtrunc.f32 v3;
	v2 =	vcvt.f32.s32 v2  }
0xbc: {  	v3 =	vcvt.f32.s32 v3  }
0xbd: {  	vm0 =	vlt.s32 v2, $0x1FF  }
0xbe: {  	vm1 =	vlt.s32 v3, $0x1FF;
	v2 =	vnsel vm0, $0x1FF, v2  }
0xbf: {  	v3 =	vnsel vm1, $0x1FF, v3;
	v2 =	vshll.u32 v2, $0x9  }
0xc0: {  	v2 =	vadd.s32 v2, v3  }
0xc1: {  	s1 =	sand.u32 $0x1F0, s1;
	v2 =	vadd.s32 $0xC0000, v2  }
0xc2: {  	s19 =	simm.s32 $0x14400;
	s29 =	simm.s32 $0x14600;
	[tilespmem:s1+$0x15400] =	vst v2  }
0xc3: {  	s2 =	simm.s32 $0x10;
	s3 =	simm.s32 $0x14600;
	s1 =	simm.s32 $0x14400;
	v2 =	vld [tilespmem:s29+$0x0]  }
.LBB2_10:
0xc4: {  	p0 =	sne.s32 s2, $0x1F0;
	v3 =	vld [tilespmem:s1+$0x0];
	_ =	sdelay $0x3  }
0xc5: {  	v2 =	vadd.f32 $3.750000000e-01, v2  }
0xc6: {  	v3 =	vadd.f32 $3.750000000e-01, v3  }
0xc7: {  	v2 =	vtrunc.f32 v2  }
0xc8: {  	v3 =	vtrunc.f32 v3;
	v2 =	vcvt.f32.s32 v2  }
0xc9: {  	v3 =	vcvt.f32.s32 v3  }
0xca: {  	vm0 =	vlt.s32 v2, $0x1FF  }
0xcb: {  	vm1 =	vlt.s32 v3, $0x1FF;
	v2 =	vnsel vm0, $0x1FF, v2  }
.Ltmp4:
0xcc: {  	v3 =	vnsel vm1, $0x1FF, v3;
	v2 =	vshll.u32 v2, $0x9;
	(pc) =	sbr.rel @p0 .LBB2_10-.Ltmp4, $4  }
0xcd: {  	v2 =	vadd.s32 v2, v3  }
0xce: {  	s4 =	sand.u32 $0x1F0, s25;
	s25 =	smov.u32 s2;
	v2 =	vadd.s32 $0x100000, v2  }
0xcf: {  	s3 =	sadd.s32 $0x10, s3;
	[tilespmem:s4+$0x15600] =	vst v2  }
0xd0: {  	s2 =	sadd.s32 $0x10, s2;
	s1 =	sadd.s32 $0x10, s1;
	v2 =	vld [tilespmem:s3+$0x0]  }
0xd1: {  	v3 =	vld [tilespmem:s1+$0x0];
	_ =	sdelay $0x3  }
0xd2: {  	v2 =	vadd.f32 $3.750000000e-01, v2  }
0xd3: {  	v3 =	vadd.f32 $3.750000000e-01, v3  }
0xd4: {  	v2 =	vtrunc.f32 v2  }
0xd5: {  	v3 =	vtrunc.f32 v3;
	v2 =	vcvt.f32.s32 v2  }
0xd6: {  	v3 =	vcvt.f32.s32 v3  }
0xd7: {  	vm0 =	vlt.s32 v2, $0x1FF  }
0xd8: {  	vm1 =	vlt.s32 v3, $0x1FF;
	v2 =	vnsel vm0, $0x1FF, v2  }
0xd9: {  	v3 =	vnsel vm1, $0x1FF, v3;
	v2 =	vshll.u32 v2, $0x9  }
0xda: {  	v2 =	vadd.s32 v2, v3  }
0xdb: {  	s25 =	sand.u32 $0x1F0, s25;
	v2 =	vadd.s32 $0x100000, v2  }
0xdc: {  	[tilespmem:s25+$0x15600] =	vst v2  }
0xdd: {  	s2 =	simm.s32 $0x0;
	s3 =	simm.s32 $0x10;
	s1 =	simm.s32 $0x0;
	v2 =	vld [tilespmem:s29+$0x0]  }
.LBB2_12:
0xde: {  	p0 =	sne.s32 s3, $0x1F0;
	v3 =	vld [tilespmem:s19+$0x0];
	_ =	sdelay $0x3  }
0xdf: {  	v2 =	vadd.f32 $5.000000000e-01, v2  }
0xe0: {  	v3 =	vadd.f32 $5.000000000e-01, v3  }
0xe1: {  	v2 =	vtrunc.f32 v2  }
0xe2: {  	v3 =	vtrunc.f32 v3;
	v2 =	vcvt.f32.s32 v2  }
0xe3: {  	v3 =	vcvt.f32.s32 v3  }
0xe4: {  	vm0 =	vlt.s32 v2, $0x1FF  }
0xe5: {  	vm1 =	vlt.s32 v3, $0x1FF;
	v2 =	vnsel vm0, $0x1FF, v2  }
.Ltmp5:
0xe6: {  	v3 =	vnsel vm1, $0x1FF, v3;
	v2 =	vshll.u32 v2, $0x9;
	(pc) =	sbr.rel @p0 .LBB2_12-.Ltmp5, $4  }
0xe7: {  	v2 =	vadd.s32 v2, v3  }
0xe8: {  	s4 =	sand.u32 $0x1F0, s1;
	s1 =	smov.u32 s3;
	v2 =	vadd.s32 $0x40000, v2  }
0xe9: {  	s29 =	sadd.s32 $0x10, s29;
	[tilespmem:s4+$0x15800] =	vst v2  }
0xea: {  	s3 =	sadd.s32 $0x10, s3;
	s19 =	sadd.s32 $0x10, s19;
	v2 =	vld [tilespmem:s29+$0x0]  }
0xeb: {  	v3 =	vld [tilespmem:s19+$0x0];
	_ =	sdelay $0x3  }
0xec: {  	v2 =	vadd.f32 $5.000000000e-01, v2  }
0xed: {  	v3 =	vadd.f32 $5.000000000e-01, v3  }
0xee: {  	v2 =	vtrunc.f32 v2  }
0xef: {  	v3 =	vtrunc.f32 v3;
	v2 =	vcvt.f32.s32 v2  }
0xf0: {  	v3 =	vcvt.f32.s32 v3  }
0xf1: {  	vm0 =	vlt.s32 v2, $0x1FF  }
0xf2: {  	vm1 =	vlt.s32 v3, $0x1FF;
	v2 =	vnsel vm0, $0x1FF, v2  }
0xf3: {  	v3 =	vnsel vm1, $0x1FF, v3;
	v2 =	vshll.u32 v2, $0x9  }
0xf4: {  	v2 =	vadd.s32 v2, v3  }
0xf5: {  	s1 =	sand.u32 $0x1F0, s1;
	v2 =	vadd.s32 $0x40000, v2  }
0xf6: {  	s19 =	simm.s32 $0x14400;
	s25 =	simm.s32 $0x14600;
	[tilespmem:s1+$0x15800] =	vst v2  }
0xf7: {  	s3 =	simm.s32 $0x10;
	s4 =	simm.s32 $0x14600;
	s1 =	simm.s32 $0x14400;
	v2 =	vld [tilespmem:s25+$0x0]  }
.LBB2_14:
0xf8: {  	p0 =	sne.s32 s3, $0x1F0;
	v3 =	vld [tilespmem:s1+$0x0];
	_ =	sdelay $0x3  }
0xf9: {  	v2 =	vadd.f32 $6.250000000e-01, v2  }
0xfa: {  	v3 =	vadd.f32 $6.250000000e-01, v3  }
0xfb: {  	v2 =	vtrunc.f32 v2  }
0xfc: {  	v3 =	vtrunc.f32 v3;
	v2 =	vcvt.f32.s32 v2  }
0xfd: {  	v3 =	vcvt.f32.s32 v3  }
0xfe: {  	vm0 =	vlt.s32 v2, $0x1FF  }
0xff: {  	vm1 =	vlt.s32 v3, $0x1FF;
	v2 =	vnsel vm0, $0x1FF, v2  }
.Ltmp6:
0x100: {  	v3 =	vnsel vm1, $0x1FF, v3;
	v2 =	vshll.u32 v2, $0x9;
	(pc) =	sbr.rel @p0 .LBB2_14-.Ltmp6, $4  }
0x101: {  	v2 =	vadd.s32 v2, v3  }
0x102: {  	s14 =	sand.u32 $0x1F0, s2;
	s2 =	smov.u32 s3;
	v2 =	vadd.s32 $0x80000, v2  }
0x103: {  	s4 =	sadd.s32 $0x10, s4;
	[tilespmem:s14+$0x15A00] =	vst v2  }
0x104: {  	s3 =	sadd.s32 $0x10, s3;
	s1 =	sadd.s32 $0x10, s1;
	v2 =	vld [tilespmem:s4+$0x0]  }
0x105: {  	v3 =	vld [tilespmem:s1+$0x0];
	_ =	sdelay $0x3  }
0x106: {  	v2 =	vadd.f32 $6.250000000e-01, v2  }
0x107: {  	v3 =	vadd.f32 $6.250000000e-01, v3  }
0x108: {  	v2 =	vtrunc.f32 v2  }
0x109: {  	v3 =	vtrunc.f32 v3;
	v2 =	vcvt.f32.s32 v2  }
0x10a: {  	v3 =	vcvt.f32.s32 v3  }
0x10b: {  	vm0 =	vlt.s32 v2, $0x1FF  }
0x10c: {  	vm1 =	vlt.s32 v3, $0x1FF;
	v2 =	vnsel vm0, $0x1FF, v2  }
0x10d: {  	v3 =	vnsel vm1, $0x1FF, v3;
	v2 =	vshll.u32 v2, $0x9  }
0x10e: {  	v2 =	vadd.s32 v2, v3  }
0x10f: {  	s29 =	sand.u32 $0x1F0, s2;
	v2 =	vadd.s32 $0x80000, v2  }
0x110: {  	[tilespmem:s29+$0x15A00] =	vst v2  }
0x111: {  	s1 =	simm.s32 $0x0;
	s3 =	simm.s32 $0x10;
	s2 =	simm.s32 $0x0;
	v2 =	vld [tilespmem:s25+$0x0]  }
.LBB2_16:
0x112: {  	p0 =	sne.s32 s3, $0x1F0;
	v3 =	vld [tilespmem:s19+$0x0];
	_ =	sdelay $0x3  }
0x113: {  	v2 =	vadd.f32 $7.500000000e-01, v2  }
0x114: {  	v3 =	vadd.f32 $7.500000000e-01, v3  }
0x115: {  	v2 =	vtrunc.f32 v2  }
0x116: {  	v3 =	vtrunc.f32 v3;
	v2 =	vcvt.f32.s32 v2  }
0x117: {  	v3 =	vcvt.f32.s32 v3  }
0x118: {  	vm0 =	vlt.s32 v2, $0x1FF  }
0x119: {  	vm1 =	vlt.s32 v3, $0x1FF;
	v2 =	vnsel vm0, $0x1FF, v2  }
.Ltmp7:
0x11a: {  	v3 =	vnsel vm1, $0x1FF, v3;
	v2 =	vshll.u32 v2, $0x9;
	(pc) =	sbr.rel @p0 .LBB2_16-.Ltmp7, $4  }
0x11b: {  	v2 =	vadd.s32 v2, v3  }
0x11c: {  	s4 =	sand.u32 $0x1F0, s2;
	s2 =	smov.u32 s3;
	v2 =	vadd.s32 $0xC0000, v2  }
0x11d: {  	s25 =	sadd.s32 $0x10, s25;
	[tilespmem:s4+$0x15C00] =	vst v2  }
0x11e: {  	s3 =	sadd.s32 $0x10, s3;
	s19 =	sadd.s32 $0x10, s19;
	v2 =	vld [tilespmem:s25+$0x0]  }
0x11f: {  	v3 =	vld [tilespmem:s19+$0x0];
	_ =	sdelay $0x3  }
0x120: {  	v2 =	vadd.f32 $7.500000000e-01, v2  }
0x121: {  	v3 =	vadd.f32 $7.500000000e-01, v3  }
0x122: {  	v2 =	vtrunc.f32 v2  }
0x123: {  	v3 =	vtrunc.f32 v3;
	v2 =	vcvt.f32.s32 v2  }
0x124: {  	v3 =	vcvt.f32.s32 v3  }
0x125: {  	vm0 =	vlt.s32 v2, $0x1FF  }
0x126: {  	vm1 =	vlt.s32 v3, $0x1FF;
	v2 =	vnsel vm0, $0x1FF, v2  }
0x127: {  	v3 =	vnsel vm1, $0x1FF, v3;
	v2 =	vshll.u32 v2, $0x9  }
0x128: {  	v2 =	vadd.s32 v2, v3  }
0x129: {  	s2 =	sand.u32 $0x1F0, s2;
	v2 =	vadd.s32 $0xC0000, v2  }
0x12a: {  	s25 =	simm.s32 $0x14600;
	[tilespmem:s2+$0x15C00] =	vst v2  }
0x12b: {  	s3 =	simm.s32 $0x14400;
	v2 =	vld [tilespmem:s25+$0x0]  }
0x12c: {  	v3 =	vld [tilespmem:s3+$0x0];
	_ =	sdelay $0x3  }
0x12d: {  	v2 =	vadd.f32 $8.750000000e-01, v2  }
0x12e: {  	v3 =	vadd.f32 $8.750000000e-01, v3  }
0x12f: {  	v2 =	vtrunc.f32 v2  }
0x130: {  	v3 =	vtrunc.f32 v3;
	v2 =	vcvt.f32.s32 v2  }
0x131: {  	v3 =	vcvt.f32.s32 v3  }
0x132: {  	vm14 =	vlt.s32 v2, $0x1FF  }
0x133: {  	vm15 =	vlt.s32 v3, $0x1FF;
	v2 =	vnsel vm14, $0x1FF, v2  }
0x134: {  	v3 =	vnsel vm15, $0x1FF, v3;
	v2 =	vshll.u32 v2, $0x9  }
0x135: {  	s29 =	sand.u32 $0x1F0, s1;
	v2 =	vadd.s32 v3, v2  }
0x136: {  	s1 =	simm.s32 $0x16000;
	[tilespmem:s29+$0x15E00] =	vst v2;
	v2 =	vadd.s32 $0x100000, v2  }
0x137: {  	s3 =	simm.s32 $0x14610;
	[tilespmem:s1+$0x0] =	vst v2  }
0x138: {  	s14 =	simm.s32 $0x20;
	s4 =	simm.s32 $0x14410;
	s2 =	simm.s32 $0x10;
	v2 =	vld [tilespmem:s3+$0x0]  }
.LBB2_18:
0x139: {  	p0 =	sne.s32 s14, $0x1F0;
	v3 =	vld [tilespmem:s4+$0x0];
	_ =	sdelay $0x3  }
0x13a: {  	v2 =	vadd.f32 $8.750000000e-01, v2  }
0x13b: {  	v3 =	vadd.f32 $8.750000000e-01, v3  }
0x13c: {  	v2 =	vtrunc.f32 v2  }
0x13d: {  	v3 =	vtrunc.f32 v3;
	v2 =	vcvt.f32.s32 v2  }
0x13e: {  	v3 =	vcvt.f32.s32 v3  }
0x13f: {  	vm0 =	vlt.s32 v2, $0x1FF  }
0x140: {  	vm1 =	vlt.s32 v3, $0x1FF;
	v2 =	vnsel vm0, $0x1FF, v2  }
.Ltmp8:
0x141: {  	v3 =	vnsel vm1, $0x1FF, v3;
	v2 =	vshll.u32 v2, $0x9;
	(pc) =	sbr.rel @p0 .LBB2_18-.Ltmp8, $4  }
0x142: {  	s15 =	sand.u32 $0x1F0, s2;
	s2 =	smov.u32 s14;
	v2 =	vadd.s32 v3, v2  }
0x143: {  	s1 =	sadd.s32 $0x10, s1;
	[tilespmem:s15+$0x15E00] =	vst v2;
	v2 =	vadd.s32 $0x100000, v2  }
0x144: {  	s3 =	sadd.s32 $0x10, s3;
	[tilespmem:s1+$0x0] =	vst v2  }
0x145: {  	s14 =	sadd.s32 $0x10, s14;
	s4 =	sadd.s32 $0x10, s4;
	v2 =	vld [tilespmem:s3+$0x0]  }
0x146: {  	v3 =	vld [tilespmem:s4+$0x0];
	_ =	sdelay $0x3  }
0x147: {  	v2 =	vadd.f32 $8.750000000e-01, v2  }
0x148: {  	v3 =	vadd.f32 $8.750000000e-01, v3  }
0x149: {  	v2 =	vtrunc.f32 v2  }
0x14a: {  	v3 =	vtrunc.f32 v3;
	v2 =	vcvt.f32.s32 v2  }
0x14b: {  	v3 =	vcvt.f32.s32 v3  }
0x14c: {  	vm0 =	vlt.s32 v2, $0x1FF  }
0x14d: {  	vm1 =	vlt.s32 v3, $0x1FF;
	v2 =	vnsel vm0, $0x1FF, v2  }
0x14e: {  	v3 =	vnsel vm1, $0x1FF, v3;
	v2 =	vshll.u32 v2, $0x9  }
0x14f: {  	s2 =	sand.u32 $0x1F0, s2;
	v2 =	vadd.s32 v3, v2  }
0x150: {  	s1 =	sadd.s32 $0x10, s1;
	[tilespmem:s2+$0x15E00] =	vst v2;
	v2 =	vadd.s32 $0x100000, v2  }
0x151: {  	[tilespmem:s1+$0x0] =	vst v2  }
0x152: {  	_ =	strace $0x80000049  }
0x153: {  	s15 =	sld [smem:$0x7D5];
	_ =	sdelay $0x1  }
0x154: {  	s19 =	simm.s32 $0x0  }
0x155: {  	[tilespmem:s18], [sflag:$0x1] =	stream.linear.gather [hbm4b:s15+s19], $0x2000, $0x200038;
	[tilespmem:$0x1E200] =	vst v63  }
0x156: {  	_ =	swait.ge [sflag:s20], $0x2000  }
0x157: {  	s25 =	sld [smem:$0x7EC]  }
0x158: {  	[sflag:s20] =	ssyncset.done $0x0  }
0x159: {  	s2 =	sld [smem:$0x7D6];
	[sflag:s20] =	ssyncadd.s32 $0xFFFFE000  }
0x15a: {  	[spmem:s25] =	stream.linear.scatter [tilespmem:s18], [sflag:$0x2], $0x2000, $0x200038;
	[tilespmem:$0x1E200] =	vst v63  }
0x15b: {  	_ = 	snop  }
0x15c: {  	[tilespmem:s21], [sflag:$0x1] =	stream.linear.gather [hbm4b:s2+s19], $0x2000, $0x200038;
	[tilespmem:$0x1E200] =	vst v63  }
0x15d: {  	_ =	swait.ge [sflag:s20], $0x2000  }
0x15e: {  	s3 =	sld [smem:$0x7ED]  }
0x15f: {  	[sflag:s20] =	ssyncset.done $0x0  }
0x160: {  	[sflag:s20] =	ssyncadd.s32 $0xFFFFE000  }
0x161: {  	[spmem:s3] =	stream.linear.scatter [tilespmem:s21], [sflag:$0x2], $0x2000, $0x200038;
	[tilespmem:$0x1E200] =	vst v63  }
0x162: {  	_ =	swait.ge [sflag:s22], $0x2000  }
0x163: {  	[sflag:s22] =	ssyncset.done $0x0  }
0x164: {  	[sflag:s22] =	ssyncadd.s32 $0xFFFFE000  }
0x165: {  	_ =	swait.ge [sflag:s22], $0x2000  }
0x166: {  	[sflag:s22] =	ssyncset.done $0x0  }
0x167: {  	[sflag:s22] =	ssyncadd.s32 $0xFFFFE000  }
0x168: {  	_ =	strace $0x90000049  }
0x169: {  	s4 =	simm.s32 $0x15E00;
	s14 =	simm.s32 $0x18000;
	[bflag:$0x0] =	sbarrier.arrive $0xFFFF  }
0x16a: {  	[tilespmem:s14], [sflag:$0x6] =	stream.indirect.gather [spmem:s31], $0x1, s4, s16, $0xb8;
	[tilespmem:$0x1E200] =	vst v63  }
0x16b: {  	_ =	strace $0x8000004A  }
0x16c: {  	s15 =	rddreg [dreg:$0x4]  }
0x16d: {  	[tilespmem:s18], [sflag:$0x1] =	stream.linear.gather [hbm4b:s15+s19], $0x2000, $0x200038;
	[tilespmem:$0x1E200] =	vst v63  }
0x16e: {  	_ =	swait.ge [sflag:s20], $0x2000  }
0x16f: {  	[sflag:s20] =	ssyncset.done $0x0  }
0x170: {  	[sflag:s20] =	ssyncadd.s32 $0xFFFFE000  }
0x171: {  	[spmem:s6] =	stream.linear.scatter [tilespmem:s18], [sflag:$0x2], $0x2000, $0x200038;
	[tilespmem:$0x1E200] =	vst v63  }
0x172: {  	s16 =	rddreg [dreg:$0x5]  }
0x173: {  	[tilespmem:s21], [sflag:$0x1] =	stream.linear.gather [hbm4b:s16+s19], $0x2000, $0x200038;
	[tilespmem:$0x1E200] =	vst v63  }
0x174: {  	_ =	swait.ge [sflag:s20], $0x2000  }
0x175: {  	[sflag:s20] =	ssyncset.done $0x0  }
0x176: {  	[sflag:s20] =	ssyncadd.s32 $0xFFFFE000  }
0x177: {  	[spmem:s7] =	stream.linear.scatter [tilespmem:s21], [sflag:$0x2], $0x2000, $0x200038;
	[tilespmem:$0x1E200] =	vst v63  }
0x178: {  	_ =	swait.ge [sflag:s22], $0x2000  }
0x179: {  	[sflag:s22] =	ssyncset.done $0x0  }
0x17a: {  	s25 =	rddreg [dreg:$0x6];
	[sflag:s22] =	ssyncadd.s32 $0xFFFFE000  }
0x17b: {  	[tilespmem:s18], [sflag:$0x1] =	stream.linear.gather [hbm4b:s25+s19], $0x2000, $0x200038;
	[tilespmem:$0x1E200] =	vst v63  }
0x17c: {  	_ =	swait.ge [sflag:s20], $0x2000  }
0x17d: {  	[sflag:s20] =	ssyncset.done $0x0  }
0x17e: {  	[sflag:s20] =	ssyncadd.s32 $0xFFFFE000  }
0x17f: {  	[spmem:s8] =	stream.linear.scatter [tilespmem:s18], [sflag:$0x2], $0x2000, $0x200038;
	[tilespmem:$0x1E200] =	vst v63  }
0x180: {  	_ =	swait.ge [sflag:s22], $0x2000  }
0x181: {  	[sflag:s22] =	ssyncset.done $0x0  }
0x182: {  	s2 =	rddreg [dreg:$0x10];
	[sflag:s22] =	ssyncadd.s32 $0xFFFFE000  }
0x183: {  	[tilespmem:s21], [sflag:$0x1] =	stream.linear.gather [hbm4b:s2+s19], $0x2000, $0x200038;
	[tilespmem:$0x1E200] =	vst v63  }
0x184: {  	_ =	swait.ge [sflag:s20], $0x2000  }
0x185: {  	[sflag:s20] =	ssyncset.done $0x0  }
0x186: {  	[sflag:s20] =	ssyncadd.s32 $0xFFFFE000  }
0x187: {  	[spmem:s9] =	stream.linear.scatter [tilespmem:s21], [sflag:$0x2], $0x2000, $0x200038;
	[tilespmem:$0x1E200] =	vst v63  }
0x188: {  	_ =	swait.ge [sflag:s22], $0x2000  }
0x189: {  	[sflag:s22] =	ssyncset.done $0x0  }
0x18a: {  	s3 =	rddreg [dreg:$0x11];
	[sflag:s22] =	ssyncadd.s32 $0xFFFFE000  }
0x18b: {  	[tilespmem:s18], [sflag:$0x1] =	stream.linear.gather [hbm4b:s3+s19], $0x2000, $0x200038;
	[tilespmem:$0x1E200] =	vst v63  }
0x18c: {  	_ =	swait.ge [sflag:s20], $0x2000  }
0x18d: {  	[sflag:s20] =	ssyncset.done $0x0  }
0x18e: {  	[sflag:s20] =	ssyncadd.s32 $0xFFFFE000  }
0x18f: {  	[spmem:s10] =	stream.linear.scatter [tilespmem:s18], [sflag:$0x2], $0x2000, $0x200038;
	[tilespmem:$0x1E200] =	vst v63  }
0x190: {  	_ =	swait.ge [sflag:s22], $0x2000  }
0x191: {  	[sflag:s22] =	ssyncset.done $0x0  }
0x192: {  	s4 =	rddreg [dreg:$0x12];
	[sflag:s22] =	ssyncadd.s32 $0xFFFFE000  }
0x193: {  	[tilespmem:s21], [sflag:$0x1] =	stream.linear.gather [hbm4b:s4+s19], $0x2000, $0x200038;
	[tilespmem:$0x1E200] =	vst v63  }
0x194: {  	_ =	swait.ge [sflag:s20], $0x2000  }
0x195: {  	[sflag:s20] =	ssyncset.done $0x0  }
0x196: {  	[sflag:s20] =	ssyncadd.s32 $0xFFFFE000  }
0x197: {  	[spmem:s11] =	stream.linear.scatter [tilespmem:s21], [sflag:$0x2], $0x2000, $0x200038;
	[tilespmem:$0x1E200] =	vst v63  }
0x198: {  	_ =	swait.ge [sflag:s22], $0x2000  }
0x199: {  	[sflag:s22] =	ssyncset.done $0x0  }
0x19a: {  	s14 =	rddreg [dreg:$0x13];
	[sflag:s22] =	ssyncadd.s32 $0xFFFFE000  }
0x19b: {  	[tilespmem:s18], [sflag:$0x1] =	stream.linear.gather [hbm4b:s14+s19], $0x2000, $0x200038;
	[tilespmem:$0x1E200] =	vst v63  }
0x19c: {  	_ =	swait.ge [sflag:s20], $0x2000  }
0x19d: {  	[sflag:s20] =	ssyncset.done $0x0  }
0x19e: {  	[sflag:s20] =	ssyncadd.s32 $0xFFFFE000  }
0x19f: {  	[spmem:s12] =	stream.linear.scatter [tilespmem:s18], [sflag:$0x2], $0x2000, $0x200038;
	[tilespmem:$0x1E200] =	vst v63  }
0x1a0: {  	_ =	swait.ge [sflag:s22], $0x2000  }
0x1a1: {  	[sflag:s22] =	ssyncset.done $0x0  }
0x1a2: {  	s15 =	rddreg [dreg:$0x14];
	[sflag:s22] =	ssyncadd.s32 $0xFFFFE000  }
0x1a3: {  	[tilespmem:s21], [sflag:$0x1] =	stream.linear.gather [hbm4b:s15+s19], $0x2000, $0x200038;
	[tilespmem:$0x1E200] =	vst v63  }
0x1a4: {  	_ =	swait.ge [sflag:s20], $0x2000  }
0x1a5: {  	[sflag:s20] =	ssyncset.done $0x0  }
0x1a6: {  	[sflag:s20] =	ssyncadd.s32 $0xFFFFE000  }
0x1a7: {  	[spmem:s13] =	stream.linear.scatter [tilespmem:s21], [sflag:$0x2], $0x2000, $0x200038;
	[tilespmem:$0x1E200] =	vst v63  }
0x1a8: {  	_ =	swait.ge [sflag:s22], $0x2000  }
0x1a9: {  	[sflag:s22] =	ssyncset.done $0x0  }
0x1aa: {  	[sflag:s22] =	ssyncadd.s32 $0xFFFFE000  }
0x1ab: {  	_ =	swait.ge [sflag:s22], $0x2000  }
0x1ac: {  	[sflag:s22] =	ssyncset.done $0x0  }
0x1ad: {  	[sflag:s22] =	ssyncadd.s32 $0xFFFFE000  }
0x1ae: {  	_ =	strace $0x9000004A  }
0x1af: {  	s2 =	simm.s32 $0x17200;
	[bflag:$0x0] =	sbarrier.arrive $0xFFFF  }
0x1b0: {  	[tilespmem:s2], [sflag:$0x3] =	stream.indirect.gather [spmem:s31], $0x1, s30, s23, $0xb8;
	[tilespmem:$0x1E200] =	vst v63  }
0x1b1: {  	_ =	strace $0x8000004B  }
0x1b2: {  	_ =	swait.ge [sflag:s24], $0x800  }
0x1b3: {  	[sflag:s24] =	ssyncset.done $0x0  }
0x1b4: {  	[sflag:s24] =	ssyncadd.s32 $0xFFFFF800  }
0x1b5: {  	_ =	strace $0x9000004B  }
0x1b6: {  	[bflag:$0x0] =	sbarrier.arrive $0xFFFF  }
0x1b7: {  	_ =	strace $0x8000004C  }
0x1b8: {  	s16 =	sld [smem:$0x7D7];
	_ =	sdelay $0x2  }
0x1b9: {  	[tilespmem:s18], [sflag:$0x1] =	stream.linear.gather [hbm4b:s16+s19], $0x2000, $0x200038;
	[tilespmem:$0x1E200] =	vst v63  }
0x1ba: {  	_ =	swait.ge [sflag:s20], $0x2000  }
0x1bb: {  	s25 =	sld [smem:$0x7DD]  }
0x1bc: {  	[sflag:s20] =	ssyncset.done $0x0  }
0x1bd: {  	s3 =	sld [smem:$0x7D8];
	[sflag:s20] =	ssyncadd.s32 $0xFFFFE000  }
0x1be: {  	[spmem:s25] =	stream.linear.scatter [tilespmem:s18], [sflag:$0x2], $0x2000, $0x200038;
	[tilespmem:$0x1E200] =	vst v63  }
0x1bf: {  	_ = 	snop  }
0x1c0: {  	[tilespmem:s21], [sflag:$0x1] =	stream.linear.gather [hbm4b:s3+s19], $0x2000, $0x200038;
	[tilespmem:$0x1E200] =	vst v63  }
0x1c1: {  	_ =	swait.ge [sflag:s20], $0x2000  }
0x1c2: {  	s4 =	sld [smem:$0x7DE]  }
0x1c3: {  	[sflag:s20] =	ssyncset.done $0x0  }
0x1c4: {  	[sflag:s20] =	ssyncadd.s32 $0xFFFFE000  }
0x1c5: {  	[spmem:s4] =	stream.linear.scatter [tilespmem:s21], [sflag:$0x2], $0x2000, $0x200038;
	[tilespmem:$0x1E200] =	vst v63  }
0x1c6: {  	_ =	swait.ge [sflag:s22], $0x2000  }
0x1c7: {  	s14 =	sld [smem:$0x7D9]  }
0x1c8: {  	[sflag:s22] =	ssyncset.done $0x0  }
0x1c9: {  	[sflag:s22] =	ssyncadd.s32 $0xFFFFE000  }
0x1ca: {  	[tilespmem:s18], [sflag:$0x1] =	stream.linear.gather [hbm4b:s14+s19], $0x2000, $0x200038;
	[tilespmem:$0x1E200] =	vst v63  }
0x1cb: {  	_ =	swait.ge [sflag:s20], $0x2000  }
0x1cc: {  	s15 =	sld [smem:$0x7DF]  }
0x1cd: {  	[sflag:s20] =	ssyncset.done $0x0  }
0x1ce: {  	[sflag:s20] =	ssyncadd.s32 $0xFFFFE000  }
0x1cf: {  	[spmem:s15] =	stream.linear.scatter [tilespmem:s18], [sflag:$0x2], $0x2000, $0x200038;
	[tilespmem:$0x1E200] =	vst v63  }
0x1d0: {  	_ =	swait.ge [sflag:s22], $0x2000  }
0x1d1: {  	s16 =	sld [smem:$0x7DA]  }
0x1d2: {  	[sflag:s22] =	ssyncset.done $0x0  }
0x1d3: {  	[sflag:s22] =	ssyncadd.s32 $0xFFFFE000  }
0x1d4: {  	[tilespmem:s21], [sflag:$0x1] =	stream.linear.gather [hbm4b:s16+s19], $0x2000, $0x200038;
	[tilespmem:$0x1E200] =	vst v63  }
0x1d5: {  	_ =	swait.ge [sflag:s20], $0x2000  }
0x1d6: {  	s25 =	sld [smem:$0x7E0]  }
0x1d7: {  	[sflag:s20] =	ssyncset.done $0x0  }
0x1d8: {  	[sflag:s20] =	ssyncadd.s32 $0xFFFFE000  }
0x1d9: {  	[spmem:s25] =	stream.linear.scatter [tilespmem:s21], [sflag:$0x2], $0x2000, $0x200038;
	[tilespmem:$0x1E200] =	vst v63  }
0x1da: {  	_ =	swait.ge [sflag:s22], $0x2000  }
0x1db: {  	s3 =	sld [smem:$0x7DB]  }
0x1dc: {  	[sflag:s22] =	ssyncset.done $0x0  }
0x1dd: {  	[sflag:s22] =	ssyncadd.s32 $0xFFFFE000  }
0x1de: {  	[tilespmem:s18], [sflag:$0x1] =	stream.linear.gather [hbm4b:s3+s19], $0x2000, $0x200038;
	[tilespmem:$0x1E200] =	vst v63  }
0x1df: {  	_ =	swait.ge [sflag:s20], $0x2000  }
0x1e0: {  	s4 =	sld [smem:$0x7E1]  }
0x1e1: {  	[sflag:s20] =	ssyncset.done $0x0  }
0x1e2: {  	[sflag:s20] =	ssyncadd.s32 $0xFFFFE000  }
0x1e3: {  	[spmem:s4] =	stream.linear.scatter [tilespmem:s18], [sflag:$0x2], $0x2000, $0x200038;
	[tilespmem:$0x1E200] =	vst v63  }
0x1e4: {  	_ =	swait.ge [sflag:s22], $0x2000  }
0x1e5: {  	s14 =	sld [smem:$0x7DC]  }
0x1e6: {  	[sflag:s22] =	ssyncset.done $0x0  }
0x1e7: {  	[sflag:s22] =	ssyncadd.s32 $0xFFFFE000  }
0x1e8: {  	[tilespmem:s21], [sflag:$0x1] =	stream.linear.gather [hbm4b:s14+s19], $0x2000, $0x200038;
	[tilespmem:$0x1E200] =	vst v63  }
0x1e9: {  	_ =	swait.ge [sflag:s20], $0x2000  }
0x1ea: {  	s15 =	sld [smem:$0x7E2]  }
0x1eb: {  	[sflag:s20] =	ssyncset.done $0x0  }
0x1ec: {  	[sflag:s20] =	ssyncadd.s32 $0xFFFFE000  }
0x1ed: {  	[spmem:s15] =	stream.linear.scatter [tilespmem:s21], [sflag:$0x2], $0x2000, $0x200038;
	[tilespmem:$0x1E200] =	vst v63  }
0x1ee: {  	_ =	swait.ge [sflag:s22], $0x2000  }
0x1ef: {  	[sflag:s22] =	ssyncset.done $0x0  }
0x1f0: {  	[sflag:s22] =	ssyncadd.s32 $0xFFFFE000  }
0x1f1: {  	_ =	swait.ge [sflag:s22], $0x2000  }
0x1f2: {  	[sflag:s22] =	ssyncset.done $0x0  }
0x1f3: {  	[sflag:s22] =	ssyncadd.s32 $0xFFFFE000  }
0x1f4: {  	s16 =	simm.s32 $0x600;
	_ =	strace $0x9000004C  }
0x1f5: {  	s25 =	simm.s32 $0x17A00;
	s3 =	simm.s32 $0x15800;
	[bflag:$0x0] =	sbarrier.arrive $0xFFFF  }
0x1f6: {  	[tilespmem:s25], [sflag:$0x3] =	stream.indirect.gather [spmem:s31], $0x1, s3, s16, $0xb8;
	[tilespmem:$0x1E200] =	vst v63  }
0x1f7: {  	_ =	strace $0x8000004D  }
0x1f8: {  	_ =	swait.ge [sflag:s24], $0x600  }
0x1f9: {  	[sflag:s24] =	ssyncset.done $0x0  }
0x1fa: {  	[sflag:s24] =	ssyncadd.s32 $0xFFFFFA00  }
0x1fb: {  	_ =	strace $0x9000004D  }
0x1fc: {  	[bflag:$0x0] =	sbarrier.arrive $0xFFFF  }
0x1fd: {  	s4 =	simm.s32 $0x6;
	_ =	strace $0x8000004E  }
0x1fe: {  	_ =	swait.ge [sflag:s4], $0x200  }
0x1ff: {  	[sflag:s4] =	ssyncset.done $0x0  }
0x200: {  	[sflag:s4] =	ssyncadd.s32 $0xFFFFFE00  }
0x201: {  	_ =	strace $0x9000004E  }
0x202: {  	s14 =	sand.u32 $0x1F0, s19;
	v2 =	vld [tilespmem:s2+$0x0]  }
0x203: {  	v3 =	vld [tilespmem:s14+$0x17400];
	_ =	sdelay $0x1  }
0x204: {  	v4 =	vld [tilespmem:s14+$0x17600];
	_ =	sdelay $0x1  }
0x205: {  	v5 =	vld [tilespmem:s14+$0x17800]  }
0x206: {  	v2 =	vadd.f32 v3, v2  }
0x207: {  	v3 =	vld [tilespmem:s14+$0x17A00]  }
0x208: {  	v2 =	vadd.f32 v4, v2  }
0x209: {  	v61 =	vld [tilespmem:s14+$0x17C00]  }
0x20a: {  	v2 =	vadd.f32 v5, v2  }
0x20b: {  	v62 =	vld [tilespmem:s14+$0x17E00]  }
0x20c: {  	v2 =	vadd.f32 v3, v2  }
0x20d: {  	v3 =	vld [tilespmem:s14+$0x18000]  }
0x20e: {  	s19 =	simm.s32 $0x14200;
	v2 =	vadd.f32 v61, v2  }
0x20f: {  	v63 =	vld [tilespmem:s19+$0x0]  }
0x210: {  	v2 =	vadd.f32 v62, v2;
	_ =	sdelay $0x1  }
0x211: {  	v2 =	vadd.f32 v3, v2;
	_ =	sdelay $0x1  }
0x212: {  	v2 =	vadd.f32 v2, v63;
	_ =	sdelay $0x1  }
0x213: {  	v2 =	vmax.f32 v2, $-7.000000030e-02  }
0x214: {  	s25 =	simm.s32 $0x14A00;
	v2 =	vmin.f32 v2, $7.000000030e-02  }
0x215: {  	s15 =	simm.s32 $0x14400;
	[tilespmem:s25+$0x0] =	vst v2  }
0x216: {  	v3 =	vld [tilespmem:s15+$0x0];
	_ =	sdelay $0x4  }
0x217: {  	v3 =	vmul.f32 $1.230468750e-01, v3;
	_ =	sdelay $0x1  }
0x218: {  	s16 =	simm.s32 $0x14600;
	[tilespmem:s15+$0x0] =	vst v3  }
0x219: {  	v2 =	vadd.f32 $7.000000030e-02, v2;
	v3 =	vld [tilespmem:s16+$0x0];
	_ =	sdelay $0x1  }
0x21a: {  	v2 =	vmul.f32 v2, v1;
	_ =	sdelay $0x1  }
0x21b: {  	v2 =	vmax.f32 v2, $0.0e+00  }
0x21c: {  	v2 =	vmin.f32 v2, $9.999989860e-01;
	v3 =	vmul.f32 $1.230468750e-01, v3  }
0x21d: {  	s29 =	simm.s32 $0x10;
	s1 =	simm.s32 $0x14610;
	v2 =	vmul.f32 $6.300000000e+01, v2  }
0x21e: {  	s30 =	simm.s32 $0x14410;
	s3 =	simm.s32 $0x14810;
	s4 =	simm.s32 $0x14800;
	[tilespmem:s16+$0x0] =	vst v3  }
.LBB2_20:
0x21f: {  	[tilespmem:s4+$0x0] =	vst v2;
	s2 =	sadd.s32 $0x10, s2;
	s19 =	sadd.s32 $0x10, s19;
	s25 =	sadd.s32 $0x10, s25  }
0x220: {  	s14 =	sand.u32 $0x1F0, s29;
	p0 =	sne.s32 s29, $0x1F0;
	s29 =	sadd.s32 $0x10, s29;
	v2 =	vld [tilespmem:s2+$0x0]  }
0x221: {  	s4 =	smov.u32 s3;
	v3 =	vld [tilespmem:s14+$0x17400];
	_ =	sdelay $0x1  }
0x222: {  	v4 =	vld [tilespmem:s14+$0x17600];
	_ =	sdelay $0x1  }
0x223: {  	v5 =	vld [tilespmem:s14+$0x17800]  }
0x224: {  	v2 =	vadd.f32 v3, v2  }
0x225: {  	v3 =	vld [tilespmem:s14+$0x17A00]  }
0x226: {  	v2 =	vadd.f32 v4, v2  }
0x227: {  	v4 =	vld [tilespmem:s14+$0x17C00]  }
0x228: {  	v2 =	vadd.f32 v5, v2  }
0x229: {  	v5 =	vld [tilespmem:s14+$0x17E00]  }
0x22a: {  	v2 =	vadd.f32 v3, v2  }
0x22b: {  	v3 =	vld [tilespmem:s14+$0x18000]  }
0x22c: {  	v2 =	vadd.f32 v4, v2  }
0x22d: {  	v4 =	vld [tilespmem:s19+$0x0]  }
0x22e: {  	v2 =	vadd.f32 v5, v2;
	_ =	sdelay $0x1  }
0x22f: {  	v2 =	vadd.f32 v3, v2;
	_ =	sdelay $0x1  }
0x230: {  	v2 =	vadd.f32 v2, v4;
	_ =	sdelay $0x1  }
0x231: {  	v2 =	vmax.f32 v2, $-7.000000030e-02  }
0x232: {  	v2 =	vmin.f32 v2, $7.000000030e-02  }
0x233: {  	[tilespmem:s25+$0x0] =	vst v2;
	v2 =	vadd.f32 $7.000000030e-02, v2  }
0x234: {  	v3 =	vld [tilespmem:s30+$0x0]  }
0x235: {  	v2 =	vmul.f32 v2, v1;
	_ =	sdelay $0x1  }
0x236: {  	v2 =	vmax.f32 v2, $0.0e+00  }
0x237: {  	v2 =	vmin.f32 v2, $9.999989860e-01  }
0x238: {  	v3 =	vmul.f32 $1.230468750e-01, v3;
	_ =	sdelay $0x1  }
0x239: {  	[tilespmem:s30+$0x0] =	vst v3  }
0x23a: {  	v3 =	vld [tilespmem:s1+$0x0];
	_ =	sdelay $0x2  }
.Ltmp9:
0x23b: {  	(pc) =	sbr.rel @p0 .LBB2_20-.Ltmp9, $4  }
0x23c: {  	_ = 	snop  }
0x23d: {  	v3 =	vmul.f32 $1.230468750e-01, v3  }
0x23e: {  	v2 =	vmul.f32 $6.300000000e+01, v2  }
0x23f: {  	s3 =	sadd.s32 $0x10, s3;
	s30 =	sadd.s32 $0x10, s30;
	[tilespmem:s1+$0x0] =	vst v3;
	s1 =	sadd.s32 $0x10, s1  }
0x240: {  	[tilespmem:s4+$0x0] =	vst v2;
	s1 =	simm.s32 $0x0  }
0x241: {  	v2 =	vld [tilespmem:s1+$0x14600]  }
0x242: {  	v3 =	vld [tilespmem:s1+$0x14800]  }
0x243: {  	v4 =	vld [tilespmem:s1+$0x14400];
	_ =	sdelay $0x2  }
0x244: {  	v2 =	vtrunc.f32 v2  }
0x245: {  	s2 =	simm.s32 $0x10;
	v6 =	vcvt.f32.s32 v2;
	v2 =	vtrunc.f32 v3  }
0x246: {  	v3 =	vtrunc.f32 v4;
	v7 =	vcvt.f32.s32 v2;
	v2 =	vld [tilespmem:s2+$0x14600]  }
0x247: {  	v5 =	vcvt.f32.s32 v3;
	v3 =	vld [tilespmem:s2+$0x14800]  }
0x248: {  	v4 =	vld [tilespmem:s2+$0x14400];
	vm0 =	vlt.s32 v6, $0x3E  }
0x249: {  	v6 =	vnsel vm0, $0x3E, v6;
	vm1 =	vlt.s32 v7, $0x3E  }
0x24a: {  	s3 =	simm.s32 $0x80;
	vm0 =	vlt.s32 v5, $0x3E;
	v7 =	vnsel vm1, $0x3E, v7;
	v6 =	vmul.u32 $0x3F, v6  }
.LBB2_22:
0x24b: {  	s4 =	sshra.s32 s3, $0x2;
	p0 =	sne.s32 s3, $0x7C0;
	s3 =	sadd.s32 $0x40, s3;
	v8 =	vtrunc.f32 v2;
	v5 =	vnsel vm0, $0x3E, v5;
	v7 =	vmul.u32 $0xF81, v7  }
.Ltmp10:
0x24c: {  	v2 =	vld [tilespmem:s4+$0x14600];
	v8 =	vcvt.f32.s32 v8;
	v9 =	vtrunc.f32 v3;
	v5 =	vadd.s32 v6, v5;
	(pc) =	sbr.rel @p0 .LBB2_22-.Ltmp10, $4  }
0x24d: {  	v3 =	vld [tilespmem:s4+$0x14800];
	v6 =	vtrunc.f32 v4;
	v9 =	vcvt.f32.s32 v9;
	v7 =	vadd.s32 v7, v5  }
0x24e: {  	v4 =	vld [tilespmem:s4+$0x14400];
	v5 =	vcvt.f32.s32 v6;
	vm0 =	vlt.s32 v8, $0x3E;
	v6 =	vadd.s32 $0x40000, v7  }
0x24f: {  	v8 =	vnsel vm0, $0x3E, v8;
	vm1 =	vlt.s32 v9, $0x3E;
	[tilespmem:s1+$0x16200] =	vst v6  }
0x250: {  	s1 =	smov.u32 s2;
	s2 =	smov.u32 s4;
	vm0 =	vlt.s32 v5, $0x3E;
	v7 =	vnsel vm1, $0x3E, v9;
	v6 =	vmul.u32 $0x3F, v8  }
0x251: {  	v2 =	vtrunc.f32 v2  }
0x252: {  	v2 =	vcvt.f32.s32 v2;
	v3 =	vtrunc.f32 v3  }
0x253: {  	v4 =	vtrunc.f32 v4;
	v3 =	vcvt.f32.s32 v3  }
0x254: {  	v5 =	vnsel vm0, $0x3E, v5;
	v4 =	vcvt.f32.s32 v4;
	vm11 =	vlt.s32 v2, $0x3E  }
0x255: {  	v7 =	vmul.u32 $0xF81, v7;
	v2 =	vnsel vm11, $0x3E, v2;
	vm12 =	vlt.s32 v3, $0x3E  }
0x256: {  	v3 =	vnsel vm12, $0x3E, v3;
	vm13 =	vlt.s32 v4, $0x3E;
	v2 =	vmul.u32 $0x3F, v2  }
0x257: {  	v5 =	vadd.s32 v6, v5;
	v4 =	vnsel vm13, $0x3E, v4;
	v3 =	vmul.u32 $0xF81, v3  }
0x258: {  	v5 =	vadd.s32 v7, v5;
	v2 =	vadd.s32 v2, v4  }
0x259: {  	v63 =	vadd.s32 $0x40000, v5;
	v2 =	vadd.s32 v3, v2  }
0x25a: {  	[tilespmem:s1+$0x16200] =	vst v63;
	v2 =	vadd.s32 $0x40000, v2  }
0x25b: {  	s29 =	simm.s32 $0x14600;
	[tilespmem:s2+$0x16200] =	vst v2  }
0x25c: {  	s25 =	simm.s32 $0x14800;
	v2 =	vld [tilespmem:s29+$0x0]  }
0x25d: {  	s2 =	simm.s32 $0x14400;
	v3 =	vld [tilespmem:s25+$0x0]  }
0x25e: {  	v4 =	vld [tilespmem:s2+$0x0];
	_ =	sdelay $0x2  }
0x25f: {  	v2 =	vadd.f32 $1.250000000e-01, v2  }
0x260: {  	v3 =	vadd.f32 $1.250000000e-01, v3  }
0x261: {  	v4 =	vadd.f32 $1.250000000e-01, v4;
	v2 =	vtrunc.f32 v2  }
0x262: {  	v3 =	vtrunc.f32 v3;
	v2 =	vcvt.f32.s32 v2  }
0x263: {  	v4 =	vtrunc.f32 v4;
	v3 =	vcvt.f32.s32 v3  }
0x264: {  	v4 =	vcvt.f32.s32 v4;
	vm14 =	vlt.s32 v2, $0x3E  }
0x265: {  	vm15 =	vlt.s32 v3, $0x3E;
	v2 =	vnsel vm14, $0x3E, v2  }
0x266: {  	vm1 =	vlt.s32 v4, $0x3E;
	v3 =	vnsel vm15, $0x3E, v3;
	v2 =	vmul.u32 $0x3F, v2  }
0x267: {  	v4 =	vnsel vm1, $0x3E, v4;
	v3 =	vmul.u32 $0xF81, v3  }
0x268: {  	v2 =	vadd.s32 v2, v4  }
0x269: {  	s19 =	simm.s32 $0x0;
	v2 =	vadd.s32 v3, v2  }
0x26a: {  	s30 =	sand.u32 $0x1F0, s19;
	v2 =	vadd.s32 $0x7D0BF, v2  }
0x26b: {  	s3 =	simm.s32 $0x14610;
	s4 =	simm.s32 $0x20;
	s14 =	simm.s32 $0x14810;
	[tilespmem:s30+$0x16400] =	vst v2  }
0x26c: {  	s15 =	simm.s32 $0x14400;
	s19 =	simm.s32 $0x10;
	s1 =	simm.s32 $0x10;
	v2 =	vld [tilespmem:s3+$0x0]  }
.LBB2_24:
0x26d: {  	p0 =	sne.s32 s4, $0x1F0;
	v3 =	vld [tilespmem:s14+$0x0];
	s15 =	sadd.s32 $0x10, s15  }
0x26e: {  	v4 =	vld [tilespmem:s15+$0x0];
	_ =	sdelay $0x2  }
0x26f: {  	v2 =	vadd.f32 $1.250000000e-01, v2  }
0x270: {  	v3 =	vadd.f32 $1.250000000e-01, v3  }
0x271: {  	v4 =	vadd.f32 $1.250000000e-01, v4;
	v2 =	vtrunc.f32 v2  }
0x272: {  	v2 =	vcvt.f32.s32 v2;
	v3 =	vtrunc.f32 v3  }
0x273: {  	v4 =	vtrunc.f32 v4;
	v3 =	vcvt.f32.s32 v3  }
0x274: {  	v4 =	vcvt.f32.s32 v4;
	vm0 =	vlt.s32 v2, $0x3E  }
0x275: {  	v2 =	vnsel vm0, $0x3E, v2;
	vm0 =	vlt.s32 v3, $0x3E  }
0x276: {  	vm1 =	vlt.s32 v4, $0x3E;
	v3 =	vnsel vm0, $0x3E, v3;
	v2 =	vmul.u32 $0x3F, v2  }
0x277: {  	v4 =	vnsel vm1, $0x3E, v4;
	v3 =	vmul.u32 $0xF81, v3  }
.Ltmp11:
0x278: {  	v2 =	vadd.s32 v2, v4;
	(pc) =	sbr.rel @p0 .LBB2_24-.Ltmp11, $4  }
0x279: {  	v2 =	vadd.s32 v3, v2  }
0x27a: {  	s16 =	sand.u32 $0x1F0, s1;
	s1 =	smov.u32 s4;
	v2 =	vadd.s32 $0x7D0BF, v2  }
0x27b: {  	s3 =	sadd.s32 $0x10, s3;
	[tilespmem:s16+$0x16400] =	vst v2  }
0x27c: {  	s4 =	sadd.s32 $0x10, s4;
	s14 =	sadd.s32 $0x10, s14;
	v2 =	vld [tilespmem:s3+$0x0]  }
0x27d: {  	v3 =	vld [tilespmem:s14+$0x0];
	s3 =	sadd.s32 $0x10, s15  }
0x27e: {  	v4 =	vld [tilespmem:s3+$0x0];
	_ =	sdelay $0x2  }
0x27f: {  	v2 =	vadd.f32 $1.250000000e-01, v2  }
0x280: {  	v3 =	vadd.f32 $1.250000000e-01, v3  }
0x281: {  	v4 =	vadd.f32 $1.250000000e-01, v4;
	v2 =	vtrunc.f32 v2  }
0x282: {  	v2 =	vcvt.f32.s32 v2;
	v3 =	vtrunc.f32 v3  }
0x283: {  	v4 =	vtrunc.f32 v4;
	v3 =	vcvt.f32.s32 v3  }
0x284: {  	v4 =	vcvt.f32.s32 v4;
	vm0 =	vlt.s32 v2, $0x3E  }
0x285: {  	v2 =	vnsel vm0, $0x3E, v2;
	vm12 =	vlt.s32 v3, $0x3E  }
0x286: {  	vm1 =	vlt.s32 v4, $0x3E;
	v3 =	vnsel vm12, $0x3E, v3;
	v2 =	vmul.u32 $0x3F, v2  }
0x287: {  	v4 =	vnsel vm1, $0x3E, v4;
	v3 =	vmul.u32 $0xF81, v3  }
0x288: {  	v2 =	vadd.s32 v2, v4  }
0x289: {  	v2 =	vadd.s32 v3, v2  }
0x28a: {  	s1 =	sand.u32 $0x1F0, s1;
	v2 =	vadd.s32 $0x7D0BF, v2  }
0x28b: {  	[tilespmem:s1+$0x16400] =	vst v2  }
0x28c: {  	v2 =	vld [tilespmem:s29+$0x0]  }
0x28d: {  	v3 =	vld [tilespmem:s25+$0x0]  }
0x28e: {  	v63 =	vld [tilespmem:s2+$0x0];
	_ =	sdelay $0x2  }
0x28f: {  	v2 =	vadd.f32 $2.500000000e-01, v2  }
0x290: {  	v3 =	vadd.f32 $2.500000000e-01, v3  }
0x291: {  	v4 =	vadd.f32 $2.500000000e-01, v63;
	v2 =	vtrunc.f32 v2  }
0x292: {  	v3 =	vtrunc.f32 v3;
	v2 =	vcvt.f32.s32 v2  }
0x293: {  	v4 =	vtrunc.f32 v4;
	v3 =	vcvt.f32.s32 v3  }
0x294: {  	v4 =	vcvt.f32.s32 v4;
	vm13 =	vlt.s32 v2, $0x3E  }
0x295: {  	vm14 =	vlt.s32 v3, $0x3E;
	v2 =	vnsel vm13, $0x3E, v2  }
0x296: {  	vm15 =	vlt.s32 v4, $0x3E;
	v3 =	vnsel vm14, $0x3E, v3;
	v2 =	vmul.u32 $0x3F, v2  }
0x297: {  	v4 =	vnsel vm15, $0x3E, v4;
	v3 =	vmul.u32 $0xF81, v3  }
0x298: {  	v2 =	vadd.s32 v2, v4  }
0x299: {  	v2 =	vadd.s32 v3, v2  }
0x29a: {  	v2 =	vadd.s32 $0xBA17E, v2  }
0x29b: {  	s1 =	simm.s32 $0x14610;
	[tilespmem:s30+$0x16600] =	vst v2  }
0x29c: {  	s4 =	simm.s32 $0x20;
	s3 =	simm.s32 $0x14810;
	v2 =	vld [tilespmem:s1+$0x0]  }
.LBB2_26:
0x29d: {  	p0 =	sne.s32 s4, $0x1F0;
	v3 =	vld [tilespmem:s3+$0x0];
	s2 =	sadd.s32 $0x10, s2  }
0x29e: {  	v4 =	vld [tilespmem:s2+$0x0];
	_ =	sdelay $0x2  }
0x29f: {  	v2 =	vadd.f32 $2.500000000e-01, v2  }
0x2a0: {  	v3 =	vadd.f32 $2.500000000e-01, v3  }
0x2a1: {  	v4 =	vadd.f32 $2.500000000e-01, v4;
	v2 =	vtrunc.f32 v2  }
0x2a2: {  	v2 =	vcvt.f32.s32 v2;
	v3 =	vtrunc.f32 v3  }
0x2a3: {  	v4 =	vtrunc.f32 v4;
	v3 =	vcvt.f32.s32 v3  }
0x2a4: {  	v4 =	vcvt.f32.s32 v4;
	vm0 =	vlt.s32 v2, $0x3E  }
0x2a5: {  	v2 =	vnsel vm0, $0x3E, v2;
	vm0 =	vlt.s32 v3, $0x3E  }
0x2a6: {  	vm1 =	vlt.s32 v4, $0x3E;
	v3 =	vnsel vm0, $0x3E, v3;
	v2 =	vmul.u32 $0x3F, v2  }
0x2a7: {  	v4 =	vnsel vm1, $0x3E, v4;
	v3 =	vmul.u32 $0xF81, v3  }
.Ltmp12:
0x2a8: {  	v2 =	vadd.s32 v2, v4;
	(pc) =	sbr.rel @p0 .LBB2_26-.Ltmp12, $4  }
0x2a9: {  	v2 =	vadd.s32 v3, v2  }
0x2aa: {  	s14 =	sand.u32 $0x1F0, s19;
	v2 =	vadd.s32 $0xBA17E, v2  }
0x2ab: {  	s1 =	sadd.s32 $0x10, s1;
	[tilespmem:s14+$0x16600] =	vst v2  }
0x2ac: {  	s3 =	sadd.s32 $0x10, s3;
	s19 =	smov.u32 s4;
	s4 =	sadd.s32 $0x10, s4;
	v2 =	vld [tilespmem:s1+$0x0]  }
0x2ad: {  	v3 =	vld [tilespmem:s3+$0x0];
	s1 =	sadd.s32 $0x10, s2  }
0x2ae: {  	v4 =	vld [tilespmem:s1+$0x0];
	_ =	sdelay $0x2  }
0x2af: {  	v2 =	vadd.f32 $2.500000000e-01, v2  }
0x2b0: {  	v3 =	vadd.f32 $2.500000000e-01, v3  }
0x2b1: {  	v4 =	vadd.f32 $2.500000000e-01, v4;
	v2 =	vtrunc.f32 v2  }
0x2b2: {  	v2 =	vcvt.f32.s32 v2;
	v3 =	vtrunc.f32 v3  }
0x2b3: {  	v4 =	vtrunc.f32 v4;
	v3 =	vcvt.f32.s32 v3  }
0x2b4: {  	v4 =	vcvt.f32.s32 v4;
	vm0 =	vlt.s32 v2, $0x3E  }
0x2b5: {  	v2 =	vnsel vm0, $0x3E, v2;
	vm15 =	vlt.s32 v3, $0x3E  }
0x2b6: {  	vm1 =	vlt.s32 v4, $0x3E;
	v3 =	vnsel vm15, $0x3E, v3;
	v2 =	vmul.u32 $0x3F, v2  }
0x2b7: {  	p1 =	por $0x1, $0x1;
	v4 =	vnsel vm1, $0x3E, v4;
	v3 =	vmul.u32 $0xF81, v3  }
.Ltmp13:
0x2b8: {  	v2 =	vadd.s32 v2, v4;
	(pc) =	sbr.rel @!p1 .LBB2_28-.Ltmp13, $4  }
0x2b9: {  	v2 =	vadd.s32 v3, v2  }
0x2ba: {  	s25 =	sand.u32 $0x1F0, s19;
	v2 =	vadd.s32 $0xBA17E, v2  }
0x2bb: {  	s30 =	simm.s32 $0x14600;
	s2 =	simm.s32 $0x14800;
	s29 =	simm.s32 $0x0;
	[tilespmem:s25+$0x16600] =	vst v2  }
0x2bc: {  	s19 =	simm.s32 $0x14400;
	p0 =	por $0x0, $0x0;
	s25 =	simm.s32 $0x10;
	v2 =	vld [tilespmem:s30+$0x0]  }
0x2bd: {  	v3 =	vld [tilespmem:s2+$0x0]  }
0x2be: {  	v4 =	vld [tilespmem:s19+$0x0];
	_ =	sdelay $0x2  }
0x2bf: {  	v2 =	vadd.f32 $3.750000000e-01, v2  }
0x2c0: {  	v3 =	vadd.f32 $3.750000000e-01, v3  }
0x2c1: {  	v4 =	vadd.f32 $3.750000000e-01, v4;
	v2 =	vtrunc.f32 v2  }
0x2c2: {  	v2 =	vcvt.f32.s32 v2;
	v3 =	vtrunc.f32 v3  }
0x2c3: {  	v4 =	vtrunc.f32 v4;
	v3 =	vcvt.f32.s32 v3  }
0x2c4: {  	v4 =	vcvt.f32.s32 v4;
	vm0 =	vlt.s32 v2, $0x3E  }
0x2c5: {  	v2 =	vnsel vm0, $0x3E, v2;
	vm15 =	vlt.s32 v3, $0x3E  }
0x2c6: {  	vm1 =	vlt.s32 v4, $0x3E;
	v3 =	vnsel vm15, $0x3E, v3;
	v2 =	vmul.u32 $0x3F, v2  }
0x2c7: {  	p3 =	por $0x1, $0x1;
	v4 =	vnsel vm1, $0x3E, v4;
	v3 =	vmul.u32 $0xF81, v3  }
.Ltmp14:
0x2c8: {  	v2 =	vadd.s32 v2, v4;
	(pc) =	sbr.rel @!p3 .LBB2_30-.Ltmp14, $4  }
0x2c9: {  	v2 =	vadd.s32 v3, v2  }
0x2ca: {  	s1 =	sand.u32 $0x1F0, s29;
	v2 =	vadd.s32 $0xF723D, v2  }
0x2cb: {  	s14 =	simm.s32 $0x14610;
	s15 =	simm.s32 $0x20;
	s3 =	simm.s32 $0x14810;
	[tilespmem:s1+$0x16800] =	vst v2  }
0x2cc: {  	p2 =	por $0x1, $0x1;
	s4 =	simm.s32 $0x14400;
	s1 =	simm.s32 $0x10;
	v2 =	vld [tilespmem:s14+$0x0]  }
.LBB2_31:
0x2cd: {  	p3 =	sne.s32 s15, $0x1F0;
	v3 =	vld [tilespmem:s3+$0x0];
	s4 =	sadd.s32 $0x10, s4  }
0x2ce: {  	v4 =	vld [tilespmem:s4+$0x0];
	_ =	sdelay $0x2  }
0x2cf: {  	v2 =	vadd.f32 $3.750000000e-01, v2  }
0x2d0: {  	v3 =	vadd.f32 $3.750000000e-01, v3  }
0x2d1: {  	v4 =	vadd.f32 $3.750000000e-01, v4;
	v2 =	vtrunc.f32 v2  }
0x2d2: {  	v2 =	vcvt.f32.s32 v2;
	v3 =	vtrunc.f32 v3  }
0x2d3: {  	v4 =	vtrunc.f32 v4;
	v3 =	vcvt.f32.s32 v3  }
0x2d4: {  	v4 =	vcvt.f32.s32 v4;
	vm0 =	vlt.s32 v2, $0x3E  }
0x2d5: {  	v2 =	vnsel vm0, $0x3E, v2;
	vm0 =	vlt.s32 v3, $0x3E  }
0x2d6: {  	vm1 =	vlt.s32 v4, $0x3E;
	v3 =	vnsel vm0, $0x3E, v3;
	v2 =	vmul.u32 $0x3F, v2  }
0x2d7: {  	v4 =	vnsel vm1, $0x3E, v4;
	v3 =	vmul.u32 $0xF81, v3  }
.Ltmp15:
0x2d8: {  	v2 =	vadd.s32 v2, v4;
	(pc) =	sbr.rel @p3 .LBB2_31-.Ltmp15, $4  }
0x2d9: {  	v2 =	vadd.s32 v3, v2  }
0x2da: {  	s16 =	sand.u32 $0x1F0, s1;
	s1 =	smov.u32 s15;
	v2 =	vadd.s32 $0xF723D, v2  }
0x2db: {  	s14 =	sadd.s32 $0x10, s14;
	[tilespmem:s16+$0x16800] =	vst v2  }
0x2dc: {  	s15 =	sadd.s32 $0x10, s15;
	s3 =	sadd.s32 $0x10, s3;
	v2 =	vld [tilespmem:s14+$0x0]  }
.LBB2_32:
0x2dd: {  	s4 =	sadd.s32 @p2 $0x10, s4;
	s14 =	simm.s32 $0x14400  }
0x2de: {  	v3 =	vld [tilespmem:s3+$0x0];
	s14 =	smov.u32 @p2 s4  }
0x2df: {  	v4 =	vld [tilespmem:s14+$0x0];
	_ =	sdelay $0x2  }
0x2e0: {  	v2 =	vadd.f32 $3.750000000e-01, v2  }
0x2e1: {  	v3 =	vadd.f32 $3.750000000e-01, v3  }
0x2e2: {  	v2 =	vtrunc.f32 v2;
	v4 =	vadd.f32 $3.750000000e-01, v4  }
0x2e3: {  	v2 =	vcvt.f32.s32 v2;
	v3 =	vtrunc.f32 v3  }
0x2e4: {  	v3 =	vcvt.f32.s32 v3;
	v4 =	vtrunc.f32 v4  }
0x2e5: {  	vm0 =	vlt.s32 v2, $0x3E;
	v4 =	vcvt.f32.s32 v4  }
0x2e6: {  	v2 =	vnsel vm0, $0x3E, v2;
	vm15 =	vlt.s32 v3, $0x3E  }
0x2e7: {  	v3 =	vnsel vm15, $0x3E, v3;
	v2 =	vmul.u32 $0x3F, v2;
	vm1 =	vlt.s32 v4, $0x3E  }
0x2e8: {  	v3 =	vmul.u32 $0xF81, v3;
	v4 =	vnsel vm1, $0x3E, v4  }
.Ltmp16:
0x2e9: {  	v2 =	vadd.s32 v2, v4;
	(pc) =	sbr.rel @!p1 .LBB2_33-.Ltmp16, $4  }
0x2ea: {  	v2 =	vadd.s32 v3, v2  }
0x2eb: {  	s1 =	sand.u32 $0x1F0, s1;
	v2 =	vadd.s32 $0xF723D, v2  }
0x2ec: {  	[tilespmem:s1+$0x16800] =	vst v2  }
0x2ed: {  	v2 =	vld [tilespmem:s30+$0x0]  }
0x2ee: {  	v3 =	vld [tilespmem:s2+$0x0]  }
0x2ef: {  	v4 =	vld [tilespmem:s19+$0x0];
	_ =	sdelay $0x2  }
0x2f0: {  	v2 =	vadd.f32 $5.000000000e-01, v2  }
0x2f1: {  	v3 =	vadd.f32 $5.000000000e-01, v3  }
0x2f2: {  	v4 =	vadd.f32 $5.000000000e-01, v4;
	v2 =	vtrunc.f32 v2  }
0x2f3: {  	v2 =	vcvt.f32.s32 v2;
	v3 =	vtrunc.f32 v3  }
0x2f4: {  	v4 =	vtrunc.f32 v4;
	v3 =	vcvt.f32.s32 v3  }
0x2f5: {  	v4 =	vcvt.f32.s32 v4;
	vm0 =	vlt.s32 v2, $0x3E  }
0x2f6: {  	v2 =	vnsel vm0, $0x3E, v2;
	vm15 =	vlt.s32 v3, $0x3E  }
0x2f7: {  	vm1 =	vlt.s32 v4, $0x3E;
	v3 =	vnsel vm15, $0x3E, v3;
	v2 =	vmul.u32 $0x3F, v2  }
0x2f8: {  	p1 =	por $0x1, $0x1;
	v4 =	vnsel vm1, $0x3E, v4;
	v3 =	vmul.u32 $0xF81, v3  }
.Ltmp17:
0x2f9: {  	v2 =	vadd.s32 v2, v4;
	(pc) =	sbr.rel @!p1 .LBB2_35-.Ltmp17, $4  }
0x2fa: {  	v2 =	vadd.s32 v3, v2  }
0x2fb: {  	s1 =	sand.u32 $0x1F0, s29;
	v2 =	vadd.s32 $0x40004, v2  }
0x2fc: {  	s3 =	simm.s32 $0x14610;
	s4 =	simm.s32 $0x20;
	[tilespmem:s1+$0x16A00] =	vst v2  }
0x2fd: {  	s2 =	simm.s32 $0x14810;
	p0 =	por $0x1, $0x1;
	s1 =	simm.s32 $0x14400;
	v2 =	vld [tilespmem:s3+$0x0]  }
.LBB2_36:
0x2fe: {  	p1 =	sne.s32 s4, $0x1F0;
	v3 =	vld [tilespmem:s2+$0x0];
	s1 =	sadd.s32 $0x10, s1  }
0x2ff: {  	v4 =	vld [tilespmem:s1+$0x0];
	_ =	sdelay $0x2  }
0x300: {  	v2 =	vadd.f32 $5.000000000e-01, v2  }
0x301: {  	v3 =	vadd.f32 $5.000000000e-01, v3  }
0x302: {  	v4 =	vadd.f32 $5.000000000e-01, v4;
	v2 =	vtrunc.f32 v2  }
0x303: {  	v2 =	vcvt.f32.s32 v2;
	v3 =	vtrunc.f32 v3  }
0x304: {  	v4 =	vtrunc.f32 v4;
	v3 =	vcvt.f32.s32 v3  }
0x305: {  	v4 =	vcvt.f32.s32 v4;
	vm0 =	vlt.s32 v2, $0x3E  }
0x306: {  	v2 =	vnsel vm0, $0x3E, v2;
	vm0 =	vlt.s32 v3, $0x3E  }
0x307: {  	vm1 =	vlt.s32 v4, $0x3E;
	v3 =	vnsel vm0, $0x3E, v3;
	v2 =	vmul.u32 $0x3F, v2  }
0x308: {  	v4 =	vnsel vm1, $0x3E, v4;
	v3 =	vmul.u32 $0xF81, v3  }
.Ltmp18:
0x309: {  	v2 =	vadd.s32 v2, v4;
	(pc) =	sbr.rel @p1 .LBB2_36-.Ltmp18, $4  }
0x30a: {  	v2 =	vadd.s32 v3, v2  }
0x30b: {  	s14 =	sand.u32 $0x1F0, s25;
	v2 =	vadd.s32 $0x40004, v2  }
0x30c: {  	s3 =	sadd.s32 $0x10, s3;
	[tilespmem:s14+$0x16A00] =	vst v2  }
0x30d: {  	s2 =	sadd.s32 $0x10, s2;
	s25 =	smov.u32 s4;
	s4 =	sadd.s32 $0x10, s4;
	v2 =	vld [tilespmem:s3+$0x0]  }
0x30e: {  	s29 =	smov.u32 s25  }
.LBB2_38:
0x30f: {  	s1 =	sadd.s32 @p0 $0x10, s1  }
0x310: {  	v3 =	vld [tilespmem:s2+$0x0];
	s19 =	smov.u32 @p0 s1  }
0x311: {  	v4 =	vld [tilespmem:s19+$0x0];
	_ =	sdelay $0x2  }
0x312: {  	v2 =	vadd.f32 $5.000000000e-01, v2  }
0x313: {  	v3 =	vadd.f32 $5.000000000e-01, v3  }
0x314: {  	v2 =	vtrunc.f32 v2;
	v4 =	vadd.f32 $5.000000000e-01, v4  }
0x315: {  	v2 =	vcvt.f32.s32 v2;
	v3 =	vtrunc.f32 v3  }
0x316: {  	v3 =	vcvt.f32.s32 v3;
	v4 =	vtrunc.f32 v4  }
0x317: {  	vm0 =	vlt.s32 v2, $0x3E;
	v4 =	vcvt.f32.s32 v4  }
0x318: {  	v2 =	vnsel vm0, $0x3E, v2;
	vm15 =	vlt.s32 v3, $0x3E  }
0x319: {  	v2 =	vmul.u32 $0x3F, v2;
	v3 =	vnsel vm15, $0x3E, v3;
	vm1 =	vlt.s32 v4, $0x3E  }
0x31a: {  	p1 =	por $0x1, $0x1;
	v3 =	vmul.u32 $0xF81, v3;
	v4 =	vnsel vm1, $0x3E, v4  }
.Ltmp19:
0x31b: {  	v2 =	vadd.s32 v2, v4;
	(pc) =	sbr.rel @!p1 .LBB2_39-.Ltmp19, $4  }
0x31c: {  	v2 =	vadd.s32 v3, v2  }
0x31d: {  	s25 =	sand.u32 $0x1F0, s29;
	v2 =	vadd.s32 $0x40004, v2  }
0x31e: {  	s30 =	simm.s32 $0x14600;
	s2 =	simm.s32 $0x14800;
	s29 =	simm.s32 $0x0;
	[tilespmem:s25+$0x16A00] =	vst v2  }
0x31f: {  	p0 =	por $0x0, $0x0;
	s19 =	simm.s32 $0x14400;
	s25 =	simm.s32 $0x10;
	v2 =	vld [tilespmem:s30+$0x0]  }
0x320: {  	v3 =	vld [tilespmem:s2+$0x0]  }
0x321: {  	v4 =	vld [tilespmem:s19+$0x0];
	_ =	sdelay $0x2  }
0x322: {  	v2 =	vadd.f32 $6.250000000e-01, v2  }
0x323: {  	v3 =	vadd.f32 $6.250000000e-01, v3  }
0x324: {  	v4 =	vadd.f32 $6.250000000e-01, v4;
	v2 =	vtrunc.f32 v2  }
0x325: {  	v2 =	vcvt.f32.s32 v2;
	v3 =	vtrunc.f32 v3  }
0x326: {  	v4 =	vtrunc.f32 v4;
	v3 =	vcvt.f32.s32 v3  }
0x327: {  	v4 =	vcvt.f32.s32 v4;
	vm0 =	vlt.s32 v2, $0x3E  }
0x328: {  	v2 =	vnsel vm0, $0x3E, v2;
	vm15 =	vlt.s32 v3, $0x3E  }
0x329: {  	vm1 =	vlt.s32 v4, $0x3E;
	v3 =	vnsel vm15, $0x3E, v3;
	v2 =	vmul.u32 $0x3F, v2  }
0x32a: {  	p3 =	por $0x1, $0x1;
	v4 =	vnsel vm1, $0x3E, v4;
	v3 =	vmul.u32 $0xF81, v3  }
.Ltmp20:
0x32b: {  	v2 =	vadd.s32 v2, v4;
	(pc) =	sbr.rel @!p3 .LBB2_41-.Ltmp20, $4  }
0x32c: {  	v2 =	vadd.s32 v3, v2  }
0x32d: {  	s1 =	sand.u32 $0x1F0, s29;
	v2 =	vadd.s32 $0x7D0C3, v2  }
0x32e: {  	s14 =	simm.s32 $0x14610;
	s15 =	simm.s32 $0x20;
	s3 =	simm.s32 $0x14810;
	[tilespmem:s1+$0x16C00] =	vst v2  }
0x32f: {  	p2 =	por $0x1, $0x1;
	s4 =	simm.s32 $0x14400;
	s1 =	simm.s32 $0x10;
	v2 =	vld [tilespmem:s14+$0x0]  }
.LBB2_42:
0x330: {  	p3 =	sne.s32 s15, $0x1F0;
	v3 =	vld [tilespmem:s3+$0x0];
	s4 =	sadd.s32 $0x10, s4  }
0x331: {  	v4 =	vld [tilespmem:s4+$0x0];
	_ =	sdelay $0x2  }
0x332: {  	v2 =	vadd.f32 $6.250000000e-01, v2  }
0x333: {  	v3 =	vadd.f32 $6.250000000e-01, v3  }
0x334: {  	v4 =	vadd.f32 $6.250000000e-01, v4;
	v2 =	vtrunc.f32 v2  }
0x335: {  	v2 =	vcvt.f32.s32 v2;
	v3 =	vtrunc.f32 v3  }
0x336: {  	v4 =	vtrunc.f32 v4;
	v3 =	vcvt.f32.s32 v3  }
0x337: {  	v4 =	vcvt.f32.s32 v4;
	vm0 =	vlt.s32 v2, $0x3E  }
0x338: {  	v2 =	vnsel vm0, $0x3E, v2;
	vm0 =	vlt.s32 v3, $0x3E  }
0x339: {  	vm1 =	vlt.s32 v4, $0x3E;
	v3 =	vnsel vm0, $0x3E, v3;
	v2 =	vmul.u32 $0x3F, v2  }
0x33a: {  	v4 =	vnsel vm1, $0x3E, v4;
	v3 =	vmul.u32 $0xF81, v3  }
.Ltmp21:
0x33b: {  	v2 =	vadd.s32 v2, v4;
	(pc) =	sbr.rel @p3 .LBB2_42-.Ltmp21, $4  }
0x33c: {  	v2 =	vadd.s32 v3, v2  }
0x33d: {  	s16 =	sand.u32 $0x1F0, s1;
	s1 =	smov.u32 s15;
	v2 =	vadd.s32 $0x7D0C3, v2  }
0x33e: {  	s14 =	sadd.s32 $0x10, s14;
	[tilespmem:s16+$0x16C00] =	vst v2  }
0x33f: {  	s15 =	sadd.s32 $0x10, s15;
	s3 =	sadd.s32 $0x10, s3;
	v2 =	vld [tilespmem:s14+$0x0]  }
.LBB2_43:
0x340: {  	s4 =	sadd.s32 @p2 $0x10, s4;
	s14 =	simm.s32 $0x14400  }
0x341: {  	v3 =	vld [tilespmem:s3+$0x0];
	s14 =	smov.u32 @p2 s4  }
0x342: {  	v4 =	vld [tilespmem:s14+$0x0];
	_ =	sdelay $0x2  }
0x343: {  	v2 =	vadd.f32 $6.250000000e-01, v2  }
0x344: {  	v3 =	vadd.f32 $6.250000000e-01, v3  }
0x345: {  	v2 =	vtrunc.f32 v2;
	v4 =	vadd.f32 $6.250000000e-01, v4  }
0x346: {  	v2 =	vcvt.f32.s32 v2;
	v3 =	vtrunc.f32 v3  }
0x347: {  	v3 =	vcvt.f32.s32 v3;
	v4 =	vtrunc.f32 v4  }
0x348: {  	vm0 =	vlt.s32 v2, $0x3E;
	v4 =	vcvt.f32.s32 v4  }
0x349: {  	v2 =	vnsel vm0, $0x3E, v2;
	vm15 =	vlt.s32 v3, $0x3E  }
0x34a: {  	v3 =	vnsel vm15, $0x3E, v3;
	v2 =	vmul.u32 $0x3F, v2;
	vm1 =	vlt.s32 v4, $0x3E  }
0x34b: {  	v3 =	vmul.u32 $0xF81, v3;
	v4 =	vnsel vm1, $0x3E, v4  }
.Ltmp22:
0x34c: {  	v2 =	vadd.s32 v2, v4;
	(pc) =	sbr.rel @!p1 .LBB2_44-.Ltmp22, $4  }
0x34d: {  	v2 =	vadd.s32 v3, v2  }
0x34e: {  	s1 =	sand.u32 $0x1F0, s1;
	v2 =	vadd.s32 $0x7D0C3, v2  }
0x34f: {  	[tilespmem:s1+$0x16C00] =	vst v2  }
0x350: {  	v2 =	vld [tilespmem:s30+$0x0]  }
0x351: {  	v3 =	vld [tilespmem:s2+$0x0]  }
0x352: {  	v4 =	vld [tilespmem:s19+$0x0];
	_ =	sdelay $0x2  }
0x353: {  	v2 =	vadd.f32 $7.500000000e-01, v2  }
0x354: {  	v3 =	vadd.f32 $7.500000000e-01, v3  }
0x355: {  	v4 =	vadd.f32 $7.500000000e-01, v4;
	v2 =	vtrunc.f32 v2  }
0x356: {  	v2 =	vcvt.f32.s32 v2;
	v3 =	vtrunc.f32 v3  }
0x357: {  	v4 =	vtrunc.f32 v4;
	v3 =	vcvt.f32.s32 v3  }
0x358: {  	v4 =	vcvt.f32.s32 v4;
	vm0 =	vlt.s32 v2, $0x3E  }
0x359: {  	v2 =	vnsel vm0, $0x3E, v2;
	vm15 =	vlt.s32 v3, $0x3E  }
0x35a: {  	vm1 =	vlt.s32 v4, $0x3E;
	v3 =	vnsel vm15, $0x3E, v3;
	v2 =	vmul.u32 $0x3F, v2  }
0x35b: {  	p1 =	por $0x1, $0x1;
	v4 =	vnsel vm1, $0x3E, v4;
	v3 =	vmul.u32 $0xF81, v3  }
.Ltmp23:
0x35c: {  	v2 =	vadd.s32 v2, v4;
	(pc) =	sbr.rel @!p1 .LBB2_46-.Ltmp23, $4  }
0x35d: {  	v2 =	vadd.s32 v3, v2  }
0x35e: {  	s1 =	sand.u32 $0x1F0, s29;
	v2 =	vadd.s32 $0xBA182, v2  }
0x35f: {  	s3 =	simm.s32 $0x14610;
	s4 =	simm.s32 $0x20;
	[tilespmem:s1+$0x16E00] =	vst v2  }
0x360: {  	s2 =	simm.s32 $0x14810;
	p0 =	por $0x1, $0x1;
	s1 =	simm.s32 $0x14400;
	v2 =	vld [tilespmem:s3+$0x0]  }
.LBB2_47:
0x361: {  	p1 =	sne.s32 s4, $0x1F0;
	v3 =	vld [tilespmem:s2+$0x0];
	s1 =	sadd.s32 $0x10, s1  }
0x362: {  	v4 =	vld [tilespmem:s1+$0x0];
	_ =	sdelay $0x2  }
0x363: {  	v2 =	vadd.f32 $7.500000000e-01, v2  }
0x364: {  	v3 =	vadd.f32 $7.500000000e-01, v3  }
0x365: {  	v4 =	vadd.f32 $7.500000000e-01, v4;
	v2 =	vtrunc.f32 v2  }
0x366: {  	v2 =	vcvt.f32.s32 v2;
	v3 =	vtrunc.f32 v3  }
0x367: {  	v4 =	vtrunc.f32 v4;
	v3 =	vcvt.f32.s32 v3  }
0x368: {  	v4 =	vcvt.f32.s32 v4;
	vm0 =	vlt.s32 v2, $0x3E  }
0x369: {  	v2 =	vnsel vm0, $0x3E, v2;
	vm0 =	vlt.s32 v3, $0x3E  }
0x36a: {  	vm1 =	vlt.s32 v4, $0x3E;
	v3 =	vnsel vm0, $0x3E, v3;
	v2 =	vmul.u32 $0x3F, v2  }
0x36b: {  	v4 =	vnsel vm1, $0x3E, v4;
	v3 =	vmul.u32 $0xF81, v3  }
.Ltmp24:
0x36c: {  	v2 =	vadd.s32 v2, v4;
	(pc) =	sbr.rel @p1 .LBB2_47-.Ltmp24, $4  }
0x36d: {  	v2 =	vadd.s32 v3, v2  }
0x36e: {  	s14 =	sand.u32 $0x1F0, s25;
	s25 =	smov.u32 s4;
	v2 =	vadd.s32 $0xBA182, v2  }
0x36f: {  	s3 =	sadd.s32 $0x10, s3;
	[tilespmem:s14+$0x16E00] =	vst v2  }
0x370: {  	s4 =	sadd.s32 $0x10, s4;
	s2 =	sadd.s32 $0x10, s2;
	v2 =	vld [tilespmem:s3+$0x0]  }
0x371: {  	s29 =	smov.u32 s25  }
.LBB2_49:
0x372: {  	s1 =	sadd.s32 @p0 $0x10, s1  }
0x373: {  	v3 =	vld [tilespmem:s2+$0x0];
	s19 =	smov.u32 @p0 s1  }
0x374: {  	v4 =	vld [tilespmem:s19+$0x0];
	_ =	sdelay $0x2  }
0x375: {  	v2 =	vadd.f32 $7.500000000e-01, v2  }
0x376: {  	v3 =	vadd.f32 $7.500000000e-01, v3  }
0x377: {  	v2 =	vtrunc.f32 v2;
	v4 =	vadd.f32 $7.500000000e-01, v4  }
0x378: {  	v2 =	vcvt.f32.s32 v2;
	v3 =	vtrunc.f32 v3  }
0x379: {  	v3 =	vcvt.f32.s32 v3;
	v4 =	vtrunc.f32 v4  }
0x37a: {  	vm0 =	vlt.s32 v2, $0x3E;
	v4 =	vcvt.f32.s32 v4  }
0x37b: {  	v2 =	vnsel vm0, $0x3E, v2;
	vm12 =	vlt.s32 v3, $0x3E  }
0x37c: {  	v2 =	vmul.u32 $0x3F, v2;
	v3 =	vnsel vm12, $0x3E, v3;
	vm1 =	vlt.s32 v4, $0x3E  }
0x37d: {  	v3 =	vmul.u32 $0xF81, v3;
	v4 =	vnsel vm1, $0x3E, v4  }
0x37e: {  	v2 =	vadd.s32 v2, v4  }
0x37f: {  	v2 =	vadd.s32 v3, v2  }
0x380: {  	s19 =	sand.u32 $0x1F0, s29;
	v2 =	vadd.s32 $0xBA182, v2  }
0x381: {  	s25 =	simm.s32 $0x14600;
	[tilespmem:s19+$0x16E00] =	vst v2  }
0x382: {  	s29 =	simm.s32 $0x14800;
	v2 =	vld [tilespmem:s25+$0x0]  }
0x383: {  	s1 =	simm.s32 $0x14400;
	v3 =	vld [tilespmem:s29+$0x0]  }
0x384: {  	v63 =	vld [tilespmem:s1+$0x0];
	_ =	sdelay $0x2  }
0x385: {  	v2 =	vadd.f32 $8.750000000e-01, v2  }
0x386: {  	v3 =	vadd.f32 $8.750000000e-01, v3  }
0x387: {  	v4 =	vadd.f32 $8.750000000e-01, v63;
	v2 =	vtrunc.f32 v2  }
0x388: {  	v3 =	vtrunc.f32 v3;
	v2 =	vcvt.f32.s32 v2  }
0x389: {  	v4 =	vtrunc.f32 v4;
	v3 =	vcvt.f32.s32 v3  }
0x38a: {  	v4 =	vcvt.f32.s32 v4;
	vm13 =	vlt.s32 v2, $0x3E  }
0x38b: {  	vm14 =	vlt.s32 v3, $0x3E;
	v2 =	vnsel vm13, $0x3E, v2  }
0x38c: {  	vm15 =	vlt.s32 v4, $0x3E;
	v3 =	vnsel vm14, $0x3E, v3;
	v2 =	vmul.u32 $0x3F, v2  }
0x38d: {  	v4 =	vnsel vm15, $0x3E, v4;
	v3 =	vmul.u32 $0xF81, v3  }
0x38e: {  	v2 =	vadd.s32 v2, v4  }
0x38f: {  	s30 =	simm.s32 $0x0;
	v2 =	vadd.s32 v3, v2  }
0x390: {  	s2 =	sand.u32 $0x1F0, s30;
	v2 =	vadd.s32 $0xF7241, v2  }
0x391: {  	s3 =	simm.s32 $0x14610;
	[tilespmem:s2+$0x17000] =	vst v2  }
0x392: {  	s14 =	simm.s32 $0x20;
	s4 =	simm.s32 $0x14810;
	s2 =	simm.s32 $0x10;
	v2 =	vld [tilespmem:s3+$0x0]  }
.LBB2_50:
0x393: {  	p0 =	sne.s32 s14, $0x1F0;
	v3 =	vld [tilespmem:s4+$0x0];
	s1 =	sadd.s32 $0x10, s1  }
0x394: {  	v4 =	vld [tilespmem:s1+$0x0];
	_ =	sdelay $0x2  }
0x395: {  	v2 =	vadd.f32 $8.750000000e-01, v2  }
0x396: {  	v3 =	vadd.f32 $8.750000000e-01, v3  }
0x397: {  	v4 =	vadd.f32 $8.750000000e-01, v4;
	v2 =	vtrunc.f32 v2  }
0x398: {  	v2 =	vcvt.f32.s32 v2;
	v3 =	vtrunc.f32 v3  }
0x399: {  	v4 =	vtrunc.f32 v4;
	v3 =	vcvt.f32.s32 v3  }
0x39a: {  	v4 =	vcvt.f32.s32 v4;
	vm0 =	vlt.s32 v2, $0x3E  }
0x39b: {  	v2 =	vnsel vm0, $0x3E, v2;
	vm0 =	vlt.s32 v3, $0x3E  }
0x39c: {  	vm1 =	vlt.s32 v4, $0x3E;
	v3 =	vnsel vm0, $0x3E, v3;
	v2 =	vmul.u32 $0x3F, v2  }
0x39d: {  	v4 =	vnsel vm1, $0x3E, v4;
	v3 =	vmul.u32 $0xF81, v3  }
.Ltmp25:
0x39e: {  	v2 =	vadd.s32 v2, v4;
	(pc) =	sbr.rel @p0 .LBB2_50-.Ltmp25, $4  }
0x39f: {  	v2 =	vadd.s32 v3, v2  }
0x3a0: {  	s15 =	sand.u32 $0x1F0, s2;
	s2 =	smov.u32 s14;
	v2 =	vadd.s32 $0xF7241, v2  }
0x3a1: {  	s3 =	sadd.s32 $0x10, s3;
	[tilespmem:s15+$0x17000] =	vst v2  }
0x3a2: {  	s14 =	sadd.s32 $0x10, s14;
	s4 =	sadd.s32 $0x10, s4;
	v2 =	vld [tilespmem:s3+$0x0]  }
0x3a3: {  	v3 =	vld [tilespmem:s4+$0x0];
	s1 =	sadd.s32 $0x10, s1  }
0x3a4: {  	v4 =	vld [tilespmem:s1+$0x0];
	_ =	sdelay $0x2  }
0x3a5: {  	v2 =	vadd.f32 $8.750000000e-01, v2  }
0x3a6: {  	v3 =	vadd.f32 $8.750000000e-01, v3  }
0x3a7: {  	v4 =	vadd.f32 $8.750000000e-01, v4;
	v2 =	vtrunc.f32 v2  }
0x3a8: {  	v2 =	vcvt.f32.s32 v2;
	v3 =	vtrunc.f32 v3  }
0x3a9: {  	v4 =	vtrunc.f32 v4;
	v3 =	vcvt.f32.s32 v3  }
0x3aa: {  	v4 =	vcvt.f32.s32 v4;
	vm0 =	vlt.s32 v2, $0x3E  }
0x3ab: {  	v2 =	vnsel vm0, $0x3E, v2;
	vm15 =	vlt.s32 v3, $0x3E  }
0x3ac: {  	vm1 =	vlt.s32 v4, $0x3E;
	v3 =	vnsel vm15, $0x3E, v3;
	v2 =	vmul.u32 $0x3F, v2  }
0x3ad: {  	v4 =	vnsel vm1, $0x3E, v4;
	v3 =	vmul.u32 $0xF81, v3  }
0x3ae: {  	v2 =	vadd.s32 v2, v4  }
0x3af: {  	v2 =	vadd.s32 v3, v2  }
0x3b0: {  	s4 =	sand.u32 $0x1F0, s2;
	v2 =	vadd.s32 $0xF7241, v2  }
0x3b1: {  	[tilespmem:s4+$0x17000] =	vst v2  }
0x3b2: {  	[bflag:$0x0] =	sbarrier.arrive $0xFFFF  }
0x3b3: {  	_ =	strace $0x8000004F  }
0x3b4: {  	s2 =	simm.s32 $0x0;
	s14 =	rddreg [dreg:$0x7]  }
0x3b5: {  	[tilespmem:s18], [sflag:$0x1] =	stream.linear.gather [hbm4b:s14+s2], $0x2000, $0x200038;
	[tilespmem:$0x1E200] =	vst v63  }
0x3b6: {  	_ =	swait.ge [sflag:s20], $0x2000  }
0x3b7: {  	s4 =	sld [smem:$0x7E3]  }
0x3b8: {  	[sflag:s20] =	ssyncset.done $0x0  }
0x3b9: {  	s15 =	sld [smem:$0x7EE];
	[sflag:s20] =	ssyncadd.s32 $0xFFFFE000  }
0x3ba: {  	[spmem:s4] =	stream.linear.scatter [tilespmem:s18], [sflag:$0x2], $0x2000, $0x200038;
	[tilespmem:$0x1E200] =	vst v63  }
0x3bb: {  	_ = 	snop  }
0x3bc: {  	[tilespmem:s21], [sflag:$0x1] =	stream.linear.gather [hbm4b:s15+s2], $0x2000, $0x200038;
	[tilespmem:$0x1E200] =	vst v63  }
0x3bd: {  	_ =	swait.ge [sflag:s20], $0x2000  }
0x3be: {  	s14 =	sld [smem:$0x7E4]  }
0x3bf: {  	[sflag:s20] =	ssyncset.done $0x0  }
0x3c0: {  	[sflag:s20] =	ssyncadd.s32 $0xFFFFE000  }
0x3c1: {  	[spmem:s14] =	stream.linear.scatter [tilespmem:s21], [sflag:$0x2], $0x2000, $0x200038;
	[tilespmem:$0x1E200] =	vst v63  }
0x3c2: {  	_ =	swait.ge [sflag:s22], $0x2000  }
0x3c3: {  	s16 =	sld [smem:$0x7EF]  }
0x3c4: {  	[sflag:s22] =	ssyncset.done $0x0  }
0x3c5: {  	[sflag:s22] =	ssyncadd.s32 $0xFFFFE000  }
0x3c6: {  	[tilespmem:s18], [sflag:$0x1] =	stream.linear.gather [hbm4b:s16+s2], $0x2000, $0x200038;
	[tilespmem:$0x1E200] =	vst v63  }
0x3c7: {  	_ =	swait.ge [sflag:s20], $0x2000  }
0x3c8: {  	s15 =	sld [smem:$0x7E5]  }
0x3c9: {  	[sflag:s20] =	ssyncset.done $0x0  }
0x3ca: {  	[sflag:s20] =	ssyncadd.s32 $0xFFFFE000  }
0x3cb: {  	[spmem:s15] =	stream.linear.scatter [tilespmem:s18], [sflag:$0x2], $0x2000, $0x200038;
	[tilespmem:$0x1E200] =	vst v63  }
0x3cc: {  	_ =	swait.ge [sflag:s22], $0x2000  }
0x3cd: {  	s19 =	sld [smem:$0x7F0]  }
0x3ce: {  	[sflag:s22] =	ssyncset.done $0x0  }
0x3cf: {  	[sflag:s22] =	ssyncadd.s32 $0xFFFFE000  }
0x3d0: {  	[tilespmem:s21], [sflag:$0x1] =	stream.linear.gather [hbm4b:s19+s2], $0x2000, $0x200038;
	[tilespmem:$0x1E200] =	vst v63  }
0x3d1: {  	_ =	swait.ge [sflag:s20], $0x2000  }
0x3d2: {  	s16 =	sld [smem:$0x7E6]  }
0x3d3: {  	[sflag:s20] =	ssyncset.done $0x0  }
0x3d4: {  	[sflag:s20] =	ssyncadd.s32 $0xFFFFE000  }
0x3d5: {  	[spmem:s16] =	stream.linear.scatter [tilespmem:s21], [sflag:$0x2], $0x2000, $0x200038;
	[tilespmem:$0x1E200] =	vst v63  }
0x3d6: {  	_ =	swait.ge [sflag:s22], $0x2000  }
0x3d7: {  	s25 =	sld [smem:$0x7F1]  }
0x3d8: {  	[sflag:s22] =	ssyncset.done $0x0  }
0x3d9: {  	[sflag:s22] =	ssyncadd.s32 $0xFFFFE000  }
0x3da: {  	[tilespmem:s18], [sflag:$0x1] =	stream.linear.gather [hbm4b:s25+s2], $0x2000, $0x200038;
	[tilespmem:$0x1E200] =	vst v63  }
0x3db: {  	_ =	swait.ge [sflag:s20], $0x2000  }
0x3dc: {  	s19 =	sld [smem:$0x7E7]  }
0x3dd: {  	[sflag:s20] =	ssyncset.done $0x0  }
0x3de: {  	[sflag:s20] =	ssyncadd.s32 $0xFFFFE000  }
0x3df: {  	[spmem:s19] =	stream.linear.scatter [tilespmem:s18], [sflag:$0x2], $0x2000, $0x200038;
	[tilespmem:$0x1E200] =	vst v63  }
0x3e0: {  	_ =	swait.ge [sflag:s22], $0x2000  }
0x3e1: {  	s29 =	sld [smem:$0x7F2]  }
0x3e2: {  	[sflag:s22] =	ssyncset.done $0x0  }
0x3e3: {  	[sflag:s22] =	ssyncadd.s32 $0xFFFFE000  }
0x3e4: {  	[tilespmem:s21], [sflag:$0x1] =	stream.linear.gather [hbm4b:s29+s2], $0x2000, $0x200038;
	[tilespmem:$0x1E200] =	vst v63  }
0x3e5: {  	_ =	swait.ge [sflag:s20], $0x2000  }
0x3e6: {  	s25 =	sld [smem:$0x7E8]  }
0x3e7: {  	[sflag:s20] =	ssyncset.done $0x0  }
0x3e8: {  	[sflag:s20] =	ssyncadd.s32 $0xFFFFE000  }
0x3e9: {  	[spmem:s25] =	stream.linear.scatter [tilespmem:s21], [sflag:$0x2], $0x2000, $0x200038;
	[tilespmem:$0x1E200] =	vst v63  }
0x3ea: {  	_ =	swait.ge [sflag:s22], $0x2000  }
0x3eb: {  	s30 =	sld [smem:$0x7F3]  }
0x3ec: {  	[sflag:s22] =	ssyncset.done $0x0  }
0x3ed: {  	[sflag:s22] =	ssyncadd.s32 $0xFFFFE000  }
0x3ee: {  	[tilespmem:s18], [sflag:$0x1] =	stream.linear.gather [hbm4b:s30+s2], $0x2000, $0x200038;
	[tilespmem:$0x1E200] =	vst v63  }
0x3ef: {  	_ =	swait.ge [sflag:s20], $0x2000  }
0x3f0: {  	s29 =	sld [smem:$0x7E9]  }
0x3f1: {  	[sflag:s20] =	ssyncset.done $0x0  }
0x3f2: {  	[sflag:s20] =	ssyncadd.s32 $0xFFFFE000  }
0x3f3: {  	[spmem:s29] =	stream.linear.scatter [tilespmem:s18], [sflag:$0x2], $0x2000, $0x200038;
	[tilespmem:$0x1E200] =	vst v63  }
0x3f4: {  	_ =	swait.ge [sflag:s22], $0x2000  }
0x3f5: {  	s3 =	sld [smem:$0x7F4]  }
0x3f6: {  	[sflag:s22] =	ssyncset.done $0x0  }
0x3f7: {  	[sflag:s22] =	ssyncadd.s32 $0xFFFFE000  }
0x3f8: {  	[tilespmem:s21], [sflag:$0x1] =	stream.linear.gather [hbm4b:s3+s2], $0x1430, $0x200038;
	[tilespmem:$0x1E200] =	vst v63  }
0x3f9: {  	_ =	swait.ge [sflag:s20], $0x1430  }
0x3fa: {  	s30 =	sld [smem:$0x7EA]  }
0x3fb: {  	[sflag:s20] =	ssyncset.done $0x0  }
0x3fc: {  	[sflag:s20] =	ssyncadd.s32 $0xFFFFEBD0  }
0x3fd: {  	[spmem:s30] =	stream.linear.scatter [tilespmem:s21], [sflag:$0x2], $0x1430, $0x200038;
	[tilespmem:$0x1E200] =	vst v63  }
0x3fe: {  	_ =	swait.ge [sflag:s22], $0x2000  }
0x3ff: {  	[sflag:s22] =	ssyncset.done $0x0  }
0x400: {  	[sflag:s22] =	ssyncadd.s32 $0xFFFFE000  }
0x401: {  	_ =	swait.ge [sflag:s22], $0x1430  }
0x402: {  	[sflag:s22] =	ssyncset.done $0x0  }
0x403: {  	[sflag:s22] =	ssyncadd.s32 $0xFFFFEBD0  }
0x404: {  	_ =	strace $0x9000004F  }
0x405: {  	s1 =	simm.s32 $0x19200;
	s3 =	simm.s32 $0x16200;
	[bflag:$0x0] =	sbarrier.arrive $0xFFFF  }
0x406: {  	[tilespmem:s1], [sflag:$0x5] =	stream.indirect.gather [spmem:s31], $0x1, s3, s23, $0xb8;
	[tilespmem:$0x1E200] =	vst v63  }
0x407: {  	_ =	strace $0x80000050  }
0x408: {  	_ =	swait.ge [sflag:s26], $0x800  }
0x409: {  	[sflag:s26] =	ssyncset.done $0x0  }
0x40a: {  	[sflag:s26] =	ssyncadd.s32 $0xFFFFF800  }
0x40b: {  	_ =	strace $0x90000050  }
0x40c: {  	[bflag:$0x0] =	sbarrier.arrive $0xFFFF  }
0x40d: {  	_ =	strace $0x80000051  }
0x40e: {  	s3 =	rddreg [dreg:$0x8]  }
0x40f: {  	[tilespmem:s18], [sflag:$0x1] =	stream.linear.gather [hbm4b:s3+s2], $0x2000, $0x200038;
	[tilespmem:$0x1E200] =	vst v63  }
0x410: {  	_ =	swait.ge [sflag:s20], $0x2000  }
0x411: {  	[sflag:s20] =	ssyncset.done $0x0  }
0x412: {  	[sflag:s20] =	ssyncadd.s32 $0xFFFFE000  }
0x413: {  	[spmem:s4] =	stream.linear.scatter [tilespmem:s18], [sflag:$0x2], $0x2000, $0x200038;
	[tilespmem:$0x1E200] =	vst v63  }
0x414: {  	s4 =	rddreg [dreg:$0x9]  }
0x415: {  	[tilespmem:s21], [sflag:$0x1] =	stream.linear.gather [hbm4b:s4+s2], $0x2000, $0x200038;
	[tilespmem:$0x1E200] =	vst v63  }
0x416: {  	_ =	swait.ge [sflag:s20], $0x2000  }
0x417: {  	[sflag:s20] =	ssyncset.done $0x0  }
0x418: {  	[sflag:s20] =	ssyncadd.s32 $0xFFFFE000  }
0x419: {  	[spmem:s14] =	stream.linear.scatter [tilespmem:s21], [sflag:$0x2], $0x2000, $0x200038;
	[tilespmem:$0x1E200] =	vst v63  }
0x41a: {  	_ =	swait.ge [sflag:s22], $0x2000  }
0x41b: {  	[sflag:s22] =	ssyncset.done $0x0  }
0x41c: {  	s14 =	rddreg [dreg:$0xa];
	[sflag:s22] =	ssyncadd.s32 $0xFFFFE000  }
0x41d: {  	[tilespmem:s18], [sflag:$0x1] =	stream.linear.gather [hbm4b:s14+s2], $0x2000, $0x200038;
	[tilespmem:$0x1E200] =	vst v63  }
0x41e: {  	_ =	swait.ge [sflag:s20], $0x2000  }
0x41f: {  	[sflag:s20] =	ssyncset.done $0x0  }
0x420: {  	[sflag:s20] =	ssyncadd.s32 $0xFFFFE000  }
0x421: {  	[spmem:s15] =	stream.linear.scatter [tilespmem:s18], [sflag:$0x2], $0x2000, $0x200038;
	[tilespmem:$0x1E200] =	vst v63  }
0x422: {  	_ =	swait.ge [sflag:s22], $0x2000  }
0x423: {  	[sflag:s22] =	ssyncset.done $0x0  }
0x424: {  	s4 =	rddreg [dreg:$0xb];
	[sflag:s22] =	ssyncadd.s32 $0xFFFFE000  }
0x425: {  	[tilespmem:s21], [sflag:$0x1] =	stream.linear.gather [hbm4b:s4+s2], $0x2000, $0x200038;
	[tilespmem:$0x1E200] =	vst v63  }
0x426: {  	_ =	swait.ge [sflag:s20], $0x2000  }
0x427: {  	[sflag:s20] =	ssyncset.done $0x0  }
0x428: {  	[sflag:s20] =	ssyncadd.s32 $0xFFFFE000  }
0x429: {  	[spmem:s16] =	stream.linear.scatter [tilespmem:s21], [sflag:$0x2], $0x2000, $0x200038;
	[tilespmem:$0x1E200] =	vst v63  }
0x42a: {  	_ =	swait.ge [sflag:s22], $0x2000  }
0x42b: {  	[sflag:s22] =	ssyncset.done $0x0  }
0x42c: {  	s14 =	rddreg [dreg:$0xc];
	[sflag:s22] =	ssyncadd.s32 $0xFFFFE000  }
0x42d: {  	[tilespmem:s18], [sflag:$0x1] =	stream.linear.gather [hbm4b:s14+s2], $0x2000, $0x200038;
	[tilespmem:$0x1E200] =	vst v63  }
0x42e: {  	_ =	swait.ge [sflag:s20], $0x2000  }
0x42f: {  	[sflag:s20] =	ssyncset.done $0x0  }
0x430: {  	[sflag:s20] =	ssyncadd.s32 $0xFFFFE000  }
0x431: {  	[spmem:s19] =	stream.linear.scatter [tilespmem:s18], [sflag:$0x2], $0x2000, $0x200038;
	[tilespmem:$0x1E200] =	vst v63  }
0x432: {  	_ =	swait.ge [sflag:s22], $0x2000  }
0x433: {  	[sflag:s22] =	ssyncset.done $0x0  }
0x434: {  	s15 =	rddreg [dreg:$0xd];
	[sflag:s22] =	ssyncadd.s32 $0xFFFFE000  }
0x435: {  	[tilespmem:s21], [sflag:$0x1] =	stream.linear.gather [hbm4b:s15+s2], $0x2000, $0x200038;
	[tilespmem:$0x1E200] =	vst v63  }
0x436: {  	_ =	swait.ge [sflag:s20], $0x2000  }
0x437: {  	[sflag:s20] =	ssyncset.done $0x0  }
0x438: {  	[sflag:s20] =	ssyncadd.s32 $0xFFFFE000  }
0x439: {  	[spmem:s25] =	stream.linear.scatter [tilespmem:s21], [sflag:$0x2], $0x2000, $0x200038;
	[tilespmem:$0x1E200] =	vst v63  }
0x43a: {  	_ =	swait.ge [sflag:s22], $0x2000  }
0x43b: {  	[sflag:s22] =	ssyncset.done $0x0  }
0x43c: {  	s16 =	rddreg [dreg:$0xe];
	[sflag:s22] =	ssyncadd.s32 $0xFFFFE000  }
0x43d: {  	[tilespmem:s18], [sflag:$0x1] =	stream.linear.gather [hbm4b:s16+s2], $0x2000, $0x200038;
	[tilespmem:$0x1E200] =	vst v63  }
0x43e: {  	_ =	swait.ge [sflag:s20], $0x2000  }
0x43f: {  	[sflag:s20] =	ssyncset.done $0x0  }
0x440: {  	[sflag:s20] =	ssyncadd.s32 $0xFFFFE000  }
0x441: {  	[spmem:s29] =	stream.linear.scatter [tilespmem:s18], [sflag:$0x2], $0x2000, $0x200038;
	[tilespmem:$0x1E200] =	vst v63  }
0x442: {  	_ =	swait.ge [sflag:s22], $0x2000  }
0x443: {  	[sflag:s22] =	ssyncset.done $0x0  }
0x444: {  	s19 =	rddreg [dreg:$0xf];
	[sflag:s22] =	ssyncadd.s32 $0xFFFFE000  }
0x445: {  	[tilespmem:s21], [sflag:$0x1] =	stream.linear.gather [hbm4b:s19+s2], $0x1430, $0x200038;
	[tilespmem:$0x1E200] =	vst v63  }
0x446: {  	_ =	swait.ge [sflag:s20], $0x1430  }
0x447: {  	[sflag:s20] =	ssyncset.done $0x0  }
0x448: {  	[sflag:s20] =	ssyncadd.s32 $0xFFFFEBD0  }
0x449: {  	[spmem:s30] =	stream.linear.scatter [tilespmem:s21], [sflag:$0x2], $0x1430, $0x200038;
	[tilespmem:$0x1E200] =	vst v63  }
0x44a: {  	_ =	swait.ge [sflag:s22], $0x2000  }
0x44b: {  	[sflag:s22] =	ssyncset.done $0x0  }
0x44c: {  	[sflag:s22] =	ssyncadd.s32 $0xFFFFE000  }
0x44d: {  	_ =	swait.ge [sflag:s22], $0x1430  }
0x44e: {  	[sflag:s22] =	ssyncset.done $0x0  }
0x44f: {  	[sflag:s22] =	ssyncadd.s32 $0xFFFFEBD0  }
0x450: {  	_ =	strace $0x90000051  }
0x451: {  	s25 =	simm.s32 $0x16A00;
	s29 =	simm.s32 $0x19A00;
	[bflag:$0x0] =	sbarrier.arrive $0xFFFF  }
0x452: {  	[tilespmem:s29], [sflag:$0x5] =	stream.indirect.gather [spmem:s31], $0x1, s25, s23, $0xb8;
	[tilespmem:$0x1E200] =	vst v63  }
0x453: {  	_ =	strace $0x80000052  }
0x454: {  	_ =	swait.ge [sflag:s26], $0x800  }
0x455: {  	[sflag:s26] =	ssyncset.done $0x0  }
0x456: {  	[sflag:s26] =	ssyncadd.s32 $0xFFFFF800  }
0x457: {  	_ =	strace $0x90000052  }
0x458: {  	s2 =	sand.u32 $0x1F0, s2;
	[bflag:$0x0] =	sbarrier.arrive $0xFFFF  }
0x459: {  	v2 =	vld [tilespmem:s2+$0x19400]  }
0x45a: {  	v3 =	vld [tilespmem:s1+$0x0];
	_ =	sdelay $0x1  }
0x45b: {  	v60 =	vld [tilespmem:s2+$0x19600];
	_ =	sdelay $0x1  }
0x45c: {  	v5 =	vld [tilespmem:s2+$0x19800]  }
0x45d: {  	v2 =	vadd.f32 v2, v3  }
0x45e: {  	v3 =	vld [tilespmem:s2+$0x19A00]  }
0x45f: {  	v2 =	vadd.f32 v60, v2  }
0x460: {  	v61 =	vld [tilespmem:s2+$0x19C00]  }
0x461: {  	v2 =	vadd.f32 v5, v2  }
0x462: {  	v62 =	vld [tilespmem:s2+$0x19E00]  }
0x463: {  	v2 =	vadd.f32 v3, v2  }
0x464: {  	v3 =	vld [tilespmem:s2+$0x1A000]  }
0x465: {  	s1 =	simm.s32 $0x14000;
	v2 =	vadd.f32 v61, v2  }
0x466: {  	v63 =	vld [tilespmem:s1+$0x0]  }
0x467: {  	v2 =	vadd.f32 v62, v2;
	_ =	sdelay $0x1  }
0x468: {  	v2 =	vadd.f32 v3, v2;
	_ =	sdelay $0x1  }
0x469: {  	v2 =	vadd.f32 v2, v63;
	_ =	sdelay $0x1  }
0x46a: {  	v2 =	vmax.f32 v2, $-1.200000050e+00  }
0x46b: {  	s30 =	simm.s32 $0x10;
	s2 =	simm.s32 $0x14C00;
	v2 =	vmin.f32 v2, $6.000000240e-01  }
0x46c: {  	s14 =	sand.u32 $0x1F0, s30;
	[tilespmem:s2+$0x0] =	vst v2  }
0x46d: {  	s3 =	simm.s32 $0x19210;
	s4 =	simm.s32 $0x20;
	v2 =	vld [tilespmem:s14+$0x19400]  }
.LBB2_52:
0x46e: {  	p0 =	sne.s32 s4, $0x1F0;
	v3 =	vld [tilespmem:s3+$0x0];
	_ =	sdelay $0x1  }
0x46f: {  	v4 =	vld [tilespmem:s14+$0x19600];
	_ =	sdelay $0x1  }
0x470: {  	v5 =	vld [tilespmem:s14+$0x19800]  }
0x471: {  	v2 =	vadd.f32 v2, v3  }
0x472: {  	v3 =	vld [tilespmem:s14+$0x19A00]  }
0x473: {  	v2 =	vadd.f32 v4, v2  }
0x474: {  	v4 =	vld [tilespmem:s14+$0x19C00]  }
0x475: {  	v2 =	vadd.f32 v5, v2  }
0x476: {  	v5 =	vld [tilespmem:s14+$0x19E00]  }
0x477: {  	v2 =	vadd.f32 v3, v2  }
0x478: {  	v3 =	vld [tilespmem:s14+$0x1A000]  }
0x479: {  	s1 =	sadd.s32 $0x10, s1;
	v2 =	vadd.f32 v4, v2  }
0x47a: {  	v4 =	vld [tilespmem:s1+$0x0]  }
0x47b: {  	v2 =	vadd.f32 v5, v2;
	_ =	sdelay $0x1  }
0x47c: {  	v2 =	vadd.f32 v3, v2;
	_ =	sdelay $0x1  }
0x47d: {  	v2 =	vadd.f32 v2, v4  }
.Ltmp26:
0x47e: {  	(pc) =	sbr.rel @p0 .LBB2_52-.Ltmp26, $4  }
0x47f: {  	v2 =	vmax.f32 v2, $-1.200000050e+00  }
0x480: {  	s2 =	sadd.s32 $0x10, s2;
	v2 =	vmin.f32 v2, $6.000000240e-01  }
0x481: {  	s14 =	sand.u32 $0x1F0, s4;
	[tilespmem:s2+$0x0] =	vst v2  }
0x482: {  	s3 =	sadd.s32 $0x10, s3;
	s4 =	sadd.s32 $0x10, s4;
	v2 =	vld [tilespmem:s14+$0x19400]  }
0x483: {  	v3 =	vld [tilespmem:s3+$0x0];
	_ =	sdelay $0x1  }
0x484: {  	v4 =	vld [tilespmem:s14+$0x19600];
	_ =	sdelay $0x1  }
0x485: {  	v5 =	vld [tilespmem:s14+$0x19800]  }
0x486: {  	v2 =	vadd.f32 v2, v3  }
0x487: {  	v3 =	vld [tilespmem:s14+$0x19A00]  }
0x488: {  	v2 =	vadd.f32 v4, v2  }
0x489: {  	v57 =	vld [tilespmem:s14+$0x19C00]  }
0x48a: {  	v2 =	vadd.f32 v5, v2  }
0x48b: {  	v58 =	vld [tilespmem:s14+$0x19E00]  }
0x48c: {  	v2 =	vadd.f32 v3, v2  }
0x48d: {  	v3 =	vld [tilespmem:s14+$0x1A000]  }
0x48e: {  	s1 =	sadd.s32 $0x10, s1;
	v2 =	vadd.f32 v57, v2  }
0x48f: {  	v59 =	vld [tilespmem:s1+$0x0]  }
0x490: {  	v2 =	vadd.f32 v58, v2;
	_ =	sdelay $0x1  }
0x491: {  	v2 =	vadd.f32 v3, v2;
	_ =	sdelay $0x1  }
0x492: {  	v2 =	vadd.f32 v2, v59;
	_ =	sdelay $0x1  }
0x493: {  	v2 =	vmax.f32 v2, $-1.200000050e+00  }
0x494: {  	s16 =	sadd.s32 $0x10, s2;
	v2 =	vmin.f32 v2, $6.000000240e-01  }
0x495: {  	[tilespmem:s16+$0x0] =	vst v2  }
0x496: {  	_ =	strace $0x80000053  }
0x497: {  	s2 =	simm.s32 $0x0;
	s19 =	rddreg [dreg:$0x15]  }
0x498: {  	[tilespmem:s18], [sflag:$0x1] =	stream.linear.gather [hbm4b:s19+s2], $0x2000, $0x200038;
	[tilespmem:$0x1E200] =	vst v63  }
0x499: {  	_ =	swait.ge [sflag:s20], $0x2000  }
0x49a: {  	[sflag:s20] =	ssyncset.done $0x0  }
0x49b: {  	[sflag:s20] =	ssyncadd.s32 $0xFFFFE000  }
0x49c: {  	[spmem:s6] =	stream.linear.scatter [tilespmem:s18], [sflag:$0x2], $0x2000, $0x200038;
	[tilespmem:$0x1E200] =	vst v63  }
0x49d: {  	s25 =	rddreg [dreg:$0x16]  }
0x49e: {  	[tilespmem:s21], [sflag:$0x1] =	stream.linear.gather [hbm4b:s25+s2], $0x2000, $0x200038;
	[tilespmem:$0x1E200] =	vst v63  }
0x49f: {  	_ =	swait.ge [sflag:s20], $0x2000  }
0x4a0: {  	[sflag:s20] =	ssyncset.done $0x0  }
0x4a1: {  	[sflag:s20] =	ssyncadd.s32 $0xFFFFE000  }
0x4a2: {  	[spmem:s7] =	stream.linear.scatter [tilespmem:s21], [sflag:$0x2], $0x2000, $0x200038;
	[tilespmem:$0x1E200] =	vst v63  }
0x4a3: {  	_ =	swait.ge [sflag:s22], $0x2000  }
0x4a4: {  	[sflag:s22] =	ssyncset.done $0x0  }
0x4a5: {  	s29 =	rddreg [dreg:$0x17];
	[sflag:s22] =	ssyncadd.s32 $0xFFFFE000  }
0x4a6: {  	[tilespmem:s18], [sflag:$0x1] =	stream.linear.gather [hbm4b:s29+s2], $0x2000, $0x200038;
	[tilespmem:$0x1E200] =	vst v63  }
0x4a7: {  	_ =	swait.ge [sflag:s20], $0x2000  }
0x4a8: {  	[sflag:s20] =	ssyncset.done $0x0  }
0x4a9: {  	[sflag:s20] =	ssyncadd.s32 $0xFFFFE000  }
0x4aa: {  	[spmem:s8] =	stream.linear.scatter [tilespmem:s18], [sflag:$0x2], $0x2000, $0x200038;
	[tilespmem:$0x1E200] =	vst v63  }
0x4ab: {  	_ =	swait.ge [sflag:s22], $0x2000  }
0x4ac: {  	[sflag:s22] =	ssyncset.done $0x0  }
0x4ad: {  	s3 =	rddreg [dreg:$0x18];
	[sflag:s22] =	ssyncadd.s32 $0xFFFFE000  }
0x4ae: {  	[tilespmem:s21], [sflag:$0x1] =	stream.linear.gather [hbm4b:s3+s2], $0x2000, $0x200038;
	[tilespmem:$0x1E200] =	vst v63  }
0x4af: {  	_ =	swait.ge [sflag:s20], $0x2000  }
0x4b0: {  	[sflag:s20] =	ssyncset.done $0x0  }
0x4b1: {  	[sflag:s20] =	ssyncadd.s32 $0xFFFFE000  }
0x4b2: {  	[spmem:s9] =	stream.linear.scatter [tilespmem:s21], [sflag:$0x2], $0x2000, $0x200038;
	[tilespmem:$0x1E200] =	vst v63  }
0x4b3: {  	_ =	swait.ge [sflag:s22], $0x2000  }
0x4b4: {  	[sflag:s22] =	ssyncset.done $0x0  }
0x4b5: {  	s4 =	rddreg [dreg:$0x19];
	[sflag:s22] =	ssyncadd.s32 $0xFFFFE000  }
0x4b6: {  	[tilespmem:s18], [sflag:$0x1] =	stream.linear.gather [hbm4b:s4+s2], $0x2000, $0x200038;
	[tilespmem:$0x1E200] =	vst v63  }
0x4b7: {  	_ =	swait.ge [sflag:s20], $0x2000  }
0x4b8: {  	[sflag:s20] =	ssyncset.done $0x0  }
0x4b9: {  	[sflag:s20] =	ssyncadd.s32 $0xFFFFE000  }
0x4ba: {  	[spmem:s10] =	stream.linear.scatter [tilespmem:s18], [sflag:$0x2], $0x2000, $0x200038;
	[tilespmem:$0x1E200] =	vst v63  }
0x4bb: {  	_ =	swait.ge [sflag:s22], $0x2000  }
0x4bc: {  	[sflag:s22] =	ssyncset.done $0x0  }
0x4bd: {  	s14 =	rddreg [dreg:$0x1a];
	[sflag:s22] =	ssyncadd.s32 $0xFFFFE000  }
0x4be: {  	[tilespmem:s21], [sflag:$0x1] =	stream.linear.gather [hbm4b:s14+s2], $0x2000, $0x200038;
	[tilespmem:$0x1E200] =	vst v63  }
0x4bf: {  	_ =	swait.ge [sflag:s20], $0x2000  }
0x4c0: {  	[sflag:s20] =	ssyncset.done $0x0  }
0x4c1: {  	[sflag:s20] =	ssyncadd.s32 $0xFFFFE000  }
0x4c2: {  	[spmem:s11] =	stream.linear.scatter [tilespmem:s21], [sflag:$0x2], $0x2000, $0x200038;
	[tilespmem:$0x1E200] =	vst v63  }
0x4c3: {  	_ =	swait.ge [sflag:s22], $0x2000  }
0x4c4: {  	[sflag:s22] =	ssyncset.done $0x0  }
0x4c5: {  	s15 =	rddreg [dreg:$0x1b];
	[sflag:s22] =	ssyncadd.s32 $0xFFFFE000  }
0x4c6: {  	[tilespmem:s18], [sflag:$0x1] =	stream.linear.gather [hbm4b:s15+s2], $0x2000, $0x200038;
	[tilespmem:$0x1E200] =	vst v63  }
0x4c7: {  	_ =	swait.ge [sflag:s20], $0x2000  }
0x4c8: {  	[sflag:s20] =	ssyncset.done $0x0  }
0x4c9: {  	[sflag:s20] =	ssyncadd.s32 $0xFFFFE000  }
0x4ca: {  	[spmem:s12] =	stream.linear.scatter [tilespmem:s18], [sflag:$0x2], $0x2000, $0x200038;
	[tilespmem:$0x1E200] =	vst v63  }
0x4cb: {  	_ =	swait.ge [sflag:s22], $0x2000  }
0x4cc: {  	[sflag:s22] =	ssyncset.done $0x0  }
0x4cd: {  	s16 =	rddreg [dreg:$0x1c];
	[sflag:s22] =	ssyncadd.s32 $0xFFFFE000  }
0x4ce: {  	[tilespmem:s21], [sflag:$0x1] =	stream.linear.gather [hbm4b:s16+s2], $0x2000, $0x200038;
	[tilespmem:$0x1E200] =	vst v63  }
0x4cf: {  	_ =	swait.ge [sflag:s20], $0x2000  }
0x4d0: {  	[sflag:s20] =	ssyncset.done $0x0  }
0x4d1: {  	[sflag:s20] =	ssyncadd.s32 $0xFFFFE000  }
0x4d2: {  	[spmem:s13] =	stream.linear.scatter [tilespmem:s21], [sflag:$0x2], $0x2000, $0x200038;
	[tilespmem:$0x1E200] =	vst v63  }
0x4d3: {  	_ =	swait.ge [sflag:s22], $0x2000  }
0x4d4: {  	[sflag:s22] =	ssyncset.done $0x0  }
0x4d5: {  	[sflag:s22] =	ssyncadd.s32 $0xFFFFE000  }
0x4d6: {  	_ =	swait.ge [sflag:s22], $0x2000  }
0x4d7: {  	[sflag:s22] =	ssyncset.done $0x0  }
0x4d8: {  	[sflag:s22] =	ssyncadd.s32 $0xFFFFE000  }
0x4d9: {  	_ =	strace $0x90000053  }
0x4da: {  	s30 =	simm.s32 $0x15000;
	s1 =	simm.s32 $0x18200;
	[bflag:$0x0] =	sbarrier.arrive $0xFFFF  }
0x4db: {  	[tilespmem:s1], [sflag:$0x4] =	stream.indirect.gather [spmem:s31], $0x1, s30, s23, $0xb8;
	[tilespmem:$0x1E200] =	vst v63  }
0x4dc: {  	_ =	strace $0x80000054  }
0x4dd: {  	_ =	swait.ge [sflag:s28], $0x800  }
0x4de: {  	[sflag:s28] =	ssyncset.done $0x0  }
0x4df: {  	[sflag:s28] =	ssyncadd.s32 $0xFFFFF800  }
0x4e0: {  	_ =	strace $0x90000054  }
0x4e1: {  	[bflag:$0x0] =	sbarrier.arrive $0xFFFF  }
0x4e2: {  	_ =	strace $0x80000055  }
0x4e3: {  	s19 =	sld [smem:$0x7F5];
	_ =	sdelay $0x2  }
0x4e4: {  	[tilespmem:s18], [sflag:$0x1] =	stream.linear.gather [hbm4b:s19+s2], $0x2000, $0x200038;
	[tilespmem:$0x1E200] =	vst v63  }
0x4e5: {  	_ =	swait.ge [sflag:s20], $0x2000  }
0x4e6: {  	[sflag:s20] =	ssyncset.done $0x0  }
0x4e7: {  	s25 =	sld [smem:$0x7F6];
	[sflag:s20] =	ssyncadd.s32 $0xFFFFE000  }
0x4e8: {  	[spmem:s6] =	stream.linear.scatter [tilespmem:s18], [sflag:$0x2], $0x2000, $0x200038;
	[tilespmem:$0x1E200] =	vst v63  }
0x4e9: {  	_ = 	snop  }
0x4ea: {  	[tilespmem:s21], [sflag:$0x1] =	stream.linear.gather [hbm4b:s25+s2], $0x2000, $0x200038;
	[tilespmem:$0x1E200] =	vst v63  }
0x4eb: {  	_ =	swait.ge [sflag:s20], $0x2000  }
0x4ec: {  	[sflag:s20] =	ssyncset.done $0x0  }
0x4ed: {  	[sflag:s20] =	ssyncadd.s32 $0xFFFFE000  }
0x4ee: {  	[spmem:s7] =	stream.linear.scatter [tilespmem:s21], [sflag:$0x2], $0x2000, $0x200038;
	[tilespmem:$0x1E200] =	vst v63  }
0x4ef: {  	_ =	swait.ge [sflag:s22], $0x2000  }
0x4f0: {  	s29 =	sld [smem:$0x7F7]  }
0x4f1: {  	[sflag:s22] =	ssyncset.done $0x0  }
0x4f2: {  	[sflag:s22] =	ssyncadd.s32 $0xFFFFE000  }
0x4f3: {  	[tilespmem:s18], [sflag:$0x1] =	stream.linear.gather [hbm4b:s29+s2], $0x2000, $0x200038;
	[tilespmem:$0x1E200] =	vst v63  }
0x4f4: {  	_ =	swait.ge [sflag:s20], $0x2000  }
0x4f5: {  	[sflag:s20] =	ssyncset.done $0x0  }
0x4f6: {  	[sflag:s20] =	ssyncadd.s32 $0xFFFFE000  }
0x4f7: {  	[spmem:s8] =	stream.linear.scatter [tilespmem:s18], [sflag:$0x2], $0x2000, $0x200038;
	[tilespmem:$0x1E200] =	vst v63  }
0x4f8: {  	_ =	swait.ge [sflag:s22], $0x2000  }
0x4f9: {  	s4 =	sld [smem:$0x7F8]  }
0x4fa: {  	[sflag:s22] =	ssyncset.done $0x0  }
0x4fb: {  	[sflag:s22] =	ssyncadd.s32 $0xFFFFE000  }
0x4fc: {  	[tilespmem:s21], [sflag:$0x1] =	stream.linear.gather [hbm4b:s4+s2], $0x2000, $0x200038;
	[tilespmem:$0x1E200] =	vst v63  }
0x4fd: {  	_ =	swait.ge [sflag:s20], $0x2000  }
0x4fe: {  	[sflag:s20] =	ssyncset.done $0x0  }
0x4ff: {  	[sflag:s20] =	ssyncadd.s32 $0xFFFFE000  }
0x500: {  	[spmem:s9] =	stream.linear.scatter [tilespmem:s21], [sflag:$0x2], $0x2000, $0x200038;
	[tilespmem:$0x1E200] =	vst v63  }
0x501: {  	_ =	swait.ge [sflag:s22], $0x2000  }
0x502: {  	s14 =	sld [smem:$0x7F9]  }
0x503: {  	[sflag:s22] =	ssyncset.done $0x0  }
0x504: {  	[sflag:s22] =	ssyncadd.s32 $0xFFFFE000  }
0x505: {  	[tilespmem:s18], [sflag:$0x1] =	stream.linear.gather [hbm4b:s14+s2], $0x2000, $0x200038;
	[tilespmem:$0x1E200] =	vst v63  }
0x506: {  	_ =	swait.ge [sflag:s20], $0x2000  }
0x507: {  	[sflag:s20] =	ssyncset.done $0x0  }
0x508: {  	[sflag:s20] =	ssyncadd.s32 $0xFFFFE000  }
0x509: {  	[spmem:s10] =	stream.linear.scatter [tilespmem:s18], [sflag:$0x2], $0x2000, $0x200038;
	[tilespmem:$0x1E200] =	vst v63  }
0x50a: {  	_ =	swait.ge [sflag:s22], $0x2000  }
0x50b: {  	s15 =	sld [smem:$0x7FA]  }
0x50c: {  	[sflag:s22] =	ssyncset.done $0x0  }
0x50d: {  	[sflag:s22] =	ssyncadd.s32 $0xFFFFE000  }
0x50e: {  	[tilespmem:s21], [sflag:$0x1] =	stream.linear.gather [hbm4b:s15+s2], $0x2000, $0x200038;
	[tilespmem:$0x1E200] =	vst v63  }
0x50f: {  	_ =	swait.ge [sflag:s20], $0x2000  }
0x510: {  	[sflag:s20] =	ssyncset.done $0x0  }
0x511: {  	[sflag:s20] =	ssyncadd.s32 $0xFFFFE000  }
0x512: {  	[spmem:s11] =	stream.linear.scatter [tilespmem:s21], [sflag:$0x2], $0x2000, $0x200038;
	[tilespmem:$0x1E200] =	vst v63  }
0x513: {  	_ =	swait.ge [sflag:s22], $0x2000  }
0x514: {  	s16 =	sld [smem:$0x7FB]  }
0x515: {  	[sflag:s22] =	ssyncset.done $0x0  }
0x516: {  	[sflag:s22] =	ssyncadd.s32 $0xFFFFE000  }
0x517: {  	[tilespmem:s18], [sflag:$0x1] =	stream.linear.gather [hbm4b:s16+s2], $0x2000, $0x200038;
	[tilespmem:$0x1E200] =	vst v63  }
0x518: {  	_ =	swait.ge [sflag:s20], $0x2000  }
0x519: {  	[sflag:s20] =	ssyncset.done $0x0  }
0x51a: {  	[sflag:s20] =	ssyncadd.s32 $0xFFFFE000  }
0x51b: {  	[spmem:s12] =	stream.linear.scatter [tilespmem:s18], [sflag:$0x2], $0x2000, $0x200038;
	[tilespmem:$0x1E200] =	vst v63  }
0x51c: {  	_ =	swait.ge [sflag:s22], $0x2000  }
0x51d: {  	s19 =	sld [smem:$0x7FC]  }
0x51e: {  	[sflag:s22] =	ssyncset.done $0x0  }
0x51f: {  	[sflag:s22] =	ssyncadd.s32 $0xFFFFE000  }
0x520: {  	[tilespmem:s21], [sflag:$0x1] =	stream.linear.gather [hbm4b:s19+s2], $0x2000, $0x200038;
	[tilespmem:$0x1E200] =	vst v63  }
0x521: {  	_ =	swait.ge [sflag:s20], $0x2000  }
0x522: {  	[sflag:s20] =	ssyncset.done $0x0  }
0x523: {  	[sflag:s20] =	ssyncadd.s32 $0xFFFFE000  }
0x524: {  	[spmem:s13] =	stream.linear.scatter [tilespmem:s21], [sflag:$0x2], $0x2000, $0x200038;
	[tilespmem:$0x1E200] =	vst v63  }
0x525: {  	_ =	swait.ge [sflag:s22], $0x2000  }
0x526: {  	[sflag:s22] =	ssyncset.done $0x0  }
0x527: {  	[sflag:s22] =	ssyncadd.s32 $0xFFFFE000  }
0x528: {  	_ =	swait.ge [sflag:s22], $0x2000  }
0x529: {  	[sflag:s22] =	ssyncset.done $0x0  }
0x52a: {  	[sflag:s22] =	ssyncadd.s32 $0xFFFFE000  }
0x52b: {  	s25 =	simm.s32 $0x600;
	_ =	strace $0x90000055  }
0x52c: {  	s29 =	simm.s32 $0x18A00;
	s4 =	simm.s32 $0x15800;
	[bflag:$0x0] =	sbarrier.arrive $0xFFFF  }
0x52d: {  	[tilespmem:s29], [sflag:$0x4] =	stream.indirect.gather [spmem:s31], $0x1, s4, s25, $0xb8;
	[tilespmem:$0x1E200] =	vst v63  }
0x52e: {  	s15 =	simm.s32 $0x16000;
	s16 =	simm.s32 $0x200;
	s19 =	simm.s32 $0x19000  }
0x52f: {  	[tilespmem:s19], [sflag:$0x7] =	stream.indirect.gather [spmem:s31], $0x1, s15, s16, $0xb8;
	[tilespmem:$0x1E200] =	vst v63  }
0x530: {  	_ =	strace $0x80000056  }
0x531: {  	_ =	swait.ge [sflag:s28], $0x600  }
0x532: {  	[sflag:s28] =	ssyncset.done $0x0  }
0x533: {  	s25 =	simm.s32 $0x7;
	[sflag:s28] =	ssyncadd.s32 $0xFFFFFA00  }
0x534: {  	_ =	swait.ge [sflag:s25], $0x200  }
0x535: {  	[sflag:s25] =	ssyncset.done $0x0  }
0x536: {  	[sflag:s25] =	ssyncadd.s32 $0xFFFFFE00  }
0x537: {  	s2 =	sand.u32 $0x1F0, s2;
	_ =	strace $0x90000056  }
0x538: {  	v2 =	vld [tilespmem:s2+$0x18400]  }
0x539: {  	v3 =	vld [tilespmem:s1+$0x0];
	_ =	sdelay $0x1  }
0x53a: {  	v60 =	vld [tilespmem:s2+$0x18600];
	_ =	sdelay $0x1  }
0x53b: {  	v61 =	vld [tilespmem:s2+$0x18800]  }
0x53c: {  	v2 =	vadd.f32 v2, v3  }
0x53d: {  	v3 =	vld [tilespmem:s2+$0x18A00]  }
0x53e: {  	v2 =	vadd.f32 v60, v2  }
0x53f: {  	v62 =	vld [tilespmem:s2+$0x18C00]  }
0x540: {  	v2 =	vadd.f32 v61, v2  }
0x541: {  	v63 =	vld [tilespmem:s2+$0x18E00]  }
0x542: {  	v2 =	vadd.f32 v3, v2  }
0x543: {  	v3 =	vld [tilespmem:s2+$0x19000]  }
0x544: {  	v2 =	vadd.f32 v62, v2;
	_ =	sdelay $0x1  }
0x545: {  	v2 =	vadd.f32 v63, v2;
	_ =	sdelay $0x1  }
0x546: {  	v2 =	vadd.f32 v3, v2  }
0x547: {  	s29 =	simm.s32 $0x10;
	s1 =	simm.s32 $0x14E00  }
0x548: {  	s2 =	sand.u32 $0x1F0, s29;
	[tilespmem:s1+$0x0] =	vst v2  }
0x549: {  	s3 =	simm.s32 $0x18210;
	s4 =	simm.s32 $0x20;
	v2 =	vld [tilespmem:s2+$0x18400]  }
.LBB2_54:
0x54a: {  	p0 =	sne.s32 s4, $0x1F0;
	v3 =	vld [tilespmem:s3+$0x0];
	_ =	sdelay $0x1  }
0x54b: {  	v4 =	vld [tilespmem:s2+$0x18600];
	_ =	sdelay $0x1  }
0x54c: {  	v5 =	vld [tilespmem:s2+$0x18800]  }
0x54d: {  	v2 =	vadd.f32 v2, v3  }
0x54e: {  	v3 =	vld [tilespmem:s2+$0x18A00]  }
0x54f: {  	v2 =	vadd.f32 v4, v2  }
0x550: {  	v4 =	vld [tilespmem:s2+$0x18C00]  }
0x551: {  	v2 =	vadd.f32 v5, v2  }
0x552: {  	v5 =	vld [tilespmem:s2+$0x18E00]  }
0x553: {  	v2 =	vadd.f32 v3, v2  }
0x554: {  	v3 =	vld [tilespmem:s2+$0x19000]  }
0x555: {  	v2 =	vadd.f32 v4, v2;
	_ =	sdelay $0x1  }
0x556: {  	v2 =	vadd.f32 v5, v2  }
.Ltmp27:
0x557: {  	(pc) =	sbr.rel @p0 .LBB2_54-.Ltmp27, $4  }
0x558: {  	v2 =	vadd.f32 v3, v2  }
0x559: {  	s1 =	sadd.s32 $0x10, s1  }
0x55a: {  	s2 =	sand.u32 $0x1F0, s4;
	[tilespmem:s1+$0x0] =	vst v2  }
0x55b: {  	s3 =	sadd.s32 $0x10, s3;
	s4 =	sadd.s32 $0x10, s4;
	v2 =	vld [tilespmem:s2+$0x18400]  }
0x55c: {  	v3 =	vld [tilespmem:s3+$0x0];
	_ =	sdelay $0x1  }
0x55d: {  	v4 =	vld [tilespmem:s2+$0x18600];
	_ =	sdelay $0x1  }
0x55e: {  	v5 =	vld [tilespmem:s2+$0x18800]  }
0x55f: {  	v2 =	vadd.f32 v2, v3  }
0x560: {  	v3 =	vld [tilespmem:s2+$0x18A00]  }
0x561: {  	v2 =	vadd.f32 v4, v2  }
0x562: {  	v62 =	vld [tilespmem:s2+$0x18C00]  }
0x563: {  	v2 =	vadd.f32 v5, v2  }
0x564: {  	v63 =	vld [tilespmem:s2+$0x18E00]  }
0x565: {  	v2 =	vadd.f32 v3, v2  }
0x566: {  	v3 =	vld [tilespmem:s2+$0x19000]  }
0x567: {  	v2 =	vadd.f32 v62, v2;
	_ =	sdelay $0x1  }
0x568: {  	v2 =	vadd.f32 v63, v2;
	_ =	sdelay $0x1  }
0x569: {  	v2 =	vadd.f32 v3, v2  }
0x56a: {  	s1 =	sadd.s32 $0x10, s1  }
0x56b: {  	s3 =	rddreg [dreg:$0x1f];
	s4 =	simm.s32 $0x14C00;
	[tilespmem:s1+$0x0] =	vst v2  }
0x56c: {  	[hbm4b:s3+s0] =	stream.linear.scatter [tilespmem:s4], [sflag:$0x8], $0x200, $0x38;
	[tilespmem:$0x1E200] =	vst v63  }
0x56d: {  	_ =	swait.ge [sflag:s17], $0x200  }
0x56e: {  	s14 =	sld [smem:$0x7D4]  }
0x56f: {  	[sflag:s17] =	ssyncset.done $0x0  }
0x570: {  	s15 =	simm.s32 $0x14A00;
	[sflag:s17] =	ssyncadd.s32 $0xFFFFFE00  }
0x571: {  	[hbm4b:s14+s0] =	stream.linear.scatter [tilespmem:s15], [sflag:$0x8], $0x200, $0x38;
	[tilespmem:$0x1E200] =	vst v63  }
0x572: {  	_ =	swait.ge [sflag:s17], $0x200  }
0x573: {  	s19 =	sld [smem:$0x7FD]  }
0x574: {  	[sflag:s17] =	ssyncset.done $0x0  }
0x575: {  	s25 =	simm.s32 $0x14E00;
	[sflag:s17] =	ssyncadd.s32 $0xFFFFFE00  }
0x576: {  	[hbm4b:s19+s0] =	stream.linear.scatter [tilespmem:s25], [sflag:$0x8], $0x200, $0x38;
	[tilespmem:$0x1E200] =	vst v63  }
0x577: {  	_ =	swait.ge [sflag:s17], $0x200  }
0x578: {  	s29 =	sld [smem:$0x7EB];
	_ =	sdelay $0x1  }
0x579: {  	s5 =	sadd.s32 $0x1, s5  }
0x57a: {  	p0 =	sne.s32 s5, s29  }
.Ltmp28:
0x57b: {  	_ = 	snop;
	(pc) =	sbr.rel @p0 .LBB2_1-.Ltmp28, $4  }
.Ltmp29:
0x57c: {  	_ = 	snop;
	(pc) =	sbr.rel @!p0 .LBB2_56-.Ltmp29, $4  }
0x57d: {  	_ = 	snop  }
0x57e: {  	[sflag:s17] =	ssyncset.done $0x0  }
0x57f: {  	[sflag:s17] =	ssyncadd.s32 $0xFFFFFE00  }
0x580: {  	_ = 	snop  }
.LBB2_28:
.Ltmp30:
0x581: {  	(pc) =	sbr.rel .LBB2_32-.Ltmp30, $3  }
0x582: {  	_ =	sdelay $0x1  }
0x583: {  	s3 =	simm.s32 $0x14800  }
0x584: {  	s4 =	simm.s32 $0x14400;
	s1 =	simm.s32 $0x0;
	p2 =	por $0x0, $0x0  }
.LBB2_33:
.Ltmp31:
0x585: {  	(pc) =	sbr.rel .LBB2_38-.Ltmp31, $2  }
0x586: {  	_ =	sdelay $0x2  }
0x587: {  	s1 =	simm.s32 $0x14400  }
.LBB2_39:
.Ltmp32:
0x588: {  	(pc) =	sbr.rel .LBB2_43-.Ltmp32, $3  }
0x589: {  	_ =	sdelay $0x1  }
0x58a: {  	s3 =	simm.s32 $0x14800  }
0x58b: {  	s4 =	simm.s32 $0x14400;
	s1 =	simm.s32 $0x0;
	p2 =	por $0x0, $0x0  }
.LBB2_44:
.Ltmp33:
0x58c: {  	(pc) =	sbr.rel .LBB2_49-.Ltmp33, $2  }
0x58d: {  	_ =	sdelay $0x2  }
0x58e: {  	s1 =	simm.s32 $0x14400  }
.LBB2_30:
.Ltmp34:
0x58f: {  	(pc) =	sbr.rel .LBB2_32-.Ltmp34, $2  }
0x590: {  	_ =	sdelay $0x2  }
0x591: {  	s4 =	simm.s32 $0x14400;
	s1 =	simm.s32 $0x10  }
.LBB2_35:
.Ltmp35:
0x592: {  	(pc) =	sbr.rel .LBB2_38-.Ltmp35, $2  }
0x593: {  	_ =	sdelay $0x2  }
0x594: {  	s1 =	simm.s32 $0x14400;
	s29 =	simm.s32 $0x10  }
.LBB2_41:
.Ltmp36:
0x595: {  	(pc) =	sbr.rel .LBB2_43-.Ltmp36, $2  }
0x596: {  	_ =	sdelay $0x2  }
0x597: {  	s4 =	simm.s32 $0x14400;
	s1 =	simm.s32 $0x10  }
.LBB2_46:
.Ltmp37:
0x598: {  	(pc) =	sbr.rel .LBB2_49-.Ltmp37, $2  }
0x599: {  	_ =	sdelay $0x2  }
0x59a: {  	s1 =	simm.s32 $0x14400;
	s29 =	simm.s32 $0x10  }
.LBB2_56:
0x59b: {  	_ =	sfence.sel $0x180000  }
0x59c: {  	[bflag:$0x0] =	sbarrier.arrive $0xFFFF  }
0x59d: {  	_ =	strace $0x90000047  }
0x59e: {  	s0 =	stileid.u32;
	[bflag:$0x2] =	sbarrier.arrive $0xFFFF  }
0x59f: {  	p0 =	sne.s32 s0, $0x0;
	s0 =	rddreg [dreg:$0x3]  }
0x5a0: {  	s0 =	sadd.s32 @!p0 $0x100000, s0  }
0x5a1: {  	[sflag:s0] =	ssyncadd.tile.s32 @!p0 $0x1;
	_ =	shalt  }
.Lfunc_end2:
_tile_overlayer_lowered:
.L_overlay_start_2:
0x5a2: {  	(tag) =	ssettag $0x2  }
0x5a3: {  	s0 =	rddreg [dreg:$0x0];
	s2 =	stileid.u32  }
0x5a4: {  	s1 =	rddreg [dreg:$0x1];
	p0 =	sne.s32 s2, $0x0  }
0x5a5: {  	s3 =	rddreg [dreg:$0x2];
	[bflag:$0x3] =	sbarrier.arrive $0xFFFF;
	s2 =	simm.s32 @!p0 $0x1C08  }
0x5a6: {  	[timem:s3], [sflag:s2] =	dma.local @!p0 [hbm:s0], s1  }
0x5a7: {  	s0 =	simm.s32 @!p0 $0x8  }
0x5a8: {  	_ =	swait.ge @!p0 [sflag:s0], s1  }
0x5a9: {  	s1 =	ssub.s32 @!p0 $0x0, s1;
	[sflag:s0] =	ssyncset.done @!p0 $0x0  }
0x5aa: {  	[sflag:s0] =	ssyncadd.s32 @!p0 s1  }
0x5ab: {  	[bflag:$0x3] =	sbarrier.arrive $0xFFFF  }
0x5ac: {  	_ =	shalt  }

</sc_bundles>
